<compile_context>
chip_gen: v7x
topology: tpu7x:2x2x1
jax: 0.10.2.dev20260603
libtpu: 0.0.44.dev20260713+nightly
codegen_flags: <defaults>
</compile_context>

<pallas_src>
import jax
import jax.numpy as jnp
from jax import lax
from jax.experimental import pallas as pl
from jax.experimental.pallas import tpu as pltpu
from jax.experimental.pallas import tpu_sc as plsc

MAXK = 5
NLEV = 3
L = 16
NW = 32
NG = 8

N, R, H = 16, 1024, 4096
CH = 16
QR = 256
NQ = R // QR
NCH = QR // CH
BUFCAP = 48
UNITS = N * (H // 128)
UPW = UNITS // NW
QPW = UPW * NQ


def _insert(t, i, v, rv):
    c = [v > t[j] for j in range(MAXK)]
    nt = list(t)
    ni = list(i)
    for j in range(MAXK - 1, 0, -1):
        nt[j] = jnp.where(c[j], jnp.where(c[j - 1], t[j - 1], v), t[j])
        ni[j] = jnp.where(c[j], jnp.where(c[j - 1], i[j - 1], rv), i[j])
    nt[0] = jnp.where(c[0], v, t[0])
    ni[0] = jnp.where(c[0], rv, i[0])
    return nt, ni


def _sc_body(r_hbm, klog, gpad, tauv,
             ksel_o, v0_o, i0_o, v1_o, i1_o, v2_o, i2_o,
             kg0_v, kg1_v, tau_v, tile_v, cl_v, rt_v, ri_v, thr_v, cnt_v,
             stv0_v, sti0_v, stv1_v, sti1_v, stv2_v, sti2_v, ksel_v,
             sem0, sem1):
    wid = lax.axis_index("s") * 2 + lax.axis_index("c")
    iota = lax.iota(jnp.int32, L)
    neginf = jnp.full((L,), -jnp.inf, jnp.float32)
    zero_i = jnp.zeros((L,), jnp.int32)

    pltpu.sync_copy(klog, kg0_v)
    pltpu.sync_copy(gpad, kg1_v)
    pltpu.sync_copy(tauv, tau_v)
    tau = tau_v[pl.ds(0, L)]
    khard = []
    ksel = []
    for lvl in range(NLEV):
        x = (kg0_v[lvl, pl.ds(0, L)] + kg1_v[lvl, pl.ds(0, L)]) / tau
        m = jnp.max(x)
        e = jnp.exp(x - m)
        p = e / jnp.sum(e)
        pm = jnp.max(p)
        am = jnp.min(jnp.where(p == pm, iota, L))
        kh = am + 1
        ksoft = jnp.sum(p * (iota + 1).astype(jnp.float32))
        khard.append(kh)
        ksel.append((kh.astype(jnp.float32) + ksoft) - ksoft)
    kv = jnp.zeros((L,), jnp.float32)
    for lvl in range(NLEV):
        kv = jnp.where(iota == lvl, ksel[lvl], kv)
    ksel_v[pl.ds(0, L)] = kv

    @pl.when(wid == 0)
    def _():
        pltpu.sync_copy(ksel_v, ksel_o)

    keeps = [[jnp.full((L,), khard[lvl], jnp.int32) > p for p in range(MAXK)]
             for lvl in range(NLEV)]

    n = wid // 2
    hw = (wid % 2) * UPW
    sems = (sem0, sem1)

    def _dma(qi, b):
        u = qi // NQ
        q = qi % NQ
        h0 = (hw + u) * 128
        return pltpu.make_async_copy(
            r_hbm.at[n, pl.ds(q * QR, QR), pl.ds(h0, 128)],
            tile_v.at[b], sems[b])

    _dma(0, 0).start()

    def quarter_body(qi, b, tile):
        @pl.when(qi + 1 < QPW)
        def _():
            _dma(qi + 1, 1 - b).start()
        _dma(qi, b).wait()
        u = qi // NQ
        q = qi % NQ
        h0 = (hw + u) * 128

        def group_body(g, _):
            col = g * L + iota
            gs = pl.ds(pl.multiple_of(g * L, L), L)
            rbase = jnp.full((L,), q * QR, jnp.int32)

            @pl.when(q == 0)
            def _():
                for p in range(MAXK):
                    rt_v[p, gs] = neginf
                    ri_v[p, gs] = zero_i
                seed = tile[0, gs]
                for r in range(1, MAXK):
                    seed = jnp.minimum(seed, tile[r, gs])
                thr_v[gs] = seed
                cnt_v[gs] = zero_i

            def flush():
                cnt = cnt_v[gs]
                t = tuple(rt_v[p, gs] for p in range(MAXK))
                i = tuple(ri_v[p, gs] for p in range(MAXK))
                maxr = jnp.max(cnt)

                def fb(it, ti):
                    tt, ii = list(ti[0]), list(ti[1])
                    vals = []
                    for k in range(4):
                        s = it * 4 + k
                        valid = s < cnt
                        ridx = plsc.load_gather(
                            cl_v, [jnp.full((L,), s, jnp.int32), col],
                            mask=valid)
                        ridx = jnp.where(valid, ridx, 0)
                        v = plsc.load_gather(tile, [ridx, col], mask=valid)
                        vals.append((jnp.where(valid, v, -jnp.inf), ridx))
                    for v, ridx in vals:
                        tt, ii = _insert(tt, ii, v, rbase + ridx)
                    return tuple(tt), tuple(ii)

                t, i = lax.fori_loop(0, (maxr + 3) // 4, fb, (t, i))
                for p in range(MAXK):
                    rt_v[p, gs] = t[p]
                    ri_v[p, gs] = i[p]
                thr_v[gs] = t[MAXK - 1]
                cnt_v[gs] = zero_i

            def chunk_body(c, _):
                thr = thr_v[gs]
                cnt = cnt_v[gs]
                vs = [tile[c * CH + j, gs] for j in range(CH)]
                ms = [v >= thr for v in vs]
                incs = [jnp.where(m, 1, 0) for m in ms]
                poss = [cnt]
                for j in range(1, CH):
                    poss.append(poss[j - 1] + incs[j - 1])
                for j in range(CH):
                    plsc.store_scatter(cl_v, [poss[j], col],
                                       jnp.full((L,), c * CH + j, jnp.int32),
                                       mask=ms[j])
                cnt_v[gs] = poss[CH - 1] + incs[CH - 1]

                @pl.when(jnp.max(cnt) > CH)
                def _():
                    flush()
                return 0

            lax.fori_loop(0, NCH, chunk_body, 0)
            flush()

            @pl.when(q == NQ - 1)
            def _():
                t = [rt_v[p, gs] for p in range(MAXK)]
                i = [ri_v[p, gs] for p in range(MAXK)]
                for lvl, (sv, si) in enumerate(((stv0_v, sti0_v),
                                                (stv1_v, sti1_v),
                                                (stv2_v, sti2_v))):
                    for p in range(MAXK):
                        sv[p, pl.ds(pl.multiple_of(g * L, L), L)] = (
                            jnp.where(keeps[lvl][p], t[p], neginf))
                        si[p, pl.ds(pl.multiple_of(g * L, L), L)] = (
                            jnp.where(keeps[lvl][p], i[p], zero_i))
            return 0

        lax.fori_loop(0, NG, group_body, 0)

        @pl.when(q == NQ - 1)
        def _():
            for sv, si, vo, io in ((stv0_v, sti0_v, v0_o, i0_o),
                                   (stv1_v, sti1_v, v1_o, i1_o),
                                   (stv2_v, sti2_v, v2_o, i2_o)):
                pltpu.sync_copy(sv, vo.at[n, :, pl.ds(h0, 128)])
                pltpu.sync_copy(si, io.at[n, :, pl.ds(h0, 128)])
        return 0

    def pair_body(q2, _):
        quarter_body(q2 * 2, 0, tile_v.at[0])
        quarter_body(q2 * 2 + 1, 1, tile_v.at[1])
        return 0

    lax.fori_loop(0, QPW // 2, pair_body, 0)


@jax.jit
def _run(r_combined, klog_pad, g_pad, tau_vec):
    big_f = jax.ShapeDtypeStruct((N, MAXK, H), jnp.float32)
    big_i = jax.ShapeDtypeStruct((N, MAXK, H), jnp.int32)
    out_type = (jax.ShapeDtypeStruct((128,), jnp.float32),
                big_f, big_i, big_f, big_i, big_f, big_i)
    mesh = plsc.VectorSubcoreMesh(core_axis_name="c", subcore_axis_name="s",
                                  num_cores=2, num_subcores=16)
    f = pl.kernel(
        _sc_body,
        out_type=out_type,
        mesh=mesh,
        scratch_types=(
            [pltpu.VMEM((8, 128), jnp.float32),
             pltpu.VMEM((8, 128), jnp.float32),
             pltpu.VMEM((128,), jnp.float32),
             pltpu.VMEM((2, QR, 128), jnp.float32),
             pltpu.VMEM((BUFCAP, 128), jnp.int32),
             pltpu.VMEM((MAXK, 128), jnp.float32),
             pltpu.VMEM((MAXK, 128), jnp.int32),
             pltpu.VMEM((128,), jnp.float32),
             pltpu.VMEM((128,), jnp.int32)]
            + [pltpu.VMEM((MAXK, 128), dt)
               for _ in range(NLEV) for dt in (jnp.float32, jnp.int32)]
            + [pltpu.VMEM((128,), jnp.float32),
               pltpu.SemaphoreType.DMA,
               pltpu.SemaphoreType.DMA]
        ),
        compiler_params=pltpu.CompilerParams(needs_layout_passes=False),
    )
    return f(r_combined, klog_pad, g_pad, tau_vec)


def kernel(R_combined, k_logits, temperature):
    u = jax.random.uniform(jax.random.key(42), (NLEV, MAXK), jnp.float32,
                           1e-10, 1.0)
    g = -jnp.log(-jnp.log(u + 1e-10))
    klog_pad = jnp.full((8, 128), -1e30, jnp.float32).at[:NLEV, :MAXK].set(
        k_logits)
    g_pad = jnp.zeros((8, 128), jnp.float32).at[:NLEV, :MAXK].set(g)
    tau_vec = jnp.full((128,), temperature, jnp.float32)
    ksel128, v0, i0, v1, i1, v2, i2 = _run(R_combined, klog_pad, g_pad,
                                           tau_vec)
    return ksel128[:NLEV], [(v0, i0), (v1, i1), (v2, i2)]

# --- scband reference (transcript-rebuilt; emitter-appended) ---
"""Pipeline reference for scband-dynamic-kselector-49185965474231 (READ-ONLY COPY).

The authoritative reference and input builder live on the scoring server;
editing this copy changes nothing except your own understanding.
"""

import jax, jax.numpy as jnp
import numpy as np

MAX_K = 5
NUM_LEVELS = 3


def _gumbel_softmax(logits, tau, key):
    u = jax.random.uniform(key, logits.shape, jnp.float32, 1e-10, 1.0)
    g = -jnp.log(-jnp.log(u + 1e-10))
    return jax.nn.softmax((logits + g) / tau, axis=-1)


def setup_inputs(seed: int = 0) -> dict:
    key = jax.random.key(seed)
    k1, k2 = jax.random.split(key)
    R_combined = jax.random.normal(k1, (16, 1024, 4096), dtype=jnp.float32)
    k_logits = jax.random.normal(k2, (NUM_LEVELS, MAX_K), dtype=jnp.float32)
    temperature = jnp.array(1.0, dtype=jnp.float32)
    return {"R_combined": R_combined, "k_logits": k_logits, "temperature": temperature}


def reference(R_combined, k_logits, temperature):
    gkey = jax.random.key(42)
    k_probs = _gumbel_softmax(k_logits, temperature, gkey)
    k_hard = jnp.argmax(k_probs, axis=-1) + 1  # int, per level
    ar = jnp.arange(1, MAX_K + 1, dtype=k_probs.dtype)
    k_soft = jnp.sum(k_probs * ar, axis=-1)
    k_selected = (jax.lax.stop_gradient(k_hard.astype(k_soft.dtype))
                  + k_soft - jax.lax.stop_gradient(k_soft))
    Rt = jnp.swapaxes(R_combined, 1, 2)  # [N, HW, HrWr]
    vals, idx = jax.lax.top_k(Rt, MAX_K)        # [N, HW, MAX_K]
    R_star_full = jnp.swapaxes(vals, 1, 2)      # [N, MAX_K, HW]
    R_idx_full = jnp.swapaxes(idx, 1, 2)        # [N, MAX_K, HW]
    pos = jnp.arange(MAX_K)[None, :, None]
    topk_weights = []
    for lvl in range(NUM_LEVELS):
        keep = pos < k_hard[lvl]
        R_star_padded = jnp.where(keep, R_star_full, -jnp.inf)
        R_idx_padded = jnp.where(keep, R_idx_full, 0)
        topk_weights.append((R_star_padded, R_idx_padded))
    return (k_selected, topk_weights)

if __name__ == "__main__":
    import jax
    _d = setup_inputs()
    print(jax.jit(kernel)(*tuple(_d.values())))

</pallas_src>

<mosaic_0001>
#map = affine_map<(d0, d1) -> (0, 0, 0)>
#map1 = affine_map<(d0, d1) -> (0, 0)>
#map2 = affine_map<(d0, d1) -> (0)>
module attributes {stable_mosaic.version = 14 : i64} {
  func.func @_sc_body(%arg0: i32, %arg1: i32, %arg2: memref<16x1024x4096xf32, #tpu.memory_space<hbm>>, %arg3: memref<8x128xf32, #tpu.memory_space<hbm>>, %arg4: memref<8x128xf32, #tpu.memory_space<hbm>>, %arg5: memref<128xf32, #tpu.memory_space<hbm>>, %arg6: memref<128xf32, #tpu.memory_space<hbm>>, %arg7: memref<16x5x4096xf32, #tpu.memory_space<hbm>>, %arg8: memref<16x5x4096xi32, #tpu.memory_space<hbm>>, %arg9: memref<16x5x4096xf32, #tpu.memory_space<hbm>>, %arg10: memref<16x5x4096xi32, #tpu.memory_space<hbm>>, %arg11: memref<16x5x4096xf32, #tpu.memory_space<hbm>>, %arg12: memref<16x5x4096xi32, #tpu.memory_space<hbm>>, %arg13: memref<8x128xf32, #tpu.memory_space<vmem>>, %arg14: memref<8x128xf32, #tpu.memory_space<vmem>>, %arg15: memref<128xf32, #tpu.memory_space<vmem>>, %arg16: memref<2x256x128xf32, #tpu.memory_space<vmem>>, %arg17: memref<48x128xi32, #tpu.memory_space<vmem>>, %arg18: memref<5x128xf32, #tpu.memory_space<vmem>>, %arg19: memref<5x128xi32, #tpu.memory_space<vmem>>, %arg20: memref<128xf32, #tpu.memory_space<vmem>>, %arg21: memref<128xi32, #tpu.memory_space<vmem>>, %arg22: memref<5x128xf32, #tpu.memory_space<vmem>>, %arg23: memref<5x128xi32, #tpu.memory_space<vmem>>, %arg24: memref<5x128xf32, #tpu.memory_space<vmem>>, %arg25: memref<5x128xi32, #tpu.memory_space<vmem>>, %arg26: memref<5x128xf32, #tpu.memory_space<vmem>>, %arg27: memref<5x128xi32, #tpu.memory_space<vmem>>, %arg28: memref<128xf32, #tpu.memory_space<vmem>>, %arg29: memref<!tpu.dma_semaphore, #tpu.memory_space<semaphore_mem>>, %arg30: memref<!tpu.dma_semaphore, #tpu.memory_space<semaphore_mem>>) attributes {dimension_semantics = [#tpu.dimension_semantics<core_parallel>, #tpu.dimension_semantics<subcore_parallel>], iteration_bounds = array<i64: 2, 16>, scalar_prefetch = 0 : i64, scratch_operands = 18 : i64, tpu.core_type = #tpu.core_type<sc_vector_subcore>, window_params = [{transform_indices = #map}, {transform_indices = #map1}, {transform_indices = #map1}, {transform_indices = #map2}, {transform_indices = #map2}, {transform_indices = #map}, {transform_indices = #map}, {transform_indices = #map}, {transform_indices = #map}, {transform_indices = #map}, {transform_indices = #map}]} {
    %mul3A = arith.constant 2 : i32
    %mul3A_0 = arith.muli %arg1, %mul3A : i32
    %add3A = arith.addi %mul3A_0, %arg0 : i32
    %iota3A = tpu.iota {dimensions = array<i32: 0>} : vector<16xi32>
    %broadcast_in_dim3A = arith.constant 0xFF800000 : f32
    %broadcast_in_dim3A_1 = vector.broadcast %broadcast_in_dim3A : f32 to vector<16xf32>
    %broadcast_in_dim3A_2 = arith.constant 0 : i32
    %broadcast_in_dim3A_3 = vector.broadcast %broadcast_in_dim3A_2 : i32 to vector<16xi32>
    "tpu.region"() ({
      %run_scoped3A = tpu.sem_alloc : memref<!tpu.dma_semaphore, #tpu.memory_space<semaphore_mem>>
      tpu.enqueue_dma source(%arg3 : memref<8x128xf32, #tpu.memory_space<hbm>>) target(%arg13 : memref<8x128xf32, #tpu.memory_space<vmem>>) target_semaphore(%run_scoped3A : memref<!tpu.dma_semaphore, #tpu.memory_space<semaphore_mem>>)
      tpu.wait_dma2 semaphore(%run_scoped3A : memref<!tpu.dma_semaphore, #tpu.memory_space<semaphore_mem>>) src(%arg3 : memref<8x128xf32, #tpu.memory_space<hbm>>) dst(%arg13 : memref<8x128xf32, #tpu.memory_space<vmem>>)
      tpu.yield
    }) : () -> ()
    "tpu.region"() ({
      %run_scoped3A = tpu.sem_alloc : memref<!tpu.dma_semaphore, #tpu.memory_space<semaphore_mem>>
      tpu.enqueue_dma source(%arg4 : memref<8x128xf32, #tpu.memory_space<hbm>>) target(%arg14 : memref<8x128xf32, #tpu.memory_space<vmem>>) target_semaphore(%run_scoped3A : memref<!tpu.dma_semaphore, #tpu.memory_space<semaphore_mem>>)
      tpu.wait_dma2 semaphore(%run_scoped3A : memref<!tpu.dma_semaphore, #tpu.memory_space<semaphore_mem>>) src(%arg4 : memref<8x128xf32, #tpu.memory_space<hbm>>) dst(%arg14 : memref<8x128xf32, #tpu.memory_space<vmem>>)
      tpu.yield
    }) : () -> ()
    "tpu.region"() ({
      %run_scoped3A = tpu.sem_alloc : memref<!tpu.dma_semaphore, #tpu.memory_space<semaphore_mem>>
      tpu.enqueue_dma source(%arg5 : memref<128xf32, #tpu.memory_space<hbm>>) target(%arg15 : memref<128xf32, #tpu.memory_space<vmem>>) target_semaphore(%run_scoped3A : memref<!tpu.dma_semaphore, #tpu.memory_space<semaphore_mem>>)
      tpu.wait_dma2 semaphore(%run_scoped3A : memref<!tpu.dma_semaphore, #tpu.memory_space<semaphore_mem>>) src(%arg5 : memref<128xf32, #tpu.memory_space<hbm>>) dst(%arg15 : memref<128xf32, #tpu.memory_space<vmem>>)
      tpu.yield
    }) : () -> ()
    %get3A = arith.constant 0 : index
    %get3A_4 = tpu.vector_load %arg15[%get3A] {strides = array<i32>} : memref<128xf32, #tpu.memory_space<vmem>>, vector<16xf32>,
    %get3A_5 = arith.constant 0 : i32
    %get3A_6 = arith.index_cast %get3A_5 : i32 to index
    %get3A_7 = arith.constant 0 : index
    %get3A_8 = tpu.vector_load %arg13[%get3A_6, %get3A_7] {strides = array<i32>} : memref<8x128xf32, #tpu.memory_space<vmem>>, vector<16xf32>,
    %get3A_9 = arith.constant 0 : i32
    %get3A_10 = arith.index_cast %get3A_9 : i32 to index
    %get3A_11 = arith.constant 0 : index
    %get3A_12 = tpu.vector_load %arg14[%get3A_10, %get3A_11] {strides = array<i32>} : memref<8x128xf32, #tpu.memory_space<vmem>>, vector<16xf32>,
    %add3A_13 = arith.addf %get3A_8, %get3A_12 : vector<16xf32>
    %div3A = arith.divf %add3A_13, %get3A_4 : vector<16xf32>
    %reduce_max3A = arith.constant true
    %reduce_max3A_14 = vector.broadcast %reduce_max3A : i1 to vector<16xi1>
    %reduce_max3A_15 = tpu.scan <max>, %div3A masked %reduce_max3A_14 : vector<16xf32>, vector<16xi1> -> vector<16xf32>
    %reduce_max3A_16 = vector.extract %reduce_max3A_15[15] : f32 from vector<16xf32>
    %sub3A = vector.broadcast %reduce_max3A_16 : f32 to vector<16xf32>
    %sub3A_17 = arith.subf %div3A, %sub3A : vector<16xf32>
    %exp3A = math.exp %sub3A_17 : vector<16xf32>
    %reduce_sum3A = arith.constant true
    %reduce_sum3A_18 = vector.broadcast %reduce_sum3A : i1 to vector<16xi1>
    %reduce_sum3A_19 = tpu.scan <sum>, %exp3A masked %reduce_sum3A_18 : vector<16xf32>, vector<16xi1> -> vector<16xf32>
    %reduce_sum3A_20 = vector.extract %reduce_sum3A_19[15] : f32 from vector<16xf32>
    %div3A_21 = vector.broadcast %reduce_sum3A_20 : f32 to vector<16xf32>
    %div3A_22 = arith.divf %exp3A, %div3A_21 : vector<16xf32>
    %reduce_max3A_23 = arith.constant true
    %reduce_max3A_24 = vector.broadcast %reduce_max3A_23 : i1 to vector<16xi1>
    %reduce_max3A_25 = tpu.scan <max>, %div3A_22 masked %reduce_max3A_24 : vector<16xf32>, vector<16xi1> -> vector<16xf32>
    %reduce_max3A_26 = vector.extract %reduce_max3A_25[15] : f32 from vector<16xf32>
    %eq3A = vector.broadcast %reduce_max3A_26 : f32 to vector<16xf32>
    %eq3A_27 = arith.cmpf oeq, %div3A_22, %eq3A : vector<16xf32>
    %jit3A = arith.constant 16 : i32
    %broadcast_in_dim3A_28 = vector.broadcast %jit3A : i32 to vector<16xi32>
    %select_n3A = arith.select %eq3A_27, %iota3A, %broadcast_in_dim3A_28 : vector<16xi1>, vector<16xi32>
    %reduce_min3A = arith.constant true
    %reduce_min3A_29 = vector.broadcast %reduce_min3A : i1 to vector<16xi1>
    %reduce_min3A_30 = arith.constant -2147483648 : i32
    %reduce_min3A_31 = vector.broadcast %reduce_min3A_30 : i32 to vector<16xi32>
    %reduce_min3A_32 = arith.xori %select_n3A, %reduce_min3A_31 : vector<16xi32>
    %reduce_min3A_33 = tpu.scan <min>, %reduce_min3A_32 masked %reduce_min3A_29 : vector<16xi32>, vector<16xi1> -> vector<16xi32>
    %reduce_min3A_34 = arith.xori %reduce_min3A_33, %reduce_min3A_31 : vector<16xi32>
    %reduce_min3A_35 = vector.extract %reduce_min3A_34[15] : i32 from vector<16xi32>
    %add3A_36 = arith.constant 1 : i32
    %add3A_37 = arith.addi %reduce_min3A_35, %add3A_36 : i32
    %add3A_38 = arith.constant 1 : i32
    %add3A_39 = vector.broadcast %add3A_38 : i32 to vector<16xi32>
    %add3A_40 = arith.addi %iota3A, %add3A_39 : vector<16xi32>
    %convert_element_type3A = arith.sitofp %add3A_40 : vector<16xi32> to vector<16xf32>
    %mul3A_41 = arith.mulf %div3A_22, %convert_element_type3A : vector<16xf32>
    %reduce_sum3A_42 = arith.constant true
    %reduce_sum3A_43 = vector.broadcast %reduce_sum3A_42 : i1 to vector<16xi1>
    %reduce_sum3A_44 = tpu.scan <sum>, %mul3A_41 masked %reduce_sum3A_43 : vector<16xf32>, vector<16xi1> -> vector<16xf32>
    %reduce_sum3A_45 = vector.extract %reduce_sum3A_44[15] : f32 from vector<16xf32>
    %convert_element_type3A_46 = arith.sitofp %add3A_37 : i32 to f32
    %add3A_47 = arith.addf %convert_element_type3A_46, %reduce_sum3A_45 : f32
    %sub3A_48 = arith.subf %add3A_47, %reduce_sum3A_45 : f32
    %get3A_49 = arith.constant 1 : i32
    %get3A_50 = arith.index_cast %get3A_49 : i32 to index
    %get3A_51 = arith.constant 0 : index
    %get3A_52 = tpu.vector_load %arg13[%get3A_50, %get3A_51] {strides = array<i32>} : memref<8x128xf32, #tpu.memory_space<vmem>>, vector<16xf32>,
    %get3A_53 = arith.constant 1 : i32
    %get3A_54 = arith.index_cast %get3A_53 : i32 to index
    %get3A_55 = arith.constant 0 : index
    %get3A_56 = tpu.vector_load %arg14[%get3A_54, %get3A_55] {strides = array<i32>} : memref<8x128xf32, #tpu.memory_space<vmem>>, vector<16xf32>,
    %add3A_57 = arith.addf %get3A_52, %get3A_56 : vector<16xf32>
    %div3A_58 = arith.divf %add3A_57, %get3A_4 : vector<16xf32>
    %reduce_max3A_59 = arith.constant true
    %reduce_max3A_60 = vector.broadcast %reduce_max3A_59 : i1 to vector<16xi1>
    %reduce_max3A_61 = tpu.scan <max>, %div3A_58 masked %reduce_max3A_60 : vector<16xf32>, vector<16xi1> -> vector<16xf32>
    %reduce_max3A_62 = vector.extract %reduce_max3A_61[15] : f32 from vector<16xf32>
    %sub3A_63 = vector.broadcast %reduce_max3A_62 : f32 to vector<16xf32>
    %sub3A_64 = arith.subf %div3A_58, %sub3A_63 : vector<16xf32>
    %exp3A_65 = math.exp %sub3A_64 : vector<16xf32>
    %reduce_sum3A_66 = arith.constant true
    %reduce_sum3A_67 = vector.broadcast %reduce_sum3A_66 : i1 to vector<16xi1>
    %reduce_sum3A_68 = tpu.scan <sum>, %exp3A_65 masked %reduce_sum3A_67 : vector<16xf32>, vector<16xi1> -> vector<16xf32>
    %reduce_sum3A_69 = vector.extract %reduce_sum3A_68[15] : f32 from vector<16xf32>
    %div3A_70 = vector.broadcast %reduce_sum3A_69 : f32 to vector<16xf32>
    %div3A_71 = arith.divf %exp3A_65, %div3A_70 : vector<16xf32>
    %reduce_max3A_72 = arith.constant true
    %reduce_max3A_73 = vector.broadcast %reduce_max3A_72 : i1 to vector<16xi1>
    %reduce_max3A_74 = tpu.scan <max>, %div3A_71 masked %reduce_max3A_73 : vector<16xf32>, vector<16xi1> -> vector<16xf32>
    %reduce_max3A_75 = vector.extract %reduce_max3A_74[15] : f32 from vector<16xf32>
    %eq3A_76 = vector.broadcast %reduce_max3A_75 : f32 to vector<16xf32>
    %eq3A_77 = arith.cmpf oeq, %div3A_71, %eq3A_76 : vector<16xf32>
    %jit3A_78 = arith.constant 16 : i32
    %broadcast_in_dim3A_79 = vector.broadcast %jit3A_78 : i32 to vector<16xi32>
    %select_n3A_80 = arith.select %eq3A_77, %iota3A, %broadcast_in_dim3A_79 : vector<16xi1>, vector<16xi32>
    %reduce_min3A_81 = arith.constant true
    %reduce_min3A_82 = vector.broadcast %reduce_min3A_81 : i1 to vector<16xi1>
    %reduce_min3A_83 = arith.constant -2147483648 : i32
    %reduce_min3A_84 = vector.broadcast %reduce_min3A_83 : i32 to vector<16xi32>
    %reduce_min3A_85 = arith.xori %select_n3A_80, %reduce_min3A_84 : vector<16xi32>
    %reduce_min3A_86 = tpu.scan <min>, %reduce_min3A_85 masked %reduce_min3A_82 : vector<16xi32>, vector<16xi1> -> vector<16xi32>
    %reduce_min3A_87 = arith.xori %reduce_min3A_86, %reduce_min3A_84 : vector<16xi32>
    %reduce_min3A_88 = vector.extract %reduce_min3A_87[15] : i32 from vector<16xi32>
    %add3A_89 = arith.constant 1 : i32
    %add3A_90 = arith.addi %reduce_min3A_88, %add3A_89 : i32
    %add3A_91 = arith.constant 1 : i32
    %add3A_92 = vector.broadcast %add3A_91 : i32 to vector<16xi32>
    %add3A_93 = arith.addi %iota3A, %add3A_92 : vector<16xi32>
    %convert_element_type3A_94 = arith.sitofp %add3A_93 : vector<16xi32> to vector<16xf32>
    %mul3A_95 = arith.mulf %div3A_71, %convert_element_type3A_94 : vector<16xf32>
    %reduce_sum3A_96 = arith.constant true
    %reduce_sum3A_97 = vector.broadcast %reduce_sum3A_96 : i1 to vector<16xi1>
    %reduce_sum3A_98 = tpu.scan <sum>, %mul3A_95 masked %reduce_sum3A_97 : vector<16xf32>, vector<16xi1> -> vector<16xf32>
    %reduce_sum3A_99 = vector.extract %reduce_sum3A_98[15] : f32 from vector<16xf32>
    %convert_element_type3A_100 = arith.sitofp %add3A_90 : i32 to f32
    %add3A_101 = arith.addf %convert_element_type3A_100, %reduce_sum3A_99 : f32
    %sub3A_102 = arith.subf %add3A_101, %reduce_sum3A_99 : f32
    %get3A_103 = arith.constant 2 : i32
    %get3A_104 = arith.index_cast %get3A_103 : i32 to index
    %get3A_105 = arith.constant 0 : index
    %get3A_106 = tpu.vector_load %arg13[%get3A_104, %get3A_105] {strides = array<i32>} : memref<8x128xf32, #tpu.memory_space<vmem>>, vector<16xf32>,
    %get3A_107 = arith.constant 2 : i32
    %get3A_108 = arith.index_cast %get3A_107 : i32 to index
    %get3A_109 = arith.constant 0 : index
    %get3A_110 = tpu.vector_load %arg14[%get3A_108, %get3A_109] {strides = array<i32>} : memref<8x128xf32, #tpu.memory_space<vmem>>, vector<16xf32>,
    %add3A_111 = arith.addf %get3A_106, %get3A_110 : vector<16xf32>
    %div3A_112 = arith.divf %add3A_111, %get3A_4 : vector<16xf32>
    %reduce_max3A_113 = arith.constant true
    %reduce_max3A_114 = vector.broadcast %reduce_max3A_113 : i1 to vector<16xi1>
    %reduce_max3A_115 = tpu.scan <max>, %div3A_112 masked %reduce_max3A_114 : vector<16xf32>, vector<16xi1> -> vector<16xf32>
    %reduce_max3A_116 = vector.extract %reduce_max3A_115[15] : f32 from vector<16xf32>
    %sub3A_117 = vector.broadcast %reduce_max3A_116 : f32 to vector<16xf32>
    %sub3A_118 = arith.subf %div3A_112, %sub3A_117 : vector<16xf32>
    %exp3A_119 = math.exp %sub3A_118 : vector<16xf32>
    %reduce_sum3A_120 = arith.constant true
    %reduce_sum3A_121 = vector.broadcast %reduce_sum3A_120 : i1 to vector<16xi1>
    %reduce_sum3A_122 = tpu.scan <sum>, %exp3A_119 masked %reduce_sum3A_121 : vector<16xf32>, vector<16xi1> -> vector<16xf32>
    %reduce_sum3A_123 = vector.extract %reduce_sum3A_122[15] : f32 from vector<16xf32>
    %div3A_124 = vector.broadcast %reduce_sum3A_123 : f32 to vector<16xf32>
    %div3A_125 = arith.divf %exp3A_119, %div3A_124 : vector<16xf32>
    %reduce_max3A_126 = arith.constant true
    %reduce_max3A_127 = vector.broadcast %reduce_max3A_126 : i1 to vector<16xi1>
    %reduce_max3A_128 = tpu.scan <max>, %div3A_125 masked %reduce_max3A_127 : vector<16xf32>, vector<16xi1> -> vector<16xf32>
    %reduce_max3A_129 = vector.extract %reduce_max3A_128[15] : f32 from vector<16xf32>
    %eq3A_130 = vector.broadcast %reduce_max3A_129 : f32 to vector<16xf32>
    %eq3A_131 = arith.cmpf oeq, %div3A_125, %eq3A_130 : vector<16xf32>
    %jit3A_132 = arith.constant 16 : i32
    %broadcast_in_dim3A_133 = vector.broadcast %jit3A_132 : i32 to vector<16xi32>
    %select_n3A_134 = arith.select %eq3A_131, %iota3A, %broadcast_in_dim3A_133 : vector<16xi1>, vector<16xi32>
    %reduce_min3A_135 = arith.constant true
    %reduce_min3A_136 = vector.broadcast %reduce_min3A_135 : i1 to vector<16xi1>
    %reduce_min3A_137 = arith.constant -2147483648 : i32
    %reduce_min3A_138 = vector.broadcast %reduce_min3A_137 : i32 to vector<16xi32>
    %reduce_min3A_139 = arith.xori %select_n3A_134, %reduce_min3A_138 : vector<16xi32>
    %reduce_min3A_140 = tpu.scan <min>, %reduce_min3A_139 masked %reduce_min3A_136 : vector<16xi32>, vector<16xi1> -> vector<16xi32>
    %reduce_min3A_141 = arith.xori %reduce_min3A_140, %reduce_min3A_138 : vector<16xi32>
    %reduce_min3A_142 = vector.extract %reduce_min3A_141[15] : i32 from vector<16xi32>
    %add3A_143 = arith.constant 1 : i32
    %add3A_144 = arith.addi %reduce_min3A_142, %add3A_143 : i32
    %add3A_145 = arith.constant 1 : i32
    %add3A_146 = vector.broadcast %add3A_145 : i32 to vector<16xi32>
    %add3A_147 = arith.addi %iota3A, %add3A_146 : vector<16xi32>
    %convert_element_type3A_148 = arith.sitofp %add3A_147 : vector<16xi32> to vector<16xf32>
    %mul3A_149 = arith.mulf %div3A_125, %convert_element_type3A_148 : vector<16xf32>
    %reduce_sum3A_150 = arith.constant true
    %reduce_sum3A_151 = vector.broadcast %reduce_sum3A_150 : i1 to vector<16xi1>
    %reduce_sum3A_152 = tpu.scan <sum>, %mul3A_149 masked %reduce_sum3A_151 : vector<16xf32>, vector<16xi1> -> vector<16xf32>
    %reduce_sum3A_153 = vector.extract %reduce_sum3A_152[15] : f32 from vector<16xf32>
    %convert_element_type3A_154 = arith.sitofp %add3A_144 : i32 to f32
    %add3A_155 = arith.addf %convert_element_type3A_154, %reduce_sum3A_153 : f32
    %sub3A_156 = arith.subf %add3A_155, %reduce_sum3A_153 : f32
    %broadcast_in_dim3A_157 = arith.constant 0.000000e+00 : f32
    %broadcast_in_dim3A_158 = vector.broadcast %broadcast_in_dim3A_157 : f32 to vector<16xf32>
    %eq3A_159 = arith.constant 0 : i32
    %eq3A_160 = vector.broadcast %eq3A_159 : i32 to vector<16xi32>
    %eq3A_161 = arith.cmpi eq, %iota3A, %eq3A_160 : vector<16xi32>
    %broadcast_in_dim3A_162 = vector.broadcast %sub3A_48 : f32 to vector<16xf32>
    %select_n3A_163 = arith.select %eq3A_161, %broadcast_in_dim3A_162, %broadcast_in_dim3A_158 : vector<16xi1>, vector<16xf32>
    %eq3A_164 = arith.constant 1 : i32
    %eq3A_165 = vector.broadcast %eq3A_164 : i32 to vector<16xi32>
    %eq3A_166 = arith.cmpi eq, %iota3A, %eq3A_165 : vector<16xi32>
    %broadcast_in_dim3A_167 = vector.broadcast %sub3A_102 : f32 to vector<16xf32>
    %select_n3A_168 = arith.select %eq3A_166, %broadcast_in_dim3A_167, %select_n3A_163 : vector<16xi1>, vector<16xf32>
    %eq3A_169 = arith.constant 2 : i32
    %eq3A_170 = vector.broadcast %eq3A_169 : i32 to vector<16xi32>
    %eq3A_171 = arith.cmpi eq, %iota3A, %eq3A_170 : vector<16xi32>
    %broadcast_in_dim3A_172 = vector.broadcast %sub3A_156 : f32 to vector<16xf32>
    %select_n3A_173 = arith.select %eq3A_171, %broadcast_in_dim3A_172, %select_n3A_168 : vector<16xi1>, vector<16xf32>
    %swap3A = arith.constant 0 : index
    %swap3A_174 = tpu.vector_load %arg28[%swap3A] {strides = array<i32>} : memref<128xf32, #tpu.memory_space<vmem>>, vector<16xf32>,
    tpu.vector_store %arg28[%swap3A], %select_n3A_173 {strides = array<i32>} : memref<128xf32, #tpu.memory_space<vmem>>, vector<16xf32>,
    %eq3A_175 = arith.constant 0 : i32
    %eq3A_176 = arith.cmpi eq, %add3A, %eq3A_175 : i32
    %convert_element_type3A_177 = arith.extui %eq3A_176 : i1 to i32
    %cond3A = arith.constant 0 : i32
    %cond3A_178 = arith.cmpi ne, %convert_element_type3A_177, %cond3A : i32
    scf.if %cond3A_178 {
      "tpu.region"() ({
        %run_scoped3A = tpu.sem_alloc : memref<!tpu.dma_semaphore, #tpu.memory_space<semaphore_mem>>
        tpu.enqueue_dma source(%arg28 : memref<128xf32, #tpu.memory_space<vmem>>) target(%arg6 : memref<128xf32, #tpu.memory_space<hbm>>) target_semaphore(%run_scoped3A : memref<!tpu.dma_semaphore, #tpu.memory_space<semaphore_mem>>)
        tpu.wait_dma2 semaphore(%run_scoped3A : memref<!tpu.dma_semaphore, #tpu.memory_space<semaphore_mem>>) src(%arg28 : memref<128xf32, #tpu.memory_space<vmem>>) dst(%arg6 : memref<128xf32, #tpu.memory_space<hbm>>)
        tpu.yield
      }) : () -> ()
    } else {
    }
    %broadcast_in_dim3A_179 = vector.broadcast %add3A_37 : i32 to vector<16xi32>
    %gt3A = arith.constant 0 : i32
    %gt3A_180 = vector.broadcast %gt3A : i32 to vector<16xi32>
    %gt3A_181 = arith.cmpi sgt, %broadcast_in_dim3A_179, %gt3A_180 : vector<16xi32>
    %broadcast_in_dim3A_182 = vector.broadcast %add3A_37 : i32 to vector<16xi32>
    %gt3A_183 = arith.constant 1 : i32
    %gt3A_184 = vector.broadcast %gt3A_183 : i32 to vector<16xi32>
    %gt3A_185 = arith.cmpi sgt, %broadcast_in_dim3A_182, %gt3A_184 : vector<16xi32>
    %broadcast_in_dim3A_186 = vector.broadcast %add3A_37 : i32 to vector<16xi32>
    %gt3A_187 = arith.constant 2 : i32
    %gt3A_188 = vector.broadcast %gt3A_187 : i32 to vector<16xi32>
    %gt3A_189 = arith.cmpi sgt, %broadcast_in_dim3A_186, %gt3A_188 : vector<16xi32>
    %broadcast_in_dim3A_190 = vector.broadcast %add3A_37 : i32 to vector<16xi32>
    %gt3A_191 = arith.constant 3 : i32
    %gt3A_192 = vector.broadcast %gt3A_191 : i32 to vector<16xi32>
    %gt3A_193 = arith.cmpi sgt, %broadcast_in_dim3A_190, %gt3A_192 : vector<16xi32>
    %broadcast_in_dim3A_194 = vector.broadcast %add3A_37 : i32 to vector<16xi32>
    %gt3A_195 = arith.constant 4 : i32
    %gt3A_196 = vector.broadcast %gt3A_195 : i32 to vector<16xi32>
    %gt3A_197 = arith.cmpi sgt, %broadcast_in_dim3A_194, %gt3A_196 : vector<16xi32>
    %broadcast_in_dim3A_198 = vector.broadcast %add3A_90 : i32 to vector<16xi32>
    %gt3A_199 = arith.constant 0 : i32
    %gt3A_200 = vector.broadcast %gt3A_199 : i32 to vector<16xi32>
    %gt3A_201 = arith.cmpi sgt, %broadcast_in_dim3A_198, %gt3A_200 : vector<16xi32>
    %broadcast_in_dim3A_202 = vector.broadcast %add3A_90 : i32 to vector<16xi32>
    %gt3A_203 = arith.constant 1 : i32
    %gt3A_204 = vector.broadcast %gt3A_203 : i32 to vector<16xi32>
    %gt3A_205 = arith.cmpi sgt, %broadcast_in_dim3A_202, %gt3A_204 : vector<16xi32>
    %broadcast_in_dim3A_206 = vector.broadcast %add3A_90 : i32 to vector<16xi32>
    %gt3A_207 = arith.constant 2 : i32
    %gt3A_208 = vector.broadcast %gt3A_207 : i32 to vector<16xi32>
    %gt3A_209 = arith.cmpi sgt, %broadcast_in_dim3A_206, %gt3A_208 : vector<16xi32>
    %broadcast_in_dim3A_210 = vector.broadcast %add3A_90 : i32 to vector<16xi32>
    %gt3A_211 = arith.constant 3 : i32
    %gt3A_212 = vector.broadcast %gt3A_211 : i32 to vector<16xi32>
    %gt3A_213 = arith.cmpi sgt, %broadcast_in_dim3A_210, %gt3A_212 : vector<16xi32>
    %broadcast_in_dim3A_214 = vector.broadcast %add3A_90 : i32 to vector<16xi32>
    %gt3A_215 = arith.constant 4 : i32
    %gt3A_216 = vector.broadcast %gt3A_215 : i32 to vector<16xi32>
    %gt3A_217 = arith.cmpi sgt, %broadcast_in_dim3A_214, %gt3A_216 : vector<16xi32>
    %broadcast_in_dim3A_218 = vector.broadcast %add3A_144 : i32 to vector<16xi32>
    %gt3A_219 = arith.constant 0 : i32
    %gt3A_220 = vector.broadcast %gt3A_219 : i32 to vector<16xi32>
    %gt3A_221 = arith.cmpi sgt, %broadcast_in_dim3A_218, %gt3A_220 : vector<16xi32>
    %broadcast_in_dim3A_222 = vector.broadcast %add3A_144 : i32 to vector<16xi32>
    %gt3A_223 = arith.constant 1 : i32
    %gt3A_224 = vector.broadcast %gt3A_223 : i32 to vector<16xi32>
    %gt3A_225 = arith.cmpi sgt, %broadcast_in_dim3A_222, %gt3A_224 : vector<16xi32>
    %broadcast_in_dim3A_226 = vector.broadcast %add3A_144 : i32 to vector<16xi32>
    %gt3A_227 = arith.constant 2 : i32
    %gt3A_228 = vector.broadcast %gt3A_227 : i32 to vector<16xi32>
    %gt3A_229 = arith.cmpi sgt, %broadcast_in_dim3A_226, %gt3A_228 : vector<16xi32>
    %broadcast_in_dim3A_230 = vector.broadcast %add3A_144 : i32 to vector<16xi32>
    %gt3A_231 = arith.constant 3 : i32
    %gt3A_232 = vector.broadcast %gt3A_231 : i32 to vector<16xi32>
    %gt3A_233 = arith.cmpi sgt, %broadcast_in_dim3A_230, %gt3A_232 : vector<16xi32>
    %broadcast_in_dim3A_234 = vector.broadcast %add3A_144 : i32 to vector<16xi32>
    %gt3A_235 = arith.constant 4 : i32
    %gt3A_236 = vector.broadcast %gt3A_235 : i32 to vector<16xi32>
    %gt3A_237 = arith.cmpi sgt, %broadcast_in_dim3A_234, %gt3A_236 : vector<16xi32>
    %jit3A_238 = arith.constant 2 : i32
    %div3A_239 = arith.divsi %add3A, %jit3A_238 : i32
    %sign3A = arith.constant 0 : i32
    %sign3A_240 = arith.cmpi sgt, %add3A, %sign3A : i32
    %sign3A_241 = arith.extui %sign3A_240 : i1 to i32
    %sign3A_242 = arith.constant 0 : i32
    %sign3A_243 = arith.cmpi slt, %add3A, %sign3A_242 : i32
    %sign3A_244 = arith.extui %sign3A_243 : i1 to i32
    %sign3A_245 = arith.subi %sign3A_241, %sign3A_244 : i32
    %sign3A_246 = arith.constant 0 : i32
    %sign3A_247 = arith.cmpi sgt, %jit3A_238, %sign3A_246 : i32
    %sign3A_248 = arith.extui %sign3A_247 : i1 to i32
    %sign3A_249 = arith.constant 0 : i32
    %sign3A_250 = arith.cmpi slt, %jit3A_238, %sign3A_249 : i32
    %sign3A_251 = arith.extui %sign3A_250 : i1 to i32
    %sign3A_252 = arith.subi %sign3A_248, %sign3A_251 : i32
    %ne3A = arith.cmpi ne, %sign3A_245, %sign3A_252 : i32
    %rem3A = arith.remsi %add3A, %jit3A_238 : i32
    %ne3A_253 = arith.constant 0 : i32
    %ne3A_254 = arith.cmpi ne, %rem3A, %ne3A_253 : i32
    %and3A = arith.andi %ne3A, %ne3A_254 : i1
    %sub3A_255 = arith.constant 1 : i32
    %sub3A_256 = arith.subi %div3A_239, %sub3A_255 : i32
    %select_n3A_257 = arith.select %and3A, %sub3A_256, %div3A_239 : i32
    %jit3A_258 = arith.constant 2 : i32
    %eq3A_259 = arith.constant 0 : i32
    %eq3A_260 = arith.cmpi eq, %jit3A_258, %eq3A_259 : i32
    %jit3A_261 = arith.constant 1 : i32
    %select_n3A_262 = arith.select %eq3A_260, %jit3A_261, %jit3A_258 : i32
    %rem3A_263 = arith.remsi %add3A, %select_n3A_262 : i32
    %ne3A_264 = arith.constant 0 : i32
    %ne3A_265 = arith.cmpi ne, %rem3A_263, %ne3A_264 : i32
    %lt3A = arith.constant 0 : i32
    %lt3A_266 = arith.cmpi slt, %rem3A_263, %lt3A : i32
    %lt3A_267 = arith.constant 0 : i32
    %lt3A_268 = arith.cmpi slt, %select_n3A_262, %lt3A_267 : i32
    %ne3A_269 = arith.xori %lt3A_266, %lt3A_268 : i1
    %and3A_270 = arith.andi %ne3A_269, %ne3A_265 : i1
    %add3A_271 = arith.addi %rem3A_263, %select_n3A_262 : i32
    %select_n3A_272 = arith.select %and3A_270, %add3A_271, %rem3A_263 : i32
    %mul3A_273 = arith.constant 16 : i32
    %mul3A_274 = arith.muli %select_n3A_272, %mul3A_273 : i32
    %add3A_275 = arith.constant 0 : i32
    %add3A_276 = arith.addi %mul3A_274, %add3A_275 : i32
    %mul3A_277 = arith.constant 128 : i32
    %mul3A_278 = arith.muli %add3A_276, %mul3A_277 : i32
    %dma_start3A = arith.constant 0 : i32
    %dma_start3A_279 = arith.constant 0 : i32
    %dma_start3A_280 = arith.constant 0 : i32
    %dma_start3A_281 = tpu.memref_slice %arg16[%dma_start3A, %dma_start3A_279, %dma_start3A_280] : memref<2x256x128xf32, #tpu.memory_space<vmem>> -> memref<1x256x128xf32, #tpu.memory_space<vmem>>
    %dma_start3A_282 = tpu.memref_squeeze %dma_start3A_281 : memref<1x256x128xf32, #tpu.memory_space<vmem>> -> memref<256x128xf32, #tpu.memory_space<vmem>>
    %dma_start3A_283 = arith.constant 0 : i32
    %dma_start3A_284 = tpu.memref_slice %arg2[%select_n3A_257, %dma_start3A_283, %mul3A_278] : memref<16x1024x4096xf32, #tpu.memory_space<hbm>> -> memref<1x256x128xf32, #tpu.memory_space<hbm>>
    %dma_start3A_285 = tpu.memref_squeeze %dma_start3A_284 : memref<1x256x128xf32, #tpu.memory_space<hbm>> -> memref<256x128xf32, #tpu.memory_space<hbm>>
    %dma_start3A_286 = arith.constant 0 : i32
    %dma_start3A_287 = arith.constant 0 : i32
    %dma_start3A_288 = tpu.memref_slice %arg16[%dma_start3A, %dma_start3A_286, %dma_start3A_287] : memref<2x256x128xf32, #tpu.memory_space<vmem>> -> memref<1x256x128xf32, #tpu.memory_space<vmem>>
    %dma_start3A_289 = tpu.memref_squeeze %dma_start3A_288 : memref<1x256x128xf32, #tpu.memory_space<vmem>> -> memref<256x128xf32, #tpu.memory_space<vmem>>
    %dma_start3A_290 = arith.constant 0 : i32
    %dma_start3A_291 = tpu.memref_slice %arg2[%select_n3A_257, %dma_start3A_290, %mul3A_278] : memref<16x1024x4096xf32, #tpu.memory_space<hbm>> -> memref<1x256x128xf32, #tpu.memory_space<hbm>>
    %dma_start3A_292 = tpu.memref_squeeze %dma_start3A_291 : memref<1x256x128xf32, #tpu.memory_space<hbm>> -> memref<256x128xf32, #tpu.memory_space<hbm>>
    tpu.enqueue_dma source(%dma_start3A_292 : memref<256x128xf32, #tpu.memory_space<hbm>>) target(%dma_start3A_289 : memref<256x128xf32, #tpu.memory_space<vmem>>) target_semaphore(%arg29 : memref<!tpu.dma_semaphore, #tpu.memory_space<semaphore_mem>>)
    %scan3A = arith.constant 0 : i32
    %scan3A_293 = arith.constant 0 : i32
    %scan3A_294 = arith.constant 32 : i32
    %scan3A_295 = arith.addi %scan3A_293, %scan3A_294 : i32
    %scan3A_296 = arith.constant 1 : i32
    %scan3A_297 = scf.for %scan3A_299 = %scan3A_293 to %scan3A_295 step %scan3A_296 iter_args(%scan3A_300 = %scan3A) -> (i32)  : i32 {
      %mul3A_301 = arith.constant 2 : i32
      %mul3A_302 = arith.muli %scan3A_299, %mul3A_301 : i32
      %add3A_303 = arith.constant 1 : i32
      %add3A_304 = arith.addi %mul3A_302, %add3A_303 : i32
      %lt3A_305 = arith.constant 64 : i32
      %lt3A_306 = arith.cmpi slt, %add3A_304, %lt3A_305 : i32
      %convert_element_type3A_307 = arith.extui %lt3A_306 : i1 to i32
      %cond3A_308 = arith.constant 0 : i32
      %cond3A_309 = arith.cmpi ne, %convert_element_type3A_307, %cond3A_308 : i32
      scf.if %cond3A_309 {
        %add3A_549 = arith.constant 1 : i32
        %add3A_550 = arith.addi %mul3A_302, %add3A_549 : i32
        %jit3A_551 = arith.constant 4 : i32
        %div3A_552 = arith.divsi %add3A_550, %jit3A_551 : i32
        %sign3A_553 = arith.constant 0 : i32
        %sign3A_554 = arith.cmpi sgt, %add3A_550, %sign3A_553 : i32
        %sign3A_555 = arith.extui %sign3A_554 : i1 to i32
        %sign3A_556 = arith.constant 0 : i32
        %sign3A_557 = arith.cmpi slt, %add3A_550, %sign3A_556 : i32
        %sign3A_558 = arith.extui %sign3A_557 : i1 to i32
        %sign3A_559 = arith.subi %sign3A_555, %sign3A_558 : i32
        %sign3A_560 = arith.constant 0 : i32
        %sign3A_561 = arith.cmpi sgt, %jit3A_551, %sign3A_560 : i32
        %sign3A_562 = arith.extui %sign3A_561 : i1 to i32
        %sign3A_563 = arith.constant 0 : i32
        %sign3A_564 = arith.cmpi slt, %jit3A_551, %sign3A_563 : i32
        %sign3A_565 = arith.extui %sign3A_564 : i1 to i32
        %sign3A_566 = arith.subi %sign3A_562, %sign3A_565 : i32
        %ne3A_567 = arith.cmpi ne, %sign3A_559, %sign3A_566 : i32
        %rem3A_568 = arith.remsi %add3A_550, %jit3A_551 : i32
        %ne3A_569 = arith.constant 0 : i32
        %ne3A_570 = arith.cmpi ne, %rem3A_568, %ne3A_569 : i32
        %and3A_571 = arith.andi %ne3A_567, %ne3A_570 : i1
        %sub3A_572 = arith.constant 1 : i32
        %sub3A_573 = arith.subi %div3A_552, %sub3A_572 : i32
        %select_n3A_574 = arith.select %and3A_571, %sub3A_573, %div3A_552 : i32
        %jit3A_575 = arith.constant 4 : i32
        %eq3A_576 = arith.constant 0 : i32
        %eq3A_577 = arith.cmpi eq, %jit3A_575, %eq3A_576 : i32
        %jit3A_578 = arith.constant 1 : i32
        %select_n3A_579 = arith.select %eq3A_577, %jit3A_578, %jit3A_575 : i32
        %rem3A_580 = arith.remsi %add3A_550, %select_n3A_579 : i32
        %ne3A_581 = arith.constant 0 : i32
        %ne3A_582 = arith.cmpi ne, %rem3A_580, %ne3A_581 : i32
        %lt3A_583 = arith.constant 0 : i32
        %lt3A_584 = arith.cmpi slt, %rem3A_580, %lt3A_583 : i32
        %lt3A_585 = arith.constant 0 : i32
        %lt3A_586 = arith.cmpi slt, %select_n3A_579, %lt3A_585 : i32
        %ne3A_587 = arith.xori %lt3A_584, %lt3A_586 : i1
        %and3A_588 = arith.andi %ne3A_587, %ne3A_582 : i1
        %add3A_589 = arith.addi %rem3A_580, %select_n3A_579 : i32
        %select_n3A_590 = arith.select %and3A_588, %add3A_589, %rem3A_580 : i32
        %add3A_591 = arith.addi %mul3A_274, %select_n3A_574 : i32
        %mul3A_592 = arith.constant 128 : i32
        %mul3A_593 = arith.muli %add3A_591, %mul3A_592 : i32
        %mul3A_594 = arith.constant 256 : i32
        %mul3A_595 = arith.muli %select_n3A_590, %mul3A_594 : i32
        %dma_start3A_596 = arith.constant 1 : i32
        %dma_start3A_597 = arith.constant 0 : i32
        %dma_start3A_598 = arith.constant 0 : i32
        %dma_start3A_599 = tpu.memref_slice %arg16[%dma_start3A_596, %dma_start3A_597, %dma_start3A_598] : memref<2x256x128xf32, #tpu.memory_space<vmem>> -> memref<1x256x128xf32, #tpu.memory_space<vmem>>
        %dma_start3A_600 = tpu.memref_squeeze %dma_start3A_599 : memref<1x256x128xf32, #tpu.memory_space<vmem>> -> memref<256x128xf32, #tpu.memory_space<vmem>>
        %dma_start3A_601 = tpu.memref_slice %arg2[%select_n3A_257, %mul3A_595, %mul3A_593] : memref<16x1024x4096xf32, #tpu.memory_space<hbm>> -> memref<1x256x128xf32, #tpu.memory_space<hbm>>
        %dma_start3A_602 = tpu.memref_squeeze %dma_start3A_601 : memref<1x256x128xf32, #tpu.memory_space<hbm>> -> memref<256x128xf32, #tpu.memory_space<hbm>>
        %dma_start3A_603 = arith.constant 0 : i32
        %dma_start3A_604 = arith.constant 0 : i32
        %dma_start3A_605 = tpu.memref_slice %arg16[%dma_start3A_596, %dma_start3A_603, %dma_start3A_604] : memref<2x256x128xf32, #tpu.memory_space<vmem>> -> memref<1x256x128xf32, #tpu.memory_space<vmem>>
        %dma_start3A_606 = tpu.memref_squeeze %dma_start3A_605 : memref<1x256x128xf32, #tpu.memory_space<vmem>> -> memref<256x128xf32, #tpu.memory_space<vmem>>
        %dma_start3A_607 = tpu.memref_slice %arg2[%select_n3A_257, %mul3A_595, %mul3A_593] : memref<16x1024x4096xf32, #tpu.memory_space<hbm>> -> memref<1x256x128xf32, #tpu.memory_space<hbm>>
        %dma_start3A_608 = tpu.memref_squeeze %dma_start3A_607 : memref<1x256x128xf32, #tpu.memory_space<hbm>> -> memref<256x128xf32, #tpu.memory_space<hbm>>
        tpu.enqueue_dma source(%dma_start3A_608 : memref<256x128xf32, #tpu.memory_space<hbm>>) target(%dma_start3A_606 : memref<256x128xf32, #tpu.memory_space<vmem>>) target_semaphore(%arg30 : memref<!tpu.dma_semaphore, #tpu.memory_space<semaphore_mem>>)
      } else {
      }
      %jit3A_310 = arith.constant 4 : i32
      %div3A_311 = arith.divsi %mul3A_302, %jit3A_310 : i32
      %sign3A_312 = arith.constant 0 : i32
      %sign3A_313 = arith.cmpi sgt, %mul3A_302, %sign3A_312 : i32
      %sign3A_314 = arith.extui %sign3A_313 : i1 to i32
      %sign3A_315 = arith.constant 0 : i32
      %sign3A_316 = arith.cmpi slt, %mul3A_302, %sign3A_315 : i32
      %sign3A_317 = arith.extui %sign3A_316 : i1 to i32
      %sign3A_318 = arith.subi %sign3A_314, %sign3A_317 : i32
      %sign3A_319 = arith.constant 0 : i32
      %sign3A_320 = arith.cmpi sgt, %jit3A_310, %sign3A_319 : i32
      %sign3A_321 = arith.extui %sign3A_320 : i1 to i32
      %sign3A_322 = arith.constant 0 : i32
      %sign3A_323 = arith.cmpi slt, %jit3A_310, %sign3A_322 : i32
      %sign3A_324 = arith.extui %sign3A_323 : i1 to i32
      %sign3A_325 = arith.subi %sign3A_321, %sign3A_324 : i32
      %ne3A_326 = arith.cmpi ne, %sign3A_318, %sign3A_325 : i32
      %rem3A_327 = arith.remsi %mul3A_302, %jit3A_310 : i32
      %ne3A_328 = arith.constant 0 : i32
      %ne3A_329 = arith.cmpi ne, %rem3A_327, %ne3A_328 : i32
      %and3A_330 = arith.andi %ne3A_326, %ne3A_329 : i1
      %sub3A_331 = arith.constant 1 : i32
      %sub3A_332 = arith.subi %div3A_311, %sub3A_331 : i32
      %select_n3A_333 = arith.select %and3A_330, %sub3A_332, %div3A_311 : i32
      %jit3A_334 = arith.constant 4 : i32
      %eq3A_335 = arith.constant 0 : i32
      %eq3A_336 = arith.cmpi eq, %jit3A_334, %eq3A_335 : i32
      %jit3A_337 = arith.constant 1 : i32
      %select_n3A_338 = arith.select %eq3A_336, %jit3A_337, %jit3A_334 : i32
      %rem3A_339 = arith.remsi %mul3A_302, %select_n3A_338 : i32
      %ne3A_340 = arith.constant 0 : i32
      %ne3A_341 = arith.cmpi ne, %rem3A_339, %ne3A_340 : i32
      %lt3A_342 = arith.constant 0 : i32
      %lt3A_343 = arith.cmpi slt, %rem3A_339, %lt3A_342 : i32
      %lt3A_344 = arith.constant 0 : i32
      %lt3A_345 = arith.cmpi slt, %select_n3A_338, %lt3A_344 : i32
      %ne3A_346 = arith.xori %lt3A_343, %lt3A_345 : i1
      %and3A_347 = arith.andi %ne3A_346, %ne3A_341 : i1
      %add3A_348 = arith.addi %rem3A_339, %select_n3A_338 : i32
      %select_n3A_349 = arith.select %and3A_347, %add3A_348, %rem3A_339 : i32
      %add3A_350 = arith.addi %mul3A_274, %select_n3A_333 : i32
      %mul3A_351 = arith.constant 128 : i32
      %mul3A_352 = arith.muli %add3A_350, %mul3A_351 : i32
      %mul3A_353 = arith.constant 256 : i32
      %mul3A_354 = arith.muli %select_n3A_349, %mul3A_353 : i32
      %dma_wait3A = arith.constant 0 : i32
      %dma_wait3A_355 = arith.constant 0 : i32
      %dma_wait3A_356 = arith.constant 0 : i32
      %dma_wait3A_357 = tpu.memref_slice %arg16[%dma_wait3A, %dma_wait3A_355, %dma_wait3A_356] : memref<2x256x128xf32, #tpu.memory_space<vmem>> -> memref<1x256x128xf32, #tpu.memory_space<vmem>>
      %dma_wait3A_358 = tpu.memref_squeeze %dma_wait3A_357 : memref<1x256x128xf32, #tpu.memory_space<vmem>> -> memref<256x128xf32, #tpu.memory_space<vmem>>
      %dma_wait3A_359 = tpu.memref_slice %arg2[%select_n3A_257, %mul3A_354, %mul3A_352] : memref<16x1024x4096xf32, #tpu.memory_space<hbm>> -> memref<1x256x128xf32, #tpu.memory_space<hbm>>
      %dma_wait3A_360 = tpu.memref_squeeze %dma_wait3A_359 : memref<1x256x128xf32, #tpu.memory_space<hbm>> -> memref<256x128xf32, #tpu.memory_space<hbm>>
      %dma_wait3A_361 = arith.constant 0 : i32
      %dma_wait3A_362 = arith.constant 0 : i32
      %dma_wait3A_363 = tpu.memref_slice %arg16[%dma_wait3A, %dma_wait3A_361, %dma_wait3A_362] : memref<2x256x128xf32, #tpu.memory_space<vmem>> -> memref<1x256x128xf32, #tpu.memory_space<vmem>>
      %dma_wait3A_364 = tpu.memref_squeeze %dma_wait3A_363 : memref<1x256x128xf32, #tpu.memory_space<vmem>> -> memref<256x128xf32, #tpu.memory_space<vmem>>
      %dma_wait3A_365 = tpu.memref_slice %arg2[%select_n3A_257, %mul3A_354, %mul3A_352] : memref<16x1024x4096xf32, #tpu.memory_space<hbm>> -> memref<1x256x128xf32, #tpu.memory_space<hbm>>
      %dma_wait3A_366 = tpu.memref_squeeze %dma_wait3A_365 : memref<1x256x128xf32, #tpu.memory_space<hbm>> -> memref<256x128xf32, #tpu.memory_space<hbm>>
      tpu.wait_dma2 semaphore(%arg29 : memref<!tpu.dma_semaphore, #tpu.memory_space<semaphore_mem>>) src(%dma_wait3A_366 : memref<256x128xf32, #tpu.memory_space<hbm>>) dst(%dma_wait3A_364 : memref<256x128xf32, #tpu.memory_space<vmem>>)
      %jit3A_367 = arith.constant 4 : i32
      %div3A_368 = arith.divsi %mul3A_302, %jit3A_367 : i32
      %sign3A_369 = arith.constant 0 : i32
      %sign3A_370 = arith.cmpi sgt, %mul3A_302, %sign3A_369 : i32
      %sign3A_371 = arith.extui %sign3A_370 : i1 to i32
      %sign3A_372 = arith.constant 0 : i32
      %sign3A_373 = arith.cmpi slt, %mul3A_302, %sign3A_372 : i32
      %sign3A_374 = arith.extui %sign3A_373 : i1 to i32
      %sign3A_375 = arith.subi %sign3A_371, %sign3A_374 : i32
      %sign3A_376 = arith.constant 0 : i32
      %sign3A_377 = arith.cmpi sgt, %jit3A_367, %sign3A_376 : i32
      %sign3A_378 = arith.extui %sign3A_377 : i1 to i32
      %sign3A_379 = arith.constant 0 : i32
      %sign3A_380 = arith.cmpi slt, %jit3A_367, %sign3A_379 : i32
      %sign3A_381 = arith.extui %sign3A_380 : i1 to i32
      %sign3A_382 = arith.subi %sign3A_378, %sign3A_381 : i32
      %ne3A_383 = arith.cmpi ne, %sign3A_375, %sign3A_382 : i32
      %rem3A_384 = arith.remsi %mul3A_302, %jit3A_367 : i32
      %ne3A_385 = arith.constant 0 : i32
      %ne3A_386 = arith.cmpi ne, %rem3A_384, %ne3A_385 : i32
      %and3A_387 = arith.andi %ne3A_383, %ne3A_386 : i1
      %sub3A_388 = arith.constant 1 : i32
      %sub3A_389 = arith.subi %div3A_368, %sub3A_388 : i32
      %select_n3A_390 = arith.select %and3A_387, %sub3A_389, %div3A_368 : i32
      %jit3A_391 = arith.constant 4 : i32
      %eq3A_392 = arith.constant 0 : i32
      %eq3A_393 = arith.cmpi eq, %jit3A_391, %eq3A_392 : i32
      %jit3A_394 = arith.constant 1 : i32
      %select_n3A_395 = arith.select %eq3A_393, %jit3A_394, %jit3A_391 : i32
      %rem3A_396 = arith.remsi %mul3A_302, %select_n3A_395 : i32
      %ne3A_397 = arith.constant 0 : i32
      %ne3A_398 = arith.cmpi ne, %rem3A_396, %ne3A_397 : i32
      %lt3A_399 = arith.constant 0 : i32
      %lt3A_400 = arith.cmpi slt, %rem3A_396, %lt3A_399 : i32
      %lt3A_401 = arith.constant 0 : i32
      %lt3A_402 = arith.cmpi slt, %select_n3A_395, %lt3A_401 : i32
      %ne3A_403 = arith.xori %lt3A_400, %lt3A_402 : i1
      %and3A_404 = arith.andi %ne3A_403, %ne3A_398 : i1
      %add3A_405 = arith.addi %rem3A_396, %select_n3A_395 : i32
      %select_n3A_406 = arith.select %and3A_404, %add3A_405, %rem3A_396 : i32
      %add3A_407 = arith.addi %mul3A_274, %select_n3A_390 : i32
      %mul3A_408 = arith.constant 128 : i32
      %mul3A_409 = arith.muli %add3A_407, %mul3A_408 : i32
      %scan3A_410 = arith.constant 0 : i32
      %scan3A_411 = arith.constant 0 : i32
      %scan3A_412 = arith.constant 0 : i32
      %scan3A_413 = arith.constant 8 : i32
      %scan3A_414 = arith.addi %scan3A_412, %scan3A_413 : i32
      %scan3A_415 = arith.constant 1 : i32
      %scan3A_416 = scf.for %scan3A_549 = %scan3A_412 to %scan3A_414 step %scan3A_415 iter_args(%scan3A_550 = %scan3A_411) -> (i32)  : i32 {
        %mul3A_551 = arith.constant 16 : i32
        %mul3A_552 = arith.muli %scan3A_549, %mul3A_551 : i32
        %add3A_553 = vector.broadcast %mul3A_552 : i32 to vector<16xi32>
        %add3A_554 = arith.addi %add3A_553, %iota3A : vector<16xi32>
        %mul3A_555 = arith.constant 16 : i32
        %mul3A_556 = arith.muli %scan3A_549, %mul3A_555 : i32
        %multiple_of3A = tpu.assume_multiple %mul3A_556, 16 : i32
        %mul3A_557 = arith.constant 256 : i32
        %mul3A_558 = arith.muli %select_n3A_406, %mul3A_557 : i32
        %broadcast_in_dim3A_559 = vector.broadcast %mul3A_558 : i32 to vector<16xi32>
        %eq3A_560 = arith.constant 0 : i32
        %eq3A_561 = arith.cmpi eq, %select_n3A_406, %eq3A_560 : i32
        %convert_element_type3A_562 = arith.extui %eq3A_561 : i1 to i32
        %cond3A_563 = arith.constant 0 : i32
        %cond3A_564 = arith.cmpi ne, %convert_element_type3A_562, %cond3A_563 : i32
        scf.if %cond3A_564 {
          %swap3A_708 = arith.constant 0 : i32
          %swap3A_709 = arith.index_cast %swap3A_708 : i32 to index
          %swap3A_710 = arith.index_cast %multiple_of3A : i32 to index
          %swap3A_711 = tpu.vector_load %arg18[%swap3A_709, %swap3A_710] {strides = array<i32>} : memref<5x128xf32, #tpu.memory_space<vmem>>, vector<16xf32>,
          tpu.vector_store %arg18[%swap3A_709, %swap3A_710], %broadcast_in_dim3A_1 {strides = array<i32>} : memref<5x128xf32, #tpu.memory_space<vmem>>, vector<16xf32>,
          %swap3A_712 = arith.constant 0 : i32
          %swap3A_713 = arith.index_cast %swap3A_712 : i32 to index
          %swap3A_714 = arith.index_cast %multiple_of3A : i32 to index
          %swap3A_715 = tpu.vector_load %arg19[%swap3A_713, %swap3A_714] {strides = array<i32>} : memref<5x128xi32, #tpu.memory_space<vmem>>, vector<16xi32>,
          tpu.vector_store %arg19[%swap3A_713, %swap3A_714], %broadcast_in_dim3A_3 {strides = array<i32>} : memref<5x128xi32, #tpu.memory_space<vmem>>, vector<16xi32>,
          %swap3A_716 = arith.constant 1 : i32
          %swap3A_717 = arith.index_cast %swap3A_716 : i32 to index
          %swap3A_718 = arith.index_cast %multiple_of3A : i32 to index
          %swap3A_719 = tpu.vector_load %arg18[%swap3A_717, %swap3A_718] {strides = array<i32>} : memref<5x128xf32, #tpu.memory_space<vmem>>, vector<16xf32>,
          tpu.vector_store %arg18[%swap3A_717, %swap3A_718], %broadcast_in_dim3A_1 {strides = array<i32>} : memref<5x128xf32, #tpu.memory_space<vmem>>, vector<16xf32>,
          %swap3A_720 = arith.constant 1 : i32
          %swap3A_721 = arith.index_cast %swap3A_720 : i32 to index
          %swap3A_722 = arith.index_cast %multiple_of3A : i32 to index
          %swap3A_723 = tpu.vector_load %arg19[%swap3A_721, %swap3A_722] {strides = array<i32>} : memref<5x128xi32, #tpu.memory_space<vmem>>, vector<16xi32>,
          tpu.vector_store %arg19[%swap3A_721, %swap3A_722], %broadcast_in_dim3A_3 {strides = array<i32>} : memref<5x128xi32, #tpu.memory_space<vmem>>, vector<16xi32>,
          %swap3A_724 = arith.constant 2 : i32
          %swap3A_725 = arith.index_cast %swap3A_724 : i32 to index
          %swap3A_726 = arith.index_cast %multiple_of3A : i32 to index
          %swap3A_727 = tpu.vector_load %arg18[%swap3A_725, %swap3A_726] {strides = array<i32>} : memref<5x128xf32, #tpu.memory_space<vmem>>, vector<16xf32>,
          tpu.vector_store %arg18[%swap3A_725, %swap3A_726], %broadcast_in_dim3A_1 {strides = array<i32>} : memref<5x128xf32, #tpu.memory_space<vmem>>, vector<16xf32>,
          %swap3A_728 = arith.constant 2 : i32
          %swap3A_729 = arith.index_cast %swap3A_728 : i32 to index
          %swap3A_730 = arith.index_cast %multiple_of3A : i32 to index
          %swap3A_731 = tpu.vector_load %arg19[%swap3A_729, %swap3A_730] {strides = array<i32>} : memref<5x128xi32, #tpu.memory_space<vmem>>, vector<16xi32>,
          tpu.vector_store %arg19[%swap3A_729, %swap3A_730], %broadcast_in_dim3A_3 {strides = array<i32>} : memref<5x128xi32, #tpu.memory_space<vmem>>, vector<16xi32>,
          %swap3A_732 = arith.constant 3 : i32
          %swap3A_733 = arith.index_cast %swap3A_732 : i32 to index
          %swap3A_734 = arith.index_cast %multiple_of3A : i32 to index
          %swap3A_735 = tpu.vector_load %arg18[%swap3A_733, %swap3A_734] {strides = array<i32>} : memref<5x128xf32, #tpu.memory_space<vmem>>, vector<16xf32>,
          tpu.vector_store %arg18[%swap3A_733, %swap3A_734], %broadcast_in_dim3A_1 {strides = array<i32>} : memref<5x128xf32, #tpu.memory_space<vmem>>, vector<16xf32>,
          %swap3A_736 = arith.constant 3 : i32
          %swap3A_737 = arith.index_cast %swap3A_736 : i32 to index
          %swap3A_738 = arith.index_cast %multiple_of3A : i32 to index
          %swap3A_739 = tpu.vector_load %arg19[%swap3A_737, %swap3A_738] {strides = array<i32>} : memref<5x128xi32, #tpu.memory_space<vmem>>, vector<16xi32>,
          tpu.vector_store %arg19[%swap3A_737, %swap3A_738], %broadcast_in_dim3A_3 {strides = array<i32>} : memref<5x128xi32, #tpu.memory_space<vmem>>, vector<16xi32>,
          %swap3A_740 = arith.constant 4 : i32
          %swap3A_741 = arith.index_cast %swap3A_740 : i32 to index
          %swap3A_742 = arith.index_cast %multiple_of3A : i32 to index
          %swap3A_743 = tpu.vector_load %arg18[%swap3A_741, %swap3A_742] {strides = array<i32>} : memref<5x128xf32, #tpu.memory_space<vmem>>, vector<16xf32>,
          tpu.vector_store %arg18[%swap3A_741, %swap3A_742], %broadcast_in_dim3A_1 {strides = array<i32>} : memref<5x128xf32, #tpu.memory_space<vmem>>, vector<16xf32>,
          %swap3A_744 = arith.constant 4 : i32
          %swap3A_745 = arith.index_cast %swap3A_744 : i32 to index
          %swap3A_746 = arith.index_cast %multiple_of3A : i32 to index
          %swap3A_747 = tpu.vector_load %arg19[%swap3A_745, %swap3A_746] {strides = array<i32>} : memref<5x128xi32, #tpu.memory_space<vmem>>, vector<16xi32>,
          tpu.vector_store %arg19[%swap3A_745, %swap3A_746], %broadcast_in_dim3A_3 {strides = array<i32>} : memref<5x128xi32, #tpu.memory_space<vmem>>, vector<16xi32>,
          %get3A_748 = arith.constant 0 : i32
          %get3A_749 = arith.constant 0 : i32
          %get3A_750 = arith.constant 0 : i32
          %get3A_751 = tpu.memref_slice %arg16[%scan3A_410, %get3A_749, %get3A_750] : memref<2x256x128xf32, #tpu.memory_space<vmem>> -> memref<1x256x128xf32, #tpu.memory_space<vmem>>
          %get3A_752 = tpu.memref_squeeze %get3A_751 : memref<1x256x128xf32, #tpu.memory_space<vmem>> -> memref<256x128xf32, #tpu.memory_space<vmem>>
          %get3A_753 = arith.index_cast %get3A_748 : i32 to index
          %get3A_754 = arith.index_cast %multiple_of3A : i32 to index
          %get3A_755 = tpu.vector_load %get3A_752[%get3A_753, %get3A_754] {strides = array<i32>} : memref<256x128xf32, #tpu.memory_space<vmem>>, vector<16xf32>,
          %get3A_756 = arith.constant 1 : i32
          %get3A_757 = arith.constant 0 : i32
          %get3A_758 = arith.constant 0 : i32
          %get3A_759 = tpu.memref_slice %arg16[%scan3A_410, %get3A_757, %get3A_758] : memref<2x256x128xf32, #tpu.memory_space<vmem>> -> memref<1x256x128xf32, #tpu.memory_space<vmem>>
          %get3A_760 = tpu.memref_squeeze %get3A_759 : memref<1x256x128xf32, #tpu.memory_space<vmem>> -> memref<256x128xf32, #tpu.memory_space<vmem>>
          %get3A_761 = arith.index_cast %get3A_756 : i32 to index
          %get3A_762 = arith.index_cast %multiple_of3A : i32 to index
          %get3A_763 = tpu.vector_load %get3A_760[%get3A_761, %get3A_762] {strides = array<i32>} : memref<256x128xf32, #tpu.memory_space<vmem>>, vector<16xf32>,
          %min3A = arith.minimumf %get3A_755, %get3A_763 : vector<16xf32>
          %get3A_764 = arith.constant 2 : i32
          %get3A_765 = arith.constant 0 : i32
          %get3A_766 = arith.constant 0 : i32
          %get3A_767 = tpu.memref_slice %arg16[%scan3A_410, %get3A_765, %get3A_766] : memref<2x256x128xf32, #tpu.memory_space<vmem>> -> memref<1x256x128xf32, #tpu.memory_space<vmem>>
          %get3A_768 = tpu.memref_squeeze %get3A_767 : memref<1x256x128xf32, #tpu.memory_space<vmem>> -> memref<256x128xf32, #tpu.memory_space<vmem>>
          %get3A_769 = arith.index_cast %get3A_764 : i32 to index
          %get3A_770 = arith.index_cast %multiple_of3A : i32 to index
          %get3A_771 = tpu.vector_load %get3A_768[%get3A_769, %get3A_770] {strides = array<i32>} : memref<256x128xf32, #tpu.memory_space<vmem>>, vector<16xf32>,
          %min3A_772 = arith.minimumf %min3A, %get3A_771 : vector<16xf32>
          %get3A_773 = arith.constant 3 : i32
          %get3A_774 = arith.constant 0 : i32
          %get3A_775 = arith.constant 0 : i32
          %get3A_776 = tpu.memref_slice %arg16[%scan3A_410, %get3A_774, %get3A_775] : memref<2x256x128xf32, #tpu.memory_space<vmem>> -> memref<1x256x128xf32, #tpu.memory_space<vmem>>
          %get3A_777 = tpu.memref_squeeze %get3A_776 : memref<1x256x128xf32, #tpu.memory_space<vmem>> -> memref<256x128xf32, #tpu.memory_space<vmem>>
          %get3A_778 = arith.index_cast %get3A_773 : i32 to index
          %get3A_779 = arith.index_cast %multiple_of3A : i32 to index
          %get3A_780 = tpu.vector_load %get3A_777[%get3A_778, %get3A_779] {strides = array<i32>} : memref<256x128xf32, #tpu.memory_space<vmem>>, vector<16xf32>,
          %min3A_781 = arith.minimumf %min3A_772, %get3A_780 : vector<16xf32>
          %get3A_782 = arith.constant 4 : i32
          %get3A_783 = arith.constant 0 : i32
          %get3A_784 = arith.constant 0 : i32
          %get3A_785 = tpu.memref_slice %arg16[%scan3A_410, %get3A_783, %get3A_784] : memref<2x256x128xf32, #tpu.memory_space<vmem>> -> memref<1x256x128xf32, #tpu.memory_space<vmem>>
          %get3A_786 = tpu.memref_squeeze %get3A_785 : memref<1x256x128xf32, #tpu.memory_space<vmem>> -> memref<256x128xf32, #tpu.memory_space<vmem>>
          %get3A_787 = arith.index_cast %get3A_782 : i32 to index
          %get3A_788 = arith.index_cast %multiple_of3A : i32 to index
          %get3A_789 = tpu.vector_load %get3A_786[%get3A_787, %get3A_788] {strides = array<i32>} : memref<256x128xf32, #tpu.memory_space<vmem>>, vector<16xf32>,
          %min3A_790 = arith.minimumf %min3A_781, %get3A_789 : vector<16xf32>
          %swap3A_791 = arith.index_cast %multiple_of3A : i32 to index
          %swap3A_792 = tpu.vector_load %arg20[%swap3A_791] {strides = array<i32>} : memref<128xf32, #tpu.memory_space<vmem>>, vector<16xf32>,
          tpu.vector_store %arg20[%swap3A_791], %min3A_790 {strides = array<i32>} : memref<128xf32, #tpu.memory_space<vmem>>, vector<16xf32>,
          %swap3A_793 = arith.index_cast %multiple_of3A : i32 to index
          %swap3A_794 = tpu.vector_load %arg21[%swap3A_793] {strides = array<i32>} : memref<128xi32, #tpu.memory_space<vmem>>, vector<16xi32>,
          tpu.vector_store %arg21[%swap3A_793], %broadcast_in_dim3A_3 {strides = array<i32>} : memref<128xi32, #tpu.memory_space<vmem>>, vector<16xi32>,
        } else {
        }
        %scan3A_565 = arith.constant 0 : i32
        %scan3A_566 = arith.constant 0 : i32
        %scan3A_567 = arith.constant 16 : i32
        %scan3A_568 = arith.addi %scan3A_566, %scan3A_567 : i32
        %scan3A_569 = arith.constant 1 : i32
        %scan3A_570 = scf.for %scan3A_708 = %scan3A_566 to %scan3A_568 step %scan3A_569 iter_args(%scan3A_709 = %scan3A_565) -> (i32)  : i32 {
          %get3A_710 = arith.index_cast %multiple_of3A : i32 to index
          %get3A_711 = tpu.vector_load %arg20[%get3A_710] {strides = array<i32>} : memref<128xf32, #tpu.memory_space<vmem>>, vector<16xf32>,
          %get3A_712 = arith.index_cast %multiple_of3A : i32 to index
          %get3A_713 = tpu.vector_load %arg21[%get3A_712] {strides = array<i32>} : memref<128xi32, #tpu.memory_space<vmem>>, vector<16xi32>,
          %mul3A_714 = arith.constant 16 : i32
          %mul3A_715 = arith.muli %scan3A_708, %mul3A_714 : i32
          %add3A_716 = arith.constant 0 : i32
          %add3A_717 = arith.addi %mul3A_715, %add3A_716 : i32
          %get3A_718 = arith.constant 0 : i32
          %get3A_719 = arith.constant 0 : i32
          %get3A_720 = tpu.memref_slice %arg16[%scan3A_410, %get3A_718, %get3A_719] : memref<2x256x128xf32, #tpu.memory_space<vmem>> -> memref<1x256x128xf32, #tpu.memory_space<vmem>>
          %get3A_721 = tpu.memref_squeeze %get3A_720 : memref<1x256x128xf32, #tpu.memory_space<vmem>> -> memref<256x128xf32, #tpu.memory_space<vmem>>
          %get3A_722 = arith.index_cast %add3A_717 : i32 to index
          %get3A_723 = arith.index_cast %multiple_of3A : i32 to index
          %get3A_724 = tpu.vector_load %get3A_721[%get3A_722, %get3A_723] {strides = array<i32>} : memref<256x128xf32, #tpu.memory_space<vmem>>, vector<16xf32>,
          %mul3A_725 = arith.constant 16 : i32
          %mul3A_726 = arith.muli %scan3A_708, %mul3A_725 : i32
          %add3A_727 = arith.constant 1 : i32
          %add3A_728 = arith.addi %mul3A_726, %add3A_727 : i32
          %get3A_729 = arith.constant 0 : i32
          %get3A_730 = arith.constant 0 : i32
          %get3A_731 = tpu.memref_slice %arg16[%scan3A_410, %get3A_729, %get3A_730] : memref<2x256x128xf32, #tpu.memory_space<vmem>> -> memref<1x256x128xf32, #tpu.memory_space<vmem>>
          %get3A_732 = tpu.memref_squeeze %get3A_731 : memref<1x256x128xf32, #tpu.memory_space<vmem>> -> memref<256x128xf32, #tpu.memory_space<vmem>>
          %get3A_733 = arith.index_cast %add3A_728 : i32 to index
          %get3A_734 = arith.index_cast %multiple_of3A : i32 to index
          %get3A_735 = tpu.vector_load %get3A_732[%get3A_733, %get3A_734] {strides = array<i32>} : memref<256x128xf32, #tpu.memory_space<vmem>>, vector<16xf32>,
          %mul3A_736 = arith.constant 16 : i32
          %mul3A_737 = arith.muli %scan3A_708, %mul3A_736 : i32
          %add3A_738 = arith.constant 2 : i32
          %add3A_739 = arith.addi %mul3A_737, %add3A_738 : i32
          %get3A_740 = arith.constant 0 : i32
          %get3A_741 = arith.constant 0 : i32
          %get3A_742 = tpu.memref_slice %arg16[%scan3A_410, %get3A_740, %get3A_741] : memref<2x256x128xf32, #tpu.memory_space<vmem>> -> memref<1x256x128xf32, #tpu.memory_space<vmem>>
          %get3A_743 = tpu.memref_squeeze %get3A_742 : memref<1x256x128xf32, #tpu.memory_space<vmem>> -> memref<256x128xf32, #tpu.memory_space<vmem>>
          %get3A_744 = arith.index_cast %add3A_739 : i32 to index
          %get3A_745 = arith.index_cast %multiple_of3A : i32 to index
          %get3A_746 = tpu.vector_load %get3A_743[%get3A_744, %get3A_745] {strides = array<i32>} : memref<256x128xf32, #tpu.memory_space<vmem>>, vector<16xf32>,
          %mul3A_747 = arith.constant 16 : i32
          %mul3A_748 = arith.muli %scan3A_708, %mul3A_747 : i32
          %add3A_749 = arith.constant 3 : i32
          %add3A_750 = arith.addi %mul3A_748, %add3A_749 : i32
          %get3A_751 = arith.constant 0 : i32
          %get3A_752 = arith.constant 0 : i32
          %get3A_753 = tpu.memref_slice %arg16[%scan3A_410, %get3A_751, %get3A_752] : memref<2x256x128xf32, #tpu.memory_space<vmem>> -> memref<1x256x128xf32, #tpu.memory_space<vmem>>
          %get3A_754 = tpu.memref_squeeze %get3A_753 : memref<1x256x128xf32, #tpu.memory_space<vmem>> -> memref<256x128xf32, #tpu.memory_space<vmem>>
          %get3A_755 = arith.index_cast %add3A_750 : i32 to index
          %get3A_756 = arith.index_cast %multiple_of3A : i32 to index
          %get3A_757 = tpu.vector_load %get3A_754[%get3A_755, %get3A_756] {strides = array<i32>} : memref<256x128xf32, #tpu.memory_space<vmem>>, vector<16xf32>,
          %mul3A_758 = arith.constant 16 : i32
          %mul3A_759 = arith.muli %scan3A_708, %mul3A_758 : i32
          %add3A_760 = arith.constant 4 : i32
          %add3A_761 = arith.addi %mul3A_759, %add3A_760 : i32
          %get3A_762 = arith.constant 0 : i32
          %get3A_763 = arith.constant 0 : i32
          %get3A_764 = tpu.memref_slice %arg16[%scan3A_410, %get3A_762, %get3A_763] : memref<2x256x128xf32, #tpu.memory_space<vmem>> -> memref<1x256x128xf32, #tpu.memory_space<vmem>>
          %get3A_765 = tpu.memref_squeeze %get3A_764 : memref<1x256x128xf32, #tpu.memory_space<vmem>> -> memref<256x128xf32, #tpu.memory_space<vmem>>
          %get3A_766 = arith.index_cast %add3A_761 : i32 to index
          %get3A_767 = arith.index_cast %multiple_of3A : i32 to index
          %get3A_768 = tpu.vector_load %get3A_765[%get3A_766, %get3A_767] {strides = array<i32>} : memref<256x128xf32, #tpu.memory_space<vmem>>, vector<16xf32>,
          %mul3A_769 = arith.constant 16 : i32
          %mul3A_770 = arith.muli %scan3A_708, %mul3A_769 : i32
          %add3A_771 = arith.constant 5 : i32
          %add3A_772 = arith.addi %mul3A_770, %add3A_771 : i32
          %get3A_773 = arith.constant 0 : i32
          %get3A_774 = arith.constant 0 : i32
          %get3A_775 = tpu.memref_slice %arg16[%scan3A_410, %get3A_773, %get3A_774] : memref<2x256x128xf32, #tpu.memory_space<vmem>> -> memref<1x256x128xf32, #tpu.memory_space<vmem>>
          %get3A_776 = tpu.memref_squeeze %get3A_775 : memref<1x256x128xf32, #tpu.memory_space<vmem>> -> memref<256x128xf32, #tpu.memory_space<vmem>>
          %get3A_777 = arith.index_cast %add3A_772 : i32 to index
          %get3A_778 = arith.index_cast %multiple_of3A : i32 to index
          %get3A_779 = tpu.vector_load %get3A_776[%get3A_777, %get3A_778] {strides = array<i32>} : memref<256x128xf32, #tpu.memory_space<vmem>>, vector<16xf32>,
          %mul3A_780 = arith.constant 16 : i32
          %mul3A_781 = arith.muli %scan3A_708, %mul3A_780 : i32
          %add3A_782 = arith.constant 6 : i32
          %add3A_783 = arith.addi %mul3A_781, %add3A_782 : i32
          %get3A_784 = arith.constant 0 : i32
          %get3A_785 = arith.constant 0 : i32
          %get3A_786 = tpu.memref_slice %arg16[%scan3A_410, %get3A_784, %get3A_785] : memref<2x256x128xf32, #tpu.memory_space<vmem>> -> memref<1x256x128xf32, #tpu.memory_space<vmem>>
          %get3A_787 = tpu.memref_squeeze %get3A_786 : memref<1x256x128xf32, #tpu.memory_space<vmem>> -> memref<256x128xf32, #tpu.memory_space<vmem>>
          %get3A_788 = arith.index_cast %add3A_783 : i32 to index
          %get3A_789 = arith.index_cast %multiple_of3A : i32 to index
          %get3A_790 = tpu.vector_load %get3A_787[%get3A_788, %get3A_789] {strides = array<i32>} : memref<256x128xf32, #tpu.memory_space<vmem>>, vector<16xf32>,
          %mul3A_791 = arith.constant 16 : i32
          %mul3A_792 = arith.muli %scan3A_708, %mul3A_791 : i32
          %add3A_793 = arith.constant 7 : i32
          %add3A_794 = arith.addi %mul3A_792, %add3A_793 : i32
          %get3A_795 = arith.constant 0 : i32
          %get3A_796 = arith.constant 0 : i32
          %get3A_797 = tpu.memref_slice %arg16[%scan3A_410, %get3A_795, %get3A_796] : memref<2x256x128xf32, #tpu.memory_space<vmem>> -> memref<1x256x128xf32, #tpu.memory_space<vmem>>
          %get3A_798 = tpu.memref_squeeze %get3A_797 : memref<1x256x128xf32, #tpu.memory_space<vmem>> -> memref<256x128xf32, #tpu.memory_space<vmem>>
          %get3A_799 = arith.index_cast %add3A_794 : i32 to index
          %get3A_800 = arith.index_cast %multiple_of3A : i32 to index
          %get3A_801 = tpu.vector_load %get3A_798[%get3A_799, %get3A_800] {strides = array<i32>} : memref<256x128xf32, #tpu.memory_space<vmem>>, vector<16xf32>,
          %mul3A_802 = arith.constant 16 : i32
          %mul3A_803 = arith.muli %scan3A_708, %mul3A_802 : i32
          %add3A_804 = arith.constant 8 : i32
          %add3A_805 = arith.addi %mul3A_803, %add3A_804 : i32
          %get3A_806 = arith.constant 0 : i32
          %get3A_807 = arith.constant 0 : i32
          %get3A_808 = tpu.memref_slice %arg16[%scan3A_410, %get3A_806, %get3A_807] : memref<2x256x128xf32, #tpu.memory_space<vmem>> -> memref<1x256x128xf32, #tpu.memory_space<vmem>>
          %get3A_809 = tpu.memref_squeeze %get3A_808 : memref<1x256x128xf32, #tpu.memory_space<vmem>> -> memref<256x128xf32, #tpu.memory_space<vmem>>
          %get3A_810 = arith.index_cast %add3A_805 : i32 to index
          %get3A_811 = arith.index_cast %multiple_of3A : i32 to index
          %get3A_812 = tpu.vector_load %get3A_809[%get3A_810, %get3A_811] {strides = array<i32>} : memref<256x128xf32, #tpu.memory_space<vmem>>, vector<16xf32>,
          %mul3A_813 = arith.constant 16 : i32
          %mul3A_814 = arith.muli %scan3A_708, %mul3A_813 : i32
          %add3A_815 = arith.constant 9 : i32
          %add3A_816 = arith.addi %mul3A_814, %add3A_815 : i32
          %get3A_817 = arith.constant 0 : i32
          %get3A_818 = arith.constant 0 : i32
          %get3A_819 = tpu.memref_slice %arg16[%scan3A_410, %get3A_817, %get3A_818] : memref<2x256x128xf32, #tpu.memory_space<vmem>> -> memref<1x256x128xf32, #tpu.memory_space<vmem>>
          %get3A_820 = tpu.memref_squeeze %get3A_819 : memref<1x256x128xf32, #tpu.memory_space<vmem>> -> memref<256x128xf32, #tpu.memory_space<vmem>>
          %get3A_821 = arith.index_cast %add3A_816 : i32 to index
          %get3A_822 = arith.index_cast %multiple_of3A : i32 to index
          %get3A_823 = tpu.vector_load %get3A_820[%get3A_821, %get3A_822] {strides = array<i32>} : memref<256x128xf32, #tpu.memory_space<vmem>>, vector<16xf32>,
          %mul3A_824 = arith.constant 16 : i32
          %mul3A_825 = arith.muli %scan3A_708, %mul3A_824 : i32
          %add3A_826 = arith.constant 10 : i32
          %add3A_827 = arith.addi %mul3A_825, %add3A_826 : i32
          %get3A_828 = arith.constant 0 : i32
          %get3A_829 = arith.constant 0 : i32
          %get3A_830 = tpu.memref_slice %arg16[%scan3A_410, %get3A_828, %get3A_829] : memref<2x256x128xf32, #tpu.memory_space<vmem>> -> memref<1x256x128xf32, #tpu.memory_space<vmem>>
          %get3A_831 = tpu.memref_squeeze %get3A_830 : memref<1x256x128xf32, #tpu.memory_space<vmem>> -> memref<256x128xf32, #tpu.memory_space<vmem>>
          %get3A_832 = arith.index_cast %add3A_827 : i32 to index
          %get3A_833 = arith.index_cast %multiple_of3A : i32 to index
          %get3A_834 = tpu.vector_load %get3A_831[%get3A_832, %get3A_833] {strides = array<i32>} : memref<256x128xf32, #tpu.memory_space<vmem>>, vector<16xf32>,
          %mul3A_835 = arith.constant 16 : i32
          %mul3A_836 = arith.muli %scan3A_708, %mul3A_835 : i32
          %add3A_837 = arith.constant 11 : i32
          %add3A_838 = arith.addi %mul3A_836, %add3A_837 : i32
          %get3A_839 = arith.constant 0 : i32
          %get3A_840 = arith.constant 0 : i32
          %get3A_841 = tpu.memref_slice %arg16[%scan3A_410, %get3A_839, %get3A_840] : memref<2x256x128xf32, #tpu.memory_space<vmem>> -> memref<1x256x128xf32, #tpu.memory_space<vmem>>
          %get3A_842 = tpu.memref_squeeze %get3A_841 : memref<1x256x128xf32, #tpu.memory_space<vmem>> -> memref<256x128xf32, #tpu.memory_space<vmem>>
          %get3A_843 = arith.index_cast %add3A_838 : i32 to index
          %get3A_844 = arith.index_cast %multiple_of3A : i32 to index
          %get3A_845 = tpu.vector_load %get3A_842[%get3A_843, %get3A_844] {strides = array<i32>} : memref<256x128xf32, #tpu.memory_space<vmem>>, vector<16xf32>,
          %mul3A_846 = arith.constant 16 : i32
          %mul3A_847 = arith.muli %scan3A_708, %mul3A_846 : i32
          %add3A_848 = arith.constant 12 : i32
          %add3A_849 = arith.addi %mul3A_847, %add3A_848 : i32
          %get3A_850 = arith.constant 0 : i32
          %get3A_851 = arith.constant 0 : i32
          %get3A_852 = tpu.memref_slice %arg16[%scan3A_410, %get3A_850, %get3A_851] : memref<2x256x128xf32, #tpu.memory_space<vmem>> -> memref<1x256x128xf32, #tpu.memory_space<vmem>>
          %get3A_853 = tpu.memref_squeeze %get3A_852 : memref<1x256x128xf32, #tpu.memory_space<vmem>> -> memref<256x128xf32, #tpu.memory_space<vmem>>
          %get3A_854 = arith.index_cast %add3A_849 : i32 to index
          %get3A_855 = arith.index_cast %multiple_of3A : i32 to index
          %get3A_856 = tpu.vector_load %get3A_853[%get3A_854, %get3A_855] {strides = array<i32>} : memref<256x128xf32, #tpu.memory_space<vmem>>, vector<16xf32>,
          %mul3A_857 = arith.constant 16 : i32
          %mul3A_858 = arith.muli %scan3A_708, %mul3A_857 : i32
          %add3A_859 = arith.constant 13 : i32
          %add3A_860 = arith.addi %mul3A_858, %add3A_859 : i32
          %get3A_861 = arith.constant 0 : i32
          %get3A_862 = arith.constant 0 : i32
          %get3A_863 = tpu.memref_slice %arg16[%scan3A_410, %get3A_861, %get3A_862] : memref<2x256x128xf32, #tpu.memory_space<vmem>> -> memref<1x256x128xf32, #tpu.memory_space<vmem>>
          %get3A_864 = tpu.memref_squeeze %get3A_863 : memref<1x256x128xf32, #tpu.memory_space<vmem>> -> memref<256x128xf32, #tpu.memory_space<vmem>>
          %get3A_865 = arith.index_cast %add3A_860 : i32 to index
          %get3A_866 = arith.index_cast %multiple_of3A : i32 to index
          %get3A_867 = tpu.vector_load %get3A_864[%get3A_865, %get3A_866] {strides = array<i32>} : memref<256x128xf32, #tpu.memory_space<vmem>>, vector<16xf32>,
          %mul3A_868 = arith.constant 16 : i32
          %mul3A_869 = arith.muli %scan3A_708, %mul3A_868 : i32
          %add3A_870 = arith.constant 14 : i32
          %add3A_871 = arith.addi %mul3A_869, %add3A_870 : i32
          %get3A_872 = arith.constant 0 : i32
          %get3A_873 = arith.constant 0 : i32
          %get3A_874 = tpu.memref_slice %arg16[%scan3A_410, %get3A_872, %get3A_873] : memref<2x256x128xf32, #tpu.memory_space<vmem>> -> memref<1x256x128xf32, #tpu.memory_space<vmem>>
          %get3A_875 = tpu.memref_squeeze %get3A_874 : memref<1x256x128xf32, #tpu.memory_space<vmem>> -> memref<256x128xf32, #tpu.memory_space<vmem>>
          %get3A_876 = arith.index_cast %add3A_871 : i32 to index
          %get3A_877 = arith.index_cast %multiple_of3A : i32 to index
          %get3A_878 = tpu.vector_load %get3A_875[%get3A_876, %get3A_877] {strides = array<i32>} : memref<256x128xf32, #tpu.memory_space<vmem>>, vector<16xf32>,
          %mul3A_879 = arith.constant 16 : i32
          %mul3A_880 = arith.muli %scan3A_708, %mul3A_879 : i32
          %add3A_881 = arith.constant 15 : i32
          %add3A_882 = arith.addi %mul3A_880, %add3A_881 : i32
          %get3A_883 = arith.constant 0 : i32
          %get3A_884 = arith.constant 0 : i32
          %get3A_885 = tpu.memref_slice %arg16[%scan3A_410, %get3A_883, %get3A_884] : memref<2x256x128xf32, #tpu.memory_space<vmem>> -> memref<1x256x128xf32, #tpu.memory_space<vmem>>
          %get3A_886 = tpu.memref_squeeze %get3A_885 : memref<1x256x128xf32, #tpu.memory_space<vmem>> -> memref<256x128xf32, #tpu.memory_space<vmem>>
          %get3A_887 = arith.index_cast %add3A_882 : i32 to index
          %get3A_888 = arith.index_cast %multiple_of3A : i32 to index
          %get3A_889 = tpu.vector_load %get3A_886[%get3A_887, %get3A_888] {strides = array<i32>} : memref<256x128xf32, #tpu.memory_space<vmem>>, vector<16xf32>,
          %ge3A = arith.cmpf oge, %get3A_724, %get3A_711 : vector<16xf32>
          %ge3A_890 = arith.cmpf oge, %get3A_735, %get3A_711 : vector<16xf32>
          %ge3A_891 = arith.cmpf oge, %get3A_746, %get3A_711 : vector<16xf32>
          %ge3A_892 = arith.cmpf oge, %get3A_757, %get3A_711 : vector<16xf32>
          %ge3A_893 = arith.cmpf oge, %get3A_768, %get3A_711 : vector<16xf32>
          %ge3A_894 = arith.cmpf oge, %get3A_779, %get3A_711 : vector<16xf32>
          %ge3A_895 = arith.cmpf oge, %get3A_790, %get3A_711 : vector<16xf32>
          %ge3A_896 = arith.cmpf oge, %get3A_801, %get3A_711 : vector<16xf32>
          %ge3A_897 = arith.cmpf oge, %get3A_812, %get3A_711 : vector<16xf32>
          %ge3A_898 = arith.cmpf oge, %get3A_823, %get3A_711 : vector<16xf32>
          %ge3A_899 = arith.cmpf oge, %get3A_834, %get3A_711 : vector<16xf32>
          %ge3A_900 = arith.cmpf oge, %get3A_845, %get3A_711 : vector<16xf32>
          %ge3A_901 = arith.cmpf oge, %get3A_856, %get3A_711 : vector<16xf32>
          %ge3A_902 = arith.cmpf oge, %get3A_867, %get3A_711 : vector<16xf32>
          %ge3A_903 = arith.cmpf oge, %get3A_878, %get3A_711 : vector<16xf32>
          %ge3A_904 = arith.cmpf oge, %get3A_889, %get3A_711 : vector<16xf32>
          %jit3A_905 = arith.constant 1 : i32
          %jit3A_906 = arith.constant 0 : i32
          %broadcast_in_dim3A_907 = vector.broadcast %jit3A_905 : i32 to vector<16xi32>
          %broadcast_in_dim3A_908 = vector.broadcast %jit3A_906 : i32 to vector<16xi32>
          %select_n3A_909 = arith.select %ge3A, %broadcast_in_dim3A_907, %broadcast_in_dim3A_908 : vector<16xi1>, vector<16xi32>
          %jit3A_910 = arith.constant 1 : i32
          %jit3A_911 = arith.constant 0 : i32
          %broadcast_in_dim3A_912 = vector.broadcast %jit3A_910 : i32 to vector<16xi32>
          %broadcast_in_dim3A_913 = vector.broadcast %jit3A_911 : i32 to vector<16xi32>
          %select_n3A_914 = arith.select %ge3A_890, %broadcast_in_dim3A_912, %broadcast_in_dim3A_913 : vector<16xi1>, vector<16xi32>
          %jit3A_915 = arith.constant 1 : i32
          %jit3A_916 = arith.constant 0 : i32
          %broadcast_in_dim3A_917 = vector.broadcast %jit3A_915 : i32 to vector<16xi32>
          %broadcast_in_dim3A_918 = vector.broadcast %jit3A_916 : i32 to vector<16xi32>
          %select_n3A_919 = arith.select %ge3A_891, %broadcast_in_dim3A_917, %broadcast_in_dim3A_918 : vector<16xi1>, vector<16xi32>
          %jit3A_920 = arith.constant 1 : i32
          %jit3A_921 = arith.constant 0 : i32
          %broadcast_in_dim3A_922 = vector.broadcast %jit3A_920 : i32 to vector<16xi32>
          %broadcast_in_dim3A_923 = vector.broadcast %jit3A_921 : i32 to vector<16xi32>
          %select_n3A_924 = arith.select %ge3A_892, %broadcast_in_dim3A_922, %broadcast_in_dim3A_923 : vector<16xi1>, vector<16xi32>
          %jit3A_925 = arith.constant 1 : i32
          %jit3A_926 = arith.constant 0 : i32
          %broadcast_in_dim3A_927 = vector.broadcast %jit3A_925 : i32 to vector<16xi32>
          %broadcast_in_dim3A_928 = vector.broadcast %jit3A_926 : i32 to vector<16xi32>
          %select_n3A_929 = arith.select %ge3A_893, %broadcast_in_dim3A_927, %broadcast_in_dim3A_928 : vector<16xi1>, vector<16xi32>
          %jit3A_930 = arith.constant 1 : i32
          %jit3A_931 = arith.constant 0 : i32
          %broadcast_in_dim3A_932 = vector.broadcast %jit3A_930 : i32 to vector<16xi32>
          %broadcast_in_dim3A_933 = vector.broadcast %jit3A_931 : i32 to vector<16xi32>
          %select_n3A_934 = arith.select %ge3A_894, %broadcast_in_dim3A_932, %broadcast_in_dim3A_933 : vector<16xi1>, vector<16xi32>
          %jit3A_935 = arith.constant 1 : i32
          %jit3A_936 = arith.constant 0 : i32
          %broadcast_in_dim3A_937 = vector.broadcast %jit3A_935 : i32 to vector<16xi32>
          %broadcast_in_dim3A_938 = vector.broadcast %jit3A_936 : i32 to vector<16xi32>
          %select_n3A_939 = arith.select %ge3A_895, %broadcast_in_dim3A_937, %broadcast_in_dim3A_938 : vector<16xi1>, vector<16xi32>
          %jit3A_940 = arith.constant 1 : i32
          %jit3A_941 = arith.constant 0 : i32
          %broadcast_in_dim3A_942 = vector.broadcast %jit3A_940 : i32 to vector<16xi32>
          %broadcast_in_dim3A_943 = vector.broadcast %jit3A_941 : i32 to vector<16xi32>
          %select_n3A_944 = arith.select %ge3A_896, %broadcast_in_dim3A_942, %broadcast_in_dim3A_943 : vector<16xi1>, vector<16xi32>
          %jit3A_945 = arith.constant 1 : i32
          %jit3A_946 = arith.constant 0 : i32
          %broadcast_in_dim3A_947 = vector.broadcast %jit3A_945 : i32 to vector<16xi32>
          %broadcast_in_dim3A_948 = vector.broadcast %jit3A_946 : i32 to vector<16xi32>
          %select_n3A_949 = arith.select %ge3A_897, %broadcast_in_dim3A_947, %broadcast_in_dim3A_948 : vector<16xi1>, vector<16xi32>
          %jit3A_950 = arith.constant 1 : i32
          %jit3A_951 = arith.constant 0 : i32
          %broadcast_in_dim3A_952 = vector.broadcast %jit3A_950 : i32 to vector<16xi32>
          %broadcast_in_dim3A_953 = vector.broadcast %jit3A_951 : i32 to vector<16xi32>
          %select_n3A_954 = arith.select %ge3A_898, %broadcast_in_dim3A_952, %broadcast_in_dim3A_953 : vector<16xi1>, vector<16xi32>
          %jit3A_955 = arith.constant 1 : i32
          %jit3A_956 = arith.constant 0 : i32
          %broadcast_in_dim3A_957 = vector.broadcast %jit3A_955 : i32 to vector<16xi32>
          %broadcast_in_dim3A_958 = vector.broadcast %jit3A_956 : i32 to vector<16xi32>
          %select_n3A_959 = arith.select %ge3A_899, %broadcast_in_dim3A_957, %broadcast_in_dim3A_958 : vector<16xi1>, vector<16xi32>
          %jit3A_960 = arith.constant 1 : i32
          %jit3A_961 = arith.constant 0 : i32
          %broadcast_in_dim3A_962 = vector.broadcast %jit3A_960 : i32 to vector<16xi32>
          %broadcast_in_dim3A_963 = vector.broadcast %jit3A_961 : i32 to vector<16xi32>
          %select_n3A_964 = arith.select %ge3A_900, %broadcast_in_dim3A_962, %broadcast_in_dim3A_963 : vector<16xi1>, vector<16xi32>
          %jit3A_965 = arith.constant 1 : i32
          %jit3A_966 = arith.constant 0 : i32
          %broadcast_in_dim3A_967 = vector.broadcast %jit3A_965 : i32 to vector<16xi32>
          %broadcast_in_dim3A_968 = vector.broadcast %jit3A_966 : i32 to vector<16xi32>
          %select_n3A_969 = arith.select %ge3A_901, %broadcast_in_dim3A_967, %broadcast_in_dim3A_968 : vector<16xi1>, vector<16xi32>
          %jit3A_970 = arith.constant 1 : i32
          %jit3A_971 = arith.constant 0 : i32
          %broadcast_in_dim3A_972 = vector.broadcast %jit3A_970 : i32 to vector<16xi32>
          %broadcast_in_dim3A_973 = vector.broadcast %jit3A_971 : i32 to vector<16xi32>
          %select_n3A_974 = arith.select %ge3A_902, %broadcast_in_dim3A_972, %broadcast_in_dim3A_973 : vector<16xi1>, vector<16xi32>
          %jit3A_975 = arith.constant 1 : i32
          %jit3A_976 = arith.constant 0 : i32
          %broadcast_in_dim3A_977 = vector.broadcast %jit3A_975 : i32 to vector<16xi32>
          %broadcast_in_dim3A_978 = vector.broadcast %jit3A_976 : i32 to vector<16xi32>
          %select_n3A_979 = arith.select %ge3A_903, %broadcast_in_dim3A_977, %broadcast_in_dim3A_978 : vector<16xi1>, vector<16xi32>
          %jit3A_980 = arith.constant 1 : i32
          %jit3A_981 = arith.constant 0 : i32
          %broadcast_in_dim3A_982 = vector.broadcast %jit3A_980 : i32 to vector<16xi32>
          %broadcast_in_dim3A_983 = vector.broadcast %jit3A_981 : i32 to vector<16xi32>
          %select_n3A_984 = arith.select %ge3A_904, %broadcast_in_dim3A_982, %broadcast_in_dim3A_983 : vector<16xi1>, vector<16xi32>
          %add3A_985 = arith.addi %get3A_713, %select_n3A_909 : vector<16xi32>
          %add3A_986 = arith.addi %add3A_985, %select_n3A_914 : vector<16xi32>
          %add3A_987 = arith.addi %add3A_986, %select_n3A_919 : vector<16xi32>
          %add3A_988 = arith.addi %add3A_987, %select_n3A_924 : vector<16xi32>
          %add3A_989 = arith.addi %add3A_988, %select_n3A_929 : vector<16xi32>
          %add3A_990 = arith.addi %add3A_989, %select_n3A_934 : vector<16xi32>
          %add3A_991 = arith.addi %add3A_990, %select_n3A_939 : vector<16xi32>
          %add3A_992 = arith.addi %add3A_991, %select_n3A_944 : vector<16xi32>
          %add3A_993 = arith.addi %add3A_992, %select_n3A_949 : vector<16xi32>
          %add3A_994 = arith.addi %add3A_993, %select_n3A_954 : vector<16xi32>
          %add3A_995 = arith.addi %add3A_994, %select_n3A_959 : vector<16xi32>
          %add3A_996 = arith.addi %add3A_995, %select_n3A_964 : vector<16xi32>
          %add3A_997 = arith.addi %add3A_996, %select_n3A_969 : vector<16xi32>
          %add3A_998 = arith.addi %add3A_997, %select_n3A_974 : vector<16xi32>
          %add3A_999 = arith.addi %add3A_998, %select_n3A_979 : vector<16xi32>
          %mul3A_1000 = arith.constant 16 : i32
          %mul3A_1001 = arith.muli %scan3A_708, %mul3A_1000 : i32
          %add3A_1002 = arith.constant 0 : i32
          %add3A_1003 = arith.addi %mul3A_1001, %add3A_1002 : i32
          %broadcast_in_dim3A_1004 = vector.broadcast %add3A_1003 : i32 to vector<16xi32>
          tpu.vector_store_idx %arg17[%get3A_713, %add3A_554], %broadcast_in_dim3A_1004 masked %ge3A : memref<48x128xi32, #tpu.memory_space<vmem>>[vector<16xi32>, vector<16xi32>], vector<16xi32>, vector<16xi1>
          %mul3A_1005 = arith.constant 16 : i32
          %mul3A_1006 = arith.muli %scan3A_708, %mul3A_1005 : i32
          %add3A_1007 = arith.constant 1 : i32
          %add3A_1008 = arith.addi %mul3A_1006, %add3A_1007 : i32
          %broadcast_in_dim3A_1009 = vector.broadcast %add3A_1008 : i32 to vector<16xi32>
          tpu.vector_store_idx %arg17[%add3A_985, %add3A_554], %broadcast_in_dim3A_1009 masked %ge3A_890 : memref<48x128xi32, #tpu.memory_space<vmem>>[vector<16xi32>, vector<16xi32>], vector<16xi32>, vector<16xi1>
          %mul3A_1010 = arith.constant 16 : i32
          %mul3A_1011 = arith.muli %scan3A_708, %mul3A_1010 : i32
          %add3A_1012 = arith.constant 2 : i32
          %add3A_1013 = arith.addi %mul3A_1011, %add3A_1012 : i32
          %broadcast_in_dim3A_1014 = vector.broadcast %add3A_1013 : i32 to vector<16xi32>
          tpu.vector_store_idx %arg17[%add3A_986, %add3A_554], %broadcast_in_dim3A_1014 masked %ge3A_891 : memref<48x128xi32, #tpu.memory_space<vmem>>[vector<16xi32>, vector<16xi32>], vector<16xi32>, vector<16xi1>
          %mul3A_1015 = arith.constant 16 : i32
          %mul3A_1016 = arith.muli %scan3A_708, %mul3A_1015 : i32
          %add3A_1017 = arith.constant 3 : i32
          %add3A_1018 = arith.addi %mul3A_1016, %add3A_1017 : i32
          %broadcast_in_dim3A_1019 = vector.broadcast %add3A_1018 : i32 to vector<16xi32>
          tpu.vector_store_idx %arg17[%add3A_987, %add3A_554], %broadcast_in_dim3A_1019 masked %ge3A_892 : memref<48x128xi32, #tpu.memory_space<vmem>>[vector<16xi32>, vector<16xi32>], vector<16xi32>, vector<16xi1>
          %mul3A_1020 = arith.constant 16 : i32
          %mul3A_1021 = arith.muli %scan3A_708, %mul3A_1020 : i32
          %add3A_1022 = arith.constant 4 : i32
          %add3A_1023 = arith.addi %mul3A_1021, %add3A_1022 : i32
          %broadcast_in_dim3A_1024 = vector.broadcast %add3A_1023 : i32 to vector<16xi32>
          tpu.vector_store_idx %arg17[%add3A_988, %add3A_554], %broadcast_in_dim3A_1024 masked %ge3A_893 : memref<48x128xi32, #tpu.memory_space<vmem>>[vector<16xi32>, vector<16xi32>], vector<16xi32>, vector<16xi1>
          %mul3A_1025 = arith.constant 16 : i32
          %mul3A_1026 = arith.muli %scan3A_708, %mul3A_1025 : i32
          %add3A_1027 = arith.constant 5 : i32
          %add3A_1028 = arith.addi %mul3A_1026, %add3A_1027 : i32
          %broadcast_in_dim3A_1029 = vector.broadcast %add3A_1028 : i32 to vector<16xi32>
          tpu.vector_store_idx %arg17[%add3A_989, %add3A_554], %broadcast_in_dim3A_1029 masked %ge3A_894 : memref<48x128xi32, #tpu.memory_space<vmem>>[vector<16xi32>, vector<16xi32>], vector<16xi32>, vector<16xi1>
          %mul3A_1030 = arith.constant 16 : i32
          %mul3A_1031 = arith.muli %scan3A_708, %mul3A_1030 : i32
          %add3A_1032 = arith.constant 6 : i32
          %add3A_1033 = arith.addi %mul3A_1031, %add3A_1032 : i32
          %broadcast_in_dim3A_1034 = vector.broadcast %add3A_1033 : i32 to vector<16xi32>
          tpu.vector_store_idx %arg17[%add3A_990, %add3A_554], %broadcast_in_dim3A_1034 masked %ge3A_895 : memref<48x128xi32, #tpu.memory_space<vmem>>[vector<16xi32>, vector<16xi32>], vector<16xi32>, vector<16xi1>
          %mul3A_1035 = arith.constant 16 : i32
          %mul3A_1036 = arith.muli %scan3A_708, %mul3A_1035 : i32
          %add3A_1037 = arith.constant 7 : i32
          %add3A_1038 = arith.addi %mul3A_1036, %add3A_1037 : i32
          %broadcast_in_dim3A_1039 = vector.broadcast %add3A_1038 : i32 to vector<16xi32>
          tpu.vector_store_idx %arg17[%add3A_991, %add3A_554], %broadcast_in_dim3A_1039 masked %ge3A_896 : memref<48x128xi32, #tpu.memory_space<vmem>>[vector<16xi32>, vector<16xi32>], vector<16xi32>, vector<16xi1>
          %mul3A_1040 = arith.constant 16 : i32
          %mul3A_1041 = arith.muli %scan3A_708, %mul3A_1040 : i32
          %add3A_1042 = arith.constant 8 : i32
          %add3A_1043 = arith.addi %mul3A_1041, %add3A_1042 : i32
          %broadcast_in_dim3A_1044 = vector.broadcast %add3A_1043 : i32 to vector<16xi32>
          tpu.vector_store_idx %arg17[%add3A_992, %add3A_554], %broadcast_in_dim3A_1044 masked %ge3A_897 : memref<48x128xi32, #tpu.memory_space<vmem>>[vector<16xi32>, vector<16xi32>], vector<16xi32>, vector<16xi1>
          %mul3A_1045 = arith.constant 16 : i32
          %mul3A_1046 = arith.muli %scan3A_708, %mul3A_1045 : i32
          %add3A_1047 = arith.constant 9 : i32
          %add3A_1048 = arith.addi %mul3A_1046, %add3A_1047 : i32
          %broadcast_in_dim3A_1049 = vector.broadcast %add3A_1048 : i32 to vector<16xi32>
          tpu.vector_store_idx %arg17[%add3A_993, %add3A_554], %broadcast_in_dim3A_1049 masked %ge3A_898 : memref<48x128xi32, #tpu.memory_space<vmem>>[vector<16xi32>, vector<16xi32>], vector<16xi32>, vector<16xi1>
          %mul3A_1050 = arith.constant 16 : i32
          %mul3A_1051 = arith.muli %scan3A_708, %mul3A_1050 : i32
          %add3A_1052 = arith.constant 10 : i32
          %add3A_1053 = arith.addi %mul3A_1051, %add3A_1052 : i32
          %broadcast_in_dim3A_1054 = vector.broadcast %add3A_1053 : i32 to vector<16xi32>
          tpu.vector_store_idx %arg17[%add3A_994, %add3A_554], %broadcast_in_dim3A_1054 masked %ge3A_899 : memref<48x128xi32, #tpu.memory_space<vmem>>[vector<16xi32>, vector<16xi32>], vector<16xi32>, vector<16xi1>
          %mul3A_1055 = arith.constant 16 : i32
          %mul3A_1056 = arith.muli %scan3A_708, %mul3A_1055 : i32
          %add3A_1057 = arith.constant 11 : i32
          %add3A_1058 = arith.addi %mul3A_1056, %add3A_1057 : i32
          %broadcast_in_dim3A_1059 = vector.broadcast %add3A_1058 : i32 to vector<16xi32>
          tpu.vector_store_idx %arg17[%add3A_995, %add3A_554], %broadcast_in_dim3A_1059 masked %ge3A_900 : memref<48x128xi32, #tpu.memory_space<vmem>>[vector<16xi32>, vector<16xi32>], vector<16xi32>, vector<16xi1>
          %mul3A_1060 = arith.constant 16 : i32
          %mul3A_1061 = arith.muli %scan3A_708, %mul3A_1060 : i32
          %add3A_1062 = arith.constant 12 : i32
          %add3A_1063 = arith.addi %mul3A_1061, %add3A_1062 : i32
          %broadcast_in_dim3A_1064 = vector.broadcast %add3A_1063 : i32 to vector<16xi32>
          tpu.vector_store_idx %arg17[%add3A_996, %add3A_554], %broadcast_in_dim3A_1064 masked %ge3A_901 : memref<48x128xi32, #tpu.memory_space<vmem>>[vector<16xi32>, vector<16xi32>], vector<16xi32>, vector<16xi1>
          %mul3A_1065 = arith.constant 16 : i32
          %mul3A_1066 = arith.muli %scan3A_708, %mul3A_1065 : i32
          %add3A_1067 = arith.constant 13 : i32
          %add3A_1068 = arith.addi %mul3A_1066, %add3A_1067 : i32
          %broadcast_in_dim3A_1069 = vector.broadcast %add3A_1068 : i32 to vector<16xi32>
          tpu.vector_store_idx %arg17[%add3A_997, %add3A_554], %broadcast_in_dim3A_1069 masked %ge3A_902 : memref<48x128xi32, #tpu.memory_space<vmem>>[vector<16xi32>, vector<16xi32>], vector<16xi32>, vector<16xi1>
          %mul3A_1070 = arith.constant 16 : i32
          %mul3A_1071 = arith.muli %scan3A_708, %mul3A_1070 : i32
          %add3A_1072 = arith.constant 14 : i32
          %add3A_1073 = arith.addi %mul3A_1071, %add3A_1072 : i32
          %broadcast_in_dim3A_1074 = vector.broadcast %add3A_1073 : i32 to vector<16xi32>
          tpu.vector_store_idx %arg17[%add3A_998, %add3A_554], %broadcast_in_dim3A_1074 masked %ge3A_903 : memref<48x128xi32, #tpu.memory_space<vmem>>[vector<16xi32>, vector<16xi32>], vector<16xi32>, vector<16xi1>
          %mul3A_1075 = arith.constant 16 : i32
          %mul3A_1076 = arith.muli %scan3A_708, %mul3A_1075 : i32
          %add3A_1077 = arith.constant 15 : i32
          %add3A_1078 = arith.addi %mul3A_1076, %add3A_1077 : i32
          %broadcast_in_dim3A_1079 = vector.broadcast %add3A_1078 : i32 to vector<16xi32>
          tpu.vector_store_idx %arg17[%add3A_999, %add3A_554], %broadcast_in_dim3A_1079 masked %ge3A_904 : memref<48x128xi32, #tpu.memory_space<vmem>>[vector<16xi32>, vector<16xi32>], vector<16xi32>, vector<16xi1>
          %add3A_1080 = arith.addi %add3A_999, %select_n3A_984 : vector<16xi32>
          %swap3A_1081 = arith.index_cast %multiple_of3A : i32 to index
          %swap3A_1082 = tpu.vector_load %arg21[%swap3A_1081] {strides = array<i32>} : memref<128xi32, #tpu.memory_space<vmem>>, vector<16xi32>,
          tpu.vector_store %arg21[%swap3A_1081], %add3A_1080 {strides = array<i32>} : memref<128xi32, #tpu.memory_space<vmem>>, vector<16xi32>,
          %reduce_max3A_1083 = arith.constant true
          %reduce_max3A_1084 = vector.broadcast %reduce_max3A_1083 : i1 to vector<16xi1>
          %reduce_max3A_1085 = arith.constant -2147483648 : i32
          %reduce_max3A_1086 = vector.broadcast %reduce_max3A_1085 : i32 to vector<16xi32>
          %reduce_max3A_1087 = arith.xori %get3A_713, %reduce_max3A_1086 : vector<16xi32>
          %reduce_max3A_1088 = tpu.scan <max>, %reduce_max3A_1087 masked %reduce_max3A_1084 : vector<16xi32>, vector<16xi1> -> vector<16xi32>
          %reduce_max3A_1089 = arith.xori %reduce_max3A_1088, %reduce_max3A_1086 : vector<16xi32>
          %reduce_max3A_1090 = vector.extract %reduce_max3A_1089[15] : i32 from vector<16xi32>
          %gt3A_1091 = arith.constant 16 : i32
          %gt3A_1092 = arith.cmpi sgt, %reduce_max3A_1090, %gt3A_1091 : i32
          %convert_element_type3A_1093 = arith.extui %gt3A_1092 : i1 to i32
          %cond3A_1094 = arith.constant 0 : i32
          %cond3A_1095 = arith.cmpi ne, %convert_element_type3A_1093, %cond3A_1094 : i32
          scf.if %cond3A_1095 {
            %get3A_1097 = arith.index_cast %multiple_of3A : i32 to index
            %get3A_1098 = tpu.vector_load %arg21[%get3A_1097] {strides = array<i32>} : memref<128xi32, #tpu.memory_space<vmem>>, vector<16xi32>,
            %get3A_1099 = arith.constant 0 : i32
            %get3A_1100 = arith.index_cast %get3A_1099 : i32 to index
            %get3A_1101 = arith.index_cast %multiple_of3A : i32 to index
            %get3A_1102 = tpu.vector_load %arg18[%get3A_1100, %get3A_1101] {strides = array<i32>} : memref<5x128xf32, #tpu.memory_space<vmem>>, vector<16xf32>,
            %get3A_1103 = arith.constant 1 : i32
            %get3A_1104 = arith.index_cast %get3A_1103 : i32 to index
            %get3A_1105 = arith.index_cast %multiple_of3A : i32 to index
            %get3A_1106 = tpu.vector_load %arg18[%get3A_1104, %get3A_1105] {strides = array<i32>} : memref<5x128xf32, #tpu.memory_space<vmem>>, vector<16xf32>,
            %get3A_1107 = arith.constant 2 : i32
            %get3A_1108 = arith.index_cast %get3A_1107 : i32 to index
            %get3A_1109 = arith.index_cast %multiple_of3A : i32 to index
            %get3A_1110 = tpu.vector_load %arg18[%get3A_1108, %get3A_1109] {strides = array<i32>} : memref<5x128xf32, #tpu.memory_space<vmem>>, vector<16xf32>,
            %get3A_1111 = arith.constant 3 : i32
            %get3A_1112 = arith.index_cast %get3A_1111 : i32 to index
            %get3A_1113 = arith.index_cast %multiple_of3A : i32 to index
            %get3A_1114 = tpu.vector_load %arg18[%get3A_1112, %get3A_1113] {strides = array<i32>} : memref<5x128xf32, #tpu.memory_space<vmem>>, vector<16xf32>,
            %get3A_1115 = arith.constant 4 : i32
            %get3A_1116 = arith.index_cast %get3A_1115 : i32 to index
            %get3A_1117 = arith.index_cast %multiple_of3A : i32 to index
            %get3A_1118 = tpu.vector_load %arg18[%get3A_1116, %get3A_1117] {strides = array<i32>} : memref<5x128xf32, #tpu.memory_space<vmem>>, vector<16xf32>,
            %get3A_1119 = arith.constant 0 : i32
            %get3A_1120 = arith.index_cast %get3A_1119 : i32 to index
            %get3A_1121 = arith.index_cast %multiple_of3A : i32 to index
            %get3A_1122 = tpu.vector_load %arg19[%get3A_1120, %get3A_1121] {strides = array<i32>} : memref<5x128xi32, #tpu.memory_space<vmem>>, vector<16xi32>,
            %get3A_1123 = arith.constant 1 : i32
            %get3A_1124 = arith.index_cast %get3A_1123 : i32 to index
            %get3A_1125 = arith.index_cast %multiple_of3A : i32 to index
            %get3A_1126 = tpu.vector_load %arg19[%get3A_1124, %get3A_1125] {strides = array<i32>} : memref<5x128xi32, #tpu.memory_space<vmem>>, vector<16xi32>,
            %get3A_1127 = arith.constant 2 : i32
            %get3A_1128 = arith.index_cast %get3A_1127 : i32 to index
            %get3A_1129 = arith.index_cast %multiple_of3A : i32 to index
            %get3A_1130 = tpu.vector_load %arg19[%get3A_1128, %get3A_1129] {strides = array<i32>} : memref<5x128xi32, #tpu.memory_space<vmem>>, vector<16xi32>,
            %get3A_1131 = arith.constant 3 : i32
            %get3A_1132 = arith.index_cast %get3A_1131 : i32 to index
            %get3A_1133 = arith.index_cast %multiple_of3A : i32 to index
            %get3A_1134 = tpu.vector_load %arg19[%get3A_1132, %get3A_1133] {strides = array<i32>} : memref<5x128xi32, #tpu.memory_space<vmem>>, vector<16xi32>,
            %get3A_1135 = arith.constant 4 : i32
            %get3A_1136 = arith.index_cast %get3A_1135 : i32 to index
            %get3A_1137 = arith.index_cast %multiple_of3A : i32 to index
            %get3A_1138 = tpu.vector_load %arg19[%get3A_1136, %get3A_1137] {strides = array<i32>} : memref<5x128xi32, #tpu.memory_space<vmem>>, vector<16xi32>,
            %reduce_max3A_1139 = arith.constant true
            %reduce_max3A_1140 = vector.broadcast %reduce_max3A_1139 : i1 to vector<16xi1>
            %reduce_max3A_1141 = arith.constant -2147483648 : i32
            %reduce_max3A_1142 = vector.broadcast %reduce_max3A_1141 : i32 to vector<16xi32>
            %reduce_max3A_1143 = arith.xori %get3A_1098, %reduce_max3A_1142 : vector<16xi32>
            %reduce_max3A_1144 = tpu.scan <max>, %reduce_max3A_1143 masked %reduce_max3A_1140 : vector<16xi32>, vector<16xi1> -> vector<16xi32>
            %reduce_max3A_1145 = arith.xori %reduce_max3A_1144, %reduce_max3A_1142 : vector<16xi32>
            %reduce_max3A_1146 = vector.extract %reduce_max3A_1145[15] : i32 from vector<16xi32>
            %add3A_1147 = arith.constant 3 : i32
            %add3A_1148 = arith.addi %reduce_max3A_1146, %add3A_1147 : i32
            %jit3A_1149 = arith.constant 4 : i32
            %div3A_1150 = arith.divsi %add3A_1148, %jit3A_1149 : i32
            %sign3A_1151 = arith.constant 0 : i32
            %sign3A_1152 = arith.cmpi sgt, %add3A_1148, %sign3A_1151 : i32
            %sign3A_1153 = arith.extui %sign3A_1152 : i1 to i32
            %sign3A_1154 = arith.constant 0 : i32
            %sign3A_1155 = arith.cmpi slt, %add3A_1148, %sign3A_1154 : i32
            %sign3A_1156 = arith.extui %sign3A_1155 : i1 to i32
            %sign3A_1157 = arith.subi %sign3A_1153, %sign3A_1156 : i32
            %sign3A_1158 = arith.constant 0 : i32
            %sign3A_1159 = arith.cmpi sgt, %jit3A_1149, %sign3A_1158 : i32
            %sign3A_1160 = arith.extui %sign3A_1159 : i1 to i32
            %sign3A_1161 = arith.constant 0 : i32
            %sign3A_1162 = arith.cmpi slt, %jit3A_1149, %sign3A_1161 : i32
            %sign3A_1163 = arith.extui %sign3A_1162 : i1 to i32
            %sign3A_1164 = arith.subi %sign3A_1160, %sign3A_1163 : i32
            %ne3A_1165 = arith.cmpi ne, %sign3A_1157, %sign3A_1164 : i32
            %rem3A_1166 = arith.remsi %add3A_1148, %jit3A_1149 : i32
            %ne3A_1167 = arith.constant 0 : i32
            %ne3A_1168 = arith.cmpi ne, %rem3A_1166, %ne3A_1167 : i32
            %and3A_1169 = arith.andi %ne3A_1165, %ne3A_1168 : i1
            %sub3A_1170 = arith.constant 1 : i32
            %sub3A_1171 = arith.subi %div3A_1150, %sub3A_1170 : i32
            %select_n3A_1172 = arith.select %and3A_1169, %sub3A_1171, %div3A_1150 : i32
            %while3A_1173 = arith.constant 0 : i32
            %while3A_1174 = arith.subi %select_n3A_1172, %while3A_1173 : i32
            %while3A_1175 = arith.addi %while3A_1173, %while3A_1174 : i32
            %while3A_1176 = arith.constant 1 : i32
            %while3A_1177 = arith.divsi %while3A_1174, %while3A_1176 : i32
            %while3A_1178 = arith.muli %while3A_1177, %while3A_1176 : i32
            %while3A_1179 = arith.addi %while3A_1173, %while3A_1178 : i32
            %while3A_1180 = arith.constant 1 : i32
            %while3A_1181:10 = scf.for %while3A_1228 = %while3A_1173 to %while3A_1179 step %while3A_1180 iter_args(%while3A_1229 = %get3A_1102, %while3A_1230 = %get3A_1106, %while3A_1231 = %get3A_1110, %while3A_1232 = %get3A_1114, %while3A_1233 = %get3A_1118, %while3A_1234 = %get3A_1122, %while3A_1235 = %get3A_1126, %while3A_1236 = %get3A_1130, %while3A_1237 = %get3A_1134, %while3A_1238 = %get3A_1138) -> (vector<16xf32>, vector<16xf32>, vector<16xf32>, vector<16xf32>, vector<16xf32>, vector<16xi32>, vector<16xi32>, vector<16xi32>, vector<16xi32>, vector<16xi32>)  : i32 {
              %mul3A_1239 = arith.constant 4 : i32
              %mul3A_1240 = arith.muli %while3A_1228, %mul3A_1239 : i32
              %add3A_1241 = arith.constant 0 : i32
              %add3A_1242 = arith.addi %mul3A_1240, %add3A_1241 : i32
              %lt3A_1243 = vector.broadcast %add3A_1242 : i32 to vector<16xi32>
              %lt3A_1244 = arith.cmpi slt, %lt3A_1243, %get3A_1098 : vector<16xi32>
              %broadcast_in_dim3A_1245 = vector.broadcast %add3A_1242 : i32 to vector<16xi32>
              %gather3A = tpu.vector_load_idx %arg17[%broadcast_in_dim3A_1245, %add3A_554] masked %lt3A_1244 : memref<48x128xi32, #tpu.memory_space<vmem>>[vector<16xi32>, vector<16xi32>], vector<16xi32>, vector<16xi1>
              %jit3A_1246 = arith.constant 0 : i32
              %broadcast_in_dim3A_1247 = vector.broadcast %jit3A_1246 : i32 to vector<16xi32>
              %select_n3A_1248 = arith.select %lt3A_1244, %gather3A, %broadcast_in_dim3A_1247 : vector<16xi1>, vector<16xi32>
              %gather3A_1249 = arith.constant 0 : i32
              %gather3A_1250 = arith.constant 0 : i32
              %gather3A_1251 = tpu.memref_slice %arg16[%scan3A_410, %gather3A_1249, %gather3A_1250] : memref<2x256x128xf32, #tpu.memory_space<vmem>> -> memref<1x256x128xf32, #tpu.memory_space<vmem>>
              %gather3A_1252 = tpu.memref_squeeze %gather3A_1251 : memref<1x256x128xf32, #tpu.memory_space<vmem>> -> memref<256x128xf32, #tpu.memory_space<vmem>>
              %gather3A_1253 = tpu.vector_load_idx %gather3A_1252[%select_n3A_1248, %add3A_554] masked %lt3A_1244 : memref<256x128xf32, #tpu.memory_space<vmem>>[vector<16xi32>, vector<16xi32>], vector<16xf32>, vector<16xi1>
              %jit3A_1254 = arith.constant 0xFF800000 : f32
              %broadcast_in_dim3A_1255 = vector.broadcast %jit3A_1254 : f32 to vector<16xf32>
              %select_n3A_1256 = arith.select %lt3A_1244, %gather3A_1253, %broadcast_in_dim3A_1255 : vector<16xi1>, vector<16xf32>
              %mul3A_1257 = arith.constant 4 : i32
              %mul3A_1258 = arith.muli %while3A_1228, %mul3A_1257 : i32
              %add3A_1259 = arith.constant 1 : i32
              %add3A_1260 = arith.addi %mul3A_1258, %add3A_1259 : i32
              %lt3A_1261 = vector.broadcast %add3A_1260 : i32 to vector<16xi32>
              %lt3A_1262 = arith.cmpi slt, %lt3A_1261, %get3A_1098 : vector<16xi32>
              %broadcast_in_dim3A_1263 = vector.broadcast %add3A_1260 : i32 to vector<16xi32>
              %gather3A_1264 = tpu.vector_load_idx %arg17[%broadcast_in_dim3A_1263, %add3A_554] masked %lt3A_1262 : memref<48x128xi32, #tpu.memory_space<vmem>>[vector<16xi32>, vector<16xi32>], vector<16xi32>, vector<16xi1>
              %jit3A_1265 = arith.constant 0 : i32
              %broadcast_in_dim3A_1266 = vector.broadcast %jit3A_1265 : i32 to vector<16xi32>
              %select_n3A_1267 = arith.select %lt3A_1262, %gather3A_1264, %broadcast_in_dim3A_1266 : vector<16xi1>, vector<16xi32>
              %gather3A_1268 = arith.constant 0 : i32
              %gather3A_1269 = arith.constant 0 : i32
              %gather3A_1270 = tpu.memref_slice %arg16[%scan3A_410, %gather3A_1268, %gather3A_1269] : memref<2x256x128xf32, #tpu.memory_space<vmem>> -> memref<1x256x128xf32, #tpu.memory_space<vmem>>
              %gather3A_1271 = tpu.memref_squeeze %gather3A_1270 : memref<1x256x128xf32, #tpu.memory_space<vmem>> -> memref<256x128xf32, #tpu.memory_space<vmem>>
              %gather3A_1272 = tpu.vector_load_idx %gather3A_1271[%select_n3A_1267, %add3A_554] masked %lt3A_1262 : memref<256x128xf32, #tpu.memory_space<vmem>>[vector<16xi32>, vector<16xi32>], vector<16xf32>, vector<16xi1>
              %jit3A_1273 = arith.constant 0xFF800000 : f32
              %broadcast_in_dim3A_1274 = vector.broadcast %jit3A_1273 : f32 to vector<16xf32>
              %select_n3A_1275 = arith.select %lt3A_1262, %gather3A_1272, %broadcast_in_dim3A_1274 : vector<16xi1>, vector<16xf32>
              %mul3A_1276 = arith.constant 4 : i32
              %mul3A_1277 = arith.muli %while3A_1228, %mul3A_1276 : i32
              %add3A_1278 = arith.constant 2 : i32
              %add3A_1279 = arith.addi %mul3A_1277, %add3A_1278 : i32
              %lt3A_1280 = vector.broadcast %add3A_1279 : i32 to vector<16xi32>
              %lt3A_1281 = arith.cmpi slt, %lt3A_1280, %get3A_1098 : vector<16xi32>
              %broadcast_in_dim3A_1282 = vector.broadcast %add3A_1279 : i32 to vector<16xi32>
              %gather3A_1283 = tpu.vector_load_idx %arg17[%broadcast_in_dim3A_1282, %add3A_554] masked %lt3A_1281 : memref<48x128xi32, #tpu.memory_space<vmem>>[vector<16xi32>, vector<16xi32>], vector<16xi32>, vector<16xi1>
              %jit3A_1284 = arith.constant 0 : i32
              %broadcast_in_dim3A_1285 = vector.broadcast %jit3A_1284 : i32 to vector<16xi32>
              %select_n3A_1286 = arith.select %lt3A_1281, %gather3A_1283, %broadcast_in_dim3A_1285 : vector<16xi1>, vector<16xi32>
              %gather3A_1287 = arith.constant 0 : i32
              %gather3A_1288 = arith.constant 0 : i32
              %gather3A_1289 = tpu.memref_slice %arg16[%scan3A_410, %gather3A_1287, %gather3A_1288] : memref<2x256x128xf32, #tpu.memory_space<vmem>> -> memref<1x256x128xf32, #tpu.memory_space<vmem>>
              %gather3A_1290 = tpu.memref_squeeze %gather3A_1289 : memref<1x256x128xf32, #tpu.memory_space<vmem>> -> memref<256x128xf32, #tpu.memory_space<vmem>>
              %gather3A_1291 = tpu.vector_load_idx %gather3A_1290[%select_n3A_1286, %add3A_554] masked %lt3A_1281 : memref<256x128xf32, #tpu.memory_space<vmem>>[vector<16xi32>, vector<16xi32>], vector<16xf32>, vector<16xi1>
              %jit3A_1292 = arith.constant 0xFF800000 : f32
              %broadcast_in_dim3A_1293 = vector.broadcast %jit3A_1292 : f32 to vector<16xf32>
              %select_n3A_1294 = arith.select %lt3A_1281, %gather3A_1291, %broadcast_in_dim3A_1293 : vector<16xi1>, vector<16xf32>
              %mul3A_1295 = arith.constant 4 : i32
              %mul3A_1296 = arith.muli %while3A_1228, %mul3A_1295 : i32
              %add3A_1297 = arith.constant 3 : i32
              %add3A_1298 = arith.addi %mul3A_1296, %add3A_1297 : i32
              %lt3A_1299 = vector.broadcast %add3A_1298 : i32 to vector<16xi32>
              %lt3A_1300 = arith.cmpi slt, %lt3A_1299, %get3A_1098 : vector<16xi32>
              %broadcast_in_dim3A_1301 = vector.broadcast %add3A_1298 : i32 to vector<16xi32>
              %gather3A_1302 = tpu.vector_load_idx %arg17[%broadcast_in_dim3A_1301, %add3A_554] masked %lt3A_1300 : memref<48x128xi32, #tpu.memory_space<vmem>>[vector<16xi32>, vector<16xi32>], vector<16xi32>, vector<16xi1>
              %jit3A_1303 = arith.constant 0 : i32
              %broadcast_in_dim3A_1304 = vector.broadcast %jit3A_1303 : i32 to vector<16xi32>
              %select_n3A_1305 = arith.select %lt3A_1300, %gather3A_1302, %broadcast_in_dim3A_1304 : vector<16xi1>, vector<16xi32>
              %gather3A_1306 = arith.constant 0 : i32
              %gather3A_1307 = arith.constant 0 : i32
              %gather3A_1308 = tpu.memref_slice %arg16[%scan3A_410, %gather3A_1306, %gather3A_1307] : memref<2x256x128xf32, #tpu.memory_space<vmem>> -> memref<1x256x128xf32, #tpu.memory_space<vmem>>
              %gather3A_1309 = tpu.memref_squeeze %gather3A_1308 : memref<1x256x128xf32, #tpu.memory_space<vmem>> -> memref<256x128xf32, #tpu.memory_space<vmem>>
              %gather3A_1310 = tpu.vector_load_idx %gather3A_1309[%select_n3A_1305, %add3A_554] masked %lt3A_1300 : memref<256x128xf32, #tpu.memory_space<vmem>>[vector<16xi32>, vector<16xi32>], vector<16xf32>, vector<16xi1>
              %jit3A_1311 = arith.constant 0xFF800000 : f32
              %broadcast_in_dim3A_1312 = vector.broadcast %jit3A_1311 : f32 to vector<16xf32>
              %select_n3A_1313 = arith.select %lt3A_1300, %gather3A_1310, %broadcast_in_dim3A_1312 : vector<16xi1>, vector<16xf32>
              %add3A_1314 = arith.addi %broadcast_in_dim3A_559, %select_n3A_1248 : vector<16xi32>
              %gt3A_1315 = arith.cmpf ogt, %select_n3A_1256, %while3A_1229 : vector<16xf32>
              %gt3A_1316 = arith.cmpf ogt, %select_n3A_1256, %while3A_1230 : vector<16xf32>
              %gt3A_1317 = arith.cmpf ogt, %select_n3A_1256, %while3A_1231 : vector<16xf32>
              %gt3A_1318 = arith.cmpf ogt, %select_n3A_1256, %while3A_1232 : vector<16xf32>
              %gt3A_1319 = arith.cmpf ogt, %select_n3A_1256, %while3A_1233 : vector<16xf32>
              %select_n3A_1320 = arith.select %gt3A_1318, %while3A_1232, %select_n3A_1256 : vector<16xi1>, vector<16xf32>
              %select_n3A_1321 = arith.select %gt3A_1319, %select_n3A_1320, %while3A_1233 : vector<16xi1>, vector<16xf32>
              %select_n3A_1322 = arith.select %gt3A_1318, %while3A_1237, %add3A_1314 : vector<16xi1>, vector<16xi32>
              %select_n3A_1323 = arith.select %gt3A_1319, %select_n3A_1322, %while3A_1238 : vector<16xi1>, vector<16xi32>
              %select_n3A_1324 = arith.select %gt3A_1317, %while3A_1231, %select_n3A_1256 : vector<16xi1>, vector<16xf32>
              %select_n3A_1325 = arith.select %gt3A_1318, %select_n3A_1324, %while3A_1232 : vector<16xi1>, vector<16xf32>
              %select_n3A_1326 = arith.select %gt3A_1317, %while3A_1236, %add3A_1314 : vector<16xi1>, vector<16xi32>
              %select_n3A_1327 = arith.select %gt3A_1318, %select_n3A_1326, %while3A_1237 : vector<16xi1>, vector<16xi32>
              %select_n3A_1328 = arith.select %gt3A_1316, %while3A_1230, %select_n3A_1256 : vector<16xi1>, vector<16xf32>
              %select_n3A_1329 = arith.select %gt3A_1317, %select_n3A_1328, %while3A_1231 : vector<16xi1>, vector<16xf32>
              %select_n3A_1330 = arith.select %gt3A_1316, %while3A_1235, %add3A_1314 : vector<16xi1>, vector<16xi32>
              %select_n3A_1331 = arith.select %gt3A_1317, %select_n3A_1330, %while3A_1236 : vector<16xi1>, vector<16xi32>
              %select_n3A_1332 = arith.select %gt3A_1315, %while3A_1229, %select_n3A_1256 : vector<16xi1>, vector<16xf32>
              %select_n3A_1333 = arith.select %gt3A_1316, %select_n3A_1332, %while3A_1230 : vector<16xi1>, vector<16xf32>
              %select_n3A_1334 = arith.select %gt3A_1315, %while3A_1234, %add3A_1314 : vector<16xi1>, vector<16xi32>
              %select_n3A_1335 = arith.select %gt3A_1316, %select_n3A_1334, %while3A_1235 : vector<16xi1>, vector<16xi32>
              %select_n3A_1336 = arith.select %gt3A_1315, %select_n3A_1256, %while3A_1229 : vector<16xi1>, vector<16xf32>
              %select_n3A_1337 = arith.select %gt3A_1315, %add3A_1314, %while3A_1234 : vector<16xi1>, vector<16xi32>
              %add3A_1338 = arith.addi %broadcast_in_dim3A_559, %select_n3A_1267 : vector<16xi32>
              %gt3A_1339 = arith.cmpf ogt, %select_n3A_1275, %select_n3A_1336 : vector<16xf32>
              %gt3A_1340 = arith.cmpf ogt, %select_n3A_1275, %select_n3A_1333 : vector<16xf32>
              %gt3A_1341 = arith.cmpf ogt, %select_n3A_1275, %select_n3A_1329 : vector<16xf32>
              %gt3A_1342 = arith.cmpf ogt, %select_n3A_1275, %select_n3A_1325 : vector<16xf32>
              %gt3A_1343 = arith.cmpf ogt, %select_n3A_1275, %select_n3A_1321 : vector<16xf32>
              %select_n3A_1344 = arith.select %gt3A_1342, %select_n3A_1325, %select_n3A_1275 : vector<16xi1>, vector<16xf32>
              %select_n3A_1345 = arith.select %gt3A_1343, %select_n3A_1344, %select_n3A_1321 : vector<16xi1>, vector<16xf32>
              %select_n3A_1346 = arith.select %gt3A_1342, %select_n3A_1327, %add3A_1338 : vector<16xi1>, vector<16xi32>
              %select_n3A_1347 = arith.select %gt3A_1343, %select_n3A_1346, %select_n3A_1323 : vector<16xi1>, vector<16xi32>
              %select_n3A_1348 = arith.select %gt3A_1341, %select_n3A_1329, %select_n3A_1275 : vector<16xi1>, vector<16xf32>
              %select_n3A_1349 = arith.select %gt3A_1342, %select_n3A_1348, %select_n3A_1325 : vector<16xi1>, vector<16xf32>
              %select_n3A_1350 = arith.select %gt3A_1341, %select_n3A_1331, %add3A_1338 : vector<16xi1>, vector<16xi32>
              %select_n3A_1351 = arith.select %gt3A_1342, %select_n3A_1350, %select_n3A_1327 : vector<16xi1>, vector<16xi32>
              %select_n3A_1352 = arith.select %gt3A_1340, %select_n3A_1333, %select_n3A_1275 : vector<16xi1>, vector<16xf32>
              %select_n3A_1353 = arith.select %gt3A_1341, %select_n3A_1352, %select_n3A_1329 : vector<16xi1>, vector<16xf32>
              %select_n3A_1354 = arith.select %gt3A_1340, %select_n3A_1335, %add3A_1338 : vector<16xi1>, vector<16xi32>
              %select_n3A_1355 = arith.select %gt3A_1341, %select_n3A_1354, %select_n3A_1331 : vector<16xi1>, vector<16xi32>
              %select_n3A_1356 = arith.select %gt3A_1339, %select_n3A_1336, %select_n3A_1275 : vector<16xi1>, vector<16xf32>
              %select_n3A_1357 = arith.select %gt3A_1340, %select_n3A_1356, %select_n3A_1333 : vector<16xi1>, vector<16xf32>
              %select_n3A_1358 = arith.select %gt3A_1339, %select_n3A_1337, %add3A_1338 : vector<16xi1>, vector<16xi32>
              %select_n3A_1359 = arith.select %gt3A_1340, %select_n3A_1358, %select_n3A_1335 : vector<16xi1>, vector<16xi32>
              %select_n3A_1360 = arith.select %gt3A_1339, %select_n3A_1275, %select_n3A_1336 : vector<16xi1>, vector<16xf32>
              %select_n3A_1361 = arith.select %gt3A_1339, %add3A_1338, %select_n3A_1337 : vector<16xi1>, vector<16xi32>
              %add3A_1362 = arith.addi %broadcast_in_dim3A_559, %select_n3A_1286 : vector<16xi32>
              %gt3A_1363 = arith.cmpf ogt, %select_n3A_1294, %select_n3A_1360 : vector<16xf32>
              %gt3A_1364 = arith.cmpf ogt, %select_n3A_1294, %select_n3A_1357 : vector<16xf32>
              %gt3A_1365 = arith.cmpf ogt, %select_n3A_1294, %select_n3A_1353 : vector<16xf32>
              %gt3A_1366 = arith.cmpf ogt, %select_n3A_1294, %select_n3A_1349 : vector<16xf32>
              %gt3A_1367 = arith.cmpf ogt, %select_n3A_1294, %select_n3A_1345 : vector<16xf32>
              %select_n3A_1368 = arith.select %gt3A_1366, %select_n3A_1349, %select_n3A_1294 : vector<16xi1>, vector<16xf32>
              %select_n3A_1369 = arith.select %gt3A_1367, %select_n3A_1368, %select_n3A_1345 : vector<16xi1>, vector<16xf32>
              %select_n3A_1370 = arith.select %gt3A_1366, %select_n3A_1351, %add3A_1362 : vector<16xi1>, vector<16xi32>
              %select_n3A_1371 = arith.select %gt3A_1367, %select_n3A_1370, %select_n3A_1347 : vector<16xi1>, vector<16xi32>
              %select_n3A_1372 = arith.select %gt3A_1365, %select_n3A_1353, %select_n3A_1294 : vector<16xi1>, vector<16xf32>
              %select_n3A_1373 = arith.select %gt3A_1366, %select_n3A_1372, %select_n3A_1349 : vector<16xi1>, vector<16xf32>
              %select_n3A_1374 = arith.select %gt3A_1365, %select_n3A_1355, %add3A_1362 : vector<16xi1>, vector<16xi32>
              %select_n3A_1375 = arith.select %gt3A_1366, %select_n3A_1374, %select_n3A_1351 : vector<16xi1>, vector<16xi32>
              %select_n3A_1376 = arith.select %gt3A_1364, %select_n3A_1357, %select_n3A_1294 : vector<16xi1>, vector<16xf32>
              %select_n3A_1377 = arith.select %gt3A_1365, %select_n3A_1376, %select_n3A_1353 : vector<16xi1>, vector<16xf32>
              %select_n3A_1378 = arith.select %gt3A_1364, %select_n3A_1359, %add3A_1362 : vector<16xi1>, vector<16xi32>
              %select_n3A_1379 = arith.select %gt3A_1365, %select_n3A_1378, %select_n3A_1355 : vector<16xi1>, vector<16xi32>
              %select_n3A_1380 = arith.select %gt3A_1363, %select_n3A_1360, %select_n3A_1294 : vector<16xi1>, vector<16xf32>
              %select_n3A_1381 = arith.select %gt3A_1364, %select_n3A_1380, %select_n3A_1357 : vector<16xi1>, vector<16xf32>
              %select_n3A_1382 = arith.select %gt3A_1363, %select_n3A_1361, %add3A_1362 : vector<16xi1>, vector<16xi32>
              %select_n3A_1383 = arith.select %gt3A_1364, %select_n3A_1382, %select_n3A_1359 : vector<16xi1>, vector<16xi32>
              %select_n3A_1384 = arith.select %gt3A_1363, %select_n3A_1294, %select_n3A_1360 : vector<16xi1>, vector<16xf32>
              %select_n3A_1385 = arith.select %gt3A_1363, %add3A_1362, %select_n3A_1361 : vector<16xi1>, vector<16xi32>
              %add3A_1386 = arith.addi %broadcast_in_dim3A_559, %select_n3A_1305 : vector<16xi32>
              %gt3A_1387 = arith.cmpf ogt, %select_n3A_1313, %select_n3A_1384 : vector<16xf32>
              %gt3A_1388 = arith.cmpf ogt, %select_n3A_1313, %select_n3A_1381 : vector<16xf32>
              %gt3A_1389 = arith.cmpf ogt, %select_n3A_1313, %select_n3A_1377 : vector<16xf32>
              %gt3A_1390 = arith.cmpf ogt, %select_n3A_1313, %select_n3A_1373 : vector<16xf32>
              %gt3A_1391 = arith.cmpf ogt, %select_n3A_1313, %select_n3A_1369 : vector<16xf32>
              %select_n3A_1392 = arith.select %gt3A_1390, %select_n3A_1373, %select_n3A_1313 : vector<16xi1>, vector<16xf32>
              %select_n3A_1393 = arith.select %gt3A_1391, %select_n3A_1392, %select_n3A_1369 : vector<16xi1>, vector<16xf32>
              %select_n3A_1394 = arith.select %gt3A_1390, %select_n3A_1375, %add3A_1386 : vector<16xi1>, vector<16xi32>
              %select_n3A_1395 = arith.select %gt3A_1391, %select_n3A_1394, %select_n3A_1371 : vector<16xi1>, vector<16xi32>
              %select_n3A_1396 = arith.select %gt3A_1389, %select_n3A_1377, %select_n3A_1313 : vector<16xi1>, vector<16xf32>
              %select_n3A_1397 = arith.select %gt3A_1390, %select_n3A_1396, %select_n3A_1373 : vector<16xi1>, vector<16xf32>
              %select_n3A_1398 = arith.select %gt3A_1389, %select_n3A_1379, %add3A_1386 : vector<16xi1>, vector<16xi32>
              %select_n3A_1399 = arith.select %gt3A_1390, %select_n3A_1398, %select_n3A_1375 : vector<16xi1>, vector<16xi32>
              %select_n3A_1400 = arith.select %gt3A_1388, %select_n3A_1381, %select_n3A_1313 : vector<16xi1>, vector<16xf32>
              %select_n3A_1401 = arith.select %gt3A_1389, %select_n3A_1400, %select_n3A_1377 : vector<16xi1>, vector<16xf32>
              %select_n3A_1402 = arith.select %gt3A_1388, %select_n3A_1383, %add3A_1386 : vector<16xi1>, vector<16xi32>
              %select_n3A_1403 = arith.select %gt3A_1389, %select_n3A_1402, %select_n3A_1379 : vector<16xi1>, vector<16xi32>
              %select_n3A_1404 = arith.select %gt3A_1387, %select_n3A_1384, %select_n3A_1313 : vector<16xi1>, vector<16xf32>
              %select_n3A_1405 = arith.select %gt3A_1388, %select_n3A_1404, %select_n3A_1381 : vector<16xi1>, vector<16xf32>
              %select_n3A_1406 = arith.select %gt3A_1387, %select_n3A_1385, %add3A_1386 : vector<16xi1>, vector<16xi32>
              %select_n3A_1407 = arith.select %gt3A_1388, %select_n3A_1406, %select_n3A_1383 : vector<16xi1>, vector<16xi32>
              %select_n3A_1408 = arith.select %gt3A_1387, %select_n3A_1313, %select_n3A_1384 : vector<16xi1>, vector<16xf32>
              %select_n3A_1409 = arith.select %gt3A_1387, %add3A_1386, %select_n3A_1385 : vector<16xi1>, vector<16xi32>
              scf.yield %select_n3A_1408, %select_n3A_1405, %select_n3A_1401, %select_n3A_1397, %select_n3A_1393, %select_n3A_1409, %select_n3A_1407, %select_n3A_1403, %select_n3A_1399, %select_n3A_1395 : vector<16xf32>, vector<16xf32>, vector<16xf32>, vector<16xf32>, vector<16xf32>, vector<16xi32>, vector<16xi32>, vector<16xi32>, vector<16xi32>, vector<16xi32>
            }
            %while3A_1182 = arith.constant 1 : i32
            %while3A_1183:10 = scf.for %while3A_1228 = %while3A_1179 to %while3A_1175 step %while3A_1182 iter_args(%while3A_1229 = %while3A_1181#0, %while3A_1230 = %while3A_1181#1, %while3A_1231 = %while3A_1181#2, %while3A_1232 = %while3A_1181#3, %while3A_1233 = %while3A_1181#4, %while3A_1234 = %while3A_1181#5, %while3A_1235 = %while3A_1181#6, %while3A_1236 = %while3A_1181#7, %while3A_1237 = %while3A_1181#8, %while3A_1238 = %while3A_1181#9) -> (vector<16xf32>, vector<16xf32>, vector<16xf32>, vector<16xf32>, vector<16xf32>, vector<16xi32>, vector<16xi32>, vector<16xi32>, vector<16xi32>, vector<16xi32>)  : i32 {
              %mul3A_1239 = arith.constant 4 : i32
              %mul3A_1240 = arith.muli %while3A_1228, %mul3A_1239 : i32
              %add3A_1241 = arith.constant 0 : i32
              %add3A_1242 = arith.addi %mul3A_1240, %add3A_1241 : i32
              %lt3A_1243 = vector.broadcast %add3A_1242 : i32 to vector<16xi32>
              %lt3A_1244 = arith.cmpi slt, %lt3A_1243, %get3A_1098 : vector<16xi32>
              %broadcast_in_dim3A_1245 = vector.broadcast %add3A_1242 : i32 to vector<16xi32>
              %gather3A = tpu.vector_load_idx %arg17[%broadcast_in_dim3A_1245, %add3A_554] masked %lt3A_1244 : memref<48x128xi32, #tpu.memory_space<vmem>>[vector<16xi32>, vector<16xi32>], vector<16xi32>, vector<16xi1>
              %jit3A_1246 = arith.constant 0 : i32
              %broadcast_in_dim3A_1247 = vector.broadcast %jit3A_1246 : i32 to vector<16xi32>
              %select_n3A_1248 = arith.select %lt3A_1244, %gather3A, %broadcast_in_dim3A_1247 : vector<16xi1>, vector<16xi32>
              %gather3A_1249 = arith.constant 0 : i32
              %gather3A_1250 = arith.constant 0 : i32
              %gather3A_1251 = tpu.memref_slice %arg16[%scan3A_410, %gather3A_1249, %gather3A_1250] : memref<2x256x128xf32, #tpu.memory_space<vmem>> -> memref<1x256x128xf32, #tpu.memory_space<vmem>>
              %gather3A_1252 = tpu.memref_squeeze %gather3A_1251 : memref<1x256x128xf32, #tpu.memory_space<vmem>> -> memref<256x128xf32, #tpu.memory_space<vmem>>
              %gather3A_1253 = tpu.vector_load_idx %gather3A_1252[%select_n3A_1248, %add3A_554] masked %lt3A_1244 : memref<256x128xf32, #tpu.memory_space<vmem>>[vector<16xi32>, vector<16xi32>], vector<16xf32>, vector<16xi1>
              %jit3A_1254 = arith.constant 0xFF800000 : f32
              %broadcast_in_dim3A_1255 = vector.broadcast %jit3A_1254 : f32 to vector<16xf32>
              %select_n3A_1256 = arith.select %lt3A_1244, %gather3A_1253, %broadcast_in_dim3A_1255 : vector<16xi1>, vector<16xf32>
              %mul3A_1257 = arith.constant 4 : i32
              %mul3A_1258 = arith.muli %while3A_1228, %mul3A_1257 : i32
              %add3A_1259 = arith.constant 1 : i32
              %add3A_1260 = arith.addi %mul3A_1258, %add3A_1259 : i32
              %lt3A_1261 = vector.broadcast %add3A_1260 : i32 to vector<16xi32>
              %lt3A_1262 = arith.cmpi slt, %lt3A_1261, %get3A_1098 : vector<16xi32>
              %broadcast_in_dim3A_1263 = vector.broadcast %add3A_1260 : i32 to vector<16xi32>
              %gather3A_1264 = tpu.vector_load_idx %arg17[%broadcast_in_dim3A_1263, %add3A_554] masked %lt3A_1262 : memref<48x128xi32, #tpu.memory_space<vmem>>[vector<16xi32>, vector<16xi32>], vector<16xi32>, vector<16xi1>
              %jit3A_1265 = arith.constant 0 : i32
              %broadcast_in_dim3A_1266 = vector.broadcast %jit3A_1265 : i32 to vector<16xi32>
              %select_n3A_1267 = arith.select %lt3A_1262, %gather3A_1264, %broadcast_in_dim3A_1266 : vector<16xi1>, vector<16xi32>
              %gather3A_1268 = arith.constant 0 : i32
              %gather3A_1269 = arith.constant 0 : i32
              %gather3A_1270 = tpu.memref_slice %arg16[%scan3A_410, %gather3A_1268, %gather3A_1269] : memref<2x256x128xf32, #tpu.memory_space<vmem>> -> memref<1x256x128xf32, #tpu.memory_space<vmem>>
              %gather3A_1271 = tpu.memref_squeeze %gather3A_1270 : memref<1x256x128xf32, #tpu.memory_space<vmem>> -> memref<256x128xf32, #tpu.memory_space<vmem>>
              %gather3A_1272 = tpu.vector_load_idx %gather3A_1271[%select_n3A_1267, %add3A_554] masked %lt3A_1262 : memref<256x128xf32, #tpu.memory_space<vmem>>[vector<16xi32>, vector<16xi32>], vector<16xf32>, vector<16xi1>
              %jit3A_1273 = arith.constant 0xFF800000 : f32
              %broadcast_in_dim3A_1274 = vector.broadcast %jit3A_1273 : f32 to vector<16xf32>
              %select_n3A_1275 = arith.select %lt3A_1262, %gather3A_1272, %broadcast_in_dim3A_1274 : vector<16xi1>, vector<16xf32>
              %mul3A_1276 = arith.constant 4 : i32
              %mul3A_1277 = arith.muli %while3A_1228, %mul3A_1276 : i32
              %add3A_1278 = arith.constant 2 : i32
              %add3A_1279 = arith.addi %mul3A_1277, %add3A_1278 : i32
              %lt3A_1280 = vector.broadcast %add3A_1279 : i32 to vector<16xi32>
              %lt3A_1281 = arith.cmpi slt, %lt3A_1280, %get3A_1098 : vector<16xi32>
              %broadcast_in_dim3A_1282 = vector.broadcast %add3A_1279 : i32 to vector<16xi32>
              %gather3A_1283 = tpu.vector_load_idx %arg17[%broadcast_in_dim3A_1282, %add3A_554] masked %lt3A_1281 : memref<48x128xi32, #tpu.memory_space<vmem>>[vector<16xi32>, vector<16xi32>], vector<16xi32>, vector<16xi1>
              %jit3A_1284 = arith.constant 0 : i32
              %broadcast_in_dim3A_1285 = vector.broadcast %jit3A_1284 : i32 to vector<16xi32>
              %select_n3A_1286 = arith.select %lt3A_1281, %gather3A_1283, %broadcast_in_dim3A_1285 : vector<16xi1>, vector<16xi32>
              %gather3A_1287 = arith.constant 0 : i32
              %gather3A_1288 = arith.constant 0 : i32
              %gather3A_1289 = tpu.memref_slice %arg16[%scan3A_410, %gather3A_1287, %gather3A_1288] : memref<2x256x128xf32, #tpu.memory_space<vmem>> -> memref<1x256x128xf32, #tpu.memory_space<vmem>>
              %gather3A_1290 = tpu.memref_squeeze %gather3A_1289 : memref<1x256x128xf32, #tpu.memory_space<vmem>> -> memref<256x128xf32, #tpu.memory_space<vmem>>
              %gather3A_1291 = tpu.vector_load_idx %gather3A_1290[%select_n3A_1286, %add3A_554] masked %lt3A_1281 : memref<256x128xf32, #tpu.memory_space<vmem>>[vector<16xi32>, vector<16xi32>], vector<16xf32>, vector<16xi1>
              %jit3A_1292 = arith.constant 0xFF800000 : f32
              %broadcast_in_dim3A_1293 = vector.broadcast %jit3A_1292 : f32 to vector<16xf32>
              %select_n3A_1294 = arith.select %lt3A_1281, %gather3A_1291, %broadcast_in_dim3A_1293 : vector<16xi1>, vector<16xf32>
              %mul3A_1295 = arith.constant 4 : i32
              %mul3A_1296 = arith.muli %while3A_1228, %mul3A_1295 : i32
              %add3A_1297 = arith.constant 3 : i32
              %add3A_1298 = arith.addi %mul3A_1296, %add3A_1297 : i32
              %lt3A_1299 = vector.broadcast %add3A_1298 : i32 to vector<16xi32>
              %lt3A_1300 = arith.cmpi slt, %lt3A_1299, %get3A_1098 : vector<16xi32>
              %broadcast_in_dim3A_1301 = vector.broadcast %add3A_1298 : i32 to vector<16xi32>
              %gather3A_1302 = tpu.vector_load_idx %arg17[%broadcast_in_dim3A_1301, %add3A_554] masked %lt3A_1300 : memref<48x128xi32, #tpu.memory_space<vmem>>[vector<16xi32>, vector<16xi32>], vector<16xi32>, vector<16xi1>
              %jit3A_1303 = arith.constant 0 : i32
              %broadcast_in_dim3A_1304 = vector.broadcast %jit3A_1303 : i32 to vector<16xi32>
              %select_n3A_1305 = arith.select %lt3A_1300, %gather3A_1302, %broadcast_in_dim3A_1304 : vector<16xi1>, vector<16xi32>
              %gather3A_1306 = arith.constant 0 : i32
              %gather3A_1307 = arith.constant 0 : i32
              %gather3A_1308 = tpu.memref_slice %arg16[%scan3A_410, %gather3A_1306, %gather3A_1307] : memref<2x256x128xf32, #tpu.memory_space<vmem>> -> memref<1x256x128xf32, #tpu.memory_space<vmem>>
              %gather3A_1309 = tpu.memref_squeeze %gather3A_1308 : memref<1x256x128xf32, #tpu.memory_space<vmem>> -> memref<256x128xf32, #tpu.memory_space<vmem>>
              %gather3A_1310 = tpu.vector_load_idx %gather3A_1309[%select_n3A_1305, %add3A_554] masked %lt3A_1300 : memref<256x128xf32, #tpu.memory_space<vmem>>[vector<16xi32>, vector<16xi32>], vector<16xf32>, vector<16xi1>
              %jit3A_1311 = arith.constant 0xFF800000 : f32
              %broadcast_in_dim3A_1312 = vector.broadcast %jit3A_1311 : f32 to vector<16xf32>
              %select_n3A_1313 = arith.select %lt3A_1300, %gather3A_1310, %broadcast_in_dim3A_1312 : vector<16xi1>, vector<16xf32>
              %add3A_1314 = arith.addi %broadcast_in_dim3A_559, %select_n3A_1248 : vector<16xi32>
              %gt3A_1315 = arith.cmpf ogt, %select_n3A_1256, %while3A_1229 : vector<16xf32>
              %gt3A_1316 = arith.cmpf ogt, %select_n3A_1256, %while3A_1230 : vector<16xf32>
              %gt3A_1317 = arith.cmpf ogt, %select_n3A_1256, %while3A_1231 : vector<16xf32>
              %gt3A_1318 = arith.cmpf ogt, %select_n3A_1256, %while3A_1232 : vector<16xf32>
              %gt3A_1319 = arith.cmpf ogt, %select_n3A_1256, %while3A_1233 : vector<16xf32>
              %select_n3A_1320 = arith.select %gt3A_1318, %while3A_1232, %select_n3A_1256 : vector<16xi1>, vector<16xf32>
              %select_n3A_1321 = arith.select %gt3A_1319, %select_n3A_1320, %while3A_1233 : vector<16xi1>, vector<16xf32>
              %select_n3A_1322 = arith.select %gt3A_1318, %while3A_1237, %add3A_1314 : vector<16xi1>, vector<16xi32>
              %select_n3A_1323 = arith.select %gt3A_1319, %select_n3A_1322, %while3A_1238 : vector<16xi1>, vector<16xi32>
              %select_n3A_1324 = arith.select %gt3A_1317, %while3A_1231, %select_n3A_1256 : vector<16xi1>, vector<16xf32>
              %select_n3A_1325 = arith.select %gt3A_1318, %select_n3A_1324, %while3A_1232 : vector<16xi1>, vector<16xf32>
              %select_n3A_1326 = arith.select %gt3A_1317, %while3A_1236, %add3A_1314 : vector<16xi1>, vector<16xi32>
              %select_n3A_1327 = arith.select %gt3A_1318, %select_n3A_1326, %while3A_1237 : vector<16xi1>, vector<16xi32>
              %select_n3A_1328 = arith.select %gt3A_1316, %while3A_1230, %select_n3A_1256 : vector<16xi1>, vector<16xf32>
              %select_n3A_1329 = arith.select %gt3A_1317, %select_n3A_1328, %while3A_1231 : vector<16xi1>, vector<16xf32>
              %select_n3A_1330 = arith.select %gt3A_1316, %while3A_1235, %add3A_1314 : vector<16xi1>, vector<16xi32>
              %select_n3A_1331 = arith.select %gt3A_1317, %select_n3A_1330, %while3A_1236 : vector<16xi1>, vector<16xi32>
              %select_n3A_1332 = arith.select %gt3A_1315, %while3A_1229, %select_n3A_1256 : vector<16xi1>, vector<16xf32>
              %select_n3A_1333 = arith.select %gt3A_1316, %select_n3A_1332, %while3A_1230 : vector<16xi1>, vector<16xf32>
              %select_n3A_1334 = arith.select %gt3A_1315, %while3A_1234, %add3A_1314 : vector<16xi1>, vector<16xi32>
              %select_n3A_1335 = arith.select %gt3A_1316, %select_n3A_1334, %while3A_1235 : vector<16xi1>, vector<16xi32>
              %select_n3A_1336 = arith.select %gt3A_1315, %select_n3A_1256, %while3A_1229 : vector<16xi1>, vector<16xf32>
              %select_n3A_1337 = arith.select %gt3A_1315, %add3A_1314, %while3A_1234 : vector<16xi1>, vector<16xi32>
              %add3A_1338 = arith.addi %broadcast_in_dim3A_559, %select_n3A_1267 : vector<16xi32>
              %gt3A_1339 = arith.cmpf ogt, %select_n3A_1275, %select_n3A_1336 : vector<16xf32>
              %gt3A_1340 = arith.cmpf ogt, %select_n3A_1275, %select_n3A_1333 : vector<16xf32>
              %gt3A_1341 = arith.cmpf ogt, %select_n3A_1275, %select_n3A_1329 : vector<16xf32>
              %gt3A_1342 = arith.cmpf ogt, %select_n3A_1275, %select_n3A_1325 : vector<16xf32>
              %gt3A_1343 = arith.cmpf ogt, %select_n3A_1275, %select_n3A_1321 : vector<16xf32>
              %select_n3A_1344 = arith.select %gt3A_1342, %select_n3A_1325, %select_n3A_1275 : vector<16xi1>, vector<16xf32>
              %select_n3A_1345 = arith.select %gt3A_1343, %select_n3A_1344, %select_n3A_1321 : vector<16xi1>, vector<16xf32>
              %select_n3A_1346 = arith.select %gt3A_1342, %select_n3A_1327, %add3A_1338 : vector<16xi1>, vector<16xi32>
              %select_n3A_1347 = arith.select %gt3A_1343, %select_n3A_1346, %select_n3A_1323 : vector<16xi1>, vector<16xi32>
              %select_n3A_1348 = arith.select %gt3A_1341, %select_n3A_1329, %select_n3A_1275 : vector<16xi1>, vector<16xf32>
              %select_n3A_1349 = arith.select %gt3A_1342, %select_n3A_1348, %select_n3A_1325 : vector<16xi1>, vector<16xf32>
              %select_n3A_1350 = arith.select %gt3A_1341, %select_n3A_1331, %add3A_1338 : vector<16xi1>, vector<16xi32>
              %select_n3A_1351 = arith.select %gt3A_1342, %select_n3A_1350, %select_n3A_1327 : vector<16xi1>, vector<16xi32>
              %select_n3A_1352 = arith.select %gt3A_1340, %select_n3A_1333, %select_n3A_1275 : vector<16xi1>, vector<16xf32>
              %select_n3A_1353 = arith.select %gt3A_1341, %select_n3A_1352, %select_n3A_1329 : vector<16xi1>, vector<16xf32>
              %select_n3A_1354 = arith.select %gt3A_1340, %select_n3A_1335, %add3A_1338 : vector<16xi1>, vector<16xi32>
              %select_n3A_1355 = arith.select %gt3A_1341, %select_n3A_1354, %select_n3A_1331 : vector<16xi1>, vector<16xi32>
              %select_n3A_1356 = arith.select %gt3A_1339, %select_n3A_1336, %select_n3A_1275 : vector<16xi1>, vector<16xf32>
              %select_n3A_1357 = arith.select %gt3A_1340, %select_n3A_1356, %select_n3A_1333 : vector<16xi1>, vector<16xf32>
              %select_n3A_1358 = arith.select %gt3A_1339, %select_n3A_1337, %add3A_1338 : vector<16xi1>, vector<16xi32>
              %select_n3A_1359 = arith.select %gt3A_1340, %select_n3A_1358, %select_n3A_1335 : vector<16xi1>, vector<16xi32>
              %select_n3A_1360 = arith.select %gt3A_1339, %select_n3A_1275, %select_n3A_1336 : vector<16xi1>, vector<16xf32>
              %select_n3A_1361 = arith.select %gt3A_1339, %add3A_1338, %select_n3A_1337 : vector<16xi1>, vector<16xi32>
              %add3A_1362 = arith.addi %broadcast_in_dim3A_559, %select_n3A_1286 : vector<16xi32>
              %gt3A_1363 = arith.cmpf ogt, %select_n3A_1294, %select_n3A_1360 : vector<16xf32>
              %gt3A_1364 = arith.cmpf ogt, %select_n3A_1294, %select_n3A_1357 : vector<16xf32>
              %gt3A_1365 = arith.cmpf ogt, %select_n3A_1294, %select_n3A_1353 : vector<16xf32>
              %gt3A_1366 = arith.cmpf ogt, %select_n3A_1294, %select_n3A_1349 : vector<16xf32>
              %gt3A_1367 = arith.cmpf ogt, %select_n3A_1294, %select_n3A_1345 : vector<16xf32>
              %select_n3A_1368 = arith.select %gt3A_1366, %select_n3A_1349, %select_n3A_1294 : vector<16xi1>, vector<16xf32>
              %select_n3A_1369 = arith.select %gt3A_1367, %select_n3A_1368, %select_n3A_1345 : vector<16xi1>, vector<16xf32>
              %select_n3A_1370 = arith.select %gt3A_1366, %select_n3A_1351, %add3A_1362 : vector<16xi1>, vector<16xi32>
              %select_n3A_1371 = arith.select %gt3A_1367, %select_n3A_1370, %select_n3A_1347 : vector<16xi1>, vector<16xi32>
              %select_n3A_1372 = arith.select %gt3A_1365, %select_n3A_1353, %select_n3A_1294 : vector<16xi1>, vector<16xf32>
              %select_n3A_1373 = arith.select %gt3A_1366, %select_n3A_1372, %select_n3A_1349 : vector<16xi1>, vector<16xf32>
              %select_n3A_1374 = arith.select %gt3A_1365, %select_n3A_1355, %add3A_1362 : vector<16xi1>, vector<16xi32>
              %select_n3A_1375 = arith.select %gt3A_1366, %select_n3A_1374, %select_n3A_1351 : vector<16xi1>, vector<16xi32>
              %select_n3A_1376 = arith.select %gt3A_1364, %select_n3A_1357, %select_n3A_1294 : vector<16xi1>, vector<16xf32>
              %select_n3A_1377 = arith.select %gt3A_1365, %select_n3A_1376, %select_n3A_1353 : vector<16xi1>, vector<16xf32>
              %select_n3A_1378 = arith.select %gt3A_1364, %select_n3A_1359, %add3A_1362 : vector<16xi1>, vector<16xi32>
              %select_n3A_1379 = arith.select %gt3A_1365, %select_n3A_1378, %select_n3A_1355 : vector<16xi1>, vector<16xi32>
              %select_n3A_1380 = arith.select %gt3A_1363, %select_n3A_1360, %select_n3A_1294 : vector<16xi1>, vector<16xf32>
              %select_n3A_1381 = arith.select %gt3A_1364, %select_n3A_1380, %select_n3A_1357 : vector<16xi1>, vector<16xf32>
              %select_n3A_1382 = arith.select %gt3A_1363, %select_n3A_1361, %add3A_1362 : vector<16xi1>, vector<16xi32>
              %select_n3A_1383 = arith.select %gt3A_1364, %select_n3A_1382, %select_n3A_1359 : vector<16xi1>, vector<16xi32>
              %select_n3A_1384 = arith.select %gt3A_1363, %select_n3A_1294, %select_n3A_1360 : vector<16xi1>, vector<16xf32>
              %select_n3A_1385 = arith.select %gt3A_1363, %add3A_1362, %select_n3A_1361 : vector<16xi1>, vector<16xi32>
              %add3A_1386 = arith.addi %broadcast_in_dim3A_559, %select_n3A_1305 : vector<16xi32>
              %gt3A_1387 = arith.cmpf ogt, %select_n3A_1313, %select_n3A_1384 : vector<16xf32>
              %gt3A_1388 = arith.cmpf ogt, %select_n3A_1313, %select_n3A_1381 : vector<16xf32>
              %gt3A_1389 = arith.cmpf ogt, %select_n3A_1313, %select_n3A_1377 : vector<16xf32>
              %gt3A_1390 = arith.cmpf ogt, %select_n3A_1313, %select_n3A_1373 : vector<16xf32>
              %gt3A_1391 = arith.cmpf ogt, %select_n3A_1313, %select_n3A_1369 : vector<16xf32>
              %select_n3A_1392 = arith.select %gt3A_1390, %select_n3A_1373, %select_n3A_1313 : vector<16xi1>, vector<16xf32>
              %select_n3A_1393 = arith.select %gt3A_1391, %select_n3A_1392, %select_n3A_1369 : vector<16xi1>, vector<16xf32>
              %select_n3A_1394 = arith.select %gt3A_1390, %select_n3A_1375, %add3A_1386 : vector<16xi1>, vector<16xi32>
              %select_n3A_1395 = arith.select %gt3A_1391, %select_n3A_1394, %select_n3A_1371 : vector<16xi1>, vector<16xi32>
              %select_n3A_1396 = arith.select %gt3A_1389, %select_n3A_1377, %select_n3A_1313 : vector<16xi1>, vector<16xf32>
              %select_n3A_1397 = arith.select %gt3A_1390, %select_n3A_1396, %select_n3A_1373 : vector<16xi1>, vector<16xf32>
              %select_n3A_1398 = arith.select %gt3A_1389, %select_n3A_1379, %add3A_1386 : vector<16xi1>, vector<16xi32>
              %select_n3A_1399 = arith.select %gt3A_1390, %select_n3A_1398, %select_n3A_1375 : vector<16xi1>, vector<16xi32>
              %select_n3A_1400 = arith.select %gt3A_1388, %select_n3A_1381, %select_n3A_1313 : vector<16xi1>, vector<16xf32>
              %select_n3A_1401 = arith.select %gt3A_1389, %select_n3A_1400, %select_n3A_1377 : vector<16xi1>, vector<16xf32>
              %select_n3A_1402 = arith.select %gt3A_1388, %select_n3A_1383, %add3A_1386 : vector<16xi1>, vector<16xi32>
              %select_n3A_1403 = arith.select %gt3A_1389, %select_n3A_1402, %select_n3A_1379 : vector<16xi1>, vector<16xi32>
              %select_n3A_1404 = arith.select %gt3A_1387, %select_n3A_1384, %select_n3A_1313 : vector<16xi1>, vector<16xf32>
              %select_n3A_1405 = arith.select %gt3A_1388, %select_n3A_1404, %select_n3A_1381 : vector<16xi1>, vector<16xf32>
              %select_n3A_1406 = arith.select %gt3A_1387, %select_n3A_1385, %add3A_1386 : vector<16xi1>, vector<16xi32>
              %select_n3A_1407 = arith.select %gt3A_1388, %select_n3A_1406, %select_n3A_1383 : vector<16xi1>, vector<16xi32>
              %select_n3A_1408 = arith.select %gt3A_1387, %select_n3A_1313, %select_n3A_1384 : vector<16xi1>, vector<16xf32>
              %select_n3A_1409 = arith.select %gt3A_1387, %add3A_1386, %select_n3A_1385 : vector<16xi1>, vector<16xi32>
              scf.yield %select_n3A_1408, %select_n3A_1405, %select_n3A_1401, %select_n3A_1397, %select_n3A_1393, %select_n3A_1409, %select_n3A_1407, %select_n3A_1403, %select_n3A_1399, %select_n3A_1395 : vector<16xf32>, vector<16xf32>, vector<16xf32>, vector<16xf32>, vector<16xf32>, vector<16xi32>, vector<16xi32>, vector<16xi32>, vector<16xi32>, vector<16xi32>
            }
            %swap3A_1184 = arith.constant 0 : i32
            %swap3A_1185 = arith.index_cast %swap3A_1184 : i32 to index
            %swap3A_1186 = arith.index_cast %multiple_of3A : i32 to index
            %swap3A_1187 = tpu.vector_load %arg18[%swap3A_1185, %swap3A_1186] {strides = array<i32>} : memref<5x128xf32, #tpu.memory_space<vmem>>, vector<16xf32>,
            tpu.vector_store %arg18[%swap3A_1185, %swap3A_1186], %while3A_1183#0 {strides = array<i32>} : memref<5x128xf32, #tpu.memory_space<vmem>>, vector<16xf32>,
            %swap3A_1188 = arith.constant 0 : i32
            %swap3A_1189 = arith.index_cast %swap3A_1188 : i32 to index
            %swap3A_1190 = arith.index_cast %multiple_of3A : i32 to index
            %swap3A_1191 = tpu.vector_load %arg19[%swap3A_1189, %swap3A_1190] {strides = array<i32>} : memref<5x128xi32, #tpu.memory_space<vmem>>, vector<16xi32>,
            tpu.vector_store %arg19[%swap3A_1189, %swap3A_1190], %while3A_1183#5 {strides = array<i32>} : memref<5x128xi32, #tpu.memory_space<vmem>>, vector<16xi32>,
            %swap3A_1192 = arith.constant 1 : i32
            %swap3A_1193 = arith.index_cast %swap3A_1192 : i32 to index
            %swap3A_1194 = arith.index_cast %multiple_of3A : i32 to index
            %swap3A_1195 = tpu.vector_load %arg18[%swap3A_1193, %swap3A_1194] {strides = array<i32>} : memref<5x128xf32, #tpu.memory_space<vmem>>, vector<16xf32>,
            tpu.vector_store %arg18[%swap3A_1193, %swap3A_1194], %while3A_1183#1 {strides = array<i32>} : memref<5x128xf32, #tpu.memory_space<vmem>>, vector<16xf32>,
            %swap3A_1196 = arith.constant 1 : i32
            %swap3A_1197 = arith.index_cast %swap3A_1196 : i32 to index
            %swap3A_1198 = arith.index_cast %multiple_of3A : i32 to index
            %swap3A_1199 = tpu.vector_load %arg19[%swap3A_1197, %swap3A_1198] {strides = array<i32>} : memref<5x128xi32, #tpu.memory_space<vmem>>, vector<16xi32>,
            tpu.vector_store %arg19[%swap3A_1197, %swap3A_1198], %while3A_1183#6 {strides = array<i32>} : memref<5x128xi32, #tpu.memory_space<vmem>>, vector<16xi32>,
            %swap3A_1200 = arith.constant 2 : i32
            %swap3A_1201 = arith.index_cast %swap3A_1200 : i32 to index
            %swap3A_1202 = arith.index_cast %multiple_of3A : i32 to index
            %swap3A_1203 = tpu.vector_load %arg18[%swap3A_1201, %swap3A_1202] {strides = array<i32>} : memref<5x128xf32, #tpu.memory_space<vmem>>, vector<16xf32>,
            tpu.vector_store %arg18[%swap3A_1201, %swap3A_1202], %while3A_1183#2 {strides = array<i32>} : memref<5x128xf32, #tpu.memory_space<vmem>>, vector<16xf32>,
            %swap3A_1204 = arith.constant 2 : i32
            %swap3A_1205 = arith.index_cast %swap3A_1204 : i32 to index
            %swap3A_1206 = arith.index_cast %multiple_of3A : i32 to index
            %swap3A_1207 = tpu.vector_load %arg19[%swap3A_1205, %swap3A_1206] {strides = array<i32>} : memref<5x128xi32, #tpu.memory_space<vmem>>, vector<16xi32>,
            tpu.vector_store %arg19[%swap3A_1205, %swap3A_1206], %while3A_1183#7 {strides = array<i32>} : memref<5x128xi32, #tpu.memory_space<vmem>>, vector<16xi32>,
            %swap3A_1208 = arith.constant 3 : i32
            %swap3A_1209 = arith.index_cast %swap3A_1208 : i32 to index
            %swap3A_1210 = arith.index_cast %multiple_of3A : i32 to index
            %swap3A_1211 = tpu.vector_load %arg18[%swap3A_1209, %swap3A_1210] {strides = array<i32>} : memref<5x128xf32, #tpu.memory_space<vmem>>, vector<16xf32>,
            tpu.vector_store %arg18[%swap3A_1209, %swap3A_1210], %while3A_1183#3 {strides = array<i32>} : memref<5x128xf32, #tpu.memory_space<vmem>>, vector<16xf32>,
            %swap3A_1212 = arith.constant 3 : i32
            %swap3A_1213 = arith.index_cast %swap3A_1212 : i32 to index
            %swap3A_1214 = arith.index_cast %multiple_of3A : i32 to index
            %swap3A_1215 = tpu.vector_load %arg19[%swap3A_1213, %swap3A_1214] {strides = array<i32>} : memref<5x128xi32, #tpu.memory_space<vmem>>, vector<16xi32>,
            tpu.vector_store %arg19[%swap3A_1213, %swap3A_1214], %while3A_1183#8 {strides = array<i32>} : memref<5x128xi32, #tpu.memory_space<vmem>>, vector<16xi32>,
            %swap3A_1216 = arith.constant 4 : i32
            %swap3A_1217 = arith.index_cast %swap3A_1216 : i32 to index
            %swap3A_1218 = arith.index_cast %multiple_of3A : i32 to index
            %swap3A_1219 = tpu.vector_load %arg18[%swap3A_1217, %swap3A_1218] {strides = array<i32>} : memref<5x128xf32, #tpu.memory_space<vmem>>, vector<16xf32>,
            tpu.vector_store %arg18[%swap3A_1217, %swap3A_1218], %while3A_1183#4 {strides = array<i32>} : memref<5x128xf32, #tpu.memory_space<vmem>>, vector<16xf32>,
            %swap3A_1220 = arith.constant 4 : i32
            %swap3A_1221 = arith.index_cast %swap3A_1220 : i32 to index
            %swap3A_1222 = arith.index_cast %multiple_of3A : i32 to index
            %swap3A_1223 = tpu.vector_load %arg19[%swap3A_1221, %swap3A_1222] {strides = array<i32>} : memref<5x128xi32, #tpu.memory_space<vmem>>, vector<16xi32>,
            tpu.vector_store %arg19[%swap3A_1221, %swap3A_1222], %while3A_1183#9 {strides = array<i32>} : memref<5x128xi32, #tpu.memory_space<vmem>>, vector<16xi32>,
            %swap3A_1224 = arith.index_cast %multiple_of3A : i32 to index
            %swap3A_1225 = tpu.vector_load %arg20[%swap3A_1224] {strides = array<i32>} : memref<128xf32, #tpu.memory_space<vmem>>, vector<16xf32>,
            tpu.vector_store %arg20[%swap3A_1224], %while3A_1183#4 {strides = array<i32>} : memref<128xf32, #tpu.memory_space<vmem>>, vector<16xf32>,
            %swap3A_1226 = arith.index_cast %multiple_of3A : i32 to index
            %swap3A_1227 = tpu.vector_load %arg21[%swap3A_1226] {strides = array<i32>} : memref<128xi32, #tpu.memory_space<vmem>>, vector<16xi32>,
            tpu.vector_store %arg21[%swap3A_1226], %broadcast_in_dim3A_3 {strides = array<i32>} : memref<128xi32, #tpu.memory_space<vmem>>, vector<16xi32>,
          } else {
          }
          %scan3A_1096 = arith.constant 0 : i32
          scf.yield %scan3A_1096 : i32
        }
        %scan3A_571 = arith.constant 16 : i32
        %get3A_572 = arith.index_cast %multiple_of3A : i32 to index
        %get3A_573 = tpu.vector_load %arg21[%get3A_572] {strides = array<i32>} : memref<128xi32, #tpu.memory_space<vmem>>, vector<16xi32>,
        %get3A_574 = arith.constant 0 : i32
        %get3A_575 = arith.index_cast %get3A_574 : i32 to index
        %get3A_576 = arith.index_cast %multiple_of3A : i32 to index
        %get3A_577 = tpu.vector_load %arg18[%get3A_575, %get3A_576] {strides = array<i32>} : memref<5x128xf32, #tpu.memory_space<vmem>>, vector<16xf32>,
        %get3A_578 = arith.constant 1 : i32
        %get3A_579 = arith.index_cast %get3A_578 : i32 to index
        %get3A_580 = arith.index_cast %multiple_of3A : i32 to index
        %get3A_581 = tpu.vector_load %arg18[%get3A_579, %get3A_580] {strides = array<i32>} : memref<5x128xf32, #tpu.memory_space<vmem>>, vector<16xf32>,
        %get3A_582 = arith.constant 2 : i32
        %get3A_583 = arith.index_cast %get3A_582 : i32 to index
        %get3A_584 = arith.index_cast %multiple_of3A : i32 to index
        %get3A_585 = tpu.vector_load %arg18[%get3A_583, %get3A_584] {strides = array<i32>} : memref<5x128xf32, #tpu.memory_space<vmem>>, vector<16xf32>,
        %get3A_586 = arith.constant 3 : i32
        %get3A_587 = arith.index_cast %get3A_586 : i32 to index
        %get3A_588 = arith.index_cast %multiple_of3A : i32 to index
        %get3A_589 = tpu.vector_load %arg18[%get3A_587, %get3A_588] {strides = array<i32>} : memref<5x128xf32, #tpu.memory_space<vmem>>, vector<16xf32>,
        %get3A_590 = arith.constant 4 : i32
        %get3A_591 = arith.index_cast %get3A_590 : i32 to index
        %get3A_592 = arith.index_cast %multiple_of3A : i32 to index
        %get3A_593 = tpu.vector_load %arg18[%get3A_591, %get3A_592] {strides = array<i32>} : memref<5x128xf32, #tpu.memory_space<vmem>>, vector<16xf32>,
        %get3A_594 = arith.constant 0 : i32
        %get3A_595 = arith.index_cast %get3A_594 : i32 to index
        %get3A_596 = arith.index_cast %multiple_of3A : i32 to index
        %get3A_597 = tpu.vector_load %arg19[%get3A_595, %get3A_596] {strides = array<i32>} : memref<5x128xi32, #tpu.memory_space<vmem>>, vector<16xi32>,
        %get3A_598 = arith.constant 1 : i32
        %get3A_599 = arith.index_cast %get3A_598 : i32 to index
        %get3A_600 = arith.index_cast %multiple_of3A : i32 to index
        %get3A_601 = tpu.vector_load %arg19[%get3A_599, %get3A_600] {strides = array<i32>} : memref<5x128xi32, #tpu.memory_space<vmem>>, vector<16xi32>,
        %get3A_602 = arith.constant 2 : i32
        %get3A_603 = arith.index_cast %get3A_602 : i32 to index
        %get3A_604 = arith.index_cast %multiple_of3A : i32 to index
        %get3A_605 = tpu.vector_load %arg19[%get3A_603, %get3A_604] {strides = array<i32>} : memref<5x128xi32, #tpu.memory_space<vmem>>, vector<16xi32>,
        %get3A_606 = arith.constant 3 : i32
        %get3A_607 = arith.index_cast %get3A_606 : i32 to index
        %get3A_608 = arith.index_cast %multiple_of3A : i32 to index
        %get3A_609 = tpu.vector_load %arg19[%get3A_607, %get3A_608] {strides = array<i32>} : memref<5x128xi32, #tpu.memory_space<vmem>>, vector<16xi32>,
        %get3A_610 = arith.constant 4 : i32
        %get3A_611 = arith.index_cast %get3A_610 : i32 to index
        %get3A_612 = arith.index_cast %multiple_of3A : i32 to index
        %get3A_613 = tpu.vector_load %arg19[%get3A_611, %get3A_612] {strides = array<i32>} : memref<5x128xi32, #tpu.memory_space<vmem>>, vector<16xi32>,
        %reduce_max3A_614 = arith.constant true
        %reduce_max3A_615 = vector.broadcast %reduce_max3A_614 : i1 to vector<16xi1>
        %reduce_max3A_616 = arith.constant -2147483648 : i32
        %reduce_max3A_617 = vector.broadcast %reduce_max3A_616 : i32 to vector<16xi32>
        %reduce_max3A_618 = arith.xori %get3A_573, %reduce_max3A_617 : vector<16xi32>
        %reduce_max3A_619 = tpu.scan <max>, %reduce_max3A_618 masked %reduce_max3A_615 : vector<16xi32>, vector<16xi1> -> vector<16xi32>
        %reduce_max3A_620 = arith.xori %reduce_max3A_619, %reduce_max3A_617 : vector<16xi32>
        %reduce_max3A_621 = vector.extract %reduce_max3A_620[15] : i32 from vector<16xi32>
        %add3A_622 = arith.constant 3 : i32
        %add3A_623 = arith.addi %reduce_max3A_621, %add3A_622 : i32
        %jit3A_624 = arith.constant 4 : i32
        %div3A_625 = arith.divsi %add3A_623, %jit3A_624 : i32
        %sign3A_626 = arith.constant 0 : i32
        %sign3A_627 = arith.cmpi sgt, %add3A_623, %sign3A_626 : i32
        %sign3A_628 = arith.extui %sign3A_627 : i1 to i32
        %sign3A_629 = arith.constant 0 : i32
        %sign3A_630 = arith.cmpi slt, %add3A_623, %sign3A_629 : i32
        %sign3A_631 = arith.extui %sign3A_630 : i1 to i32
        %sign3A_632 = arith.subi %sign3A_628, %sign3A_631 : i32
        %sign3A_633 = arith.constant 0 : i32
        %sign3A_634 = arith.cmpi sgt, %jit3A_624, %sign3A_633 : i32
        %sign3A_635 = arith.extui %sign3A_634 : i1 to i32
        %sign3A_636 = arith.constant 0 : i32
        %sign3A_637 = arith.cmpi slt, %jit3A_624, %sign3A_636 : i32
        %sign3A_638 = arith.extui %sign3A_637 : i1 to i32
        %sign3A_639 = arith.subi %sign3A_635, %sign3A_638 : i32
        %ne3A_640 = arith.cmpi ne, %sign3A_632, %sign3A_639 : i32
        %rem3A_641 = arith.remsi %add3A_623, %jit3A_624 : i32
        %ne3A_642 = arith.constant 0 : i32
        %ne3A_643 = arith.cmpi ne, %rem3A_641, %ne3A_642 : i32
        %and3A_644 = arith.andi %ne3A_640, %ne3A_643 : i1
        %sub3A_645 = arith.constant 1 : i32
        %sub3A_646 = arith.subi %div3A_625, %sub3A_645 : i32
        %select_n3A_647 = arith.select %and3A_644, %sub3A_646, %div3A_625 : i32
        %while3A = arith.constant 0 : i32
        %while3A_648 = arith.subi %select_n3A_647, %while3A : i32
        %while3A_649 = arith.addi %while3A, %while3A_648 : i32
        %while3A_650 = arith.constant 1 : i32
        %while3A_651 = arith.divsi %while3A_648, %while3A_650 : i32
        %while3A_652 = arith.muli %while3A_651, %while3A_650 : i32
        %while3A_653 = arith.addi %while3A, %while3A_652 : i32
        %while3A_654 = arith.constant 1 : i32
        %while3A_655:10 = scf.for %while3A_708 = %while3A to %while3A_653 step %while3A_654 iter_args(%while3A_709 = %get3A_577, %while3A_710 = %get3A_581, %while3A_711 = %get3A_585, %while3A_712 = %get3A_589, %while3A_713 = %get3A_593, %while3A_714 = %get3A_597, %while3A_715 = %get3A_601, %while3A_716 = %get3A_605, %while3A_717 = %get3A_609, %while3A_718 = %get3A_613) -> (vector<16xf32>, vector<16xf32>, vector<16xf32>, vector<16xf32>, vector<16xf32>, vector<16xi32>, vector<16xi32>, vector<16xi32>, vector<16xi32>, vector<16xi32>)  : i32 {
          %mul3A_719 = arith.constant 4 : i32
          %mul3A_720 = arith.muli %while3A_708, %mul3A_719 : i32
          %add3A_721 = arith.constant 0 : i32
          %add3A_722 = arith.addi %mul3A_720, %add3A_721 : i32
          %lt3A_723 = vector.broadcast %add3A_722 : i32 to vector<16xi32>
          %lt3A_724 = arith.cmpi slt, %lt3A_723, %get3A_573 : vector<16xi32>
          %broadcast_in_dim3A_725 = vector.broadcast %add3A_722 : i32 to vector<16xi32>
          %gather3A = tpu.vector_load_idx %arg17[%broadcast_in_dim3A_725, %add3A_554] masked %lt3A_724 : memref<48x128xi32, #tpu.memory_space<vmem>>[vector<16xi32>, vector<16xi32>], vector<16xi32>, vector<16xi1>
          %jit3A_726 = arith.constant 0 : i32
          %broadcast_in_dim3A_727 = vector.broadcast %jit3A_726 : i32 to vector<16xi32>
          %select_n3A_728 = arith.select %lt3A_724, %gather3A, %broadcast_in_dim3A_727 : vector<16xi1>, vector<16xi32>
          %gather3A_729 = arith.constant 0 : i32
          %gather3A_730 = arith.constant 0 : i32
          %gather3A_731 = tpu.memref_slice %arg16[%scan3A_410, %gather3A_729, %gather3A_730] : memref<2x256x128xf32, #tpu.memory_space<vmem>> -> memref<1x256x128xf32, #tpu.memory_space<vmem>>
          %gather3A_732 = tpu.memref_squeeze %gather3A_731 : memref<1x256x128xf32, #tpu.memory_space<vmem>> -> memref<256x128xf32, #tpu.memory_space<vmem>>
          %gather3A_733 = tpu.vector_load_idx %gather3A_732[%select_n3A_728, %add3A_554] masked %lt3A_724 : memref<256x128xf32, #tpu.memory_space<vmem>>[vector<16xi32>, vector<16xi32>], vector<16xf32>, vector<16xi1>
          %jit3A_734 = arith.constant 0xFF800000 : f32
          %broadcast_in_dim3A_735 = vector.broadcast %jit3A_734 : f32 to vector<16xf32>
          %select_n3A_736 = arith.select %lt3A_724, %gather3A_733, %broadcast_in_dim3A_735 : vector<16xi1>, vector<16xf32>
          %mul3A_737 = arith.constant 4 : i32
          %mul3A_738 = arith.muli %while3A_708, %mul3A_737 : i32
          %add3A_739 = arith.constant 1 : i32
          %add3A_740 = arith.addi %mul3A_738, %add3A_739 : i32
          %lt3A_741 = vector.broadcast %add3A_740 : i32 to vector<16xi32>
          %lt3A_742 = arith.cmpi slt, %lt3A_741, %get3A_573 : vector<16xi32>
          %broadcast_in_dim3A_743 = vector.broadcast %add3A_740 : i32 to vector<16xi32>
          %gather3A_744 = tpu.vector_load_idx %arg17[%broadcast_in_dim3A_743, %add3A_554] masked %lt3A_742 : memref<48x128xi32, #tpu.memory_space<vmem>>[vector<16xi32>, vector<16xi32>], vector<16xi32>, vector<16xi1>
          %jit3A_745 = arith.constant 0 : i32
          %broadcast_in_dim3A_746 = vector.broadcast %jit3A_745 : i32 to vector<16xi32>
          %select_n3A_747 = arith.select %lt3A_742, %gather3A_744, %broadcast_in_dim3A_746 : vector<16xi1>, vector<16xi32>
          %gather3A_748 = arith.constant 0 : i32
          %gather3A_749 = arith.constant 0 : i32
          %gather3A_750 = tpu.memref_slice %arg16[%scan3A_410, %gather3A_748, %gather3A_749] : memref<2x256x128xf32, #tpu.memory_space<vmem>> -> memref<1x256x128xf32, #tpu.memory_space<vmem>>
          %gather3A_751 = tpu.memref_squeeze %gather3A_750 : memref<1x256x128xf32, #tpu.memory_space<vmem>> -> memref<256x128xf32, #tpu.memory_space<vmem>>
          %gather3A_752 = tpu.vector_load_idx %gather3A_751[%select_n3A_747, %add3A_554] masked %lt3A_742 : memref<256x128xf32, #tpu.memory_space<vmem>>[vector<16xi32>, vector<16xi32>], vector<16xf32>, vector<16xi1>
          %jit3A_753 = arith.constant 0xFF800000 : f32
          %broadcast_in_dim3A_754 = vector.broadcast %jit3A_753 : f32 to vector<16xf32>
          %select_n3A_755 = arith.select %lt3A_742, %gather3A_752, %broadcast_in_dim3A_754 : vector<16xi1>, vector<16xf32>
          %mul3A_756 = arith.constant 4 : i32
          %mul3A_757 = arith.muli %while3A_708, %mul3A_756 : i32
          %add3A_758 = arith.constant 2 : i32
          %add3A_759 = arith.addi %mul3A_757, %add3A_758 : i32
          %lt3A_760 = vector.broadcast %add3A_759 : i32 to vector<16xi32>
          %lt3A_761 = arith.cmpi slt, %lt3A_760, %get3A_573 : vector<16xi32>
          %broadcast_in_dim3A_762 = vector.broadcast %add3A_759 : i32 to vector<16xi32>
          %gather3A_763 = tpu.vector_load_idx %arg17[%broadcast_in_dim3A_762, %add3A_554] masked %lt3A_761 : memref<48x128xi32, #tpu.memory_space<vmem>>[vector<16xi32>, vector<16xi32>], vector<16xi32>, vector<16xi1>
          %jit3A_764 = arith.constant 0 : i32
          %broadcast_in_dim3A_765 = vector.broadcast %jit3A_764 : i32 to vector<16xi32>
          %select_n3A_766 = arith.select %lt3A_761, %gather3A_763, %broadcast_in_dim3A_765 : vector<16xi1>, vector<16xi32>
          %gather3A_767 = arith.constant 0 : i32
          %gather3A_768 = arith.constant 0 : i32
          %gather3A_769 = tpu.memref_slice %arg16[%scan3A_410, %gather3A_767, %gather3A_768] : memref<2x256x128xf32, #tpu.memory_space<vmem>> -> memref<1x256x128xf32, #tpu.memory_space<vmem>>
          %gather3A_770 = tpu.memref_squeeze %gather3A_769 : memref<1x256x128xf32, #tpu.memory_space<vmem>> -> memref<256x128xf32, #tpu.memory_space<vmem>>
          %gather3A_771 = tpu.vector_load_idx %gather3A_770[%select_n3A_766, %add3A_554] masked %lt3A_761 : memref<256x128xf32, #tpu.memory_space<vmem>>[vector<16xi32>, vector<16xi32>], vector<16xf32>, vector<16xi1>
          %jit3A_772 = arith.constant 0xFF800000 : f32
          %broadcast_in_dim3A_773 = vector.broadcast %jit3A_772 : f32 to vector<16xf32>
          %select_n3A_774 = arith.select %lt3A_761, %gather3A_771, %broadcast_in_dim3A_773 : vector<16xi1>, vector<16xf32>
          %mul3A_775 = arith.constant 4 : i32
          %mul3A_776 = arith.muli %while3A_708, %mul3A_775 : i32
          %add3A_777 = arith.constant 3 : i32
          %add3A_778 = arith.addi %mul3A_776, %add3A_777 : i32
          %lt3A_779 = vector.broadcast %add3A_778 : i32 to vector<16xi32>
          %lt3A_780 = arith.cmpi slt, %lt3A_779, %get3A_573 : vector<16xi32>
          %broadcast_in_dim3A_781 = vector.broadcast %add3A_778 : i32 to vector<16xi32>
          %gather3A_782 = tpu.vector_load_idx %arg17[%broadcast_in_dim3A_781, %add3A_554] masked %lt3A_780 : memref<48x128xi32, #tpu.memory_space<vmem>>[vector<16xi32>, vector<16xi32>], vector<16xi32>, vector<16xi1>
          %jit3A_783 = arith.constant 0 : i32
          %broadcast_in_dim3A_784 = vector.broadcast %jit3A_783 : i32 to vector<16xi32>
          %select_n3A_785 = arith.select %lt3A_780, %gather3A_782, %broadcast_in_dim3A_784 : vector<16xi1>, vector<16xi32>
          %gather3A_786 = arith.constant 0 : i32
          %gather3A_787 = arith.constant 0 : i32
          %gather3A_788 = tpu.memref_slice %arg16[%scan3A_410, %gather3A_786, %gather3A_787] : memref<2x256x128xf32, #tpu.memory_space<vmem>> -> memref<1x256x128xf32, #tpu.memory_space<vmem>>
          %gather3A_789 = tpu.memref_squeeze %gather3A_788 : memref<1x256x128xf32, #tpu.memory_space<vmem>> -> memref<256x128xf32, #tpu.memory_space<vmem>>
          %gather3A_790 = tpu.vector_load_idx %gather3A_789[%select_n3A_785, %add3A_554] masked %lt3A_780 : memref<256x128xf32, #tpu.memory_space<vmem>>[vector<16xi32>, vector<16xi32>], vector<16xf32>, vector<16xi1>
          %jit3A_791 = arith.constant 0xFF800000 : f32
          %broadcast_in_dim3A_792 = vector.broadcast %jit3A_791 : f32 to vector<16xf32>
          %select_n3A_793 = arith.select %lt3A_780, %gather3A_790, %broadcast_in_dim3A_792 : vector<16xi1>, vector<16xf32>
          %add3A_794 = arith.addi %broadcast_in_dim3A_559, %select_n3A_728 : vector<16xi32>
          %gt3A_795 = arith.cmpf ogt, %select_n3A_736, %while3A_709 : vector<16xf32>
          %gt3A_796 = arith.cmpf ogt, %select_n3A_736, %while3A_710 : vector<16xf32>
          %gt3A_797 = arith.cmpf ogt, %select_n3A_736, %while3A_711 : vector<16xf32>
          %gt3A_798 = arith.cmpf ogt, %select_n3A_736, %while3A_712 : vector<16xf32>
          %gt3A_799 = arith.cmpf ogt, %select_n3A_736, %while3A_713 : vector<16xf32>
          %select_n3A_800 = arith.select %gt3A_798, %while3A_712, %select_n3A_736 : vector<16xi1>, vector<16xf32>
          %select_n3A_801 = arith.select %gt3A_799, %select_n3A_800, %while3A_713 : vector<16xi1>, vector<16xf32>
          %select_n3A_802 = arith.select %gt3A_798, %while3A_717, %add3A_794 : vector<16xi1>, vector<16xi32>
          %select_n3A_803 = arith.select %gt3A_799, %select_n3A_802, %while3A_718 : vector<16xi1>, vector<16xi32>
          %select_n3A_804 = arith.select %gt3A_797, %while3A_711, %select_n3A_736 : vector<16xi1>, vector<16xf32>
          %select_n3A_805 = arith.select %gt3A_798, %select_n3A_804, %while3A_712 : vector<16xi1>, vector<16xf32>
          %select_n3A_806 = arith.select %gt3A_797, %while3A_716, %add3A_794 : vector<16xi1>, vector<16xi32>
          %select_n3A_807 = arith.select %gt3A_798, %select_n3A_806, %while3A_717 : vector<16xi1>, vector<16xi32>
          %select_n3A_808 = arith.select %gt3A_796, %while3A_710, %select_n3A_736 : vector<16xi1>, vector<16xf32>
          %select_n3A_809 = arith.select %gt3A_797, %select_n3A_808, %while3A_711 : vector<16xi1>, vector<16xf32>
          %select_n3A_810 = arith.select %gt3A_796, %while3A_715, %add3A_794 : vector<16xi1>, vector<16xi32>
          %select_n3A_811 = arith.select %gt3A_797, %select_n3A_810, %while3A_716 : vector<16xi1>, vector<16xi32>
          %select_n3A_812 = arith.select %gt3A_795, %while3A_709, %select_n3A_736 : vector<16xi1>, vector<16xf32>
          %select_n3A_813 = arith.select %gt3A_796, %select_n3A_812, %while3A_710 : vector<16xi1>, vector<16xf32>
          %select_n3A_814 = arith.select %gt3A_795, %while3A_714, %add3A_794 : vector<16xi1>, vector<16xi32>
          %select_n3A_815 = arith.select %gt3A_796, %select_n3A_814, %while3A_715 : vector<16xi1>, vector<16xi32>
          %select_n3A_816 = arith.select %gt3A_795, %select_n3A_736, %while3A_709 : vector<16xi1>, vector<16xf32>
          %select_n3A_817 = arith.select %gt3A_795, %add3A_794, %while3A_714 : vector<16xi1>, vector<16xi32>
          %add3A_818 = arith.addi %broadcast_in_dim3A_559, %select_n3A_747 : vector<16xi32>
          %gt3A_819 = arith.cmpf ogt, %select_n3A_755, %select_n3A_816 : vector<16xf32>
          %gt3A_820 = arith.cmpf ogt, %select_n3A_755, %select_n3A_813 : vector<16xf32>
          %gt3A_821 = arith.cmpf ogt, %select_n3A_755, %select_n3A_809 : vector<16xf32>
          %gt3A_822 = arith.cmpf ogt, %select_n3A_755, %select_n3A_805 : vector<16xf32>
          %gt3A_823 = arith.cmpf ogt, %select_n3A_755, %select_n3A_801 : vector<16xf32>
          %select_n3A_824 = arith.select %gt3A_822, %select_n3A_805, %select_n3A_755 : vector<16xi1>, vector<16xf32>
          %select_n3A_825 = arith.select %gt3A_823, %select_n3A_824, %select_n3A_801 : vector<16xi1>, vector<16xf32>
          %select_n3A_826 = arith.select %gt3A_822, %select_n3A_807, %add3A_818 : vector<16xi1>, vector<16xi32>
          %select_n3A_827 = arith.select %gt3A_823, %select_n3A_826, %select_n3A_803 : vector<16xi1>, vector<16xi32>
          %select_n3A_828 = arith.select %gt3A_821, %select_n3A_809, %select_n3A_755 : vector<16xi1>, vector<16xf32>
          %select_n3A_829 = arith.select %gt3A_822, %select_n3A_828, %select_n3A_805 : vector<16xi1>, vector<16xf32>
          %select_n3A_830 = arith.select %gt3A_821, %select_n3A_811, %add3A_818 : vector<16xi1>, vector<16xi32>
          %select_n3A_831 = arith.select %gt3A_822, %select_n3A_830, %select_n3A_807 : vector<16xi1>, vector<16xi32>
          %select_n3A_832 = arith.select %gt3A_820, %select_n3A_813, %select_n3A_755 : vector<16xi1>, vector<16xf32>
          %select_n3A_833 = arith.select %gt3A_821, %select_n3A_832, %select_n3A_809 : vector<16xi1>, vector<16xf32>
          %select_n3A_834 = arith.select %gt3A_820, %select_n3A_815, %add3A_818 : vector<16xi1>, vector<16xi32>
          %select_n3A_835 = arith.select %gt3A_821, %select_n3A_834, %select_n3A_811 : vector<16xi1>, vector<16xi32>
          %select_n3A_836 = arith.select %gt3A_819, %select_n3A_816, %select_n3A_755 : vector<16xi1>, vector<16xf32>
          %select_n3A_837 = arith.select %gt3A_820, %select_n3A_836, %select_n3A_813 : vector<16xi1>, vector<16xf32>
          %select_n3A_838 = arith.select %gt3A_819, %select_n3A_817, %add3A_818 : vector<16xi1>, vector<16xi32>
          %select_n3A_839 = arith.select %gt3A_820, %select_n3A_838, %select_n3A_815 : vector<16xi1>, vector<16xi32>
          %select_n3A_840 = arith.select %gt3A_819, %select_n3A_755, %select_n3A_816 : vector<16xi1>, vector<16xf32>
          %select_n3A_841 = arith.select %gt3A_819, %add3A_818, %select_n3A_817 : vector<16xi1>, vector<16xi32>
          %add3A_842 = arith.addi %broadcast_in_dim3A_559, %select_n3A_766 : vector<16xi32>
          %gt3A_843 = arith.cmpf ogt, %select_n3A_774, %select_n3A_840 : vector<16xf32>
          %gt3A_844 = arith.cmpf ogt, %select_n3A_774, %select_n3A_837 : vector<16xf32>
          %gt3A_845 = arith.cmpf ogt, %select_n3A_774, %select_n3A_833 : vector<16xf32>
          %gt3A_846 = arith.cmpf ogt, %select_n3A_774, %select_n3A_829 : vector<16xf32>
          %gt3A_847 = arith.cmpf ogt, %select_n3A_774, %select_n3A_825 : vector<16xf32>
          %select_n3A_848 = arith.select %gt3A_846, %select_n3A_829, %select_n3A_774 : vector<16xi1>, vector<16xf32>
          %select_n3A_849 = arith.select %gt3A_847, %select_n3A_848, %select_n3A_825 : vector<16xi1>, vector<16xf32>
          %select_n3A_850 = arith.select %gt3A_846, %select_n3A_831, %add3A_842 : vector<16xi1>, vector<16xi32>
          %select_n3A_851 = arith.select %gt3A_847, %select_n3A_850, %select_n3A_827 : vector<16xi1>, vector<16xi32>
          %select_n3A_852 = arith.select %gt3A_845, %select_n3A_833, %select_n3A_774 : vector<16xi1>, vector<16xf32>
          %select_n3A_853 = arith.select %gt3A_846, %select_n3A_852, %select_n3A_829 : vector<16xi1>, vector<16xf32>
          %select_n3A_854 = arith.select %gt3A_845, %select_n3A_835, %add3A_842 : vector<16xi1>, vector<16xi32>
          %select_n3A_855 = arith.select %gt3A_846, %select_n3A_854, %select_n3A_831 : vector<16xi1>, vector<16xi32>
          %select_n3A_856 = arith.select %gt3A_844, %select_n3A_837, %select_n3A_774 : vector<16xi1>, vector<16xf32>
          %select_n3A_857 = arith.select %gt3A_845, %select_n3A_856, %select_n3A_833 : vector<16xi1>, vector<16xf32>
          %select_n3A_858 = arith.select %gt3A_844, %select_n3A_839, %add3A_842 : vector<16xi1>, vector<16xi32>
          %select_n3A_859 = arith.select %gt3A_845, %select_n3A_858, %select_n3A_835 : vector<16xi1>, vector<16xi32>
          %select_n3A_860 = arith.select %gt3A_843, %select_n3A_840, %select_n3A_774 : vector<16xi1>, vector<16xf32>
          %select_n3A_861 = arith.select %gt3A_844, %select_n3A_860, %select_n3A_837 : vector<16xi1>, vector<16xf32>
          %select_n3A_862 = arith.select %gt3A_843, %select_n3A_841, %add3A_842 : vector<16xi1>, vector<16xi32>
          %select_n3A_863 = arith.select %gt3A_844, %select_n3A_862, %select_n3A_839 : vector<16xi1>, vector<16xi32>
          %select_n3A_864 = arith.select %gt3A_843, %select_n3A_774, %select_n3A_840 : vector<16xi1>, vector<16xf32>
          %select_n3A_865 = arith.select %gt3A_843, %add3A_842, %select_n3A_841 : vector<16xi1>, vector<16xi32>
          %add3A_866 = arith.addi %broadcast_in_dim3A_559, %select_n3A_785 : vector<16xi32>
          %gt3A_867 = arith.cmpf ogt, %select_n3A_793, %select_n3A_864 : vector<16xf32>
          %gt3A_868 = arith.cmpf ogt, %select_n3A_793, %select_n3A_861 : vector<16xf32>
          %gt3A_869 = arith.cmpf ogt, %select_n3A_793, %select_n3A_857 : vector<16xf32>
          %gt3A_870 = arith.cmpf ogt, %select_n3A_793, %select_n3A_853 : vector<16xf32>
          %gt3A_871 = arith.cmpf ogt, %select_n3A_793, %select_n3A_849 : vector<16xf32>
          %select_n3A_872 = arith.select %gt3A_870, %select_n3A_853, %select_n3A_793 : vector<16xi1>, vector<16xf32>
          %select_n3A_873 = arith.select %gt3A_871, %select_n3A_872, %select_n3A_849 : vector<16xi1>, vector<16xf32>
          %select_n3A_874 = arith.select %gt3A_870, %select_n3A_855, %add3A_866 : vector<16xi1>, vector<16xi32>
          %select_n3A_875 = arith.select %gt3A_871, %select_n3A_874, %select_n3A_851 : vector<16xi1>, vector<16xi32>
          %select_n3A_876 = arith.select %gt3A_869, %select_n3A_857, %select_n3A_793 : vector<16xi1>, vector<16xf32>
          %select_n3A_877 = arith.select %gt3A_870, %select_n3A_876, %select_n3A_853 : vector<16xi1>, vector<16xf32>
          %select_n3A_878 = arith.select %gt3A_869, %select_n3A_859, %add3A_866 : vector<16xi1>, vector<16xi32>
          %select_n3A_879 = arith.select %gt3A_870, %select_n3A_878, %select_n3A_855 : vector<16xi1>, vector<16xi32>
          %select_n3A_880 = arith.select %gt3A_868, %select_n3A_861, %select_n3A_793 : vector<16xi1>, vector<16xf32>
          %select_n3A_881 = arith.select %gt3A_869, %select_n3A_880, %select_n3A_857 : vector<16xi1>, vector<16xf32>
          %select_n3A_882 = arith.select %gt3A_868, %select_n3A_863, %add3A_866 : vector<16xi1>, vector<16xi32>
          %select_n3A_883 = arith.select %gt3A_869, %select_n3A_882, %select_n3A_859 : vector<16xi1>, vector<16xi32>
          %select_n3A_884 = arith.select %gt3A_867, %select_n3A_864, %select_n3A_793 : vector<16xi1>, vector<16xf32>
          %select_n3A_885 = arith.select %gt3A_868, %select_n3A_884, %select_n3A_861 : vector<16xi1>, vector<16xf32>
          %select_n3A_886 = arith.select %gt3A_867, %select_n3A_865, %add3A_866 : vector<16xi1>, vector<16xi32>
          %select_n3A_887 = arith.select %gt3A_868, %select_n3A_886, %select_n3A_863 : vector<16xi1>, vector<16xi32>
          %select_n3A_888 = arith.select %gt3A_867, %select_n3A_793, %select_n3A_864 : vector<16xi1>, vector<16xf32>
          %select_n3A_889 = arith.select %gt3A_867, %add3A_866, %select_n3A_865 : vector<16xi1>, vector<16xi32>
          scf.yield %select_n3A_888, %select_n3A_885, %select_n3A_881, %select_n3A_877, %select_n3A_873, %select_n3A_889, %select_n3A_887, %select_n3A_883, %select_n3A_879, %select_n3A_875 : vector<16xf32>, vector<16xf32>, vector<16xf32>, vector<16xf32>, vector<16xf32>, vector<16xi32>, vector<16xi32>, vector<16xi32>, vector<16xi32>, vector<16xi32>
        }
        %while3A_656 = arith.constant 1 : i32
        %while3A_657:10 = scf.for %while3A_708 = %while3A_653 to %while3A_649 step %while3A_656 iter_args(%while3A_709 = %while3A_655#0, %while3A_710 = %while3A_655#1, %while3A_711 = %while3A_655#2, %while3A_712 = %while3A_655#3, %while3A_713 = %while3A_655#4, %while3A_714 = %while3A_655#5, %while3A_715 = %while3A_655#6, %while3A_716 = %while3A_655#7, %while3A_717 = %while3A_655#8, %while3A_718 = %while3A_655#9) -> (vector<16xf32>, vector<16xf32>, vector<16xf32>, vector<16xf32>, vector<16xf32>, vector<16xi32>, vector<16xi32>, vector<16xi32>, vector<16xi32>, vector<16xi32>)  : i32 {
          %mul3A_719 = arith.constant 4 : i32
          %mul3A_720 = arith.muli %while3A_708, %mul3A_719 : i32
          %add3A_721 = arith.constant 0 : i32
          %add3A_722 = arith.addi %mul3A_720, %add3A_721 : i32
          %lt3A_723 = vector.broadcast %add3A_722 : i32 to vector<16xi32>
          %lt3A_724 = arith.cmpi slt, %lt3A_723, %get3A_573 : vector<16xi32>
          %broadcast_in_dim3A_725 = vector.broadcast %add3A_722 : i32 to vector<16xi32>
          %gather3A = tpu.vector_load_idx %arg17[%broadcast_in_dim3A_725, %add3A_554] masked %lt3A_724 : memref<48x128xi32, #tpu.memory_space<vmem>>[vector<16xi32>, vector<16xi32>], vector<16xi32>, vector<16xi1>
          %jit3A_726 = arith.constant 0 : i32
          %broadcast_in_dim3A_727 = vector.broadcast %jit3A_726 : i32 to vector<16xi32>
          %select_n3A_728 = arith.select %lt3A_724, %gather3A, %broadcast_in_dim3A_727 : vector<16xi1>, vector<16xi32>
          %gather3A_729 = arith.constant 0 : i32
          %gather3A_730 = arith.constant 0 : i32
          %gather3A_731 = tpu.memref_slice %arg16[%scan3A_410, %gather3A_729, %gather3A_730] : memref<2x256x128xf32, #tpu.memory_space<vmem>> -> memref<1x256x128xf32, #tpu.memory_space<vmem>>
          %gather3A_732 = tpu.memref_squeeze %gather3A_731 : memref<1x256x128xf32, #tpu.memory_space<vmem>> -> memref<256x128xf32, #tpu.memory_space<vmem>>
          %gather3A_733 = tpu.vector_load_idx %gather3A_732[%select_n3A_728, %add3A_554] masked %lt3A_724 : memref<256x128xf32, #tpu.memory_space<vmem>>[vector<16xi32>, vector<16xi32>], vector<16xf32>, vector<16xi1>
          %jit3A_734 = arith.constant 0xFF800000 : f32
          %broadcast_in_dim3A_735 = vector.broadcast %jit3A_734 : f32 to vector<16xf32>
          %select_n3A_736 = arith.select %lt3A_724, %gather3A_733, %broadcast_in_dim3A_735 : vector<16xi1>, vector<16xf32>
          %mul3A_737 = arith.constant 4 : i32
          %mul3A_738 = arith.muli %while3A_708, %mul3A_737 : i32
          %add3A_739 = arith.constant 1 : i32
          %add3A_740 = arith.addi %mul3A_738, %add3A_739 : i32
          %lt3A_741 = vector.broadcast %add3A_740 : i32 to vector<16xi32>
          %lt3A_742 = arith.cmpi slt, %lt3A_741, %get3A_573 : vector<16xi32>
          %broadcast_in_dim3A_743 = vector.broadcast %add3A_740 : i32 to vector<16xi32>
          %gather3A_744 = tpu.vector_load_idx %arg17[%broadcast_in_dim3A_743, %add3A_554] masked %lt3A_742 : memref<48x128xi32, #tpu.memory_space<vmem>>[vector<16xi32>, vector<16xi32>], vector<16xi32>, vector<16xi1>
          %jit3A_745 = arith.constant 0 : i32
          %broadcast_in_dim3A_746 = vector.broadcast %jit3A_745 : i32 to vector<16xi32>
          %select_n3A_747 = arith.select %lt3A_742, %gather3A_744, %broadcast_in_dim3A_746 : vector<16xi1>, vector<16xi32>
          %gather3A_748 = arith.constant 0 : i32
          %gather3A_749 = arith.constant 0 : i32
          %gather3A_750 = tpu.memref_slice %arg16[%scan3A_410, %gather3A_748, %gather3A_749] : memref<2x256x128xf32, #tpu.memory_space<vmem>> -> memref<1x256x128xf32, #tpu.memory_space<vmem>>
          %gather3A_751 = tpu.memref_squeeze %gather3A_750 : memref<1x256x128xf32, #tpu.memory_space<vmem>> -> memref<256x128xf32, #tpu.memory_space<vmem>>
          %gather3A_752 = tpu.vector_load_idx %gather3A_751[%select_n3A_747, %add3A_554] masked %lt3A_742 : memref<256x128xf32, #tpu.memory_space<vmem>>[vector<16xi32>, vector<16xi32>], vector<16xf32>, vector<16xi1>
          %jit3A_753 = arith.constant 0xFF800000 : f32
          %broadcast_in_dim3A_754 = vector.broadcast %jit3A_753 : f32 to vector<16xf32>
          %select_n3A_755 = arith.select %lt3A_742, %gather3A_752, %broadcast_in_dim3A_754 : vector<16xi1>, vector<16xf32>
          %mul3A_756 = arith.constant 4 : i32
          %mul3A_757 = arith.muli %while3A_708, %mul3A_756 : i32
          %add3A_758 = arith.constant 2 : i32
          %add3A_759 = arith.addi %mul3A_757, %add3A_758 : i32
          %lt3A_760 = vector.broadcast %add3A_759 : i32 to vector<16xi32>
          %lt3A_761 = arith.cmpi slt, %lt3A_760, %get3A_573 : vector<16xi32>
          %broadcast_in_dim3A_762 = vector.broadcast %add3A_759 : i32 to vector<16xi32>
          %gather3A_763 = tpu.vector_load_idx %arg17[%broadcast_in_dim3A_762, %add3A_554] masked %lt3A_761 : memref<48x128xi32, #tpu.memory_space<vmem>>[vector<16xi32>, vector<16xi32>], vector<16xi32>, vector<16xi1>
          %jit3A_764 = arith.constant 0 : i32
          %broadcast_in_dim3A_765 = vector.broadcast %jit3A_764 : i32 to vector<16xi32>
          %select_n3A_766 = arith.select %lt3A_761, %gather3A_763, %broadcast_in_dim3A_765 : vector<16xi1>, vector<16xi32>
          %gather3A_767 = arith.constant 0 : i32
          %gather3A_768 = arith.constant 0 : i32
          %gather3A_769 = tpu.memref_slice %arg16[%scan3A_410, %gather3A_767, %gather3A_768] : memref<2x256x128xf32, #tpu.memory_space<vmem>> -> memref<1x256x128xf32, #tpu.memory_space<vmem>>
          %gather3A_770 = tpu.memref_squeeze %gather3A_769 : memref<1x256x128xf32, #tpu.memory_space<vmem>> -> memref<256x128xf32, #tpu.memory_space<vmem>>
          %gather3A_771 = tpu.vector_load_idx %gather3A_770[%select_n3A_766, %add3A_554] masked %lt3A_761 : memref<256x128xf32, #tpu.memory_space<vmem>>[vector<16xi32>, vector<16xi32>], vector<16xf32>, vector<16xi1>
          %jit3A_772 = arith.constant 0xFF800000 : f32
          %broadcast_in_dim3A_773 = vector.broadcast %jit3A_772 : f32 to vector<16xf32>
          %select_n3A_774 = arith.select %lt3A_761, %gather3A_771, %broadcast_in_dim3A_773 : vector<16xi1>, vector<16xf32>
          %mul3A_775 = arith.constant 4 : i32
          %mul3A_776 = arith.muli %while3A_708, %mul3A_775 : i32
          %add3A_777 = arith.constant 3 : i32
          %add3A_778 = arith.addi %mul3A_776, %add3A_777 : i32
          %lt3A_779 = vector.broadcast %add3A_778 : i32 to vector<16xi32>
          %lt3A_780 = arith.cmpi slt, %lt3A_779, %get3A_573 : vector<16xi32>
          %broadcast_in_dim3A_781 = vector.broadcast %add3A_778 : i32 to vector<16xi32>
          %gather3A_782 = tpu.vector_load_idx %arg17[%broadcast_in_dim3A_781, %add3A_554] masked %lt3A_780 : memref<48x128xi32, #tpu.memory_space<vmem>>[vector<16xi32>, vector<16xi32>], vector<16xi32>, vector<16xi1>
          %jit3A_783 = arith.constant 0 : i32
          %broadcast_in_dim3A_784 = vector.broadcast %jit3A_783 : i32 to vector<16xi32>
          %select_n3A_785 = arith.select %lt3A_780, %gather3A_782, %broadcast_in_dim3A_784 : vector<16xi1>, vector<16xi32>
          %gather3A_786 = arith.constant 0 : i32
          %gather3A_787 = arith.constant 0 : i32
          %gather3A_788 = tpu.memref_slice %arg16[%scan3A_410, %gather3A_786, %gather3A_787] : memref<2x256x128xf32, #tpu.memory_space<vmem>> -> memref<1x256x128xf32, #tpu.memory_space<vmem>>
          %gather3A_789 = tpu.memref_squeeze %gather3A_788 : memref<1x256x128xf32, #tpu.memory_space<vmem>> -> memref<256x128xf32, #tpu.memory_space<vmem>>
          %gather3A_790 = tpu.vector_load_idx %gather3A_789[%select_n3A_785, %add3A_554] masked %lt3A_780 : memref<256x128xf32, #tpu.memory_space<vmem>>[vector<16xi32>, vector<16xi32>], vector<16xf32>, vector<16xi1>
          %jit3A_791 = arith.constant 0xFF800000 : f32
          %broadcast_in_dim3A_792 = vector.broadcast %jit3A_791 : f32 to vector<16xf32>
          %select_n3A_793 = arith.select %lt3A_780, %gather3A_790, %broadcast_in_dim3A_792 : vector<16xi1>, vector<16xf32>
          %add3A_794 = arith.addi %broadcast_in_dim3A_559, %select_n3A_728 : vector<16xi32>
          %gt3A_795 = arith.cmpf ogt, %select_n3A_736, %while3A_709 : vector<16xf32>
          %gt3A_796 = arith.cmpf ogt, %select_n3A_736, %while3A_710 : vector<16xf32>
          %gt3A_797 = arith.cmpf ogt, %select_n3A_736, %while3A_711 : vector<16xf32>
          %gt3A_798 = arith.cmpf ogt, %select_n3A_736, %while3A_712 : vector<16xf32>
          %gt3A_799 = arith.cmpf ogt, %select_n3A_736, %while3A_713 : vector<16xf32>
          %select_n3A_800 = arith.select %gt3A_798, %while3A_712, %select_n3A_736 : vector<16xi1>, vector<16xf32>
          %select_n3A_801 = arith.select %gt3A_799, %select_n3A_800, %while3A_713 : vector<16xi1>, vector<16xf32>
          %select_n3A_802 = arith.select %gt3A_798, %while3A_717, %add3A_794 : vector<16xi1>, vector<16xi32>
          %select_n3A_803 = arith.select %gt3A_799, %select_n3A_802, %while3A_718 : vector<16xi1>, vector<16xi32>
          %select_n3A_804 = arith.select %gt3A_797, %while3A_711, %select_n3A_736 : vector<16xi1>, vector<16xf32>
          %select_n3A_805 = arith.select %gt3A_798, %select_n3A_804, %while3A_712 : vector<16xi1>, vector<16xf32>
          %select_n3A_806 = arith.select %gt3A_797, %while3A_716, %add3A_794 : vector<16xi1>, vector<16xi32>
          %select_n3A_807 = arith.select %gt3A_798, %select_n3A_806, %while3A_717 : vector<16xi1>, vector<16xi32>
          %select_n3A_808 = arith.select %gt3A_796, %while3A_710, %select_n3A_736 : vector<16xi1>, vector<16xf32>
          %select_n3A_809 = arith.select %gt3A_797, %select_n3A_808, %while3A_711 : vector<16xi1>, vector<16xf32>
          %select_n3A_810 = arith.select %gt3A_796, %while3A_715, %add3A_794 : vector<16xi1>, vector<16xi32>
          %select_n3A_811 = arith.select %gt3A_797, %select_n3A_810, %while3A_716 : vector<16xi1>, vector<16xi32>
          %select_n3A_812 = arith.select %gt3A_795, %while3A_709, %select_n3A_736 : vector<16xi1>, vector<16xf32>
          %select_n3A_813 = arith.select %gt3A_796, %select_n3A_812, %while3A_710 : vector<16xi1>, vector<16xf32>
          %select_n3A_814 = arith.select %gt3A_795, %while3A_714, %add3A_794 : vector<16xi1>, vector<16xi32>
          %select_n3A_815 = arith.select %gt3A_796, %select_n3A_814, %while3A_715 : vector<16xi1>, vector<16xi32>
          %select_n3A_816 = arith.select %gt3A_795, %select_n3A_736, %while3A_709 : vector<16xi1>, vector<16xf32>
          %select_n3A_817 = arith.select %gt3A_795, %add3A_794, %while3A_714 : vector<16xi1>, vector<16xi32>
          %add3A_818 = arith.addi %broadcast_in_dim3A_559, %select_n3A_747 : vector<16xi32>
          %gt3A_819 = arith.cmpf ogt, %select_n3A_755, %select_n3A_816 : vector<16xf32>
          %gt3A_820 = arith.cmpf ogt, %select_n3A_755, %select_n3A_813 : vector<16xf32>
          %gt3A_821 = arith.cmpf ogt, %select_n3A_755, %select_n3A_809 : vector<16xf32>
          %gt3A_822 = arith.cmpf ogt, %select_n3A_755, %select_n3A_805 : vector<16xf32>
          %gt3A_823 = arith.cmpf ogt, %select_n3A_755, %select_n3A_801 : vector<16xf32>
          %select_n3A_824 = arith.select %gt3A_822, %select_n3A_805, %select_n3A_755 : vector<16xi1>, vector<16xf32>
          %select_n3A_825 = arith.select %gt3A_823, %select_n3A_824, %select_n3A_801 : vector<16xi1>, vector<16xf32>
          %select_n3A_826 = arith.select %gt3A_822, %select_n3A_807, %add3A_818 : vector<16xi1>, vector<16xi32>
          %select_n3A_827 = arith.select %gt3A_823, %select_n3A_826, %select_n3A_803 : vector<16xi1>, vector<16xi32>
          %select_n3A_828 = arith.select %gt3A_821, %select_n3A_809, %select_n3A_755 : vector<16xi1>, vector<16xf32>
          %select_n3A_829 = arith.select %gt3A_822, %select_n3A_828, %select_n3A_805 : vector<16xi1>, vector<16xf32>
          %select_n3A_830 = arith.select %gt3A_821, %select_n3A_811, %add3A_818 : vector<16xi1>, vector<16xi32>
          %select_n3A_831 = arith.select %gt3A_822, %select_n3A_830, %select_n3A_807 : vector<16xi1>, vector<16xi32>
          %select_n3A_832 = arith.select %gt3A_820, %select_n3A_813, %select_n3A_755 : vector<16xi1>, vector<16xf32>
          %select_n3A_833 = arith.select %gt3A_821, %select_n3A_832, %select_n3A_809 : vector<16xi1>, vector<16xf32>
          %select_n3A_834 = arith.select %gt3A_820, %select_n3A_815, %add3A_818 : vector<16xi1>, vector<16xi32>
          %select_n3A_835 = arith.select %gt3A_821, %select_n3A_834, %select_n3A_811 : vector<16xi1>, vector<16xi32>
          %select_n3A_836 = arith.select %gt3A_819, %select_n3A_816, %select_n3A_755 : vector<16xi1>, vector<16xf32>
          %select_n3A_837 = arith.select %gt3A_820, %select_n3A_836, %select_n3A_813 : vector<16xi1>, vector<16xf32>
          %select_n3A_838 = arith.select %gt3A_819, %select_n3A_817, %add3A_818 : vector<16xi1>, vector<16xi32>
          %select_n3A_839 = arith.select %gt3A_820, %select_n3A_838, %select_n3A_815 : vector<16xi1>, vector<16xi32>
          %select_n3A_840 = arith.select %gt3A_819, %select_n3A_755, %select_n3A_816 : vector<16xi1>, vector<16xf32>
          %select_n3A_841 = arith.select %gt3A_819, %add3A_818, %select_n3A_817 : vector<16xi1>, vector<16xi32>
          %add3A_842 = arith.addi %broadcast_in_dim3A_559, %select_n3A_766 : vector<16xi32>
          %gt3A_843 = arith.cmpf ogt, %select_n3A_774, %select_n3A_840 : vector<16xf32>
          %gt3A_844 = arith.cmpf ogt, %select_n3A_774, %select_n3A_837 : vector<16xf32>
          %gt3A_845 = arith.cmpf ogt, %select_n3A_774, %select_n3A_833 : vector<16xf32>
          %gt3A_846 = arith.cmpf ogt, %select_n3A_774, %select_n3A_829 : vector<16xf32>
          %gt3A_847 = arith.cmpf ogt, %select_n3A_774, %select_n3A_825 : vector<16xf32>
          %select_n3A_848 = arith.select %gt3A_846, %select_n3A_829, %select_n3A_774 : vector<16xi1>, vector<16xf32>
          %select_n3A_849 = arith.select %gt3A_847, %select_n3A_848, %select_n3A_825 : vector<16xi1>, vector<16xf32>
          %select_n3A_850 = arith.select %gt3A_846, %select_n3A_831, %add3A_842 : vector<16xi1>, vector<16xi32>
          %select_n3A_851 = arith.select %gt3A_847, %select_n3A_850, %select_n3A_827 : vector<16xi1>, vector<16xi32>
          %select_n3A_852 = arith.select %gt3A_845, %select_n3A_833, %select_n3A_774 : vector<16xi1>, vector<16xf32>
          %select_n3A_853 = arith.select %gt3A_846, %select_n3A_852, %select_n3A_829 : vector<16xi1>, vector<16xf32>
          %select_n3A_854 = arith.select %gt3A_845, %select_n3A_835, %add3A_842 : vector<16xi1>, vector<16xi32>
          %select_n3A_855 = arith.select %gt3A_846, %select_n3A_854, %select_n3A_831 : vector<16xi1>, vector<16xi32>
          %select_n3A_856 = arith.select %gt3A_844, %select_n3A_837, %select_n3A_774 : vector<16xi1>, vector<16xf32>
          %select_n3A_857 = arith.select %gt3A_845, %select_n3A_856, %select_n3A_833 : vector<16xi1>, vector<16xf32>
          %select_n3A_858 = arith.select %gt3A_844, %select_n3A_839, %add3A_842 : vector<16xi1>, vector<16xi32>
          %select_n3A_859 = arith.select %gt3A_845, %select_n3A_858, %select_n3A_835 : vector<16xi1>, vector<16xi32>
          %select_n3A_860 = arith.select %gt3A_843, %select_n3A_840, %select_n3A_774 : vector<16xi1>, vector<16xf32>
          %select_n3A_861 = arith.select %gt3A_844, %select_n3A_860, %select_n3A_837 : vector<16xi1>, vector<16xf32>
          %select_n3A_862 = arith.select %gt3A_843, %select_n3A_841, %add3A_842 : vector<16xi1>, vector<16xi32>
          %select_n3A_863 = arith.select %gt3A_844, %select_n3A_862, %select_n3A_839 : vector<16xi1>, vector<16xi32>
          %select_n3A_864 = arith.select %gt3A_843, %select_n3A_774, %select_n3A_840 : vector<16xi1>, vector<16xf32>
          %select_n3A_865 = arith.select %gt3A_843, %add3A_842, %select_n3A_841 : vector<16xi1>, vector<16xi32>
          %add3A_866 = arith.addi %broadcast_in_dim3A_559, %select_n3A_785 : vector<16xi32>
          %gt3A_867 = arith.cmpf ogt, %select_n3A_793, %select_n3A_864 : vector<16xf32>
          %gt3A_868 = arith.cmpf ogt, %select_n3A_793, %select_n3A_861 : vector<16xf32>
          %gt3A_869 = arith.cmpf ogt, %select_n3A_793, %select_n3A_857 : vector<16xf32>
          %gt3A_870 = arith.cmpf ogt, %select_n3A_793, %select_n3A_853 : vector<16xf32>
          %gt3A_871 = arith.cmpf ogt, %select_n3A_793, %select_n3A_849 : vector<16xf32>
          %select_n3A_872 = arith.select %gt3A_870, %select_n3A_853, %select_n3A_793 : vector<16xi1>, vector<16xf32>
          %select_n3A_873 = arith.select %gt3A_871, %select_n3A_872, %select_n3A_849 : vector<16xi1>, vector<16xf32>
          %select_n3A_874 = arith.select %gt3A_870, %select_n3A_855, %add3A_866 : vector<16xi1>, vector<16xi32>
          %select_n3A_875 = arith.select %gt3A_871, %select_n3A_874, %select_n3A_851 : vector<16xi1>, vector<16xi32>
          %select_n3A_876 = arith.select %gt3A_869, %select_n3A_857, %select_n3A_793 : vector<16xi1>, vector<16xf32>
          %select_n3A_877 = arith.select %gt3A_870, %select_n3A_876, %select_n3A_853 : vector<16xi1>, vector<16xf32>
          %select_n3A_878 = arith.select %gt3A_869, %select_n3A_859, %add3A_866 : vector<16xi1>, vector<16xi32>
          %select_n3A_879 = arith.select %gt3A_870, %select_n3A_878, %select_n3A_855 : vector<16xi1>, vector<16xi32>
          %select_n3A_880 = arith.select %gt3A_868, %select_n3A_861, %select_n3A_793 : vector<16xi1>, vector<16xf32>
          %select_n3A_881 = arith.select %gt3A_869, %select_n3A_880, %select_n3A_857 : vector<16xi1>, vector<16xf32>
          %select_n3A_882 = arith.select %gt3A_868, %select_n3A_863, %add3A_866 : vector<16xi1>, vector<16xi32>
          %select_n3A_883 = arith.select %gt3A_869, %select_n3A_882, %select_n3A_859 : vector<16xi1>, vector<16xi32>
          %select_n3A_884 = arith.select %gt3A_867, %select_n3A_864, %select_n3A_793 : vector<16xi1>, vector<16xf32>
          %select_n3A_885 = arith.select %gt3A_868, %select_n3A_884, %select_n3A_861 : vector<16xi1>, vector<16xf32>
          %select_n3A_886 = arith.select %gt3A_867, %select_n3A_865, %add3A_866 : vector<16xi1>, vector<16xi32>
          %select_n3A_887 = arith.select %gt3A_868, %select_n3A_886, %select_n3A_863 : vector<16xi1>, vector<16xi32>
          %select_n3A_888 = arith.select %gt3A_867, %select_n3A_793, %select_n3A_864 : vector<16xi1>, vector<16xf32>
          %select_n3A_889 = arith.select %gt3A_867, %add3A_866, %select_n3A_865 : vector<16xi1>, vector<16xi32>
          scf.yield %select_n3A_888, %select_n3A_885, %select_n3A_881, %select_n3A_877, %select_n3A_873, %select_n3A_889, %select_n3A_887, %select_n3A_883, %select_n3A_879, %select_n3A_875 : vector<16xf32>, vector<16xf32>, vector<16xf32>, vector<16xf32>, vector<16xf32>, vector<16xi32>, vector<16xi32>, vector<16xi32>, vector<16xi32>, vector<16xi32>
        }
        %swap3A_658 = arith.constant 0 : i32
        %swap3A_659 = arith.index_cast %swap3A_658 : i32 to index
        %swap3A_660 = arith.index_cast %multiple_of3A : i32 to index
        %swap3A_661 = tpu.vector_load %arg18[%swap3A_659, %swap3A_660] {strides = array<i32>} : memref<5x128xf32, #tpu.memory_space<vmem>>, vector<16xf32>,
        tpu.vector_store %arg18[%swap3A_659, %swap3A_660], %while3A_657#0 {strides = array<i32>} : memref<5x128xf32, #tpu.memory_space<vmem>>, vector<16xf32>,
        %swap3A_662 = arith.constant 0 : i32
        %swap3A_663 = arith.index_cast %swap3A_662 : i32 to index
        %swap3A_664 = arith.index_cast %multiple_of3A : i32 to index
        %swap3A_665 = tpu.vector_load %arg19[%swap3A_663, %swap3A_664] {strides = array<i32>} : memref<5x128xi32, #tpu.memory_space<vmem>>, vector<16xi32>,
        tpu.vector_store %arg19[%swap3A_663, %swap3A_664], %while3A_657#5 {strides = array<i32>} : memref<5x128xi32, #tpu.memory_space<vmem>>, vector<16xi32>,
        %swap3A_666 = arith.constant 1 : i32
        %swap3A_667 = arith.index_cast %swap3A_666 : i32 to index
        %swap3A_668 = arith.index_cast %multiple_of3A : i32 to index
        %swap3A_669 = tpu.vector_load %arg18[%swap3A_667, %swap3A_668] {strides = array<i32>} : memref<5x128xf32, #tpu.memory_space<vmem>>, vector<16xf32>,
        tpu.vector_store %arg18[%swap3A_667, %swap3A_668], %while3A_657#1 {strides = array<i32>} : memref<5x128xf32, #tpu.memory_space<vmem>>, vector<16xf32>,
        %swap3A_670 = arith.constant 1 : i32
        %swap3A_671 = arith.index_cast %swap3A_670 : i32 to index
        %swap3A_672 = arith.index_cast %multiple_of3A : i32 to index
        %swap3A_673 = tpu.vector_load %arg19[%swap3A_671, %swap3A_672] {strides = array<i32>} : memref<5x128xi32, #tpu.memory_space<vmem>>, vector<16xi32>,
        tpu.vector_store %arg19[%swap3A_671, %swap3A_672], %while3A_657#6 {strides = array<i32>} : memref<5x128xi32, #tpu.memory_space<vmem>>, vector<16xi32>,
        %swap3A_674 = arith.constant 2 : i32
        %swap3A_675 = arith.index_cast %swap3A_674 : i32 to index
        %swap3A_676 = arith.index_cast %multiple_of3A : i32 to index
        %swap3A_677 = tpu.vector_load %arg18[%swap3A_675, %swap3A_676] {strides = array<i32>} : memref<5x128xf32, #tpu.memory_space<vmem>>, vector<16xf32>,
        tpu.vector_store %arg18[%swap3A_675, %swap3A_676], %while3A_657#2 {strides = array<i32>} : memref<5x128xf32, #tpu.memory_space<vmem>>, vector<16xf32>,
        %swap3A_678 = arith.constant 2 : i32
        %swap3A_679 = arith.index_cast %swap3A_678 : i32 to index
        %swap3A_680 = arith.index_cast %multiple_of3A : i32 to index
        %swap3A_681 = tpu.vector_load %arg19[%swap3A_679, %swap3A_680] {strides = array<i32>} : memref<5x128xi32, #tpu.memory_space<vmem>>, vector<16xi32>,
        tpu.vector_store %arg19[%swap3A_679, %swap3A_680], %while3A_657#7 {strides = array<i32>} : memref<5x128xi32, #tpu.memory_space<vmem>>, vector<16xi32>,
        %swap3A_682 = arith.constant 3 : i32
        %swap3A_683 = arith.index_cast %swap3A_682 : i32 to index
        %swap3A_684 = arith.index_cast %multiple_of3A : i32 to index
        %swap3A_685 = tpu.vector_load %arg18[%swap3A_683, %swap3A_684] {strides = array<i32>} : memref<5x128xf32, #tpu.memory_space<vmem>>, vector<16xf32>,
        tpu.vector_store %arg18[%swap3A_683, %swap3A_684], %while3A_657#3 {strides = array<i32>} : memref<5x128xf32, #tpu.memory_space<vmem>>, vector<16xf32>,
        %swap3A_686 = arith.constant 3 : i32
        %swap3A_687 = arith.index_cast %swap3A_686 : i32 to index
        %swap3A_688 = arith.index_cast %multiple_of3A : i32 to index
        %swap3A_689 = tpu.vector_load %arg19[%swap3A_687, %swap3A_688] {strides = array<i32>} : memref<5x128xi32, #tpu.memory_space<vmem>>, vector<16xi32>,
        tpu.vector_store %arg19[%swap3A_687, %swap3A_688], %while3A_657#8 {strides = array<i32>} : memref<5x128xi32, #tpu.memory_space<vmem>>, vector<16xi32>,
        %swap3A_690 = arith.constant 4 : i32
        %swap3A_691 = arith.index_cast %swap3A_690 : i32 to index
        %swap3A_692 = arith.index_cast %multiple_of3A : i32 to index
        %swap3A_693 = tpu.vector_load %arg18[%swap3A_691, %swap3A_692] {strides = array<i32>} : memref<5x128xf32, #tpu.memory_space<vmem>>, vector<16xf32>,
        tpu.vector_store %arg18[%swap3A_691, %swap3A_692], %while3A_657#4 {strides = array<i32>} : memref<5x128xf32, #tpu.memory_space<vmem>>, vector<16xf32>,
        %swap3A_694 = arith.constant 4 : i32
        %swap3A_695 = arith.index_cast %swap3A_694 : i32 to index
        %swap3A_696 = arith.index_cast %multiple_of3A : i32 to index
        %swap3A_697 = tpu.vector_load %arg19[%swap3A_695, %swap3A_696] {strides = array<i32>} : memref<5x128xi32, #tpu.memory_space<vmem>>, vector<16xi32>,
        tpu.vector_store %arg19[%swap3A_695, %swap3A_696], %while3A_657#9 {strides = array<i32>} : memref<5x128xi32, #tpu.memory_space<vmem>>, vector<16xi32>,
        %swap3A_698 = arith.index_cast %multiple_of3A : i32 to index
        %swap3A_699 = tpu.vector_load %arg20[%swap3A_698] {strides = array<i32>} : memref<128xf32, #tpu.memory_space<vmem>>, vector<16xf32>,
        tpu.vector_store %arg20[%swap3A_698], %while3A_657#4 {strides = array<i32>} : memref<128xf32, #tpu.memory_space<vmem>>, vector<16xf32>,
        %swap3A_700 = arith.index_cast %multiple_of3A : i32 to index
        %swap3A_701 = tpu.vector_load %arg21[%swap3A_700] {strides = array<i32>} : memref<128xi32, #tpu.memory_space<vmem>>, vector<16xi32>,
        tpu.vector_store %arg21[%swap3A_700], %broadcast_in_dim3A_3 {strides = array<i32>} : memref<128xi32, #tpu.memory_space<vmem>>, vector<16xi32>,
        %eq3A_702 = arith.constant 3 : i32
        %eq3A_703 = arith.cmpi eq, %select_n3A_406, %eq3A_702 : i32
        %convert_element_type3A_704 = arith.extui %eq3A_703 : i1 to i32
        %cond3A_705 = arith.constant 0 : i32
        %cond3A_706 = arith.cmpi ne, %convert_element_type3A_704, %cond3A_705 : i32
        scf.if %cond3A_706 {
          %get3A_708 = arith.constant 0 : i32
          %get3A_709 = arith.index_cast %get3A_708 : i32 to index
          %get3A_710 = arith.index_cast %multiple_of3A : i32 to index
          %get3A_711 = tpu.vector_load %arg18[%get3A_709, %get3A_710] {strides = array<i32>} : memref<5x128xf32, #tpu.memory_space<vmem>>, vector<16xf32>,
          %get3A_712 = arith.constant 1 : i32
          %get3A_713 = arith.index_cast %get3A_712 : i32 to index
          %get3A_714 = arith.index_cast %multiple_of3A : i32 to index
          %get3A_715 = tpu.vector_load %arg18[%get3A_713, %get3A_714] {strides = array<i32>} : memref<5x128xf32, #tpu.memory_space<vmem>>, vector<16xf32>,
          %get3A_716 = arith.constant 2 : i32
          %get3A_717 = arith.index_cast %get3A_716 : i32 to index
          %get3A_718 = arith.index_cast %multiple_of3A : i32 to index
          %get3A_719 = tpu.vector_load %arg18[%get3A_717, %get3A_718] {strides = array<i32>} : memref<5x128xf32, #tpu.memory_space<vmem>>, vector<16xf32>,
          %get3A_720 = arith.constant 3 : i32
          %get3A_721 = arith.index_cast %get3A_720 : i32 to index
          %get3A_722 = arith.index_cast %multiple_of3A : i32 to index
          %get3A_723 = tpu.vector_load %arg18[%get3A_721, %get3A_722] {strides = array<i32>} : memref<5x128xf32, #tpu.memory_space<vmem>>, vector<16xf32>,
          %get3A_724 = arith.constant 4 : i32
          %get3A_725 = arith.index_cast %get3A_724 : i32 to index
          %get3A_726 = arith.index_cast %multiple_of3A : i32 to index
          %get3A_727 = tpu.vector_load %arg18[%get3A_725, %get3A_726] {strides = array<i32>} : memref<5x128xf32, #tpu.memory_space<vmem>>, vector<16xf32>,
          %get3A_728 = arith.constant 0 : i32
          %get3A_729 = arith.index_cast %get3A_728 : i32 to index
          %get3A_730 = arith.index_cast %multiple_of3A : i32 to index
          %get3A_731 = tpu.vector_load %arg19[%get3A_729, %get3A_730] {strides = array<i32>} : memref<5x128xi32, #tpu.memory_space<vmem>>, vector<16xi32>,
          %get3A_732 = arith.constant 1 : i32
          %get3A_733 = arith.index_cast %get3A_732 : i32 to index
          %get3A_734 = arith.index_cast %multiple_of3A : i32 to index
          %get3A_735 = tpu.vector_load %arg19[%get3A_733, %get3A_734] {strides = array<i32>} : memref<5x128xi32, #tpu.memory_space<vmem>>, vector<16xi32>,
          %get3A_736 = arith.constant 2 : i32
          %get3A_737 = arith.index_cast %get3A_736 : i32 to index
          %get3A_738 = arith.index_cast %multiple_of3A : i32 to index
          %get3A_739 = tpu.vector_load %arg19[%get3A_737, %get3A_738] {strides = array<i32>} : memref<5x128xi32, #tpu.memory_space<vmem>>, vector<16xi32>,
          %get3A_740 = arith.constant 3 : i32
          %get3A_741 = arith.index_cast %get3A_740 : i32 to index
          %get3A_742 = arith.index_cast %multiple_of3A : i32 to index
          %get3A_743 = tpu.vector_load %arg19[%get3A_741, %get3A_742] {strides = array<i32>} : memref<5x128xi32, #tpu.memory_space<vmem>>, vector<16xi32>,
          %get3A_744 = arith.constant 4 : i32
          %get3A_745 = arith.index_cast %get3A_744 : i32 to index
          %get3A_746 = arith.index_cast %multiple_of3A : i32 to index
          %get3A_747 = tpu.vector_load %arg19[%get3A_745, %get3A_746] {strides = array<i32>} : memref<5x128xi32, #tpu.memory_space<vmem>>, vector<16xi32>,
          %select_n3A_748 = arith.select %gt3A_181, %get3A_711, %broadcast_in_dim3A_1 : vector<16xi1>, vector<16xf32>
          %mul3A_749 = arith.constant 16 : i32
          %mul3A_750 = arith.muli %scan3A_549, %mul3A_749 : i32
          %multiple_of3A_751 = tpu.assume_multiple %mul3A_750, 16 : i32
          %swap3A_752 = arith.constant 0 : i32
          %swap3A_753 = arith.index_cast %swap3A_752 : i32 to index
          %swap3A_754 = arith.index_cast %multiple_of3A_751 : i32 to index
          %swap3A_755 = tpu.vector_load %arg22[%swap3A_753, %swap3A_754] {strides = array<i32>} : memref<5x128xf32, #tpu.memory_space<vmem>>, vector<16xf32>,
          tpu.vector_store %arg22[%swap3A_753, %swap3A_754], %select_n3A_748 {strides = array<i32>} : memref<5x128xf32, #tpu.memory_space<vmem>>, vector<16xf32>,
          %select_n3A_756 = arith.select %gt3A_181, %get3A_731, %broadcast_in_dim3A_3 : vector<16xi1>, vector<16xi32>
          %mul3A_757 = arith.constant 16 : i32
          %mul3A_758 = arith.muli %scan3A_549, %mul3A_757 : i32
          %multiple_of3A_759 = tpu.assume_multiple %mul3A_758, 16 : i32
          %swap3A_760 = arith.constant 0 : i32
          %swap3A_761 = arith.index_cast %swap3A_760 : i32 to index
          %swap3A_762 = arith.index_cast %multiple_of3A_759 : i32 to index
          %swap3A_763 = tpu.vector_load %arg23[%swap3A_761, %swap3A_762] {strides = array<i32>} : memref<5x128xi32, #tpu.memory_space<vmem>>, vector<16xi32>,
          tpu.vector_store %arg23[%swap3A_761, %swap3A_762], %select_n3A_756 {strides = array<i32>} : memref<5x128xi32, #tpu.memory_space<vmem>>, vector<16xi32>,
          %select_n3A_764 = arith.select %gt3A_185, %get3A_715, %broadcast_in_dim3A_1 : vector<16xi1>, vector<16xf32>
          %mul3A_765 = arith.constant 16 : i32
          %mul3A_766 = arith.muli %scan3A_549, %mul3A_765 : i32
          %multiple_of3A_767 = tpu.assume_multiple %mul3A_766, 16 : i32
          %swap3A_768 = arith.constant 1 : i32
          %swap3A_769 = arith.index_cast %swap3A_768 : i32 to index
          %swap3A_770 = arith.index_cast %multiple_of3A_767 : i32 to index
          %swap3A_771 = tpu.vector_load %arg22[%swap3A_769, %swap3A_770] {strides = array<i32>} : memref<5x128xf32, #tpu.memory_space<vmem>>, vector<16xf32>,
          tpu.vector_store %arg22[%swap3A_769, %swap3A_770], %select_n3A_764 {strides = array<i32>} : memref<5x128xf32, #tpu.memory_space<vmem>>, vector<16xf32>,
          %select_n3A_772 = arith.select %gt3A_185, %get3A_735, %broadcast_in_dim3A_3 : vector<16xi1>, vector<16xi32>
          %mul3A_773 = arith.constant 16 : i32
          %mul3A_774 = arith.muli %scan3A_549, %mul3A_773 : i32
          %multiple_of3A_775 = tpu.assume_multiple %mul3A_774, 16 : i32
          %swap3A_776 = arith.constant 1 : i32
          %swap3A_777 = arith.index_cast %swap3A_776 : i32 to index
          %swap3A_778 = arith.index_cast %multiple_of3A_775 : i32 to index
          %swap3A_779 = tpu.vector_load %arg23[%swap3A_777, %swap3A_778] {strides = array<i32>} : memref<5x128xi32, #tpu.memory_space<vmem>>, vector<16xi32>,
          tpu.vector_store %arg23[%swap3A_777, %swap3A_778], %select_n3A_772 {strides = array<i32>} : memref<5x128xi32, #tpu.memory_space<vmem>>, vector<16xi32>,
          %select_n3A_780 = arith.select %gt3A_189, %get3A_719, %broadcast_in_dim3A_1 : vector<16xi1>, vector<16xf32>
          %mul3A_781 = arith.constant 16 : i32
          %mul3A_782 = arith.muli %scan3A_549, %mul3A_781 : i32
          %multiple_of3A_783 = tpu.assume_multiple %mul3A_782, 16 : i32
          %swap3A_784 = arith.constant 2 : i32
          %swap3A_785 = arith.index_cast %swap3A_784 : i32 to index
          %swap3A_786 = arith.index_cast %multiple_of3A_783 : i32 to index
          %swap3A_787 = tpu.vector_load %arg22[%swap3A_785, %swap3A_786] {strides = array<i32>} : memref<5x128xf32, #tpu.memory_space<vmem>>, vector<16xf32>,
          tpu.vector_store %arg22[%swap3A_785, %swap3A_786], %select_n3A_780 {strides = array<i32>} : memref<5x128xf32, #tpu.memory_space<vmem>>, vector<16xf32>,
          %select_n3A_788 = arith.select %gt3A_189, %get3A_739, %broadcast_in_dim3A_3 : vector<16xi1>, vector<16xi32>
          %mul3A_789 = arith.constant 16 : i32
          %mul3A_790 = arith.muli %scan3A_549, %mul3A_789 : i32
          %multiple_of3A_791 = tpu.assume_multiple %mul3A_790, 16 : i32
          %swap3A_792 = arith.constant 2 : i32
          %swap3A_793 = arith.index_cast %swap3A_792 : i32 to index
          %swap3A_794 = arith.index_cast %multiple_of3A_791 : i32 to index
          %swap3A_795 = tpu.vector_load %arg23[%swap3A_793, %swap3A_794] {strides = array<i32>} : memref<5x128xi32, #tpu.memory_space<vmem>>, vector<16xi32>,
          tpu.vector_store %arg23[%swap3A_793, %swap3A_794], %select_n3A_788 {strides = array<i32>} : memref<5x128xi32, #tpu.memory_space<vmem>>, vector<16xi32>,
          %select_n3A_796 = arith.select %gt3A_193, %get3A_723, %broadcast_in_dim3A_1 : vector<16xi1>, vector<16xf32>
          %mul3A_797 = arith.constant 16 : i32
          %mul3A_798 = arith.muli %scan3A_549, %mul3A_797 : i32
          %multiple_of3A_799 = tpu.assume_multiple %mul3A_798, 16 : i32
          %swap3A_800 = arith.constant 3 : i32
          %swap3A_801 = arith.index_cast %swap3A_800 : i32 to index
          %swap3A_802 = arith.index_cast %multiple_of3A_799 : i32 to index
          %swap3A_803 = tpu.vector_load %arg22[%swap3A_801, %swap3A_802] {strides = array<i32>} : memref<5x128xf32, #tpu.memory_space<vmem>>, vector<16xf32>,
          tpu.vector_store %arg22[%swap3A_801, %swap3A_802], %select_n3A_796 {strides = array<i32>} : memref<5x128xf32, #tpu.memory_space<vmem>>, vector<16xf32>,
          %select_n3A_804 = arith.select %gt3A_193, %get3A_743, %broadcast_in_dim3A_3 : vector<16xi1>, vector<16xi32>
          %mul3A_805 = arith.constant 16 : i32
          %mul3A_806 = arith.muli %scan3A_549, %mul3A_805 : i32
          %multiple_of3A_807 = tpu.assume_multiple %mul3A_806, 16 : i32
          %swap3A_808 = arith.constant 3 : i32
          %swap3A_809 = arith.index_cast %swap3A_808 : i32 to index
          %swap3A_810 = arith.index_cast %multiple_of3A_807 : i32 to index
          %swap3A_811 = tpu.vector_load %arg23[%swap3A_809, %swap3A_810] {strides = array<i32>} : memref<5x128xi32, #tpu.memory_space<vmem>>, vector<16xi32>,
          tpu.vector_store %arg23[%swap3A_809, %swap3A_810], %select_n3A_804 {strides = array<i32>} : memref<5x128xi32, #tpu.memory_space<vmem>>, vector<16xi32>,
          %select_n3A_812 = arith.select %gt3A_197, %get3A_727, %broadcast_in_dim3A_1 : vector<16xi1>, vector<16xf32>
          %mul3A_813 = arith.constant 16 : i32
          %mul3A_814 = arith.muli %scan3A_549, %mul3A_813 : i32
          %multiple_of3A_815 = tpu.assume_multiple %mul3A_814, 16 : i32
          %swap3A_816 = arith.constant 4 : i32
          %swap3A_817 = arith.index_cast %swap3A_816 : i32 to index
          %swap3A_818 = arith.index_cast %multiple_of3A_815 : i32 to index
          %swap3A_819 = tpu.vector_load %arg22[%swap3A_817, %swap3A_818] {strides = array<i32>} : memref<5x128xf32, #tpu.memory_space<vmem>>, vector<16xf32>,
          tpu.vector_store %arg22[%swap3A_817, %swap3A_818], %select_n3A_812 {strides = array<i32>} : memref<5x128xf32, #tpu.memory_space<vmem>>, vector<16xf32>,
          %select_n3A_820 = arith.select %gt3A_197, %get3A_747, %broadcast_in_dim3A_3 : vector<16xi1>, vector<16xi32>
          %mul3A_821 = arith.constant 16 : i32
          %mul3A_822 = arith.muli %scan3A_549, %mul3A_821 : i32
          %multiple_of3A_823 = tpu.assume_multiple %mul3A_822, 16 : i32
          %swap3A_824 = arith.constant 4 : i32
          %swap3A_825 = arith.index_cast %swap3A_824 : i32 to index
          %swap3A_826 = arith.index_cast %multiple_of3A_823 : i32 to index
          %swap3A_827 = tpu.vector_load %arg23[%swap3A_825, %swap3A_826] {strides = array<i32>} : memref<5x128xi32, #tpu.memory_space<vmem>>, vector<16xi32>,
          tpu.vector_store %arg23[%swap3A_825, %swap3A_826], %select_n3A_820 {strides = array<i32>} : memref<5x128xi32, #tpu.memory_space<vmem>>, vector<16xi32>,
          %select_n3A_828 = arith.select %gt3A_201, %get3A_711, %broadcast_in_dim3A_1 : vector<16xi1>, vector<16xf32>
          %mul3A_829 = arith.constant 16 : i32
          %mul3A_830 = arith.muli %scan3A_549, %mul3A_829 : i32
          %multiple_of3A_831 = tpu.assume_multiple %mul3A_830, 16 : i32
          %swap3A_832 = arith.constant 0 : i32
          %swap3A_833 = arith.index_cast %swap3A_832 : i32 to index
          %swap3A_834 = arith.index_cast %multiple_of3A_831 : i32 to index
          %swap3A_835 = tpu.vector_load %arg24[%swap3A_833, %swap3A_834] {strides = array<i32>} : memref<5x128xf32, #tpu.memory_space<vmem>>, vector<16xf32>,
          tpu.vector_store %arg24[%swap3A_833, %swap3A_834], %select_n3A_828 {strides = array<i32>} : memref<5x128xf32, #tpu.memory_space<vmem>>, vector<16xf32>,
          %select_n3A_836 = arith.select %gt3A_201, %get3A_731, %broadcast_in_dim3A_3 : vector<16xi1>, vector<16xi32>
          %mul3A_837 = arith.constant 16 : i32
          %mul3A_838 = arith.muli %scan3A_549, %mul3A_837 : i32
          %multiple_of3A_839 = tpu.assume_multiple %mul3A_838, 16 : i32
          %swap3A_840 = arith.constant 0 : i32
          %swap3A_841 = arith.index_cast %swap3A_840 : i32 to index
          %swap3A_842 = arith.index_cast %multiple_of3A_839 : i32 to index
          %swap3A_843 = tpu.vector_load %arg25[%swap3A_841, %swap3A_842] {strides = array<i32>} : memref<5x128xi32, #tpu.memory_space<vmem>>, vector<16xi32>,
          tpu.vector_store %arg25[%swap3A_841, %swap3A_842], %select_n3A_836 {strides = array<i32>} : memref<5x128xi32, #tpu.memory_space<vmem>>, vector<16xi32>,
          %select_n3A_844 = arith.select %gt3A_205, %get3A_715, %broadcast_in_dim3A_1 : vector<16xi1>, vector<16xf32>
          %mul3A_845 = arith.constant 16 : i32
          %mul3A_846 = arith.muli %scan3A_549, %mul3A_845 : i32
          %multiple_of3A_847 = tpu.assume_multiple %mul3A_846, 16 : i32
          %swap3A_848 = arith.constant 1 : i32
          %swap3A_849 = arith.index_cast %swap3A_848 : i32 to index
          %swap3A_850 = arith.index_cast %multiple_of3A_847 : i32 to index
          %swap3A_851 = tpu.vector_load %arg24[%swap3A_849, %swap3A_850] {strides = array<i32>} : memref<5x128xf32, #tpu.memory_space<vmem>>, vector<16xf32>,
          tpu.vector_store %arg24[%swap3A_849, %swap3A_850], %select_n3A_844 {strides = array<i32>} : memref<5x128xf32, #tpu.memory_space<vmem>>, vector<16xf32>,
          %select_n3A_852 = arith.select %gt3A_205, %get3A_735, %broadcast_in_dim3A_3 : vector<16xi1>, vector<16xi32>
          %mul3A_853 = arith.constant 16 : i32
          %mul3A_854 = arith.muli %scan3A_549, %mul3A_853 : i32
          %multiple_of3A_855 = tpu.assume_multiple %mul3A_854, 16 : i32
          %swap3A_856 = arith.constant 1 : i32
          %swap3A_857 = arith.index_cast %swap3A_856 : i32 to index
          %swap3A_858 = arith.index_cast %multiple_of3A_855 : i32 to index
          %swap3A_859 = tpu.vector_load %arg25[%swap3A_857, %swap3A_858] {strides = array<i32>} : memref<5x128xi32, #tpu.memory_space<vmem>>, vector<16xi32>,
          tpu.vector_store %arg25[%swap3A_857, %swap3A_858], %select_n3A_852 {strides = array<i32>} : memref<5x128xi32, #tpu.memory_space<vmem>>, vector<16xi32>,
          %select_n3A_860 = arith.select %gt3A_209, %get3A_719, %broadcast_in_dim3A_1 : vector<16xi1>, vector<16xf32>
          %mul3A_861 = arith.constant 16 : i32
          %mul3A_862 = arith.muli %scan3A_549, %mul3A_861 : i32
          %multiple_of3A_863 = tpu.assume_multiple %mul3A_862, 16 : i32
          %swap3A_864 = arith.constant 2 : i32
          %swap3A_865 = arith.index_cast %swap3A_864 : i32 to index
          %swap3A_866 = arith.index_cast %multiple_of3A_863 : i32 to index
          %swap3A_867 = tpu.vector_load %arg24[%swap3A_865, %swap3A_866] {strides = array<i32>} : memref<5x128xf32, #tpu.memory_space<vmem>>, vector<16xf32>,
          tpu.vector_store %arg24[%swap3A_865, %swap3A_866], %select_n3A_860 {strides = array<i32>} : memref<5x128xf32, #tpu.memory_space<vmem>>, vector<16xf32>,
          %select_n3A_868 = arith.select %gt3A_209, %get3A_739, %broadcast_in_dim3A_3 : vector<16xi1>, vector<16xi32>
          %mul3A_869 = arith.constant 16 : i32
          %mul3A_870 = arith.muli %scan3A_549, %mul3A_869 : i32
          %multiple_of3A_871 = tpu.assume_multiple %mul3A_870, 16 : i32
          %swap3A_872 = arith.constant 2 : i32
          %swap3A_873 = arith.index_cast %swap3A_872 : i32 to index
          %swap3A_874 = arith.index_cast %multiple_of3A_871 : i32 to index
          %swap3A_875 = tpu.vector_load %arg25[%swap3A_873, %swap3A_874] {strides = array<i32>} : memref<5x128xi32, #tpu.memory_space<vmem>>, vector<16xi32>,
          tpu.vector_store %arg25[%swap3A_873, %swap3A_874], %select_n3A_868 {strides = array<i32>} : memref<5x128xi32, #tpu.memory_space<vmem>>, vector<16xi32>,
          %select_n3A_876 = arith.select %gt3A_213, %get3A_723, %broadcast_in_dim3A_1 : vector<16xi1>, vector<16xf32>
          %mul3A_877 = arith.constant 16 : i32
          %mul3A_878 = arith.muli %scan3A_549, %mul3A_877 : i32
          %multiple_of3A_879 = tpu.assume_multiple %mul3A_878, 16 : i32
          %swap3A_880 = arith.constant 3 : i32
          %swap3A_881 = arith.index_cast %swap3A_880 : i32 to index
          %swap3A_882 = arith.index_cast %multiple_of3A_879 : i32 to index
          %swap3A_883 = tpu.vector_load %arg24[%swap3A_881, %swap3A_882] {strides = array<i32>} : memref<5x128xf32, #tpu.memory_space<vmem>>, vector<16xf32>,
          tpu.vector_store %arg24[%swap3A_881, %swap3A_882], %select_n3A_876 {strides = array<i32>} : memref<5x128xf32, #tpu.memory_space<vmem>>, vector<16xf32>,
          %select_n3A_884 = arith.select %gt3A_213, %get3A_743, %broadcast_in_dim3A_3 : vector<16xi1>, vector<16xi32>
          %mul3A_885 = arith.constant 16 : i32
          %mul3A_886 = arith.muli %scan3A_549, %mul3A_885 : i32
          %multiple_of3A_887 = tpu.assume_multiple %mul3A_886, 16 : i32
          %swap3A_888 = arith.constant 3 : i32
          %swap3A_889 = arith.index_cast %swap3A_888 : i32 to index
          %swap3A_890 = arith.index_cast %multiple_of3A_887 : i32 to index
          %swap3A_891 = tpu.vector_load %arg25[%swap3A_889, %swap3A_890] {strides = array<i32>} : memref<5x128xi32, #tpu.memory_space<vmem>>, vector<16xi32>,
          tpu.vector_store %arg25[%swap3A_889, %swap3A_890], %select_n3A_884 {strides = array<i32>} : memref<5x128xi32, #tpu.memory_space<vmem>>, vector<16xi32>,
          %select_n3A_892 = arith.select %gt3A_217, %get3A_727, %broadcast_in_dim3A_1 : vector<16xi1>, vector<16xf32>
          %mul3A_893 = arith.constant 16 : i32
          %mul3A_894 = arith.muli %scan3A_549, %mul3A_893 : i32
          %multiple_of3A_895 = tpu.assume_multiple %mul3A_894, 16 : i32
          %swap3A_896 = arith.constant 4 : i32
          %swap3A_897 = arith.index_cast %swap3A_896 : i32 to index
          %swap3A_898 = arith.index_cast %multiple_of3A_895 : i32 to index
          %swap3A_899 = tpu.vector_load %arg24[%swap3A_897, %swap3A_898] {strides = array<i32>} : memref<5x128xf32, #tpu.memory_space<vmem>>, vector<16xf32>,
          tpu.vector_store %arg24[%swap3A_897, %swap3A_898], %select_n3A_892 {strides = array<i32>} : memref<5x128xf32, #tpu.memory_space<vmem>>, vector<16xf32>,
          %select_n3A_900 = arith.select %gt3A_217, %get3A_747, %broadcast_in_dim3A_3 : vector<16xi1>, vector<16xi32>
          %mul3A_901 = arith.constant 16 : i32
          %mul3A_902 = arith.muli %scan3A_549, %mul3A_901 : i32
          %multiple_of3A_903 = tpu.assume_multiple %mul3A_902, 16 : i32
          %swap3A_904 = arith.constant 4 : i32
          %swap3A_905 = arith.index_cast %swap3A_904 : i32 to index
          %swap3A_906 = arith.index_cast %multiple_of3A_903 : i32 to index
          %swap3A_907 = tpu.vector_load %arg25[%swap3A_905, %swap3A_906] {strides = array<i32>} : memref<5x128xi32, #tpu.memory_space<vmem>>, vector<16xi32>,
          tpu.vector_store %arg25[%swap3A_905, %swap3A_906], %select_n3A_900 {strides = array<i32>} : memref<5x128xi32, #tpu.memory_space<vmem>>, vector<16xi32>,
          %select_n3A_908 = arith.select %gt3A_221, %get3A_711, %broadcast_in_dim3A_1 : vector<16xi1>, vector<16xf32>
          %mul3A_909 = arith.constant 16 : i32
          %mul3A_910 = arith.muli %scan3A_549, %mul3A_909 : i32
          %multiple_of3A_911 = tpu.assume_multiple %mul3A_910, 16 : i32
          %swap3A_912 = arith.constant 0 : i32
          %swap3A_913 = arith.index_cast %swap3A_912 : i32 to index
          %swap3A_914 = arith.index_cast %multiple_of3A_911 : i32 to index
          %swap3A_915 = tpu.vector_load %arg26[%swap3A_913, %swap3A_914] {strides = array<i32>} : memref<5x128xf32, #tpu.memory_space<vmem>>, vector<16xf32>,
          tpu.vector_store %arg26[%swap3A_913, %swap3A_914], %select_n3A_908 {strides = array<i32>} : memref<5x128xf32, #tpu.memory_space<vmem>>, vector<16xf32>,
          %select_n3A_916 = arith.select %gt3A_221, %get3A_731, %broadcast_in_dim3A_3 : vector<16xi1>, vector<16xi32>
          %mul3A_917 = arith.constant 16 : i32
          %mul3A_918 = arith.muli %scan3A_549, %mul3A_917 : i32
          %multiple_of3A_919 = tpu.assume_multiple %mul3A_918, 16 : i32
          %swap3A_920 = arith.constant 0 : i32
          %swap3A_921 = arith.index_cast %swap3A_920 : i32 to index
          %swap3A_922 = arith.index_cast %multiple_of3A_919 : i32 to index
          %swap3A_923 = tpu.vector_load %arg27[%swap3A_921, %swap3A_922] {strides = array<i32>} : memref<5x128xi32, #tpu.memory_space<vmem>>, vector<16xi32>,
          tpu.vector_store %arg27[%swap3A_921, %swap3A_922], %select_n3A_916 {strides = array<i32>} : memref<5x128xi32, #tpu.memory_space<vmem>>, vector<16xi32>,
          %select_n3A_924 = arith.select %gt3A_225, %get3A_715, %broadcast_in_dim3A_1 : vector<16xi1>, vector<16xf32>
          %mul3A_925 = arith.constant 16 : i32
          %mul3A_926 = arith.muli %scan3A_549, %mul3A_925 : i32
          %multiple_of3A_927 = tpu.assume_multiple %mul3A_926, 16 : i32
          %swap3A_928 = arith.constant 1 : i32
          %swap3A_929 = arith.index_cast %swap3A_928 : i32 to index
          %swap3A_930 = arith.index_cast %multiple_of3A_927 : i32 to index
          %swap3A_931 = tpu.vector_load %arg26[%swap3A_929, %swap3A_930] {strides = array<i32>} : memref<5x128xf32, #tpu.memory_space<vmem>>, vector<16xf32>,
          tpu.vector_store %arg26[%swap3A_929, %swap3A_930], %select_n3A_924 {strides = array<i32>} : memref<5x128xf32, #tpu.memory_space<vmem>>, vector<16xf32>,
          %select_n3A_932 = arith.select %gt3A_225, %get3A_735, %broadcast_in_dim3A_3 : vector<16xi1>, vector<16xi32>
          %mul3A_933 = arith.constant 16 : i32
          %mul3A_934 = arith.muli %scan3A_549, %mul3A_933 : i32
          %multiple_of3A_935 = tpu.assume_multiple %mul3A_934, 16 : i32
          %swap3A_936 = arith.constant 1 : i32
          %swap3A_937 = arith.index_cast %swap3A_936 : i32 to index
          %swap3A_938 = arith.index_cast %multiple_of3A_935 : i32 to index
          %swap3A_939 = tpu.vector_load %arg27[%swap3A_937, %swap3A_938] {strides = array<i32>} : memref<5x128xi32, #tpu.memory_space<vmem>>, vector<16xi32>,
          tpu.vector_store %arg27[%swap3A_937, %swap3A_938], %select_n3A_932 {strides = array<i32>} : memref<5x128xi32, #tpu.memory_space<vmem>>, vector<16xi32>,
          %select_n3A_940 = arith.select %gt3A_229, %get3A_719, %broadcast_in_dim3A_1 : vector<16xi1>, vector<16xf32>
          %mul3A_941 = arith.constant 16 : i32
          %mul3A_942 = arith.muli %scan3A_549, %mul3A_941 : i32
          %multiple_of3A_943 = tpu.assume_multiple %mul3A_942, 16 : i32
          %swap3A_944 = arith.constant 2 : i32
          %swap3A_945 = arith.index_cast %swap3A_944 : i32 to index
          %swap3A_946 = arith.index_cast %multiple_of3A_943 : i32 to index
          %swap3A_947 = tpu.vector_load %arg26[%swap3A_945, %swap3A_946] {strides = array<i32>} : memref<5x128xf32, #tpu.memory_space<vmem>>, vector<16xf32>,
          tpu.vector_store %arg26[%swap3A_945, %swap3A_946], %select_n3A_940 {strides = array<i32>} : memref<5x128xf32, #tpu.memory_space<vmem>>, vector<16xf32>,
          %select_n3A_948 = arith.select %gt3A_229, %get3A_739, %broadcast_in_dim3A_3 : vector<16xi1>, vector<16xi32>
          %mul3A_949 = arith.constant 16 : i32
          %mul3A_950 = arith.muli %scan3A_549, %mul3A_949 : i32
          %multiple_of3A_951 = tpu.assume_multiple %mul3A_950, 16 : i32
          %swap3A_952 = arith.constant 2 : i32
          %swap3A_953 = arith.index_cast %swap3A_952 : i32 to index
          %swap3A_954 = arith.index_cast %multiple_of3A_951 : i32 to index
          %swap3A_955 = tpu.vector_load %arg27[%swap3A_953, %swap3A_954] {strides = array<i32>} : memref<5x128xi32, #tpu.memory_space<vmem>>, vector<16xi32>,
          tpu.vector_store %arg27[%swap3A_953, %swap3A_954], %select_n3A_948 {strides = array<i32>} : memref<5x128xi32, #tpu.memory_space<vmem>>, vector<16xi32>,
          %select_n3A_956 = arith.select %gt3A_233, %get3A_723, %broadcast_in_dim3A_1 : vector<16xi1>, vector<16xf32>
          %mul3A_957 = arith.constant 16 : i32
          %mul3A_958 = arith.muli %scan3A_549, %mul3A_957 : i32
          %multiple_of3A_959 = tpu.assume_multiple %mul3A_958, 16 : i32
          %swap3A_960 = arith.constant 3 : i32
          %swap3A_961 = arith.index_cast %swap3A_960 : i32 to index
          %swap3A_962 = arith.index_cast %multiple_of3A_959 : i32 to index
          %swap3A_963 = tpu.vector_load %arg26[%swap3A_961, %swap3A_962] {strides = array<i32>} : memref<5x128xf32, #tpu.memory_space<vmem>>, vector<16xf32>,
          tpu.vector_store %arg26[%swap3A_961, %swap3A_962], %select_n3A_956 {strides = array<i32>} : memref<5x128xf32, #tpu.memory_space<vmem>>, vector<16xf32>,
          %select_n3A_964 = arith.select %gt3A_233, %get3A_743, %broadcast_in_dim3A_3 : vector<16xi1>, vector<16xi32>
          %mul3A_965 = arith.constant 16 : i32
          %mul3A_966 = arith.muli %scan3A_549, %mul3A_965 : i32
          %multiple_of3A_967 = tpu.assume_multiple %mul3A_966, 16 : i32
          %swap3A_968 = arith.constant 3 : i32
          %swap3A_969 = arith.index_cast %swap3A_968 : i32 to index
          %swap3A_970 = arith.index_cast %multiple_of3A_967 : i32 to index
          %swap3A_971 = tpu.vector_load %arg27[%swap3A_969, %swap3A_970] {strides = array<i32>} : memref<5x128xi32, #tpu.memory_space<vmem>>, vector<16xi32>,
          tpu.vector_store %arg27[%swap3A_969, %swap3A_970], %select_n3A_964 {strides = array<i32>} : memref<5x128xi32, #tpu.memory_space<vmem>>, vector<16xi32>,
          %select_n3A_972 = arith.select %gt3A_237, %get3A_727, %broadcast_in_dim3A_1 : vector<16xi1>, vector<16xf32>
          %mul3A_973 = arith.constant 16 : i32
          %mul3A_974 = arith.muli %scan3A_549, %mul3A_973 : i32
          %multiple_of3A_975 = tpu.assume_multiple %mul3A_974, 16 : i32
          %swap3A_976 = arith.constant 4 : i32
          %swap3A_977 = arith.index_cast %swap3A_976 : i32 to index
          %swap3A_978 = arith.index_cast %multiple_of3A_975 : i32 to index
          %swap3A_979 = tpu.vector_load %arg26[%swap3A_977, %swap3A_978] {strides = array<i32>} : memref<5x128xf32, #tpu.memory_space<vmem>>, vector<16xf32>,
          tpu.vector_store %arg26[%swap3A_977, %swap3A_978], %select_n3A_972 {strides = array<i32>} : memref<5x128xf32, #tpu.memory_space<vmem>>, vector<16xf32>,
          %select_n3A_980 = arith.select %gt3A_237, %get3A_747, %broadcast_in_dim3A_3 : vector<16xi1>, vector<16xi32>
          %mul3A_981 = arith.constant 16 : i32
          %mul3A_982 = arith.muli %scan3A_549, %mul3A_981 : i32
          %multiple_of3A_983 = tpu.assume_multiple %mul3A_982, 16 : i32
          %swap3A_984 = arith.constant 4 : i32
          %swap3A_985 = arith.index_cast %swap3A_984 : i32 to index
          %swap3A_986 = arith.index_cast %multiple_of3A_983 : i32 to index
          %swap3A_987 = tpu.vector_load %arg27[%swap3A_985, %swap3A_986] {strides = array<i32>} : memref<5x128xi32, #tpu.memory_space<vmem>>, vector<16xi32>,
          tpu.vector_store %arg27[%swap3A_985, %swap3A_986], %select_n3A_980 {strides = array<i32>} : memref<5x128xi32, #tpu.memory_space<vmem>>, vector<16xi32>,
        } else {
        }
        %scan3A_707 = arith.constant 0 : i32
        scf.yield %scan3A_707 : i32
      }
      %scan3A_417 = arith.constant 8 : i32
      %eq3A_418 = arith.constant 3 : i32
      %eq3A_419 = arith.cmpi eq, %select_n3A_406, %eq3A_418 : i32
      %convert_element_type3A_420 = arith.extui %eq3A_419 : i1 to i32
      %cond3A_421 = arith.constant 0 : i32
      %cond3A_422 = arith.cmpi ne, %convert_element_type3A_420, %cond3A_421 : i32
      scf.if %cond3A_422 {
        "tpu.region"() ({
          %run_scoped3A = tpu.sem_alloc : memref<!tpu.dma_semaphore, #tpu.memory_space<semaphore_mem>>
          %dma_start3A_549 = arith.constant 0 : i32
          %dma_start3A_550 = tpu.memref_slice %arg7[%select_n3A_257, %dma_start3A_549, %mul3A_409] : memref<16x5x4096xf32, #tpu.memory_space<hbm>> -> memref<1x5x128xf32, #tpu.memory_space<hbm>>
          %dma_start3A_551 = tpu.memref_squeeze %dma_start3A_550 : memref<1x5x128xf32, #tpu.memory_space<hbm>> -> memref<5x128xf32, #tpu.memory_space<hbm>>
          %dma_start3A_552 = arith.constant 0 : i32
          %dma_start3A_553 = tpu.memref_slice %arg7[%select_n3A_257, %dma_start3A_552, %mul3A_409] : memref<16x5x4096xf32, #tpu.memory_space<hbm>> -> memref<1x5x128xf32, #tpu.memory_space<hbm>>
          %dma_start3A_554 = tpu.memref_squeeze %dma_start3A_553 : memref<1x5x128xf32, #tpu.memory_space<hbm>> -> memref<5x128xf32, #tpu.memory_space<hbm>>
          tpu.enqueue_dma source(%arg22 : memref<5x128xf32, #tpu.memory_space<vmem>>) target(%dma_start3A_554 : memref<5x128xf32, #tpu.memory_space<hbm>>) target_semaphore(%run_scoped3A : memref<!tpu.dma_semaphore, #tpu.memory_space<semaphore_mem>>)
          %dma_wait3A_555 = arith.constant 0 : i32
          %dma_wait3A_556 = tpu.memref_slice %arg7[%select_n3A_257, %dma_wait3A_555, %mul3A_409] : memref<16x5x4096xf32, #tpu.memory_space<hbm>> -> memref<1x5x128xf32, #tpu.memory_space<hbm>>
          %dma_wait3A_557 = tpu.memref_squeeze %dma_wait3A_556 : memref<1x5x128xf32, #tpu.memory_space<hbm>> -> memref<5x128xf32, #tpu.memory_space<hbm>>
          %dma_wait3A_558 = arith.constant 0 : i32
          %dma_wait3A_559 = tpu.memref_slice %arg7[%select_n3A_257, %dma_wait3A_558, %mul3A_409] : memref<16x5x4096xf32, #tpu.memory_space<hbm>> -> memref<1x5x128xf32, #tpu.memory_space<hbm>>
          %dma_wait3A_560 = tpu.memref_squeeze %dma_wait3A_559 : memref<1x5x128xf32, #tpu.memory_space<hbm>> -> memref<5x128xf32, #tpu.memory_space<hbm>>
          tpu.wait_dma2 semaphore(%run_scoped3A : memref<!tpu.dma_semaphore, #tpu.memory_space<semaphore_mem>>) src(%arg22 : memref<5x128xf32, #tpu.memory_space<vmem>>) dst(%dma_wait3A_560 : memref<5x128xf32, #tpu.memory_space<hbm>>)
          tpu.yield
        }) : () -> ()
        "tpu.region"() ({
          %run_scoped3A = tpu.sem_alloc : memref<!tpu.dma_semaphore, #tpu.memory_space<semaphore_mem>>
          %dma_start3A_549 = arith.constant 0 : i32
          %dma_start3A_550 = tpu.memref_slice %arg8[%select_n3A_257, %dma_start3A_549, %mul3A_409] : memref<16x5x4096xi32, #tpu.memory_space<hbm>> -> memref<1x5x128xi32, #tpu.memory_space<hbm>>
          %dma_start3A_551 = tpu.memref_squeeze %dma_start3A_550 : memref<1x5x128xi32, #tpu.memory_space<hbm>> -> memref<5x128xi32, #tpu.memory_space<hbm>>
          %dma_start3A_552 = arith.constant 0 : i32
          %dma_start3A_553 = tpu.memref_slice %arg8[%select_n3A_257, %dma_start3A_552, %mul3A_409] : memref<16x5x4096xi32, #tpu.memory_space<hbm>> -> memref<1x5x128xi32, #tpu.memory_space<hbm>>
          %dma_start3A_554 = tpu.memref_squeeze %dma_start3A_553 : memref<1x5x128xi32, #tpu.memory_space<hbm>> -> memref<5x128xi32, #tpu.memory_space<hbm>>
          tpu.enqueue_dma source(%arg23 : memref<5x128xi32, #tpu.memory_space<vmem>>) target(%dma_start3A_554 : memref<5x128xi32, #tpu.memory_space<hbm>>) target_semaphore(%run_scoped3A : memref<!tpu.dma_semaphore, #tpu.memory_space<semaphore_mem>>)
          %dma_wait3A_555 = arith.constant 0 : i32
          %dma_wait3A_556 = tpu.memref_slice %arg8[%select_n3A_257, %dma_wait3A_555, %mul3A_409] : memref<16x5x4096xi32, #tpu.memory_space<hbm>> -> memref<1x5x128xi32, #tpu.memory_space<hbm>>
          %dma_wait3A_557 = tpu.memref_squeeze %dma_wait3A_556 : memref<1x5x128xi32, #tpu.memory_space<hbm>> -> memref<5x128xi32, #tpu.memory_space<hbm>>
          %dma_wait3A_558 = arith.constant 0 : i32
          %dma_wait3A_559 = tpu.memref_slice %arg8[%select_n3A_257, %dma_wait3A_558, %mul3A_409] : memref<16x5x4096xi32, #tpu.memory_space<hbm>> -> memref<1x5x128xi32, #tpu.memory_space<hbm>>
          %dma_wait3A_560 = tpu.memref_squeeze %dma_wait3A_559 : memref<1x5x128xi32, #tpu.memory_space<hbm>> -> memref<5x128xi32, #tpu.memory_space<hbm>>
          tpu.wait_dma2 semaphore(%run_scoped3A : memref<!tpu.dma_semaphore, #tpu.memory_space<semaphore_mem>>) src(%arg23 : memref<5x128xi32, #tpu.memory_space<vmem>>) dst(%dma_wait3A_560 : memref<5x128xi32, #tpu.memory_space<hbm>>)
          tpu.yield
        }) : () -> ()
        "tpu.region"() ({
          %run_scoped3A = tpu.sem_alloc : memref<!tpu.dma_semaphore, #tpu.memory_space<semaphore_mem>>
          %dma_start3A_549 = arith.constant 0 : i32
          %dma_start3A_550 = tpu.memref_slice %arg9[%select_n3A_257, %dma_start3A_549, %mul3A_409] : memref<16x5x4096xf32, #tpu.memory_space<hbm>> -> memref<1x5x128xf32, #tpu.memory_space<hbm>>
          %dma_start3A_551 = tpu.memref_squeeze %dma_start3A_550 : memref<1x5x128xf32, #tpu.memory_space<hbm>> -> memref<5x128xf32, #tpu.memory_space<hbm>>
          %dma_start3A_552 = arith.constant 0 : i32
          %dma_start3A_553 = tpu.memref_slice %arg9[%select_n3A_257, %dma_start3A_552, %mul3A_409] : memref<16x5x4096xf32, #tpu.memory_space<hbm>> -> memref<1x5x128xf32, #tpu.memory_space<hbm>>
          %dma_start3A_554 = tpu.memref_squeeze %dma_start3A_553 : memref<1x5x128xf32, #tpu.memory_space<hbm>> -> memref<5x128xf32, #tpu.memory_space<hbm>>
          tpu.enqueue_dma source(%arg24 : memref<5x128xf32, #tpu.memory_space<vmem>>) target(%dma_start3A_554 : memref<5x128xf32, #tpu.memory_space<hbm>>) target_semaphore(%run_scoped3A : memref<!tpu.dma_semaphore, #tpu.memory_space<semaphore_mem>>)
          %dma_wait3A_555 = arith.constant 0 : i32
          %dma_wait3A_556 = tpu.memref_slice %arg9[%select_n3A_257, %dma_wait3A_555, %mul3A_409] : memref<16x5x4096xf32, #tpu.memory_space<hbm>> -> memref<1x5x128xf32, #tpu.memory_space<hbm>>
          %dma_wait3A_557 = tpu.memref_squeeze %dma_wait3A_556 : memref<1x5x128xf32, #tpu.memory_space<hbm>> -> memref<5x128xf32, #tpu.memory_space<hbm>>
          %dma_wait3A_558 = arith.constant 0 : i32
          %dma_wait3A_559 = tpu.memref_slice %arg9[%select_n3A_257, %dma_wait3A_558, %mul3A_409] : memref<16x5x4096xf32, #tpu.memory_space<hbm>> -> memref<1x5x128xf32, #tpu.memory_space<hbm>>
          %dma_wait3A_560 = tpu.memref_squeeze %dma_wait3A_559 : memref<1x5x128xf32, #tpu.memory_space<hbm>> -> memref<5x128xf32, #tpu.memory_space<hbm>>
          tpu.wait_dma2 semaphore(%run_scoped3A : memref<!tpu.dma_semaphore, #tpu.memory_space<semaphore_mem>>) src(%arg24 : memref<5x128xf32, #tpu.memory_space<vmem>>) dst(%dma_wait3A_560 : memref<5x128xf32, #tpu.memory_space<hbm>>)
          tpu.yield
        }) : () -> ()
        "tpu.region"() ({
          %run_scoped3A = tpu.sem_alloc : memref<!tpu.dma_semaphore, #tpu.memory_space<semaphore_mem>>
          %dma_start3A_549 = arith.constant 0 : i32
          %dma_start3A_550 = tpu.memref_slice %arg10[%select_n3A_257, %dma_start3A_549, %mul3A_409] : memref<16x5x4096xi32, #tpu.memory_space<hbm>> -> memref<1x5x128xi32, #tpu.memory_space<hbm>>
          %dma_start3A_551 = tpu.memref_squeeze %dma_start3A_550 : memref<1x5x128xi32, #tpu.memory_space<hbm>> -> memref<5x128xi32, #tpu.memory_space<hbm>>
          %dma_start3A_552 = arith.constant 0 : i32
          %dma_start3A_553 = tpu.memref_slice %arg10[%select_n3A_257, %dma_start3A_552, %mul3A_409] : memref<16x5x4096xi32, #tpu.memory_space<hbm>> -> memref<1x5x128xi32, #tpu.memory_space<hbm>>
          %dma_start3A_554 = tpu.memref_squeeze %dma_start3A_553 : memref<1x5x128xi32, #tpu.memory_space<hbm>> -> memref<5x128xi32, #tpu.memory_space<hbm>>
          tpu.enqueue_dma source(%arg25 : memref<5x128xi32, #tpu.memory_space<vmem>>) target(%dma_start3A_554 : memref<5x128xi32, #tpu.memory_space<hbm>>) target_semaphore(%run_scoped3A : memref<!tpu.dma_semaphore, #tpu.memory_space<semaphore_mem>>)
          %dma_wait3A_555 = arith.constant 0 : i32
          %dma_wait3A_556 = tpu.memref_slice %arg10[%select_n3A_257, %dma_wait3A_555, %mul3A_409] : memref<16x5x4096xi32, #tpu.memory_space<hbm>> -> memref<1x5x128xi32, #tpu.memory_space<hbm>>
          %dma_wait3A_557 = tpu.memref_squeeze %dma_wait3A_556 : memref<1x5x128xi32, #tpu.memory_space<hbm>> -> memref<5x128xi32, #tpu.memory_space<hbm>>
          %dma_wait3A_558 = arith.constant 0 : i32
          %dma_wait3A_559 = tpu.memref_slice %arg10[%select_n3A_257, %dma_wait3A_558, %mul3A_409] : memref<16x5x4096xi32, #tpu.memory_space<hbm>> -> memref<1x5x128xi32, #tpu.memory_space<hbm>>
          %dma_wait3A_560 = tpu.memref_squeeze %dma_wait3A_559 : memref<1x5x128xi32, #tpu.memory_space<hbm>> -> memref<5x128xi32, #tpu.memory_space<hbm>>
          tpu.wait_dma2 semaphore(%run_scoped3A : memref<!tpu.dma_semaphore, #tpu.memory_space<semaphore_mem>>) src(%arg25 : memref<5x128xi32, #tpu.memory_space<vmem>>) dst(%dma_wait3A_560 : memref<5x128xi32, #tpu.memory_space<hbm>>)
          tpu.yield
        }) : () -> ()
        "tpu.region"() ({
          %run_scoped3A = tpu.sem_alloc : memref<!tpu.dma_semaphore, #tpu.memory_space<semaphore_mem>>
          %dma_start3A_549 = arith.constant 0 : i32
          %dma_start3A_550 = tpu.memref_slice %arg11[%select_n3A_257, %dma_start3A_549, %mul3A_409] : memref<16x5x4096xf32, #tpu.memory_space<hbm>> -> memref<1x5x128xf32, #tpu.memory_space<hbm>>
          %dma_start3A_551 = tpu.memref_squeeze %dma_start3A_550 : memref<1x5x128xf32, #tpu.memory_space<hbm>> -> memref<5x128xf32, #tpu.memory_space<hbm>>
          %dma_start3A_552 = arith.constant 0 : i32
          %dma_start3A_553 = tpu.memref_slice %arg11[%select_n3A_257, %dma_start3A_552, %mul3A_409] : memref<16x5x4096xf32, #tpu.memory_space<hbm>> -> memref<1x5x128xf32, #tpu.memory_space<hbm>>
          %dma_start3A_554 = tpu.memref_squeeze %dma_start3A_553 : memref<1x5x128xf32, #tpu.memory_space<hbm>> -> memref<5x128xf32, #tpu.memory_space<hbm>>
          tpu.enqueue_dma source(%arg26 : memref<5x128xf32, #tpu.memory_space<vmem>>) target(%dma_start3A_554 : memref<5x128xf32, #tpu.memory_space<hbm>>) target_semaphore(%run_scoped3A : memref<!tpu.dma_semaphore, #tpu.memory_space<semaphore_mem>>)
          %dma_wait3A_555 = arith.constant 0 : i32
          %dma_wait3A_556 = tpu.memref_slice %arg11[%select_n3A_257, %dma_wait3A_555, %mul3A_409] : memref<16x5x4096xf32, #tpu.memory_space<hbm>> -> memref<1x5x128xf32, #tpu.memory_space<hbm>>
          %dma_wait3A_557 = tpu.memref_squeeze %dma_wait3A_556 : memref<1x5x128xf32, #tpu.memory_space<hbm>> -> memref<5x128xf32, #tpu.memory_space<hbm>>
          %dma_wait3A_558 = arith.constant 0 : i32
          %dma_wait3A_559 = tpu.memref_slice %arg11[%select_n3A_257, %dma_wait3A_558, %mul3A_409] : memref<16x5x4096xf32, #tpu.memory_space<hbm>> -> memref<1x5x128xf32, #tpu.memory_space<hbm>>
          %dma_wait3A_560 = tpu.memref_squeeze %dma_wait3A_559 : memref<1x5x128xf32, #tpu.memory_space<hbm>> -> memref<5x128xf32, #tpu.memory_space<hbm>>
          tpu.wait_dma2 semaphore(%run_scoped3A : memref<!tpu.dma_semaphore, #tpu.memory_space<semaphore_mem>>) src(%arg26 : memref<5x128xf32, #tpu.memory_space<vmem>>) dst(%dma_wait3A_560 : memref<5x128xf32, #tpu.memory_space<hbm>>)
          tpu.yield
        }) : () -> ()
        "tpu.region"() ({
          %run_scoped3A = tpu.sem_alloc : memref<!tpu.dma_semaphore, #tpu.memory_space<semaphore_mem>>
          %dma_start3A_549 = arith.constant 0 : i32
          %dma_start3A_550 = tpu.memref_slice %arg12[%select_n3A_257, %dma_start3A_549, %mul3A_409] : memref<16x5x4096xi32, #tpu.memory_space<hbm>> -> memref<1x5x128xi32, #tpu.memory_space<hbm>>
          %dma_start3A_551 = tpu.memref_squeeze %dma_start3A_550 : memref<1x5x128xi32, #tpu.memory_space<hbm>> -> memref<5x128xi32, #tpu.memory_space<hbm>>
          %dma_start3A_552 = arith.constant 0 : i32
          %dma_start3A_553 = tpu.memref_slice %arg12[%select_n3A_257, %dma_start3A_552, %mul3A_409] : memref<16x5x4096xi32, #tpu.memory_space<hbm>> -> memref<1x5x128xi32, #tpu.memory_space<hbm>>
          %dma_start3A_554 = tpu.memref_squeeze %dma_start3A_553 : memref<1x5x128xi32, #tpu.memory_space<hbm>> -> memref<5x128xi32, #tpu.memory_space<hbm>>
          tpu.enqueue_dma source(%arg27 : memref<5x128xi32, #tpu.memory_space<vmem>>) target(%dma_start3A_554 : memref<5x128xi32, #tpu.memory_space<hbm>>) target_semaphore(%run_scoped3A : memref<!tpu.dma_semaphore, #tpu.memory_space<semaphore_mem>>)
          %dma_wait3A_555 = arith.constant 0 : i32
          %dma_wait3A_556 = tpu.memref_slice %arg12[%select_n3A_257, %dma_wait3A_555, %mul3A_409] : memref<16x5x4096xi32, #tpu.memory_space<hbm>> -> memref<1x5x128xi32, #tpu.memory_space<hbm>>
          %dma_wait3A_557 = tpu.memref_squeeze %dma_wait3A_556 : memref<1x5x128xi32, #tpu.memory_space<hbm>> -> memref<5x128xi32, #tpu.memory_space<hbm>>
          %dma_wait3A_558 = arith.constant 0 : i32
          %dma_wait3A_559 = tpu.memref_slice %arg12[%select_n3A_257, %dma_wait3A_558, %mul3A_409] : memref<16x5x4096xi32, #tpu.memory_space<hbm>> -> memref<1x5x128xi32, #tpu.memory_space<hbm>>
          %dma_wait3A_560 = tpu.memref_squeeze %dma_wait3A_559 : memref<1x5x128xi32, #tpu.memory_space<hbm>> -> memref<5x128xi32, #tpu.memory_space<hbm>>
          tpu.wait_dma2 semaphore(%run_scoped3A : memref<!tpu.dma_semaphore, #tpu.memory_space<semaphore_mem>>) src(%arg27 : memref<5x128xi32, #tpu.memory_space<vmem>>) dst(%dma_wait3A_560 : memref<5x128xi32, #tpu.memory_space<hbm>>)
          tpu.yield
        }) : () -> ()
      } else {
      }
      %mul3A_423 = arith.constant 2 : i32
      %mul3A_424 = arith.muli %scan3A_299, %mul3A_423 : i32
      %add3A_425 = arith.constant 1 : i32
      %add3A_426 = arith.addi %mul3A_424, %add3A_425 : i32
      %add3A_427 = arith.constant 1 : i32
      %add3A_428 = arith.addi %add3A_426, %add3A_427 : i32
      %lt3A_429 = arith.constant 64 : i32
      %lt3A_430 = arith.cmpi slt, %add3A_428, %lt3A_429 : i32
      %convert_element_type3A_431 = arith.extui %lt3A_430 : i1 to i32
      %cond3A_432 = arith.constant 0 : i32
      %cond3A_433 = arith.cmpi ne, %convert_element_type3A_431, %cond3A_432 : i32
      scf.if %cond3A_433 {
        %add3A_549 = arith.constant 1 : i32
        %add3A_550 = arith.addi %add3A_426, %add3A_549 : i32
        %jit3A_551 = arith.constant 4 : i32
        %div3A_552 = arith.divsi %add3A_550, %jit3A_551 : i32
        %sign3A_553 = arith.constant 0 : i32
        %sign3A_554 = arith.cmpi sgt, %add3A_550, %sign3A_553 : i32
        %sign3A_555 = arith.extui %sign3A_554 : i1 to i32
        %sign3A_556 = arith.constant 0 : i32
        %sign3A_557 = arith.cmpi slt, %add3A_550, %sign3A_556 : i32
        %sign3A_558 = arith.extui %sign3A_557 : i1 to i32
        %sign3A_559 = arith.subi %sign3A_555, %sign3A_558 : i32
        %sign3A_560 = arith.constant 0 : i32
        %sign3A_561 = arith.cmpi sgt, %jit3A_551, %sign3A_560 : i32
        %sign3A_562 = arith.extui %sign3A_561 : i1 to i32
        %sign3A_563 = arith.constant 0 : i32
        %sign3A_564 = arith.cmpi slt, %jit3A_551, %sign3A_563 : i32
        %sign3A_565 = arith.extui %sign3A_564 : i1 to i32
        %sign3A_566 = arith.subi %sign3A_562, %sign3A_565 : i32
        %ne3A_567 = arith.cmpi ne, %sign3A_559, %sign3A_566 : i32
        %rem3A_568 = arith.remsi %add3A_550, %jit3A_551 : i32
        %ne3A_569 = arith.constant 0 : i32
        %ne3A_570 = arith.cmpi ne, %rem3A_568, %ne3A_569 : i32
        %and3A_571 = arith.andi %ne3A_567, %ne3A_570 : i1
        %sub3A_572 = arith.constant 1 : i32
        %sub3A_573 = arith.subi %div3A_552, %sub3A_572 : i32
        %select_n3A_574 = arith.select %and3A_571, %sub3A_573, %div3A_552 : i32
        %jit3A_575 = arith.constant 4 : i32
        %eq3A_576 = arith.constant 0 : i32
        %eq3A_577 = arith.cmpi eq, %jit3A_575, %eq3A_576 : i32
        %jit3A_578 = arith.constant 1 : i32
        %select_n3A_579 = arith.select %eq3A_577, %jit3A_578, %jit3A_575 : i32
        %rem3A_580 = arith.remsi %add3A_550, %select_n3A_579 : i32
        %ne3A_581 = arith.constant 0 : i32
        %ne3A_582 = arith.cmpi ne, %rem3A_580, %ne3A_581 : i32
        %lt3A_583 = arith.constant 0 : i32
        %lt3A_584 = arith.cmpi slt, %rem3A_580, %lt3A_583 : i32
        %lt3A_585 = arith.constant 0 : i32
        %lt3A_586 = arith.cmpi slt, %select_n3A_579, %lt3A_585 : i32
        %ne3A_587 = arith.xori %lt3A_584, %lt3A_586 : i1
        %and3A_588 = arith.andi %ne3A_587, %ne3A_582 : i1
        %add3A_589 = arith.addi %rem3A_580, %select_n3A_579 : i32
        %select_n3A_590 = arith.select %and3A_588, %add3A_589, %rem3A_580 : i32
        %add3A_591 = arith.addi %mul3A_274, %select_n3A_574 : i32
        %mul3A_592 = arith.constant 128 : i32
        %mul3A_593 = arith.muli %add3A_591, %mul3A_592 : i32
        %mul3A_594 = arith.constant 256 : i32
        %mul3A_595 = arith.muli %select_n3A_590, %mul3A_594 : i32
        %dma_start3A_596 = arith.constant 0 : i32
        %dma_start3A_597 = arith.constant 0 : i32
        %dma_start3A_598 = arith.constant 0 : i32
        %dma_start3A_599 = tpu.memref_slice %arg16[%dma_start3A_596, %dma_start3A_597, %dma_start3A_598] : memref<2x256x128xf32, #tpu.memory_space<vmem>> -> memref<1x256x128xf32, #tpu.memory_space<vmem>>
        %dma_start3A_600 = tpu.memref_squeeze %dma_start3A_599 : memref<1x256x128xf32, #tpu.memory_space<vmem>> -> memref<256x128xf32, #tpu.memory_space<vmem>>
        %dma_start3A_601 = tpu.memref_slice %arg2[%select_n3A_257, %mul3A_595, %mul3A_593] : memref<16x1024x4096xf32, #tpu.memory_space<hbm>> -> memref<1x256x128xf32, #tpu.memory_space<hbm>>
        %dma_start3A_602 = tpu.memref_squeeze %dma_start3A_601 : memref<1x256x128xf32, #tpu.memory_space<hbm>> -> memref<256x128xf32, #tpu.memory_space<hbm>>
        %dma_start3A_603 = arith.constant 0 : i32
        %dma_start3A_604 = arith.constant 0 : i32
        %dma_start3A_605 = tpu.memref_slice %arg16[%dma_start3A_596, %dma_start3A_603, %dma_start3A_604] : memref<2x256x128xf32, #tpu.memory_space<vmem>> -> memref<1x256x128xf32, #tpu.memory_space<vmem>>
        %dma_start3A_606 = tpu.memref_squeeze %dma_start3A_605 : memref<1x256x128xf32, #tpu.memory_space<vmem>> -> memref<256x128xf32, #tpu.memory_space<vmem>>
        %dma_start3A_607 = tpu.memref_slice %arg2[%select_n3A_257, %mul3A_595, %mul3A_593] : memref<16x1024x4096xf32, #tpu.memory_space<hbm>> -> memref<1x256x128xf32, #tpu.memory_space<hbm>>
        %dma_start3A_608 = tpu.memref_squeeze %dma_start3A_607 : memref<1x256x128xf32, #tpu.memory_space<hbm>> -> memref<256x128xf32, #tpu.memory_space<hbm>>
        tpu.enqueue_dma source(%dma_start3A_608 : memref<256x128xf32, #tpu.memory_space<hbm>>) target(%dma_start3A_606 : memref<256x128xf32, #tpu.memory_space<vmem>>) target_semaphore(%arg29 : memref<!tpu.dma_semaphore, #tpu.memory_space<semaphore_mem>>)
      } else {
      }
      %jit3A_434 = arith.constant 4 : i32
      %div3A_435 = arith.divsi %add3A_426, %jit3A_434 : i32
      %sign3A_436 = arith.constant 0 : i32
      %sign3A_437 = arith.cmpi sgt, %add3A_426, %sign3A_436 : i32
      %sign3A_438 = arith.extui %sign3A_437 : i1 to i32
      %sign3A_439 = arith.constant 0 : i32
      %sign3A_440 = arith.cmpi slt, %add3A_426, %sign3A_439 : i32
      %sign3A_441 = arith.extui %sign3A_440 : i1 to i32
      %sign3A_442 = arith.subi %sign3A_438, %sign3A_441 : i32
      %sign3A_443 = arith.constant 0 : i32
      %sign3A_444 = arith.cmpi sgt, %jit3A_434, %sign3A_443 : i32
      %sign3A_445 = arith.extui %sign3A_444 : i1 to i32
      %sign3A_446 = arith.constant 0 : i32
      %sign3A_447 = arith.cmpi slt, %jit3A_434, %sign3A_446 : i32
      %sign3A_448 = arith.extui %sign3A_447 : i1 to i32
      %sign3A_449 = arith.subi %sign3A_445, %sign3A_448 : i32
      %ne3A_450 = arith.cmpi ne, %sign3A_442, %sign3A_449 : i32
      %rem3A_451 = arith.remsi %add3A_426, %jit3A_434 : i32
      %ne3A_452 = arith.constant 0 : i32
      %ne3A_453 = arith.cmpi ne, %rem3A_451, %ne3A_452 : i32
      %and3A_454 = arith.andi %ne3A_450, %ne3A_453 : i1
      %sub3A_455 = arith.constant 1 : i32
      %sub3A_456 = arith.subi %div3A_435, %sub3A_455 : i32
      %select_n3A_457 = arith.select %and3A_454, %sub3A_456, %div3A_435 : i32
      %jit3A_458 = arith.constant 4 : i32
      %eq3A_459 = arith.constant 0 : i32
      %eq3A_460 = arith.cmpi eq, %jit3A_458, %eq3A_459 : i32
      %jit3A_461 = arith.constant 1 : i32
      %select_n3A_462 = arith.select %eq3A_460, %jit3A_461, %jit3A_458 : i32
      %rem3A_463 = arith.remsi %add3A_426, %select_n3A_462 : i32
      %ne3A_464 = arith.constant 0 : i32
      %ne3A_465 = arith.cmpi ne, %rem3A_463, %ne3A_464 : i32
      %lt3A_466 = arith.constant 0 : i32
      %lt3A_467 = arith.cmpi slt, %rem3A_463, %lt3A_466 : i32
      %lt3A_468 = arith.constant 0 : i32
      %lt3A_469 = arith.cmpi slt, %select_n3A_462, %lt3A_468 : i32
      %ne3A_470 = arith.xori %lt3A_467, %lt3A_469 : i1
      %and3A_471 = arith.andi %ne3A_470, %ne3A_465 : i1
      %add3A_472 = arith.addi %rem3A_463, %select_n3A_462 : i32
      %select_n3A_473 = arith.select %and3A_471, %add3A_472, %rem3A_463 : i32
      %add3A_474 = arith.addi %mul3A_274, %select_n3A_457 : i32
      %mul3A_475 = arith.constant 128 : i32
      %mul3A_476 = arith.muli %add3A_474, %mul3A_475 : i32
      %mul3A_477 = arith.constant 256 : i32
      %mul3A_478 = arith.muli %select_n3A_473, %mul3A_477 : i32
      %dma_wait3A_479 = arith.constant 1 : i32
      %dma_wait3A_480 = arith.constant 0 : i32
      %dma_wait3A_481 = arith.constant 0 : i32
      %dma_wait3A_482 = tpu.memref_slice %arg16[%dma_wait3A_479, %dma_wait3A_480, %dma_wait3A_481] : memref<2x256x128xf32, #tpu.memory_space<vmem>> -> memref<1x256x128xf32, #tpu.memory_space<vmem>>
      %dma_wait3A_483 = tpu.memref_squeeze %dma_wait3A_482 : memref<1x256x128xf32, #tpu.memory_space<vmem>> -> memref<256x128xf32, #tpu.memory_space<vmem>>
      %dma_wait3A_484 = tpu.memref_slice %arg2[%select_n3A_257, %mul3A_478, %mul3A_476] : memref<16x1024x4096xf32, #tpu.memory_space<hbm>> -> memref<1x256x128xf32, #tpu.memory_space<hbm>>
      %dma_wait3A_485 = tpu.memref_squeeze %dma_wait3A_484 : memref<1x256x128xf32, #tpu.memory_space<hbm>> -> memref<256x128xf32, #tpu.memory_space<hbm>>
      %dma_wait3A_486 = arith.constant 0 : i32
      %dma_wait3A_487 = arith.constant 0 : i32
      %dma_wait3A_488 = tpu.memref_slice %arg16[%dma_wait3A_479, %dma_wait3A_486, %dma_wait3A_487] : memref<2x256x128xf32, #tpu.memory_space<vmem>> -> memref<1x256x128xf32, #tpu.memory_space<vmem>>
      %dma_wait3A_489 = tpu.memref_squeeze %dma_wait3A_488 : memref<1x256x128xf32, #tpu.memory_space<vmem>> -> memref<256x128xf32, #tpu.memory_space<vmem>>
      %dma_wait3A_490 = tpu.memref_slice %arg2[%select_n3A_257, %mul3A_478, %mul3A_476] : memref<16x1024x4096xf32, #tpu.memory_space<hbm>> -> memref<1x256x128xf32, #tpu.memory_space<hbm>>
      %dma_wait3A_491 = tpu.memref_squeeze %dma_wait3A_490 : memref<1x256x128xf32, #tpu.memory_space<hbm>> -> memref<256x128xf32, #tpu.memory_space<hbm>>
      tpu.wait_dma2 semaphore(%arg30 : memref<!tpu.dma_semaphore, #tpu.memory_space<semaphore_mem>>) src(%dma_wait3A_491 : memref<256x128xf32, #tpu.memory_space<hbm>>) dst(%dma_wait3A_489 : memref<256x128xf32, #tpu.memory_space<vmem>>)
      %jit3A_492 = arith.constant 4 : i32
      %div3A_493 = arith.divsi %add3A_426, %jit3A_492 : i32
      %sign3A_494 = arith.constant 0 : i32
      %sign3A_495 = arith.cmpi sgt, %add3A_426, %sign3A_494 : i32
      %sign3A_496 = arith.extui %sign3A_495 : i1 to i32
      %sign3A_497 = arith.constant 0 : i32
      %sign3A_498 = arith.cmpi slt, %add3A_426, %sign3A_497 : i32
      %sign3A_499 = arith.extui %sign3A_498 : i1 to i32
      %sign3A_500 = arith.subi %sign3A_496, %sign3A_499 : i32
      %sign3A_501 = arith.constant 0 : i32
      %sign3A_502 = arith.cmpi sgt, %jit3A_492, %sign3A_501 : i32
      %sign3A_503 = arith.extui %sign3A_502 : i1 to i32
      %sign3A_504 = arith.constant 0 : i32
      %sign3A_505 = arith.cmpi slt, %jit3A_492, %sign3A_504 : i32
      %sign3A_506 = arith.extui %sign3A_505 : i1 to i32
      %sign3A_507 = arith.subi %sign3A_503, %sign3A_506 : i32
      %ne3A_508 = arith.cmpi ne, %sign3A_500, %sign3A_507 : i32
      %rem3A_509 = arith.remsi %add3A_426, %jit3A_492 : i32
      %ne3A_510 = arith.constant 0 : i32
      %ne3A_511 = arith.cmpi ne, %rem3A_509, %ne3A_510 : i32
      %and3A_512 = arith.andi %ne3A_508, %ne3A_511 : i1
      %sub3A_513 = arith.constant 1 : i32
      %sub3A_514 = arith.subi %div3A_493, %sub3A_513 : i32
      %select_n3A_515 = arith.select %and3A_512, %sub3A_514, %div3A_493 : i32
      %jit3A_516 = arith.constant 4 : i32
      %eq3A_517 = arith.constant 0 : i32
      %eq3A_518 = arith.cmpi eq, %jit3A_516, %eq3A_517 : i32
      %jit3A_519 = arith.constant 1 : i32
      %select_n3A_520 = arith.select %eq3A_518, %jit3A_519, %jit3A_516 : i32
      %rem3A_521 = arith.remsi %add3A_426, %select_n3A_520 : i32
      %ne3A_522 = arith.constant 0 : i32
      %ne3A_523 = arith.cmpi ne, %rem3A_521, %ne3A_522 : i32
      %lt3A_524 = arith.constant 0 : i32
      %lt3A_525 = arith.cmpi slt, %rem3A_521, %lt3A_524 : i32
      %lt3A_526 = arith.constant 0 : i32
      %lt3A_527 = arith.cmpi slt, %select_n3A_520, %lt3A_526 : i32
      %ne3A_528 = arith.xori %lt3A_525, %lt3A_527 : i1
      %and3A_529 = arith.andi %ne3A_528, %ne3A_523 : i1
      %add3A_530 = arith.addi %rem3A_521, %select_n3A_520 : i32
      %select_n3A_531 = arith.select %and3A_529, %add3A_530, %rem3A_521 : i32
      %add3A_532 = arith.addi %mul3A_274, %select_n3A_515 : i32
      %mul3A_533 = arith.constant 128 : i32
      %mul3A_534 = arith.muli %add3A_532, %mul3A_533 : i32
      %scan3A_535 = arith.constant 1 : i32
      %scan3A_536 = arith.constant 0 : i32
      %scan3A_537 = arith.constant 0 : i32
      %scan3A_538 = arith.constant 8 : i32
      %scan3A_539 = arith.addi %scan3A_537, %scan3A_538 : i32
      %scan3A_540 = arith.constant 1 : i32
      %scan3A_541 = scf.for %scan3A_549 = %scan3A_537 to %scan3A_539 step %scan3A_540 iter_args(%scan3A_550 = %scan3A_536) -> (i32)  : i32 {
        %mul3A_551 = arith.constant 16 : i32
        %mul3A_552 = arith.muli %scan3A_549, %mul3A_551 : i32
        %add3A_553 = vector.broadcast %mul3A_552 : i32 to vector<16xi32>
        %add3A_554 = arith.addi %add3A_553, %iota3A : vector<16xi32>
        %mul3A_555 = arith.constant 16 : i32
        %mul3A_556 = arith.muli %scan3A_549, %mul3A_555 : i32
        %multiple_of3A = tpu.assume_multiple %mul3A_556, 16 : i32
        %mul3A_557 = arith.constant 256 : i32
        %mul3A_558 = arith.muli %select_n3A_531, %mul3A_557 : i32
        %broadcast_in_dim3A_559 = vector.broadcast %mul3A_558 : i32 to vector<16xi32>
        %eq3A_560 = arith.constant 0 : i32
        %eq3A_561 = arith.cmpi eq, %select_n3A_531, %eq3A_560 : i32
        %convert_element_type3A_562 = arith.extui %eq3A_561 : i1 to i32
        %cond3A_563 = arith.constant 0 : i32
        %cond3A_564 = arith.cmpi ne, %convert_element_type3A_562, %cond3A_563 : i32
        scf.if %cond3A_564 {
          %swap3A_708 = arith.constant 0 : i32
          %swap3A_709 = arith.index_cast %swap3A_708 : i32 to index
          %swap3A_710 = arith.index_cast %multiple_of3A : i32 to index
          %swap3A_711 = tpu.vector_load %arg18[%swap3A_709, %swap3A_710] {strides = array<i32>} : memref<5x128xf32, #tpu.memory_space<vmem>>, vector<16xf32>,
          tpu.vector_store %arg18[%swap3A_709, %swap3A_710], %broadcast_in_dim3A_1 {strides = array<i32>} : memref<5x128xf32, #tpu.memory_space<vmem>>, vector<16xf32>,
          %swap3A_712 = arith.constant 0 : i32
          %swap3A_713 = arith.index_cast %swap3A_712 : i32 to index
          %swap3A_714 = arith.index_cast %multiple_of3A : i32 to index
          %swap3A_715 = tpu.vector_load %arg19[%swap3A_713, %swap3A_714] {strides = array<i32>} : memref<5x128xi32, #tpu.memory_space<vmem>>, vector<16xi32>,
          tpu.vector_store %arg19[%swap3A_713, %swap3A_714], %broadcast_in_dim3A_3 {strides = array<i32>} : memref<5x128xi32, #tpu.memory_space<vmem>>, vector<16xi32>,
          %swap3A_716 = arith.constant 1 : i32
          %swap3A_717 = arith.index_cast %swap3A_716 : i32 to index
          %swap3A_718 = arith.index_cast %multiple_of3A : i32 to index
          %swap3A_719 = tpu.vector_load %arg18[%swap3A_717, %swap3A_718] {strides = array<i32>} : memref<5x128xf32, #tpu.memory_space<vmem>>, vector<16xf32>,
          tpu.vector_store %arg18[%swap3A_717, %swap3A_718], %broadcast_in_dim3A_1 {strides = array<i32>} : memref<5x128xf32, #tpu.memory_space<vmem>>, vector<16xf32>,
          %swap3A_720 = arith.constant 1 : i32
          %swap3A_721 = arith.index_cast %swap3A_720 : i32 to index
          %swap3A_722 = arith.index_cast %multiple_of3A : i32 to index
          %swap3A_723 = tpu.vector_load %arg19[%swap3A_721, %swap3A_722] {strides = array<i32>} : memref<5x128xi32, #tpu.memory_space<vmem>>, vector<16xi32>,
          tpu.vector_store %arg19[%swap3A_721, %swap3A_722], %broadcast_in_dim3A_3 {strides = array<i32>} : memref<5x128xi32, #tpu.memory_space<vmem>>, vector<16xi32>,
          %swap3A_724 = arith.constant 2 : i32
          %swap3A_725 = arith.index_cast %swap3A_724 : i32 to index
          %swap3A_726 = arith.index_cast %multiple_of3A : i32 to index
          %swap3A_727 = tpu.vector_load %arg18[%swap3A_725, %swap3A_726] {strides = array<i32>} : memref<5x128xf32, #tpu.memory_space<vmem>>, vector<16xf32>,
          tpu.vector_store %arg18[%swap3A_725, %swap3A_726], %broadcast_in_dim3A_1 {strides = array<i32>} : memref<5x128xf32, #tpu.memory_space<vmem>>, vector<16xf32>,
          %swap3A_728 = arith.constant 2 : i32
          %swap3A_729 = arith.index_cast %swap3A_728 : i32 to index
          %swap3A_730 = arith.index_cast %multiple_of3A : i32 to index
          %swap3A_731 = tpu.vector_load %arg19[%swap3A_729, %swap3A_730] {strides = array<i32>} : memref<5x128xi32, #tpu.memory_space<vmem>>, vector<16xi32>,
          tpu.vector_store %arg19[%swap3A_729, %swap3A_730], %broadcast_in_dim3A_3 {strides = array<i32>} : memref<5x128xi32, #tpu.memory_space<vmem>>, vector<16xi32>,
          %swap3A_732 = arith.constant 3 : i32
          %swap3A_733 = arith.index_cast %swap3A_732 : i32 to index
          %swap3A_734 = arith.index_cast %multiple_of3A : i32 to index
          %swap3A_735 = tpu.vector_load %arg18[%swap3A_733, %swap3A_734] {strides = array<i32>} : memref<5x128xf32, #tpu.memory_space<vmem>>, vector<16xf32>,
          tpu.vector_store %arg18[%swap3A_733, %swap3A_734], %broadcast_in_dim3A_1 {strides = array<i32>} : memref<5x128xf32, #tpu.memory_space<vmem>>, vector<16xf32>,
          %swap3A_736 = arith.constant 3 : i32
          %swap3A_737 = arith.index_cast %swap3A_736 : i32 to index
          %swap3A_738 = arith.index_cast %multiple_of3A : i32 to index
          %swap3A_739 = tpu.vector_load %arg19[%swap3A_737, %swap3A_738] {strides = array<i32>} : memref<5x128xi32, #tpu.memory_space<vmem>>, vector<16xi32>,
          tpu.vector_store %arg19[%swap3A_737, %swap3A_738], %broadcast_in_dim3A_3 {strides = array<i32>} : memref<5x128xi32, #tpu.memory_space<vmem>>, vector<16xi32>,
          %swap3A_740 = arith.constant 4 : i32
          %swap3A_741 = arith.index_cast %swap3A_740 : i32 to index
          %swap3A_742 = arith.index_cast %multiple_of3A : i32 to index
          %swap3A_743 = tpu.vector_load %arg18[%swap3A_741, %swap3A_742] {strides = array<i32>} : memref<5x128xf32, #tpu.memory_space<vmem>>, vector<16xf32>,
          tpu.vector_store %arg18[%swap3A_741, %swap3A_742], %broadcast_in_dim3A_1 {strides = array<i32>} : memref<5x128xf32, #tpu.memory_space<vmem>>, vector<16xf32>,
          %swap3A_744 = arith.constant 4 : i32
          %swap3A_745 = arith.index_cast %swap3A_744 : i32 to index
          %swap3A_746 = arith.index_cast %multiple_of3A : i32 to index
          %swap3A_747 = tpu.vector_load %arg19[%swap3A_745, %swap3A_746] {strides = array<i32>} : memref<5x128xi32, #tpu.memory_space<vmem>>, vector<16xi32>,
          tpu.vector_store %arg19[%swap3A_745, %swap3A_746], %broadcast_in_dim3A_3 {strides = array<i32>} : memref<5x128xi32, #tpu.memory_space<vmem>>, vector<16xi32>,
          %get3A_748 = arith.constant 0 : i32
          %get3A_749 = arith.constant 0 : i32
          %get3A_750 = arith.constant 0 : i32
          %get3A_751 = tpu.memref_slice %arg16[%scan3A_535, %get3A_749, %get3A_750] : memref<2x256x128xf32, #tpu.memory_space<vmem>> -> memref<1x256x128xf32, #tpu.memory_space<vmem>>
          %get3A_752 = tpu.memref_squeeze %get3A_751 : memref<1x256x128xf32, #tpu.memory_space<vmem>> -> memref<256x128xf32, #tpu.memory_space<vmem>>
          %get3A_753 = arith.index_cast %get3A_748 : i32 to index
          %get3A_754 = arith.index_cast %multiple_of3A : i32 to index
          %get3A_755 = tpu.vector_load %get3A_752[%get3A_753, %get3A_754] {strides = array<i32>} : memref<256x128xf32, #tpu.memory_space<vmem>>, vector<16xf32>,
          %get3A_756 = arith.constant 1 : i32
          %get3A_757 = arith.constant 0 : i32
          %get3A_758 = arith.constant 0 : i32
          %get3A_759 = tpu.memref_slice %arg16[%scan3A_535, %get3A_757, %get3A_758] : memref<2x256x128xf32, #tpu.memory_space<vmem>> -> memref<1x256x128xf32, #tpu.memory_space<vmem>>
          %get3A_760 = tpu.memref_squeeze %get3A_759 : memref<1x256x128xf32, #tpu.memory_space<vmem>> -> memref<256x128xf32, #tpu.memory_space<vmem>>
          %get3A_761 = arith.index_cast %get3A_756 : i32 to index
          %get3A_762 = arith.index_cast %multiple_of3A : i32 to index
          %get3A_763 = tpu.vector_load %get3A_760[%get3A_761, %get3A_762] {strides = array<i32>} : memref<256x128xf32, #tpu.memory_space<vmem>>, vector<16xf32>,
          %min3A = arith.minimumf %get3A_755, %get3A_763 : vector<16xf32>
          %get3A_764 = arith.constant 2 : i32
          %get3A_765 = arith.constant 0 : i32
          %get3A_766 = arith.constant 0 : i32
          %get3A_767 = tpu.memref_slice %arg16[%scan3A_535, %get3A_765, %get3A_766] : memref<2x256x128xf32, #tpu.memory_space<vmem>> -> memref<1x256x128xf32, #tpu.memory_space<vmem>>
          %get3A_768 = tpu.memref_squeeze %get3A_767 : memref<1x256x128xf32, #tpu.memory_space<vmem>> -> memref<256x128xf32, #tpu.memory_space<vmem>>
          %get3A_769 = arith.index_cast %get3A_764 : i32 to index
          %get3A_770 = arith.index_cast %multiple_of3A : i32 to index
          %get3A_771 = tpu.vector_load %get3A_768[%get3A_769, %get3A_770] {strides = array<i32>} : memref<256x128xf32, #tpu.memory_space<vmem>>, vector<16xf32>,
          %min3A_772 = arith.minimumf %min3A, %get3A_771 : vector<16xf32>
          %get3A_773 = arith.constant 3 : i32
          %get3A_774 = arith.constant 0 : i32
          %get3A_775 = arith.constant 0 : i32
          %get3A_776 = tpu.memref_slice %arg16[%scan3A_535, %get3A_774, %get3A_775] : memref<2x256x128xf32, #tpu.memory_space<vmem>> -> memref<1x256x128xf32, #tpu.memory_space<vmem>>
          %get3A_777 = tpu.memref_squeeze %get3A_776 : memref<1x256x128xf32, #tpu.memory_space<vmem>> -> memref<256x128xf32, #tpu.memory_space<vmem>>
          %get3A_778 = arith.index_cast %get3A_773 : i32 to index
          %get3A_779 = arith.index_cast %multiple_of3A : i32 to index
          %get3A_780 = tpu.vector_load %get3A_777[%get3A_778, %get3A_779] {strides = array<i32>} : memref<256x128xf32, #tpu.memory_space<vmem>>, vector<16xf32>,
          %min3A_781 = arith.minimumf %min3A_772, %get3A_780 : vector<16xf32>
          %get3A_782 = arith.constant 4 : i32
          %get3A_783 = arith.constant 0 : i32
          %get3A_784 = arith.constant 0 : i32
          %get3A_785 = tpu.memref_slice %arg16[%scan3A_535, %get3A_783, %get3A_784] : memref<2x256x128xf32, #tpu.memory_space<vmem>> -> memref<1x256x128xf32, #tpu.memory_space<vmem>>
          %get3A_786 = tpu.memref_squeeze %get3A_785 : memref<1x256x128xf32, #tpu.memory_space<vmem>> -> memref<256x128xf32, #tpu.memory_space<vmem>>
          %get3A_787 = arith.index_cast %get3A_782 : i32 to index
          %get3A_788 = arith.index_cast %multiple_of3A : i32 to index
          %get3A_789 = tpu.vector_load %get3A_786[%get3A_787, %get3A_788] {strides = array<i32>} : memref<256x128xf32, #tpu.memory_space<vmem>>, vector<16xf32>,
          %min3A_790 = arith.minimumf %min3A_781, %get3A_789 : vector<16xf32>
          %swap3A_791 = arith.index_cast %multiple_of3A : i32 to index
          %swap3A_792 = tpu.vector_load %arg20[%swap3A_791] {strides = array<i32>} : memref<128xf32, #tpu.memory_space<vmem>>, vector<16xf32>,
          tpu.vector_store %arg20[%swap3A_791], %min3A_790 {strides = array<i32>} : memref<128xf32, #tpu.memory_space<vmem>>, vector<16xf32>,
          %swap3A_793 = arith.index_cast %multiple_of3A : i32 to index
          %swap3A_794 = tpu.vector_load %arg21[%swap3A_793] {strides = array<i32>} : memref<128xi32, #tpu.memory_space<vmem>>, vector<16xi32>,
          tpu.vector_store %arg21[%swap3A_793], %broadcast_in_dim3A_3 {strides = array<i32>} : memref<128xi32, #tpu.memory_space<vmem>>, vector<16xi32>,
        } else {
        }
        %scan3A_565 = arith.constant 0 : i32
        %scan3A_566 = arith.constant 0 : i32
        %scan3A_567 = arith.constant 16 : i32
        %scan3A_568 = arith.addi %scan3A_566, %scan3A_567 : i32
        %scan3A_569 = arith.constant 1 : i32
        %scan3A_570 = scf.for %scan3A_708 = %scan3A_566 to %scan3A_568 step %scan3A_569 iter_args(%scan3A_709 = %scan3A_565) -> (i32)  : i32 {
          %get3A_710 = arith.index_cast %multiple_of3A : i32 to index
          %get3A_711 = tpu.vector_load %arg20[%get3A_710] {strides = array<i32>} : memref<128xf32, #tpu.memory_space<vmem>>, vector<16xf32>,
          %get3A_712 = arith.index_cast %multiple_of3A : i32 to index
          %get3A_713 = tpu.vector_load %arg21[%get3A_712] {strides = array<i32>} : memref<128xi32, #tpu.memory_space<vmem>>, vector<16xi32>,
          %mul3A_714 = arith.constant 16 : i32
          %mul3A_715 = arith.muli %scan3A_708, %mul3A_714 : i32
          %add3A_716 = arith.constant 0 : i32
          %add3A_717 = arith.addi %mul3A_715, %add3A_716 : i32
          %get3A_718 = arith.constant 0 : i32
          %get3A_719 = arith.constant 0 : i32
          %get3A_720 = tpu.memref_slice %arg16[%scan3A_535, %get3A_718, %get3A_719] : memref<2x256x128xf32, #tpu.memory_space<vmem>> -> memref<1x256x128xf32, #tpu.memory_space<vmem>>
          %get3A_721 = tpu.memref_squeeze %get3A_720 : memref<1x256x128xf32, #tpu.memory_space<vmem>> -> memref<256x128xf32, #tpu.memory_space<vmem>>
          %get3A_722 = arith.index_cast %add3A_717 : i32 to index
          %get3A_723 = arith.index_cast %multiple_of3A : i32 to index
          %get3A_724 = tpu.vector_load %get3A_721[%get3A_722, %get3A_723] {strides = array<i32>} : memref<256x128xf32, #tpu.memory_space<vmem>>, vector<16xf32>,
          %mul3A_725 = arith.constant 16 : i32
          %mul3A_726 = arith.muli %scan3A_708, %mul3A_725 : i32
          %add3A_727 = arith.constant 1 : i32
          %add3A_728 = arith.addi %mul3A_726, %add3A_727 : i32
          %get3A_729 = arith.constant 0 : i32
          %get3A_730 = arith.constant 0 : i32
          %get3A_731 = tpu.memref_slice %arg16[%scan3A_535, %get3A_729, %get3A_730] : memref<2x256x128xf32, #tpu.memory_space<vmem>> -> memref<1x256x128xf32, #tpu.memory_space<vmem>>
          %get3A_732 = tpu.memref_squeeze %get3A_731 : memref<1x256x128xf32, #tpu.memory_space<vmem>> -> memref<256x128xf32, #tpu.memory_space<vmem>>
          %get3A_733 = arith.index_cast %add3A_728 : i32 to index
          %get3A_734 = arith.index_cast %multiple_of3A : i32 to index
          %get3A_735 = tpu.vector_load %get3A_732[%get3A_733, %get3A_734] {strides = array<i32>} : memref<256x128xf32, #tpu.memory_space<vmem>>, vector<16xf32>,
          %mul3A_736 = arith.constant 16 : i32
          %mul3A_737 = arith.muli %scan3A_708, %mul3A_736 : i32
          %add3A_738 = arith.constant 2 : i32
          %add3A_739 = arith.addi %mul3A_737, %add3A_738 : i32
          %get3A_740 = arith.constant 0 : i32
          %get3A_741 = arith.constant 0 : i32
          %get3A_742 = tpu.memref_slice %arg16[%scan3A_535, %get3A_740, %get3A_741] : memref<2x256x128xf32, #tpu.memory_space<vmem>> -> memref<1x256x128xf32, #tpu.memory_space<vmem>>
          %get3A_743 = tpu.memref_squeeze %get3A_742 : memref<1x256x128xf32, #tpu.memory_space<vmem>> -> memref<256x128xf32, #tpu.memory_space<vmem>>
          %get3A_744 = arith.index_cast %add3A_739 : i32 to index
          %get3A_745 = arith.index_cast %multiple_of3A : i32 to index
          %get3A_746 = tpu.vector_load %get3A_743[%get3A_744, %get3A_745] {strides = array<i32>} : memref<256x128xf32, #tpu.memory_space<vmem>>, vector<16xf32>,
          %mul3A_747 = arith.constant 16 : i32
          %mul3A_748 = arith.muli %scan3A_708, %mul3A_747 : i32
          %add3A_749 = arith.constant 3 : i32
          %add3A_750 = arith.addi %mul3A_748, %add3A_749 : i32
          %get3A_751 = arith.constant 0 : i32
          %get3A_752 = arith.constant 0 : i32
          %get3A_753 = tpu.memref_slice %arg16[%scan3A_535, %get3A_751, %get3A_752] : memref<2x256x128xf32, #tpu.memory_space<vmem>> -> memref<1x256x128xf32, #tpu.memory_space<vmem>>
          %get3A_754 = tpu.memref_squeeze %get3A_753 : memref<1x256x128xf32, #tpu.memory_space<vmem>> -> memref<256x128xf32, #tpu.memory_space<vmem>>
          %get3A_755 = arith.index_cast %add3A_750 : i32 to index
          %get3A_756 = arith.index_cast %multiple_of3A : i32 to index
          %get3A_757 = tpu.vector_load %get3A_754[%get3A_755, %get3A_756] {strides = array<i32>} : memref<256x128xf32, #tpu.memory_space<vmem>>, vector<16xf32>,
          %mul3A_758 = arith.constant 16 : i32
          %mul3A_759 = arith.muli %scan3A_708, %mul3A_758 : i32
          %add3A_760 = arith.constant 4 : i32
          %add3A_761 = arith.addi %mul3A_759, %add3A_760 : i32
          %get3A_762 = arith.constant 0 : i32
          %get3A_763 = arith.constant 0 : i32
          %get3A_764 = tpu.memref_slice %arg16[%scan3A_535, %get3A_762, %get3A_763] : memref<2x256x128xf32, #tpu.memory_space<vmem>> -> memref<1x256x128xf32, #tpu.memory_space<vmem>>
          %get3A_765 = tpu.memref_squeeze %get3A_764 : memref<1x256x128xf32, #tpu.memory_space<vmem>> -> memref<256x128xf32, #tpu.memory_space<vmem>>
          %get3A_766 = arith.index_cast %add3A_761 : i32 to index
          %get3A_767 = arith.index_cast %multiple_of3A : i32 to index
          %get3A_768 = tpu.vector_load %get3A_765[%get3A_766, %get3A_767] {strides = array<i32>} : memref<256x128xf32, #tpu.memory_space<vmem>>, vector<16xf32>,
          %mul3A_769 = arith.constant 16 : i32
          %mul3A_770 = arith.muli %scan3A_708, %mul3A_769 : i32
          %add3A_771 = arith.constant 5 : i32
          %add3A_772 = arith.addi %mul3A_770, %add3A_771 : i32
          %get3A_773 = arith.constant 0 : i32
          %get3A_774 = arith.constant 0 : i32
          %get3A_775 = tpu.memref_slice %arg16[%scan3A_535, %get3A_773, %get3A_774] : memref<2x256x128xf32, #tpu.memory_space<vmem>> -> memref<1x256x128xf32, #tpu.memory_space<vmem>>
          %get3A_776 = tpu.memref_squeeze %get3A_775 : memref<1x256x128xf32, #tpu.memory_space<vmem>> -> memref<256x128xf32, #tpu.memory_space<vmem>>
          %get3A_777 = arith.index_cast %add3A_772 : i32 to index
          %get3A_778 = arith.index_cast %multiple_of3A : i32 to index
          %get3A_779 = tpu.vector_load %get3A_776[%get3A_777, %get3A_778] {strides = array<i32>} : memref<256x128xf32, #tpu.memory_space<vmem>>, vector<16xf32>,
          %mul3A_780 = arith.constant 16 : i32
          %mul3A_781 = arith.muli %scan3A_708, %mul3A_780 : i32
          %add3A_782 = arith.constant 6 : i32
          %add3A_783 = arith.addi %mul3A_781, %add3A_782 : i32
          %get3A_784 = arith.constant 0 : i32
          %get3A_785 = arith.constant 0 : i32
          %get3A_786 = tpu.memref_slice %arg16[%scan3A_535, %get3A_784, %get3A_785] : memref<2x256x128xf32, #tpu.memory_space<vmem>> -> memref<1x256x128xf32, #tpu.memory_space<vmem>>
          %get3A_787 = tpu.memref_squeeze %get3A_786 : memref<1x256x128xf32, #tpu.memory_space<vmem>> -> memref<256x128xf32, #tpu.memory_space<vmem>>
          %get3A_788 = arith.index_cast %add3A_783 : i32 to index
          %get3A_789 = arith.index_cast %multiple_of3A : i32 to index
          %get3A_790 = tpu.vector_load %get3A_787[%get3A_788, %get3A_789] {strides = array<i32>} : memref<256x128xf32, #tpu.memory_space<vmem>>, vector<16xf32>,
          %mul3A_791 = arith.constant 16 : i32
          %mul3A_792 = arith.muli %scan3A_708, %mul3A_791 : i32
          %add3A_793 = arith.constant 7 : i32
          %add3A_794 = arith.addi %mul3A_792, %add3A_793 : i32
          %get3A_795 = arith.constant 0 : i32
          %get3A_796 = arith.constant 0 : i32
          %get3A_797 = tpu.memref_slice %arg16[%scan3A_535, %get3A_795, %get3A_796] : memref<2x256x128xf32, #tpu.memory_space<vmem>> -> memref<1x256x128xf32, #tpu.memory_space<vmem>>
          %get3A_798 = tpu.memref_squeeze %get3A_797 : memref<1x256x128xf32, #tpu.memory_space<vmem>> -> memref<256x128xf32, #tpu.memory_space<vmem>>
          %get3A_799 = arith.index_cast %add3A_794 : i32 to index
          %get3A_800 = arith.index_cast %multiple_of3A : i32 to index
          %get3A_801 = tpu.vector_load %get3A_798[%get3A_799, %get3A_800] {strides = array<i32>} : memref<256x128xf32, #tpu.memory_space<vmem>>, vector<16xf32>,
          %mul3A_802 = arith.constant 16 : i32
          %mul3A_803 = arith.muli %scan3A_708, %mul3A_802 : i32
          %add3A_804 = arith.constant 8 : i32
          %add3A_805 = arith.addi %mul3A_803, %add3A_804 : i32
          %get3A_806 = arith.constant 0 : i32
          %get3A_807 = arith.constant 0 : i32
          %get3A_808 = tpu.memref_slice %arg16[%scan3A_535, %get3A_806, %get3A_807] : memref<2x256x128xf32, #tpu.memory_space<vmem>> -> memref<1x256x128xf32, #tpu.memory_space<vmem>>
          %get3A_809 = tpu.memref_squeeze %get3A_808 : memref<1x256x128xf32, #tpu.memory_space<vmem>> -> memref<256x128xf32, #tpu.memory_space<vmem>>
          %get3A_810 = arith.index_cast %add3A_805 : i32 to index
          %get3A_811 = arith.index_cast %multiple_of3A : i32 to index
          %get3A_812 = tpu.vector_load %get3A_809[%get3A_810, %get3A_811] {strides = array<i32>} : memref<256x128xf32, #tpu.memory_space<vmem>>, vector<16xf32>,
          %mul3A_813 = arith.constant 16 : i32
          %mul3A_814 = arith.muli %scan3A_708, %mul3A_813 : i32
          %add3A_815 = arith.constant 9 : i32
          %add3A_816 = arith.addi %mul3A_814, %add3A_815 : i32
          %get3A_817 = arith.constant 0 : i32
          %get3A_818 = arith.constant 0 : i32
          %get3A_819 = tpu.memref_slice %arg16[%scan3A_535, %get3A_817, %get3A_818] : memref<2x256x128xf32, #tpu.memory_space<vmem>> -> memref<1x256x128xf32, #tpu.memory_space<vmem>>
          %get3A_820 = tpu.memref_squeeze %get3A_819 : memref<1x256x128xf32, #tpu.memory_space<vmem>> -> memref<256x128xf32, #tpu.memory_space<vmem>>
          %get3A_821 = arith.index_cast %add3A_816 : i32 to index
          %get3A_822 = arith.index_cast %multiple_of3A : i32 to index
          %get3A_823 = tpu.vector_load %get3A_820[%get3A_821, %get3A_822] {strides = array<i32>} : memref<256x128xf32, #tpu.memory_space<vmem>>, vector<16xf32>,
          %mul3A_824 = arith.constant 16 : i32
          %mul3A_825 = arith.muli %scan3A_708, %mul3A_824 : i32
          %add3A_826 = arith.constant 10 : i32
          %add3A_827 = arith.addi %mul3A_825, %add3A_826 : i32
          %get3A_828 = arith.constant 0 : i32
          %get3A_829 = arith.constant 0 : i32
          %get3A_830 = tpu.memref_slice %arg16[%scan3A_535, %get3A_828, %get3A_829] : memref<2x256x128xf32, #tpu.memory_space<vmem>> -> memref<1x256x128xf32, #tpu.memory_space<vmem>>
          %get3A_831 = tpu.memref_squeeze %get3A_830 : memref<1x256x128xf32, #tpu.memory_space<vmem>> -> memref<256x128xf32, #tpu.memory_space<vmem>>
          %get3A_832 = arith.index_cast %add3A_827 : i32 to index
          %get3A_833 = arith.index_cast %multiple_of3A : i32 to index
          %get3A_834 = tpu.vector_load %get3A_831[%get3A_832, %get3A_833] {strides = array<i32>} : memref<256x128xf32, #tpu.memory_space<vmem>>, vector<16xf32>,
          %mul3A_835 = arith.constant 16 : i32
          %mul3A_836 = arith.muli %scan3A_708, %mul3A_835 : i32
          %add3A_837 = arith.constant 11 : i32
          %add3A_838 = arith.addi %mul3A_836, %add3A_837 : i32
          %get3A_839 = arith.constant 0 : i32
          %get3A_840 = arith.constant 0 : i32
          %get3A_841 = tpu.memref_slice %arg16[%scan3A_535, %get3A_839, %get3A_840] : memref<2x256x128xf32, #tpu.memory_space<vmem>> -> memref<1x256x128xf32, #tpu.memory_space<vmem>>
          %get3A_842 = tpu.memref_squeeze %get3A_841 : memref<1x256x128xf32, #tpu.memory_space<vmem>> -> memref<256x128xf32, #tpu.memory_space<vmem>>
          %get3A_843 = arith.index_cast %add3A_838 : i32 to index
          %get3A_844 = arith.index_cast %multiple_of3A : i32 to index
          %get3A_845 = tpu.vector_load %get3A_842[%get3A_843, %get3A_844] {strides = array<i32>} : memref<256x128xf32, #tpu.memory_space<vmem>>, vector<16xf32>,
          %mul3A_846 = arith.constant 16 : i32
          %mul3A_847 = arith.muli %scan3A_708, %mul3A_846 : i32
          %add3A_848 = arith.constant 12 : i32
          %add3A_849 = arith.addi %mul3A_847, %add3A_848 : i32
          %get3A_850 = arith.constant 0 : i32
          %get3A_851 = arith.constant 0 : i32
          %get3A_852 = tpu.memref_slice %arg16[%scan3A_535, %get3A_850, %get3A_851] : memref<2x256x128xf32, #tpu.memory_space<vmem>> -> memref<1x256x128xf32, #tpu.memory_space<vmem>>
          %get3A_853 = tpu.memref_squeeze %get3A_852 : memref<1x256x128xf32, #tpu.memory_space<vmem>> -> memref<256x128xf32, #tpu.memory_space<vmem>>
          %get3A_854 = arith.index_cast %add3A_849 : i32 to index
          %get3A_855 = arith.index_cast %multiple_of3A : i32 to index
          %get3A_856 = tpu.vector_load %get3A_853[%get3A_854, %get3A_855] {strides = array<i32>} : memref<256x128xf32, #tpu.memory_space<vmem>>, vector<16xf32>,
          %mul3A_857 = arith.constant 16 : i32
          %mul3A_858 = arith.muli %scan3A_708, %mul3A_857 : i32
          %add3A_859 = arith.constant 13 : i32
          %add3A_860 = arith.addi %mul3A_858, %add3A_859 : i32
          %get3A_861 = arith.constant 0 : i32
          %get3A_862 = arith.constant 0 : i32
          %get3A_863 = tpu.memref_slice %arg16[%scan3A_535, %get3A_861, %get3A_862] : memref<2x256x128xf32, #tpu.memory_space<vmem>> -> memref<1x256x128xf32, #tpu.memory_space<vmem>>
          %get3A_864 = tpu.memref_squeeze %get3A_863 : memref<1x256x128xf32, #tpu.memory_space<vmem>> -> memref<256x128xf32, #tpu.memory_space<vmem>>
          %get3A_865 = arith.index_cast %add3A_860 : i32 to index
          %get3A_866 = arith.index_cast %multiple_of3A : i32 to index
          %get3A_867 = tpu.vector_load %get3A_864[%get3A_865, %get3A_866] {strides = array<i32>} : memref<256x128xf32, #tpu.memory_space<vmem>>, vector<16xf32>,
          %mul3A_868 = arith.constant 16 : i32
          %mul3A_869 = arith.muli %scan3A_708, %mul3A_868 : i32
          %add3A_870 = arith.constant 14 : i32
          %add3A_871 = arith.addi %mul3A_869, %add3A_870 : i32
          %get3A_872 = arith.constant 0 : i32
          %get3A_873 = arith.constant 0 : i32
          %get3A_874 = tpu.memref_slice %arg16[%scan3A_535, %get3A_872, %get3A_873] : memref<2x256x128xf32, #tpu.memory_space<vmem>> -> memref<1x256x128xf32, #tpu.memory_space<vmem>>
          %get3A_875 = tpu.memref_squeeze %get3A_874 : memref<1x256x128xf32, #tpu.memory_space<vmem>> -> memref<256x128xf32, #tpu.memory_space<vmem>>
          %get3A_876 = arith.index_cast %add3A_871 : i32 to index
          %get3A_877 = arith.index_cast %multiple_of3A : i32 to index
          %get3A_878 = tpu.vector_load %get3A_875[%get3A_876, %get3A_877] {strides = array<i32>} : memref<256x128xf32, #tpu.memory_space<vmem>>, vector<16xf32>,
          %mul3A_879 = arith.constant 16 : i32
          %mul3A_880 = arith.muli %scan3A_708, %mul3A_879 : i32
          %add3A_881 = arith.constant 15 : i32
          %add3A_882 = arith.addi %mul3A_880, %add3A_881 : i32
          %get3A_883 = arith.constant 0 : i32
          %get3A_884 = arith.constant 0 : i32
          %get3A_885 = tpu.memref_slice %arg16[%scan3A_535, %get3A_883, %get3A_884] : memref<2x256x128xf32, #tpu.memory_space<vmem>> -> memref<1x256x128xf32, #tpu.memory_space<vmem>>
          %get3A_886 = tpu.memref_squeeze %get3A_885 : memref<1x256x128xf32, #tpu.memory_space<vmem>> -> memref<256x128xf32, #tpu.memory_space<vmem>>
          %get3A_887 = arith.index_cast %add3A_882 : i32 to index
          %get3A_888 = arith.index_cast %multiple_of3A : i32 to index
          %get3A_889 = tpu.vector_load %get3A_886[%get3A_887, %get3A_888] {strides = array<i32>} : memref<256x128xf32, #tpu.memory_space<vmem>>, vector<16xf32>,
          %ge3A = arith.cmpf oge, %get3A_724, %get3A_711 : vector<16xf32>
          %ge3A_890 = arith.cmpf oge, %get3A_735, %get3A_711 : vector<16xf32>
          %ge3A_891 = arith.cmpf oge, %get3A_746, %get3A_711 : vector<16xf32>
          %ge3A_892 = arith.cmpf oge, %get3A_757, %get3A_711 : vector<16xf32>
          %ge3A_893 = arith.cmpf oge, %get3A_768, %get3A_711 : vector<16xf32>
          %ge3A_894 = arith.cmpf oge, %get3A_779, %get3A_711 : vector<16xf32>
          %ge3A_895 = arith.cmpf oge, %get3A_790, %get3A_711 : vector<16xf32>
          %ge3A_896 = arith.cmpf oge, %get3A_801, %get3A_711 : vector<16xf32>
          %ge3A_897 = arith.cmpf oge, %get3A_812, %get3A_711 : vector<16xf32>
          %ge3A_898 = arith.cmpf oge, %get3A_823, %get3A_711 : vector<16xf32>
          %ge3A_899 = arith.cmpf oge, %get3A_834, %get3A_711 : vector<16xf32>
          %ge3A_900 = arith.cmpf oge, %get3A_845, %get3A_711 : vector<16xf32>
          %ge3A_901 = arith.cmpf oge, %get3A_856, %get3A_711 : vector<16xf32>
          %ge3A_902 = arith.cmpf oge, %get3A_867, %get3A_711 : vector<16xf32>
          %ge3A_903 = arith.cmpf oge, %get3A_878, %get3A_711 : vector<16xf32>
          %ge3A_904 = arith.cmpf oge, %get3A_889, %get3A_711 : vector<16xf32>
          %jit3A_905 = arith.constant 1 : i32
          %jit3A_906 = arith.constant 0 : i32
          %broadcast_in_dim3A_907 = vector.broadcast %jit3A_905 : i32 to vector<16xi32>
          %broadcast_in_dim3A_908 = vector.broadcast %jit3A_906 : i32 to vector<16xi32>
          %select_n3A_909 = arith.select %ge3A, %broadcast_in_dim3A_907, %broadcast_in_dim3A_908 : vector<16xi1>, vector<16xi32>
          %jit3A_910 = arith.constant 1 : i32
          %jit3A_911 = arith.constant 0 : i32
          %broadcast_in_dim3A_912 = vector.broadcast %jit3A_910 : i32 to vector<16xi32>
          %broadcast_in_dim3A_913 = vector.broadcast %jit3A_911 : i32 to vector<16xi32>
          %select_n3A_914 = arith.select %ge3A_890, %broadcast_in_dim3A_912, %broadcast_in_dim3A_913 : vector<16xi1>, vector<16xi32>
          %jit3A_915 = arith.constant 1 : i32
          %jit3A_916 = arith.constant 0 : i32
          %broadcast_in_dim3A_917 = vector.broadcast %jit3A_915 : i32 to vector<16xi32>
          %broadcast_in_dim3A_918 = vector.broadcast %jit3A_916 : i32 to vector<16xi32>
          %select_n3A_919 = arith.select %ge3A_891, %broadcast_in_dim3A_917, %broadcast_in_dim3A_918 : vector<16xi1>, vector<16xi32>
          %jit3A_920 = arith.constant 1 : i32
          %jit3A_921 = arith.constant 0 : i32
          %broadcast_in_dim3A_922 = vector.broadcast %jit3A_920 : i32 to vector<16xi32>
          %broadcast_in_dim3A_923 = vector.broadcast %jit3A_921 : i32 to vector<16xi32>
          %select_n3A_924 = arith.select %ge3A_892, %broadcast_in_dim3A_922, %broadcast_in_dim3A_923 : vector<16xi1>, vector<16xi32>
          %jit3A_925 = arith.constant 1 : i32
          %jit3A_926 = arith.constant 0 : i32
          %broadcast_in_dim3A_927 = vector.broadcast %jit3A_925 : i32 to vector<16xi32>
          %broadcast_in_dim3A_928 = vector.broadcast %jit3A_926 : i32 to vector<16xi32>
          %select_n3A_929 = arith.select %ge3A_893, %broadcast_in_dim3A_927, %broadcast_in_dim3A_928 : vector<16xi1>, vector<16xi32>
          %jit3A_930 = arith.constant 1 : i32
          %jit3A_931 = arith.constant 0 : i32
          %broadcast_in_dim3A_932 = vector.broadcast %jit3A_930 : i32 to vector<16xi32>
          %broadcast_in_dim3A_933 = vector.broadcast %jit3A_931 : i32 to vector<16xi32>
          %select_n3A_934 = arith.select %ge3A_894, %broadcast_in_dim3A_932, %broadcast_in_dim3A_933 : vector<16xi1>, vector<16xi32>
          %jit3A_935 = arith.constant 1 : i32
          %jit3A_936 = arith.constant 0 : i32
          %broadcast_in_dim3A_937 = vector.broadcast %jit3A_935 : i32 to vector<16xi32>
          %broadcast_in_dim3A_938 = vector.broadcast %jit3A_936 : i32 to vector<16xi32>
          %select_n3A_939 = arith.select %ge3A_895, %broadcast_in_dim3A_937, %broadcast_in_dim3A_938 : vector<16xi1>, vector<16xi32>
          %jit3A_940 = arith.constant 1 : i32
          %jit3A_941 = arith.constant 0 : i32
          %broadcast_in_dim3A_942 = vector.broadcast %jit3A_940 : i32 to vector<16xi32>
          %broadcast_in_dim3A_943 = vector.broadcast %jit3A_941 : i32 to vector<16xi32>
          %select_n3A_944 = arith.select %ge3A_896, %broadcast_in_dim3A_942, %broadcast_in_dim3A_943 : vector<16xi1>, vector<16xi32>
          %jit3A_945 = arith.constant 1 : i32
          %jit3A_946 = arith.constant 0 : i32
          %broadcast_in_dim3A_947 = vector.broadcast %jit3A_945 : i32 to vector<16xi32>
          %broadcast_in_dim3A_948 = vector.broadcast %jit3A_946 : i32 to vector<16xi32>
          %select_n3A_949 = arith.select %ge3A_897, %broadcast_in_dim3A_947, %broadcast_in_dim3A_948 : vector<16xi1>, vector<16xi32>
          %jit3A_950 = arith.constant 1 : i32
          %jit3A_951 = arith.constant 0 : i32
          %broadcast_in_dim3A_952 = vector.broadcast %jit3A_950 : i32 to vector<16xi32>
          %broadcast_in_dim3A_953 = vector.broadcast %jit3A_951 : i32 to vector<16xi32>
          %select_n3A_954 = arith.select %ge3A_898, %broadcast_in_dim3A_952, %broadcast_in_dim3A_953 : vector<16xi1>, vector<16xi32>
          %jit3A_955 = arith.constant 1 : i32
          %jit3A_956 = arith.constant 0 : i32
          %broadcast_in_dim3A_957 = vector.broadcast %jit3A_955 : i32 to vector<16xi32>
          %broadcast_in_dim3A_958 = vector.broadcast %jit3A_956 : i32 to vector<16xi32>
          %select_n3A_959 = arith.select %ge3A_899, %broadcast_in_dim3A_957, %broadcast_in_dim3A_958 : vector<16xi1>, vector<16xi32>
          %jit3A_960 = arith.constant 1 : i32
          %jit3A_961 = arith.constant 0 : i32
          %broadcast_in_dim3A_962 = vector.broadcast %jit3A_960 : i32 to vector<16xi32>
          %broadcast_in_dim3A_963 = vector.broadcast %jit3A_961 : i32 to vector<16xi32>
          %select_n3A_964 = arith.select %ge3A_900, %broadcast_in_dim3A_962, %broadcast_in_dim3A_963 : vector<16xi1>, vector<16xi32>
          %jit3A_965 = arith.constant 1 : i32
          %jit3A_966 = arith.constant 0 : i32
          %broadcast_in_dim3A_967 = vector.broadcast %jit3A_965 : i32 to vector<16xi32>
          %broadcast_in_dim3A_968 = vector.broadcast %jit3A_966 : i32 to vector<16xi32>
          %select_n3A_969 = arith.select %ge3A_901, %broadcast_in_dim3A_967, %broadcast_in_dim3A_968 : vector<16xi1>, vector<16xi32>
          %jit3A_970 = arith.constant 1 : i32
          %jit3A_971 = arith.constant 0 : i32
          %broadcast_in_dim3A_972 = vector.broadcast %jit3A_970 : i32 to vector<16xi32>
          %broadcast_in_dim3A_973 = vector.broadcast %jit3A_971 : i32 to vector<16xi32>
          %select_n3A_974 = arith.select %ge3A_902, %broadcast_in_dim3A_972, %broadcast_in_dim3A_973 : vector<16xi1>, vector<16xi32>
          %jit3A_975 = arith.constant 1 : i32
          %jit3A_976 = arith.constant 0 : i32
          %broadcast_in_dim3A_977 = vector.broadcast %jit3A_975 : i32 to vector<16xi32>
          %broadcast_in_dim3A_978 = vector.broadcast %jit3A_976 : i32 to vector<16xi32>
          %select_n3A_979 = arith.select %ge3A_903, %broadcast_in_dim3A_977, %broadcast_in_dim3A_978 : vector<16xi1>, vector<16xi32>
          %jit3A_980 = arith.constant 1 : i32
          %jit3A_981 = arith.constant 0 : i32
          %broadcast_in_dim3A_982 = vector.broadcast %jit3A_980 : i32 to vector<16xi32>
          %broadcast_in_dim3A_983 = vector.broadcast %jit3A_981 : i32 to vector<16xi32>
          %select_n3A_984 = arith.select %ge3A_904, %broadcast_in_dim3A_982, %broadcast_in_dim3A_983 : vector<16xi1>, vector<16xi32>
          %add3A_985 = arith.addi %get3A_713, %select_n3A_909 : vector<16xi32>
          %add3A_986 = arith.addi %add3A_985, %select_n3A_914 : vector<16xi32>
          %add3A_987 = arith.addi %add3A_986, %select_n3A_919 : vector<16xi32>
          %add3A_988 = arith.addi %add3A_987, %select_n3A_924 : vector<16xi32>
          %add3A_989 = arith.addi %add3A_988, %select_n3A_929 : vector<16xi32>
          %add3A_990 = arith.addi %add3A_989, %select_n3A_934 : vector<16xi32>
          %add3A_991 = arith.addi %add3A_990, %select_n3A_939 : vector<16xi32>
          %add3A_992 = arith.addi %add3A_991, %select_n3A_944 : vector<16xi32>
          %add3A_993 = arith.addi %add3A_992, %select_n3A_949 : vector<16xi32>
          %add3A_994 = arith.addi %add3A_993, %select_n3A_954 : vector<16xi32>
          %add3A_995 = arith.addi %add3A_994, %select_n3A_959 : vector<16xi32>
          %add3A_996 = arith.addi %add3A_995, %select_n3A_964 : vector<16xi32>
          %add3A_997 = arith.addi %add3A_996, %select_n3A_969 : vector<16xi32>
          %add3A_998 = arith.addi %add3A_997, %select_n3A_974 : vector<16xi32>
          %add3A_999 = arith.addi %add3A_998, %select_n3A_979 : vector<16xi32>
          %mul3A_1000 = arith.constant 16 : i32
          %mul3A_1001 = arith.muli %scan3A_708, %mul3A_1000 : i32
          %add3A_1002 = arith.constant 0 : i32
          %add3A_1003 = arith.addi %mul3A_1001, %add3A_1002 : i32
          %broadcast_in_dim3A_1004 = vector.broadcast %add3A_1003 : i32 to vector<16xi32>
          tpu.vector_store_idx %arg17[%get3A_713, %add3A_554], %broadcast_in_dim3A_1004 masked %ge3A : memref<48x128xi32, #tpu.memory_space<vmem>>[vector<16xi32>, vector<16xi32>], vector<16xi32>, vector<16xi1>
          %mul3A_1005 = arith.constant 16 : i32
          %mul3A_1006 = arith.muli %scan3A_708, %mul3A_1005 : i32
          %add3A_1007 = arith.constant 1 : i32
          %add3A_1008 = arith.addi %mul3A_1006, %add3A_1007 : i32
          %broadcast_in_dim3A_1009 = vector.broadcast %add3A_1008 : i32 to vector<16xi32>
          tpu.vector_store_idx %arg17[%add3A_985, %add3A_554], %broadcast_in_dim3A_1009 masked %ge3A_890 : memref<48x128xi32, #tpu.memory_space<vmem>>[vector<16xi32>, vector<16xi32>], vector<16xi32>, vector<16xi1>
          %mul3A_1010 = arith.constant 16 : i32
          %mul3A_1011 = arith.muli %scan3A_708, %mul3A_1010 : i32
          %add3A_1012 = arith.constant 2 : i32
          %add3A_1013 = arith.addi %mul3A_1011, %add3A_1012 : i32
          %broadcast_in_dim3A_1014 = vector.broadcast %add3A_1013 : i32 to vector<16xi32>
          tpu.vector_store_idx %arg17[%add3A_986, %add3A_554], %broadcast_in_dim3A_1014 masked %ge3A_891 : memref<48x128xi32, #tpu.memory_space<vmem>>[vector<16xi32>, vector<16xi32>], vector<16xi32>, vector<16xi1>
          %mul3A_1015 = arith.constant 16 : i32
          %mul3A_1016 = arith.muli %scan3A_708, %mul3A_1015 : i32
          %add3A_1017 = arith.constant 3 : i32
          %add3A_1018 = arith.addi %mul3A_1016, %add3A_1017 : i32
          %broadcast_in_dim3A_1019 = vector.broadcast %add3A_1018 : i32 to vector<16xi32>
          tpu.vector_store_idx %arg17[%add3A_987, %add3A_554], %broadcast_in_dim3A_1019 masked %ge3A_892 : memref<48x128xi32, #tpu.memory_space<vmem>>[vector<16xi32>, vector<16xi32>], vector<16xi32>, vector<16xi1>
          %mul3A_1020 = arith.constant 16 : i32
          %mul3A_1021 = arith.muli %scan3A_708, %mul3A_1020 : i32
          %add3A_1022 = arith.constant 4 : i32
          %add3A_1023 = arith.addi %mul3A_1021, %add3A_1022 : i32
          %broadcast_in_dim3A_1024 = vector.broadcast %add3A_1023 : i32 to vector<16xi32>
          tpu.vector_store_idx %arg17[%add3A_988, %add3A_554], %broadcast_in_dim3A_1024 masked %ge3A_893 : memref<48x128xi32, #tpu.memory_space<vmem>>[vector<16xi32>, vector<16xi32>], vector<16xi32>, vector<16xi1>
          %mul3A_1025 = arith.constant 16 : i32
          %mul3A_1026 = arith.muli %scan3A_708, %mul3A_1025 : i32
          %add3A_1027 = arith.constant 5 : i32
          %add3A_1028 = arith.addi %mul3A_1026, %add3A_1027 : i32
          %broadcast_in_dim3A_1029 = vector.broadcast %add3A_1028 : i32 to vector<16xi32>
          tpu.vector_store_idx %arg17[%add3A_989, %add3A_554], %broadcast_in_dim3A_1029 masked %ge3A_894 : memref<48x128xi32, #tpu.memory_space<vmem>>[vector<16xi32>, vector<16xi32>], vector<16xi32>, vector<16xi1>
          %mul3A_1030 = arith.constant 16 : i32
          %mul3A_1031 = arith.muli %scan3A_708, %mul3A_1030 : i32
          %add3A_1032 = arith.constant 6 : i32
          %add3A_1033 = arith.addi %mul3A_1031, %add3A_1032 : i32
          %broadcast_in_dim3A_1034 = vector.broadcast %add3A_1033 : i32 to vector<16xi32>
          tpu.vector_store_idx %arg17[%add3A_990, %add3A_554], %broadcast_in_dim3A_1034 masked %ge3A_895 : memref<48x128xi32, #tpu.memory_space<vmem>>[vector<16xi32>, vector<16xi32>], vector<16xi32>, vector<16xi1>
          %mul3A_1035 = arith.constant 16 : i32
          %mul3A_1036 = arith.muli %scan3A_708, %mul3A_1035 : i32
          %add3A_1037 = arith.constant 7 : i32
          %add3A_1038 = arith.addi %mul3A_1036, %add3A_1037 : i32
          %broadcast_in_dim3A_1039 = vector.broadcast %add3A_1038 : i32 to vector<16xi32>
          tpu.vector_store_idx %arg17[%add3A_991, %add3A_554], %broadcast_in_dim3A_1039 masked %ge3A_896 : memref<48x128xi32, #tpu.memory_space<vmem>>[vector<16xi32>, vector<16xi32>], vector<16xi32>, vector<16xi1>
          %mul3A_1040 = arith.constant 16 : i32
          %mul3A_1041 = arith.muli %scan3A_708, %mul3A_1040 : i32
          %add3A_1042 = arith.constant 8 : i32
          %add3A_1043 = arith.addi %mul3A_1041, %add3A_1042 : i32
          %broadcast_in_dim3A_1044 = vector.broadcast %add3A_1043 : i32 to vector<16xi32>
          tpu.vector_store_idx %arg17[%add3A_992, %add3A_554], %broadcast_in_dim3A_1044 masked %ge3A_897 : memref<48x128xi32, #tpu.memory_space<vmem>>[vector<16xi32>, vector<16xi32>], vector<16xi32>, vector<16xi1>
          %mul3A_1045 = arith.constant 16 : i32
          %mul3A_1046 = arith.muli %scan3A_708, %mul3A_1045 : i32
          %add3A_1047 = arith.constant 9 : i32
          %add3A_1048 = arith.addi %mul3A_1046, %add3A_1047 : i32
          %broadcast_in_dim3A_1049 = vector.broadcast %add3A_1048 : i32 to vector<16xi32>
          tpu.vector_store_idx %arg17[%add3A_993, %add3A_554], %broadcast_in_dim3A_1049 masked %ge3A_898 : memref<48x128xi32, #tpu.memory_space<vmem>>[vector<16xi32>, vector<16xi32>], vector<16xi32>, vector<16xi1>
          %mul3A_1050 = arith.constant 16 : i32
          %mul3A_1051 = arith.muli %scan3A_708, %mul3A_1050 : i32
          %add3A_1052 = arith.constant 10 : i32
          %add3A_1053 = arith.addi %mul3A_1051, %add3A_1052 : i32
          %broadcast_in_dim3A_1054 = vector.broadcast %add3A_1053 : i32 to vector<16xi32>
          tpu.vector_store_idx %arg17[%add3A_994, %add3A_554], %broadcast_in_dim3A_1054 masked %ge3A_899 : memref<48x128xi32, #tpu.memory_space<vmem>>[vector<16xi32>, vector<16xi32>], vector<16xi32>, vector<16xi1>
          %mul3A_1055 = arith.constant 16 : i32
          %mul3A_1056 = arith.muli %scan3A_708, %mul3A_1055 : i32
          %add3A_1057 = arith.constant 11 : i32
          %add3A_1058 = arith.addi %mul3A_1056, %add3A_1057 : i32
          %broadcast_in_dim3A_1059 = vector.broadcast %add3A_1058 : i32 to vector<16xi32>
          tpu.vector_store_idx %arg17[%add3A_995, %add3A_554], %broadcast_in_dim3A_1059 masked %ge3A_900 : memref<48x128xi32, #tpu.memory_space<vmem>>[vector<16xi32>, vector<16xi32>], vector<16xi32>, vector<16xi1>
          %mul3A_1060 = arith.constant 16 : i32
          %mul3A_1061 = arith.muli %scan3A_708, %mul3A_1060 : i32
          %add3A_1062 = arith.constant 12 : i32
          %add3A_1063 = arith.addi %mul3A_1061, %add3A_1062 : i32
          %broadcast_in_dim3A_1064 = vector.broadcast %add3A_1063 : i32 to vector<16xi32>
          tpu.vector_store_idx %arg17[%add3A_996, %add3A_554], %broadcast_in_dim3A_1064 masked %ge3A_901 : memref<48x128xi32, #tpu.memory_space<vmem>>[vector<16xi32>, vector<16xi32>], vector<16xi32>, vector<16xi1>
          %mul3A_1065 = arith.constant 16 : i32
          %mul3A_1066 = arith.muli %scan3A_708, %mul3A_1065 : i32
          %add3A_1067 = arith.constant 13 : i32
          %add3A_1068 = arith.addi %mul3A_1066, %add3A_1067 : i32
          %broadcast_in_dim3A_1069 = vector.broadcast %add3A_1068 : i32 to vector<16xi32>
          tpu.vector_store_idx %arg17[%add3A_997, %add3A_554], %broadcast_in_dim3A_1069 masked %ge3A_902 : memref<48x128xi32, #tpu.memory_space<vmem>>[vector<16xi32>, vector<16xi32>], vector<16xi32>, vector<16xi1>
          %mul3A_1070 = arith.constant 16 : i32
          %mul3A_1071 = arith.muli %scan3A_708, %mul3A_1070 : i32
          %add3A_1072 = arith.constant 14 : i32
          %add3A_1073 = arith.addi %mul3A_1071, %add3A_1072 : i32
          %broadcast_in_dim3A_1074 = vector.broadcast %add3A_1073 : i32 to vector<16xi32>
          tpu.vector_store_idx %arg17[%add3A_998, %add3A_554], %broadcast_in_dim3A_1074 masked %ge3A_903 : memref<48x128xi32, #tpu.memory_space<vmem>>[vector<16xi32>, vector<16xi32>], vector<16xi32>, vector<16xi1>
          %mul3A_1075 = arith.constant 16 : i32
          %mul3A_1076 = arith.muli %scan3A_708, %mul3A_1075 : i32
          %add3A_1077 = arith.constant 15 : i32
          %add3A_1078 = arith.addi %mul3A_1076, %add3A_1077 : i32
          %broadcast_in_dim3A_1079 = vector.broadcast %add3A_1078 : i32 to vector<16xi32>
          tpu.vector_store_idx %arg17[%add3A_999, %add3A_554], %broadcast_in_dim3A_1079 masked %ge3A_904 : memref<48x128xi32, #tpu.memory_space<vmem>>[vector<16xi32>, vector<16xi32>], vector<16xi32>, vector<16xi1>
          %add3A_1080 = arith.addi %add3A_999, %select_n3A_984 : vector<16xi32>
          %swap3A_1081 = arith.index_cast %multiple_of3A : i32 to index
          %swap3A_1082 = tpu.vector_load %arg21[%swap3A_1081] {strides = array<i32>} : memref<128xi32, #tpu.memory_space<vmem>>, vector<16xi32>,
          tpu.vector_store %arg21[%swap3A_1081], %add3A_1080 {strides = array<i32>} : memref<128xi32, #tpu.memory_space<vmem>>, vector<16xi32>,
          %reduce_max3A_1083 = arith.constant true
          %reduce_max3A_1084 = vector.broadcast %reduce_max3A_1083 : i1 to vector<16xi1>
          %reduce_max3A_1085 = arith.constant -2147483648 : i32
          %reduce_max3A_1086 = vector.broadcast %reduce_max3A_1085 : i32 to vector<16xi32>
          %reduce_max3A_1087 = arith.xori %get3A_713, %reduce_max3A_1086 : vector<16xi32>
          %reduce_max3A_1088 = tpu.scan <max>, %reduce_max3A_1087 masked %reduce_max3A_1084 : vector<16xi32>, vector<16xi1> -> vector<16xi32>
          %reduce_max3A_1089 = arith.xori %reduce_max3A_1088, %reduce_max3A_1086 : vector<16xi32>
          %reduce_max3A_1090 = vector.extract %reduce_max3A_1089[15] : i32 from vector<16xi32>
          %gt3A_1091 = arith.constant 16 : i32
          %gt3A_1092 = arith.cmpi sgt, %reduce_max3A_1090, %gt3A_1091 : i32
          %convert_element_type3A_1093 = arith.extui %gt3A_1092 : i1 to i32
          %cond3A_1094 = arith.constant 0 : i32
          %cond3A_1095 = arith.cmpi ne, %convert_element_type3A_1093, %cond3A_1094 : i32
          scf.if %cond3A_1095 {
            %get3A_1097 = arith.index_cast %multiple_of3A : i32 to index
            %get3A_1098 = tpu.vector_load %arg21[%get3A_1097] {strides = array<i32>} : memref<128xi32, #tpu.memory_space<vmem>>, vector<16xi32>,
            %get3A_1099 = arith.constant 0 : i32
            %get3A_1100 = arith.index_cast %get3A_1099 : i32 to index
            %get3A_1101 = arith.index_cast %multiple_of3A : i32 to index
            %get3A_1102 = tpu.vector_load %arg18[%get3A_1100, %get3A_1101] {strides = array<i32>} : memref<5x128xf32, #tpu.memory_space<vmem>>, vector<16xf32>,
            %get3A_1103 = arith.constant 1 : i32
            %get3A_1104 = arith.index_cast %get3A_1103 : i32 to index
            %get3A_1105 = arith.index_cast %multiple_of3A : i32 to index
            %get3A_1106 = tpu.vector_load %arg18[%get3A_1104, %get3A_1105] {strides = array<i32>} : memref<5x128xf32, #tpu.memory_space<vmem>>, vector<16xf32>,
            %get3A_1107 = arith.constant 2 : i32
            %get3A_1108 = arith.index_cast %get3A_1107 : i32 to index
            %get3A_1109 = arith.index_cast %multiple_of3A : i32 to index
            %get3A_1110 = tpu.vector_load %arg18[%get3A_1108, %get3A_1109] {strides = array<i32>} : memref<5x128xf32, #tpu.memory_space<vmem>>, vector<16xf32>,
            %get3A_1111 = arith.constant 3 : i32
            %get3A_1112 = arith.index_cast %get3A_1111 : i32 to index
            %get3A_1113 = arith.index_cast %multiple_of3A : i32 to index
            %get3A_1114 = tpu.vector_load %arg18[%get3A_1112, %get3A_1113] {strides = array<i32>} : memref<5x128xf32, #tpu.memory_space<vmem>>, vector<16xf32>,
            %get3A_1115 = arith.constant 4 : i32
            %get3A_1116 = arith.index_cast %get3A_1115 : i32 to index
            %get3A_1117 = arith.index_cast %multiple_of3A : i32 to index
            %get3A_1118 = tpu.vector_load %arg18[%get3A_1116, %get3A_1117] {strides = array<i32>} : memref<5x128xf32, #tpu.memory_space<vmem>>, vector<16xf32>,
            %get3A_1119 = arith.constant 0 : i32
            %get3A_1120 = arith.index_cast %get3A_1119 : i32 to index
            %get3A_1121 = arith.index_cast %multiple_of3A : i32 to index
            %get3A_1122 = tpu.vector_load %arg19[%get3A_1120, %get3A_1121] {strides = array<i32>} : memref<5x128xi32, #tpu.memory_space<vmem>>, vector<16xi32>,
            %get3A_1123 = arith.constant 1 : i32
            %get3A_1124 = arith.index_cast %get3A_1123 : i32 to index
            %get3A_1125 = arith.index_cast %multiple_of3A : i32 to index
            %get3A_1126 = tpu.vector_load %arg19[%get3A_1124, %get3A_1125] {strides = array<i32>} : memref<5x128xi32, #tpu.memory_space<vmem>>, vector<16xi32>,
            %get3A_1127 = arith.constant 2 : i32
            %get3A_1128 = arith.index_cast %get3A_1127 : i32 to index
            %get3A_1129 = arith.index_cast %multiple_of3A : i32 to index
            %get3A_1130 = tpu.vector_load %arg19[%get3A_1128, %get3A_1129] {strides = array<i32>} : memref<5x128xi32, #tpu.memory_space<vmem>>, vector<16xi32>,
            %get3A_1131 = arith.constant 3 : i32
            %get3A_1132 = arith.index_cast %get3A_1131 : i32 to index
            %get3A_1133 = arith.index_cast %multiple_of3A : i32 to index
            %get3A_1134 = tpu.vector_load %arg19[%get3A_1132, %get3A_1133] {strides = array<i32>} : memref<5x128xi32, #tpu.memory_space<vmem>>, vector<16xi32>,
            %get3A_1135 = arith.constant 4 : i32
            %get3A_1136 = arith.index_cast %get3A_1135 : i32 to index
            %get3A_1137 = arith.index_cast %multiple_of3A : i32 to index
            %get3A_1138 = tpu.vector_load %arg19[%get3A_1136, %get3A_1137] {strides = array<i32>} : memref<5x128xi32, #tpu.memory_space<vmem>>, vector<16xi32>,
            %reduce_max3A_1139 = arith.constant true
            %reduce_max3A_1140 = vector.broadcast %reduce_max3A_1139 : i1 to vector<16xi1>
            %reduce_max3A_1141 = arith.constant -2147483648 : i32
            %reduce_max3A_1142 = vector.broadcast %reduce_max3A_1141 : i32 to vector<16xi32>
            %reduce_max3A_1143 = arith.xori %get3A_1098, %reduce_max3A_1142 : vector<16xi32>
            %reduce_max3A_1144 = tpu.scan <max>, %reduce_max3A_1143 masked %reduce_max3A_1140 : vector<16xi32>, vector<16xi1> -> vector<16xi32>
            %reduce_max3A_1145 = arith.xori %reduce_max3A_1144, %reduce_max3A_1142 : vector<16xi32>
            %reduce_max3A_1146 = vector.extract %reduce_max3A_1145[15] : i32 from vector<16xi32>
            %add3A_1147 = arith.constant 3 : i32
            %add3A_1148 = arith.addi %reduce_max3A_1146, %add3A_1147 : i32
            %jit3A_1149 = arith.constant 4 : i32
            %div3A_1150 = arith.divsi %add3A_1148, %jit3A_1149 : i32
            %sign3A_1151 = arith.constant 0 : i32
            %sign3A_1152 = arith.cmpi sgt, %add3A_1148, %sign3A_1151 : i32
            %sign3A_1153 = arith.extui %sign3A_1152 : i1 to i32
            %sign3A_1154 = arith.constant 0 : i32
            %sign3A_1155 = arith.cmpi slt, %add3A_1148, %sign3A_1154 : i32
            %sign3A_1156 = arith.extui %sign3A_1155 : i1 to i32
            %sign3A_1157 = arith.subi %sign3A_1153, %sign3A_1156 : i32
            %sign3A_1158 = arith.constant 0 : i32
            %sign3A_1159 = arith.cmpi sgt, %jit3A_1149, %sign3A_1158 : i32
            %sign3A_1160 = arith.extui %sign3A_1159 : i1 to i32
            %sign3A_1161 = arith.constant 0 : i32
            %sign3A_1162 = arith.cmpi slt, %jit3A_1149, %sign3A_1161 : i32
            %sign3A_1163 = arith.extui %sign3A_1162 : i1 to i32
            %sign3A_1164 = arith.subi %sign3A_1160, %sign3A_1163 : i32
            %ne3A_1165 = arith.cmpi ne, %sign3A_1157, %sign3A_1164 : i32
            %rem3A_1166 = arith.remsi %add3A_1148, %jit3A_1149 : i32
            %ne3A_1167 = arith.constant 0 : i32
            %ne3A_1168 = arith.cmpi ne, %rem3A_1166, %ne3A_1167 : i32
            %and3A_1169 = arith.andi %ne3A_1165, %ne3A_1168 : i1
            %sub3A_1170 = arith.constant 1 : i32
            %sub3A_1171 = arith.subi %div3A_1150, %sub3A_1170 : i32
            %select_n3A_1172 = arith.select %and3A_1169, %sub3A_1171, %div3A_1150 : i32
            %while3A_1173 = arith.constant 0 : i32
            %while3A_1174 = arith.subi %select_n3A_1172, %while3A_1173 : i32
            %while3A_1175 = arith.addi %while3A_1173, %while3A_1174 : i32
            %while3A_1176 = arith.constant 1 : i32
            %while3A_1177 = arith.divsi %while3A_1174, %while3A_1176 : i32
            %while3A_1178 = arith.muli %while3A_1177, %while3A_1176 : i32
            %while3A_1179 = arith.addi %while3A_1173, %while3A_1178 : i32
            %while3A_1180 = arith.constant 1 : i32
            %while3A_1181:10 = scf.for %while3A_1228 = %while3A_1173 to %while3A_1179 step %while3A_1180 iter_args(%while3A_1229 = %get3A_1102, %while3A_1230 = %get3A_1106, %while3A_1231 = %get3A_1110, %while3A_1232 = %get3A_1114, %while3A_1233 = %get3A_1118, %while3A_1234 = %get3A_1122, %while3A_1235 = %get3A_1126, %while3A_1236 = %get3A_1130, %while3A_1237 = %get3A_1134, %while3A_1238 = %get3A_1138) -> (vector<16xf32>, vector<16xf32>, vector<16xf32>, vector<16xf32>, vector<16xf32>, vector<16xi32>, vector<16xi32>, vector<16xi32>, vector<16xi32>, vector<16xi32>)  : i32 {
              %mul3A_1239 = arith.constant 4 : i32
              %mul3A_1240 = arith.muli %while3A_1228, %mul3A_1239 : i32
              %add3A_1241 = arith.constant 0 : i32
              %add3A_1242 = arith.addi %mul3A_1240, %add3A_1241 : i32
              %lt3A_1243 = vector.broadcast %add3A_1242 : i32 to vector<16xi32>
              %lt3A_1244 = arith.cmpi slt, %lt3A_1243, %get3A_1098 : vector<16xi32>
              %broadcast_in_dim3A_1245 = vector.broadcast %add3A_1242 : i32 to vector<16xi32>
              %gather3A = tpu.vector_load_idx %arg17[%broadcast_in_dim3A_1245, %add3A_554] masked %lt3A_1244 : memref<48x128xi32, #tpu.memory_space<vmem>>[vector<16xi32>, vector<16xi32>], vector<16xi32>, vector<16xi1>
              %jit3A_1246 = arith.constant 0 : i32
              %broadcast_in_dim3A_1247 = vector.broadcast %jit3A_1246 : i32 to vector<16xi32>
              %select_n3A_1248 = arith.select %lt3A_1244, %gather3A, %broadcast_in_dim3A_1247 : vector<16xi1>, vector<16xi32>
              %gather3A_1249 = arith.constant 0 : i32
              %gather3A_1250 = arith.constant 0 : i32
              %gather3A_1251 = tpu.memref_slice %arg16[%scan3A_535, %gather3A_1249, %gather3A_1250] : memref<2x256x128xf32, #tpu.memory_space<vmem>> -> memref<1x256x128xf32, #tpu.memory_space<vmem>>
              %gather3A_1252 = tpu.memref_squeeze %gather3A_1251 : memref<1x256x128xf32, #tpu.memory_space<vmem>> -> memref<256x128xf32, #tpu.memory_space<vmem>>
              %gather3A_1253 = tpu.vector_load_idx %gather3A_1252[%select_n3A_1248, %add3A_554] masked %lt3A_1244 : memref<256x128xf32, #tpu.memory_space<vmem>>[vector<16xi32>, vector<16xi32>], vector<16xf32>, vector<16xi1>
              %jit3A_1254 = arith.constant 0xFF800000 : f32
              %broadcast_in_dim3A_1255 = vector.broadcast %jit3A_1254 : f32 to vector<16xf32>
              %select_n3A_1256 = arith.select %lt3A_1244, %gather3A_1253, %broadcast_in_dim3A_1255 : vector<16xi1>, vector<16xf32>
              %mul3A_1257 = arith.constant 4 : i32
              %mul3A_1258 = arith.muli %while3A_1228, %mul3A_1257 : i32
              %add3A_1259 = arith.constant 1 : i32
              %add3A_1260 = arith.addi %mul3A_1258, %add3A_1259 : i32
              %lt3A_1261 = vector.broadcast %add3A_1260 : i32 to vector<16xi32>
              %lt3A_1262 = arith.cmpi slt, %lt3A_1261, %get3A_1098 : vector<16xi32>
              %broadcast_in_dim3A_1263 = vector.broadcast %add3A_1260 : i32 to vector<16xi32>
              %gather3A_1264 = tpu.vector_load_idx %arg17[%broadcast_in_dim3A_1263, %add3A_554] masked %lt3A_1262 : memref<48x128xi32, #tpu.memory_space<vmem>>[vector<16xi32>, vector<16xi32>], vector<16xi32>, vector<16xi1>
              %jit3A_1265 = arith.constant 0 : i32
              %broadcast_in_dim3A_1266 = vector.broadcast %jit3A_1265 : i32 to vector<16xi32>
              %select_n3A_1267 = arith.select %lt3A_1262, %gather3A_1264, %broadcast_in_dim3A_1266 : vector<16xi1>, vector<16xi32>
              %gather3A_1268 = arith.constant 0 : i32
              %gather3A_1269 = arith.constant 0 : i32
              %gather3A_1270 = tpu.memref_slice %arg16[%scan3A_535, %gather3A_1268, %gather3A_1269] : memref<2x256x128xf32, #tpu.memory_space<vmem>> -> memref<1x256x128xf32, #tpu.memory_space<vmem>>
              %gather3A_1271 = tpu.memref_squeeze %gather3A_1270 : memref<1x256x128xf32, #tpu.memory_space<vmem>> -> memref<256x128xf32, #tpu.memory_space<vmem>>
              %gather3A_1272 = tpu.vector_load_idx %gather3A_1271[%select_n3A_1267, %add3A_554] masked %lt3A_1262 : memref<256x128xf32, #tpu.memory_space<vmem>>[vector<16xi32>, vector<16xi32>], vector<16xf32>, vector<16xi1>
              %jit3A_1273 = arith.constant 0xFF800000 : f32
              %broadcast_in_dim3A_1274 = vector.broadcast %jit3A_1273 : f32 to vector<16xf32>
              %select_n3A_1275 = arith.select %lt3A_1262, %gather3A_1272, %broadcast_in_dim3A_1274 : vector<16xi1>, vector<16xf32>
              %mul3A_1276 = arith.constant 4 : i32
              %mul3A_1277 = arith.muli %while3A_1228, %mul3A_1276 : i32
              %add3A_1278 = arith.constant 2 : i32
              %add3A_1279 = arith.addi %mul3A_1277, %add3A_1278 : i32
              %lt3A_1280 = vector.broadcast %add3A_1279 : i32 to vector<16xi32>
              %lt3A_1281 = arith.cmpi slt, %lt3A_1280, %get3A_1098 : vector<16xi32>
              %broadcast_in_dim3A_1282 = vector.broadcast %add3A_1279 : i32 to vector<16xi32>
              %gather3A_1283 = tpu.vector_load_idx %arg17[%broadcast_in_dim3A_1282, %add3A_554] masked %lt3A_1281 : memref<48x128xi32, #tpu.memory_space<vmem>>[vector<16xi32>, vector<16xi32>], vector<16xi32>, vector<16xi1>
              %jit3A_1284 = arith.constant 0 : i32
              %broadcast_in_dim3A_1285 = vector.broadcast %jit3A_1284 : i32 to vector<16xi32>
              %select_n3A_1286 = arith.select %lt3A_1281, %gather3A_1283, %broadcast_in_dim3A_1285 : vector<16xi1>, vector<16xi32>
              %gather3A_1287 = arith.constant 0 : i32
              %gather3A_1288 = arith.constant 0 : i32
              %gather3A_1289 = tpu.memref_slice %arg16[%scan3A_535, %gather3A_1287, %gather3A_1288] : memref<2x256x128xf32, #tpu.memory_space<vmem>> -> memref<1x256x128xf32, #tpu.memory_space<vmem>>
              %gather3A_1290 = tpu.memref_squeeze %gather3A_1289 : memref<1x256x128xf32, #tpu.memory_space<vmem>> -> memref<256x128xf32, #tpu.memory_space<vmem>>
              %gather3A_1291 = tpu.vector_load_idx %gather3A_1290[%select_n3A_1286, %add3A_554] masked %lt3A_1281 : memref<256x128xf32, #tpu.memory_space<vmem>>[vector<16xi32>, vector<16xi32>], vector<16xf32>, vector<16xi1>
              %jit3A_1292 = arith.constant 0xFF800000 : f32
              %broadcast_in_dim3A_1293 = vector.broadcast %jit3A_1292 : f32 to vector<16xf32>
              %select_n3A_1294 = arith.select %lt3A_1281, %gather3A_1291, %broadcast_in_dim3A_1293 : vector<16xi1>, vector<16xf32>
              %mul3A_1295 = arith.constant 4 : i32
              %mul3A_1296 = arith.muli %while3A_1228, %mul3A_1295 : i32
              %add3A_1297 = arith.constant 3 : i32
              %add3A_1298 = arith.addi %mul3A_1296, %add3A_1297 : i32
              %lt3A_1299 = vector.broadcast %add3A_1298 : i32 to vector<16xi32>
              %lt3A_1300 = arith.cmpi slt, %lt3A_1299, %get3A_1098 : vector<16xi32>
              %broadcast_in_dim3A_1301 = vector.broadcast %add3A_1298 : i32 to vector<16xi32>
              %gather3A_1302 = tpu.vector_load_idx %arg17[%broadcast_in_dim3A_1301, %add3A_554] masked %lt3A_1300 : memref<48x128xi32, #tpu.memory_space<vmem>>[vector<16xi32>, vector<16xi32>], vector<16xi32>, vector<16xi1>
              %jit3A_1303 = arith.constant 0 : i32
              %broadcast_in_dim3A_1304 = vector.broadcast %jit3A_1303 : i32 to vector<16xi32>
              %select_n3A_1305 = arith.select %lt3A_1300, %gather3A_1302, %broadcast_in_dim3A_1304 : vector<16xi1>, vector<16xi32>
              %gather3A_1306 = arith.constant 0 : i32
              %gather3A_1307 = arith.constant 0 : i32
              %gather3A_1308 = tpu.memref_slice %arg16[%scan3A_535, %gather3A_1306, %gather3A_1307] : memref<2x256x128xf32, #tpu.memory_space<vmem>> -> memref<1x256x128xf32, #tpu.memory_space<vmem>>
              %gather3A_1309 = tpu.memref_squeeze %gather3A_1308 : memref<1x256x128xf32, #tpu.memory_space<vmem>> -> memref<256x128xf32, #tpu.memory_space<vmem>>
              %gather3A_1310 = tpu.vector_load_idx %gather3A_1309[%select_n3A_1305, %add3A_554] masked %lt3A_1300 : memref<256x128xf32, #tpu.memory_space<vmem>>[vector<16xi32>, vector<16xi32>], vector<16xf32>, vector<16xi1>
              %jit3A_1311 = arith.constant 0xFF800000 : f32
              %broadcast_in_dim3A_1312 = vector.broadcast %jit3A_1311 : f32 to vector<16xf32>
              %select_n3A_1313 = arith.select %lt3A_1300, %gather3A_1310, %broadcast_in_dim3A_1312 : vector<16xi1>, vector<16xf32>
              %add3A_1314 = arith.addi %broadcast_in_dim3A_559, %select_n3A_1248 : vector<16xi32>
              %gt3A_1315 = arith.cmpf ogt, %select_n3A_1256, %while3A_1229 : vector<16xf32>
              %gt3A_1316 = arith.cmpf ogt, %select_n3A_1256, %while3A_1230 : vector<16xf32>
              %gt3A_1317 = arith.cmpf ogt, %select_n3A_1256, %while3A_1231 : vector<16xf32>
              %gt3A_1318 = arith.cmpf ogt, %select_n3A_1256, %while3A_1232 : vector<16xf32>
              %gt3A_1319 = arith.cmpf ogt, %select_n3A_1256, %while3A_1233 : vector<16xf32>
              %select_n3A_1320 = arith.select %gt3A_1318, %while3A_1232, %select_n3A_1256 : vector<16xi1>, vector<16xf32>
              %select_n3A_1321 = arith.select %gt3A_1319, %select_n3A_1320, %while3A_1233 : vector<16xi1>, vector<16xf32>
              %select_n3A_1322 = arith.select %gt3A_1318, %while3A_1237, %add3A_1314 : vector<16xi1>, vector<16xi32>
              %select_n3A_1323 = arith.select %gt3A_1319, %select_n3A_1322, %while3A_1238 : vector<16xi1>, vector<16xi32>
              %select_n3A_1324 = arith.select %gt3A_1317, %while3A_1231, %select_n3A_1256 : vector<16xi1>, vector<16xf32>
              %select_n3A_1325 = arith.select %gt3A_1318, %select_n3A_1324, %while3A_1232 : vector<16xi1>, vector<16xf32>
              %select_n3A_1326 = arith.select %gt3A_1317, %while3A_1236, %add3A_1314 : vector<16xi1>, vector<16xi32>
              %select_n3A_1327 = arith.select %gt3A_1318, %select_n3A_1326, %while3A_1237 : vector<16xi1>, vector<16xi32>
              %select_n3A_1328 = arith.select %gt3A_1316, %while3A_1230, %select_n3A_1256 : vector<16xi1>, vector<16xf32>
              %select_n3A_1329 = arith.select %gt3A_1317, %select_n3A_1328, %while3A_1231 : vector<16xi1>, vector<16xf32>
              %select_n3A_1330 = arith.select %gt3A_1316, %while3A_1235, %add3A_1314 : vector<16xi1>, vector<16xi32>
              %select_n3A_1331 = arith.select %gt3A_1317, %select_n3A_1330, %while3A_1236 : vector<16xi1>, vector<16xi32>
              %select_n3A_1332 = arith.select %gt3A_1315, %while3A_1229, %select_n3A_1256 : vector<16xi1>, vector<16xf32>
              %select_n3A_1333 = arith.select %gt3A_1316, %select_n3A_1332, %while3A_1230 : vector<16xi1>, vector<16xf32>
              %select_n3A_1334 = arith.select %gt3A_1315, %while3A_1234, %add3A_1314 : vector<16xi1>, vector<16xi32>
              %select_n3A_1335 = arith.select %gt3A_1316, %select_n3A_1334, %while3A_1235 : vector<16xi1>, vector<16xi32>
              %select_n3A_1336 = arith.select %gt3A_1315, %select_n3A_1256, %while3A_1229 : vector<16xi1>, vector<16xf32>
              %select_n3A_1337 = arith.select %gt3A_1315, %add3A_1314, %while3A_1234 : vector<16xi1>, vector<16xi32>
              %add3A_1338 = arith.addi %broadcast_in_dim3A_559, %select_n3A_1267 : vector<16xi32>
              %gt3A_1339 = arith.cmpf ogt, %select_n3A_1275, %select_n3A_1336 : vector<16xf32>
              %gt3A_1340 = arith.cmpf ogt, %select_n3A_1275, %select_n3A_1333 : vector<16xf32>
              %gt3A_1341 = arith.cmpf ogt, %select_n3A_1275, %select_n3A_1329 : vector<16xf32>
              %gt3A_1342 = arith.cmpf ogt, %select_n3A_1275, %select_n3A_1325 : vector<16xf32>
              %gt3A_1343 = arith.cmpf ogt, %select_n3A_1275, %select_n3A_1321 : vector<16xf32>
              %select_n3A_1344 = arith.select %gt3A_1342, %select_n3A_1325, %select_n3A_1275 : vector<16xi1>, vector<16xf32>
              %select_n3A_1345 = arith.select %gt3A_1343, %select_n3A_1344, %select_n3A_1321 : vector<16xi1>, vector<16xf32>
              %select_n3A_1346 = arith.select %gt3A_1342, %select_n3A_1327, %add3A_1338 : vector<16xi1>, vector<16xi32>
              %select_n3A_1347 = arith.select %gt3A_1343, %select_n3A_1346, %select_n3A_1323 : vector<16xi1>, vector<16xi32>
              %select_n3A_1348 = arith.select %gt3A_1341, %select_n3A_1329, %select_n3A_1275 : vector<16xi1>, vector<16xf32>
              %select_n3A_1349 = arith.select %gt3A_1342, %select_n3A_1348, %select_n3A_1325 : vector<16xi1>, vector<16xf32>
              %select_n3A_1350 = arith.select %gt3A_1341, %select_n3A_1331, %add3A_1338 : vector<16xi1>, vector<16xi32>
              %select_n3A_1351 = arith.select %gt3A_1342, %select_n3A_1350, %select_n3A_1327 : vector<16xi1>, vector<16xi32>
              %select_n3A_1352 = arith.select %gt3A_1340, %select_n3A_1333, %select_n3A_1275 : vector<16xi1>, vector<16xf32>
              %select_n3A_1353 = arith.select %gt3A_1341, %select_n3A_1352, %select_n3A_1329 : vector<16xi1>, vector<16xf32>
              %select_n3A_1354 = arith.select %gt3A_1340, %select_n3A_1335, %add3A_1338 : vector<16xi1>, vector<16xi32>
              %select_n3A_1355 = arith.select %gt3A_1341, %select_n3A_1354, %select_n3A_1331 : vector<16xi1>, vector<16xi32>
              %select_n3A_1356 = arith.select %gt3A_1339, %select_n3A_1336, %select_n3A_1275 : vector<16xi1>, vector<16xf32>
              %select_n3A_1357 = arith.select %gt3A_1340, %select_n3A_1356, %select_n3A_1333 : vector<16xi1>, vector<16xf32>
              %select_n3A_1358 = arith.select %gt3A_1339, %select_n3A_1337, %add3A_1338 : vector<16xi1>, vector<16xi32>
              %select_n3A_1359 = arith.select %gt3A_1340, %select_n3A_1358, %select_n3A_1335 : vector<16xi1>, vector<16xi32>
              %select_n3A_1360 = arith.select %gt3A_1339, %select_n3A_1275, %select_n3A_1336 : vector<16xi1>, vector<16xf32>
              %select_n3A_1361 = arith.select %gt3A_1339, %add3A_1338, %select_n3A_1337 : vector<16xi1>, vector<16xi32>
              %add3A_1362 = arith.addi %broadcast_in_dim3A_559, %select_n3A_1286 : vector<16xi32>
              %gt3A_1363 = arith.cmpf ogt, %select_n3A_1294, %select_n3A_1360 : vector<16xf32>
              %gt3A_1364 = arith.cmpf ogt, %select_n3A_1294, %select_n3A_1357 : vector<16xf32>
              %gt3A_1365 = arith.cmpf ogt, %select_n3A_1294, %select_n3A_1353 : vector<16xf32>
              %gt3A_1366 = arith.cmpf ogt, %select_n3A_1294, %select_n3A_1349 : vector<16xf32>
              %gt3A_1367 = arith.cmpf ogt, %select_n3A_1294, %select_n3A_1345 : vector<16xf32>
              %select_n3A_1368 = arith.select %gt3A_1366, %select_n3A_1349, %select_n3A_1294 : vector<16xi1>, vector<16xf32>
              %select_n3A_1369 = arith.select %gt3A_1367, %select_n3A_1368, %select_n3A_1345 : vector<16xi1>, vector<16xf32>
              %select_n3A_1370 = arith.select %gt3A_1366, %select_n3A_1351, %add3A_1362 : vector<16xi1>, vector<16xi32>
              %select_n3A_1371 = arith.select %gt3A_1367, %select_n3A_1370, %select_n3A_1347 : vector<16xi1>, vector<16xi32>
              %select_n3A_1372 = arith.select %gt3A_1365, %select_n3A_1353, %select_n3A_1294 : vector<16xi1>, vector<16xf32>
              %select_n3A_1373 = arith.select %gt3A_1366, %select_n3A_1372, %select_n3A_1349 : vector<16xi1>, vector<16xf32>
              %select_n3A_1374 = arith.select %gt3A_1365, %select_n3A_1355, %add3A_1362 : vector<16xi1>, vector<16xi32>
              %select_n3A_1375 = arith.select %gt3A_1366, %select_n3A_1374, %select_n3A_1351 : vector<16xi1>, vector<16xi32>
              %select_n3A_1376 = arith.select %gt3A_1364, %select_n3A_1357, %select_n3A_1294 : vector<16xi1>, vector<16xf32>
              %select_n3A_1377 = arith.select %gt3A_1365, %select_n3A_1376, %select_n3A_1353 : vector<16xi1>, vector<16xf32>
              %select_n3A_1378 = arith.select %gt3A_1364, %select_n3A_1359, %add3A_1362 : vector<16xi1>, vector<16xi32>
              %select_n3A_1379 = arith.select %gt3A_1365, %select_n3A_1378, %select_n3A_1355 : vector<16xi1>, vector<16xi32>
              %select_n3A_1380 = arith.select %gt3A_1363, %select_n3A_1360, %select_n3A_1294 : vector<16xi1>, vector<16xf32>
              %select_n3A_1381 = arith.select %gt3A_1364, %select_n3A_1380, %select_n3A_1357 : vector<16xi1>, vector<16xf32>
              %select_n3A_1382 = arith.select %gt3A_1363, %select_n3A_1361, %add3A_1362 : vector<16xi1>, vector<16xi32>
              %select_n3A_1383 = arith.select %gt3A_1364, %select_n3A_1382, %select_n3A_1359 : vector<16xi1>, vector<16xi32>
              %select_n3A_1384 = arith.select %gt3A_1363, %select_n3A_1294, %select_n3A_1360 : vector<16xi1>, vector<16xf32>
              %select_n3A_1385 = arith.select %gt3A_1363, %add3A_1362, %select_n3A_1361 : vector<16xi1>, vector<16xi32>
              %add3A_1386 = arith.addi %broadcast_in_dim3A_559, %select_n3A_1305 : vector<16xi32>
              %gt3A_1387 = arith.cmpf ogt, %select_n3A_1313, %select_n3A_1384 : vector<16xf32>
              %gt3A_1388 = arith.cmpf ogt, %select_n3A_1313, %select_n3A_1381 : vector<16xf32>
              %gt3A_1389 = arith.cmpf ogt, %select_n3A_1313, %select_n3A_1377 : vector<16xf32>
              %gt3A_1390 = arith.cmpf ogt, %select_n3A_1313, %select_n3A_1373 : vector<16xf32>
              %gt3A_1391 = arith.cmpf ogt, %select_n3A_1313, %select_n3A_1369 : vector<16xf32>
              %select_n3A_1392 = arith.select %gt3A_1390, %select_n3A_1373, %select_n3A_1313 : vector<16xi1>, vector<16xf32>
              %select_n3A_1393 = arith.select %gt3A_1391, %select_n3A_1392, %select_n3A_1369 : vector<16xi1>, vector<16xf32>
              %select_n3A_1394 = arith.select %gt3A_1390, %select_n3A_1375, %add3A_1386 : vector<16xi1>, vector<16xi32>
              %select_n3A_1395 = arith.select %gt3A_1391, %select_n3A_1394, %select_n3A_1371 : vector<16xi1>, vector<16xi32>
              %select_n3A_1396 = arith.select %gt3A_1389, %select_n3A_1377, %select_n3A_1313 : vector<16xi1>, vector<16xf32>
              %select_n3A_1397 = arith.select %gt3A_1390, %select_n3A_1396, %select_n3A_1373 : vector<16xi1>, vector<16xf32>
              %select_n3A_1398 = arith.select %gt3A_1389, %select_n3A_1379, %add3A_1386 : vector<16xi1>, vector<16xi32>
              %select_n3A_1399 = arith.select %gt3A_1390, %select_n3A_1398, %select_n3A_1375 : vector<16xi1>, vector<16xi32>
              %select_n3A_1400 = arith.select %gt3A_1388, %select_n3A_1381, %select_n3A_1313 : vector<16xi1>, vector<16xf32>
              %select_n3A_1401 = arith.select %gt3A_1389, %select_n3A_1400, %select_n3A_1377 : vector<16xi1>, vector<16xf32>
              %select_n3A_1402 = arith.select %gt3A_1388, %select_n3A_1383, %add3A_1386 : vector<16xi1>, vector<16xi32>
              %select_n3A_1403 = arith.select %gt3A_1389, %select_n3A_1402, %select_n3A_1379 : vector<16xi1>, vector<16xi32>
              %select_n3A_1404 = arith.select %gt3A_1387, %select_n3A_1384, %select_n3A_1313 : vector<16xi1>, vector<16xf32>
              %select_n3A_1405 = arith.select %gt3A_1388, %select_n3A_1404, %select_n3A_1381 : vector<16xi1>, vector<16xf32>
              %select_n3A_1406 = arith.select %gt3A_1387, %select_n3A_1385, %add3A_1386 : vector<16xi1>, vector<16xi32>
              %select_n3A_1407 = arith.select %gt3A_1388, %select_n3A_1406, %select_n3A_1383 : vector<16xi1>, vector<16xi32>
              %select_n3A_1408 = arith.select %gt3A_1387, %select_n3A_1313, %select_n3A_1384 : vector<16xi1>, vector<16xf32>
              %select_n3A_1409 = arith.select %gt3A_1387, %add3A_1386, %select_n3A_1385 : vector<16xi1>, vector<16xi32>
              scf.yield %select_n3A_1408, %select_n3A_1405, %select_n3A_1401, %select_n3A_1397, %select_n3A_1393, %select_n3A_1409, %select_n3A_1407, %select_n3A_1403, %select_n3A_1399, %select_n3A_1395 : vector<16xf32>, vector<16xf32>, vector<16xf32>, vector<16xf32>, vector<16xf32>, vector<16xi32>, vector<16xi32>, vector<16xi32>, vector<16xi32>, vector<16xi32>
            }
            %while3A_1182 = arith.constant 1 : i32
            %while3A_1183:10 = scf.for %while3A_1228 = %while3A_1179 to %while3A_1175 step %while3A_1182 iter_args(%while3A_1229 = %while3A_1181#0, %while3A_1230 = %while3A_1181#1, %while3A_1231 = %while3A_1181#2, %while3A_1232 = %while3A_1181#3, %while3A_1233 = %while3A_1181#4, %while3A_1234 = %while3A_1181#5, %while3A_1235 = %while3A_1181#6, %while3A_1236 = %while3A_1181#7, %while3A_1237 = %while3A_1181#8, %while3A_1238 = %while3A_1181#9) -> (vector<16xf32>, vector<16xf32>, vector<16xf32>, vector<16xf32>, vector<16xf32>, vector<16xi32>, vector<16xi32>, vector<16xi32>, vector<16xi32>, vector<16xi32>)  : i32 {
              %mul3A_1239 = arith.constant 4 : i32
              %mul3A_1240 = arith.muli %while3A_1228, %mul3A_1239 : i32
              %add3A_1241 = arith.constant 0 : i32
              %add3A_1242 = arith.addi %mul3A_1240, %add3A_1241 : i32
              %lt3A_1243 = vector.broadcast %add3A_1242 : i32 to vector<16xi32>
              %lt3A_1244 = arith.cmpi slt, %lt3A_1243, %get3A_1098 : vector<16xi32>
              %broadcast_in_dim3A_1245 = vector.broadcast %add3A_1242 : i32 to vector<16xi32>
              %gather3A = tpu.vector_load_idx %arg17[%broadcast_in_dim3A_1245, %add3A_554] masked %lt3A_1244 : memref<48x128xi32, #tpu.memory_space<vmem>>[vector<16xi32>, vector<16xi32>], vector<16xi32>, vector<16xi1>
              %jit3A_1246 = arith.constant 0 : i32
              %broadcast_in_dim3A_1247 = vector.broadcast %jit3A_1246 : i32 to vector<16xi32>
              %select_n3A_1248 = arith.select %lt3A_1244, %gather3A, %broadcast_in_dim3A_1247 : vector<16xi1>, vector<16xi32>
              %gather3A_1249 = arith.constant 0 : i32
              %gather3A_1250 = arith.constant 0 : i32
              %gather3A_1251 = tpu.memref_slice %arg16[%scan3A_535, %gather3A_1249, %gather3A_1250] : memref<2x256x128xf32, #tpu.memory_space<vmem>> -> memref<1x256x128xf32, #tpu.memory_space<vmem>>
              %gather3A_1252 = tpu.memref_squeeze %gather3A_1251 : memref<1x256x128xf32, #tpu.memory_space<vmem>> -> memref<256x128xf32, #tpu.memory_space<vmem>>
              %gather3A_1253 = tpu.vector_load_idx %gather3A_1252[%select_n3A_1248, %add3A_554] masked %lt3A_1244 : memref<256x128xf32, #tpu.memory_space<vmem>>[vector<16xi32>, vector<16xi32>], vector<16xf32>, vector<16xi1>
              %jit3A_1254 = arith.constant 0xFF800000 : f32
              %broadcast_in_dim3A_1255 = vector.broadcast %jit3A_1254 : f32 to vector<16xf32>
              %select_n3A_1256 = arith.select %lt3A_1244, %gather3A_1253, %broadcast_in_dim3A_1255 : vector<16xi1>, vector<16xf32>
              %mul3A_1257 = arith.constant 4 : i32
              %mul3A_1258 = arith.muli %while3A_1228, %mul3A_1257 : i32
              %add3A_1259 = arith.constant 1 : i32
              %add3A_1260 = arith.addi %mul3A_1258, %add3A_1259 : i32
              %lt3A_1261 = vector.broadcast %add3A_1260 : i32 to vector<16xi32>
              %lt3A_1262 = arith.cmpi slt, %lt3A_1261, %get3A_1098 : vector<16xi32>
              %broadcast_in_dim3A_1263 = vector.broadcast %add3A_1260 : i32 to vector<16xi32>
              %gather3A_1264 = tpu.vector_load_idx %arg17[%broadcast_in_dim3A_1263, %add3A_554] masked %lt3A_1262 : memref<48x128xi32, #tpu.memory_space<vmem>>[vector<16xi32>, vector<16xi32>], vector<16xi32>, vector<16xi1>
              %jit3A_1265 = arith.constant 0 : i32
              %broadcast_in_dim3A_1266 = vector.broadcast %jit3A_1265 : i32 to vector<16xi32>
              %select_n3A_1267 = arith.select %lt3A_1262, %gather3A_1264, %broadcast_in_dim3A_1266 : vector<16xi1>, vector<16xi32>
              %gather3A_1268 = arith.constant 0 : i32
              %gather3A_1269 = arith.constant 0 : i32
              %gather3A_1270 = tpu.memref_slice %arg16[%scan3A_535, %gather3A_1268, %gather3A_1269] : memref<2x256x128xf32, #tpu.memory_space<vmem>> -> memref<1x256x128xf32, #tpu.memory_space<vmem>>
              %gather3A_1271 = tpu.memref_squeeze %gather3A_1270 : memref<1x256x128xf32, #tpu.memory_space<vmem>> -> memref<256x128xf32, #tpu.memory_space<vmem>>
              %gather3A_1272 = tpu.vector_load_idx %gather3A_1271[%select_n3A_1267, %add3A_554] masked %lt3A_1262 : memref<256x128xf32, #tpu.memory_space<vmem>>[vector<16xi32>, vector<16xi32>], vector<16xf32>, vector<16xi1>
              %jit3A_1273 = arith.constant 0xFF800000 : f32
              %broadcast_in_dim3A_1274 = vector.broadcast %jit3A_1273 : f32 to vector<16xf32>
              %select_n3A_1275 = arith.select %lt3A_1262, %gather3A_1272, %broadcast_in_dim3A_1274 : vector<16xi1>, vector<16xf32>
              %mul3A_1276 = arith.constant 4 : i32
              %mul3A_1277 = arith.muli %while3A_1228, %mul3A_1276 : i32
              %add3A_1278 = arith.constant 2 : i32
              %add3A_1279 = arith.addi %mul3A_1277, %add3A_1278 : i32
              %lt3A_1280 = vector.broadcast %add3A_1279 : i32 to vector<16xi32>
              %lt3A_1281 = arith.cmpi slt, %lt3A_1280, %get3A_1098 : vector<16xi32>
              %broadcast_in_dim3A_1282 = vector.broadcast %add3A_1279 : i32 to vector<16xi32>
              %gather3A_1283 = tpu.vector_load_idx %arg17[%broadcast_in_dim3A_1282, %add3A_554] masked %lt3A_1281 : memref<48x128xi32, #tpu.memory_space<vmem>>[vector<16xi32>, vector<16xi32>], vector<16xi32>, vector<16xi1>
              %jit3A_1284 = arith.constant 0 : i32
              %broadcast_in_dim3A_1285 = vector.broadcast %jit3A_1284 : i32 to vector<16xi32>
              %select_n3A_1286 = arith.select %lt3A_1281, %gather3A_1283, %broadcast_in_dim3A_1285 : vector<16xi1>, vector<16xi32>
              %gather3A_1287 = arith.constant 0 : i32
              %gather3A_1288 = arith.constant 0 : i32
              %gather3A_1289 = tpu.memref_slice %arg16[%scan3A_535, %gather3A_1287, %gather3A_1288] : memref<2x256x128xf32, #tpu.memory_space<vmem>> -> memref<1x256x128xf32, #tpu.memory_space<vmem>>
              %gather3A_1290 = tpu.memref_squeeze %gather3A_1289 : memref<1x256x128xf32, #tpu.memory_space<vmem>> -> memref<256x128xf32, #tpu.memory_space<vmem>>
              %gather3A_1291 = tpu.vector_load_idx %gather3A_1290[%select_n3A_1286, %add3A_554] masked %lt3A_1281 : memref<256x128xf32, #tpu.memory_space<vmem>>[vector<16xi32>, vector<16xi32>], vector<16xf32>, vector<16xi1>
              %jit3A_1292 = arith.constant 0xFF800000 : f32
              %broadcast_in_dim3A_1293 = vector.broadcast %jit3A_1292 : f32 to vector<16xf32>
              %select_n3A_1294 = arith.select %lt3A_1281, %gather3A_1291, %broadcast_in_dim3A_1293 : vector<16xi1>, vector<16xf32>
              %mul3A_1295 = arith.constant 4 : i32
              %mul3A_1296 = arith.muli %while3A_1228, %mul3A_1295 : i32
              %add3A_1297 = arith.constant 3 : i32
              %add3A_1298 = arith.addi %mul3A_1296, %add3A_1297 : i32
              %lt3A_1299 = vector.broadcast %add3A_1298 : i32 to vector<16xi32>
              %lt3A_1300 = arith.cmpi slt, %lt3A_1299, %get3A_1098 : vector<16xi32>
              %broadcast_in_dim3A_1301 = vector.broadcast %add3A_1298 : i32 to vector<16xi32>
              %gather3A_1302 = tpu.vector_load_idx %arg17[%broadcast_in_dim3A_1301, %add3A_554] masked %lt3A_1300 : memref<48x128xi32, #tpu.memory_space<vmem>>[vector<16xi32>, vector<16xi32>], vector<16xi32>, vector<16xi1>
              %jit3A_1303 = arith.constant 0 : i32
              %broadcast_in_dim3A_1304 = vector.broadcast %jit3A_1303 : i32 to vector<16xi32>
              %select_n3A_1305 = arith.select %lt3A_1300, %gather3A_1302, %broadcast_in_dim3A_1304 : vector<16xi1>, vector<16xi32>
              %gather3A_1306 = arith.constant 0 : i32
              %gather3A_1307 = arith.constant 0 : i32
              %gather3A_1308 = tpu.memref_slice %arg16[%scan3A_535, %gather3A_1306, %gather3A_1307] : memref<2x256x128xf32, #tpu.memory_space<vmem>> -> memref<1x256x128xf32, #tpu.memory_space<vmem>>
              %gather3A_1309 = tpu.memref_squeeze %gather3A_1308 : memref<1x256x128xf32, #tpu.memory_space<vmem>> -> memref<256x128xf32, #tpu.memory_space<vmem>>
              %gather3A_1310 = tpu.vector_load_idx %gather3A_1309[%select_n3A_1305, %add3A_554] masked %lt3A_1300 : memref<256x128xf32, #tpu.memory_space<vmem>>[vector<16xi32>, vector<16xi32>], vector<16xf32>, vector<16xi1>
              %jit3A_1311 = arith.constant 0xFF800000 : f32
              %broadcast_in_dim3A_1312 = vector.broadcast %jit3A_1311 : f32 to vector<16xf32>
              %select_n3A_1313 = arith.select %lt3A_1300, %gather3A_1310, %broadcast_in_dim3A_1312 : vector<16xi1>, vector<16xf32>
              %add3A_1314 = arith.addi %broadcast_in_dim3A_559, %select_n3A_1248 : vector<16xi32>
              %gt3A_1315 = arith.cmpf ogt, %select_n3A_1256, %while3A_1229 : vector<16xf32>
              %gt3A_1316 = arith.cmpf ogt, %select_n3A_1256, %while3A_1230 : vector<16xf32>
              %gt3A_1317 = arith.cmpf ogt, %select_n3A_1256, %while3A_1231 : vector<16xf32>
              %gt3A_1318 = arith.cmpf ogt, %select_n3A_1256, %while3A_1232 : vector<16xf32>
              %gt3A_1319 = arith.cmpf ogt, %select_n3A_1256, %while3A_1233 : vector<16xf32>
              %select_n3A_1320 = arith.select %gt3A_1318, %while3A_1232, %select_n3A_1256 : vector<16xi1>, vector<16xf32>
              %select_n3A_1321 = arith.select %gt3A_1319, %select_n3A_1320, %while3A_1233 : vector<16xi1>, vector<16xf32>
              %select_n3A_1322 = arith.select %gt3A_1318, %while3A_1237, %add3A_1314 : vector<16xi1>, vector<16xi32>
              %select_n3A_1323 = arith.select %gt3A_1319, %select_n3A_1322, %while3A_1238 : vector<16xi1>, vector<16xi32>
              %select_n3A_1324 = arith.select %gt3A_1317, %while3A_1231, %select_n3A_1256 : vector<16xi1>, vector<16xf32>
              %select_n3A_1325 = arith.select %gt3A_1318, %select_n3A_1324, %while3A_1232 : vector<16xi1>, vector<16xf32>
              %select_n3A_1326 = arith.select %gt3A_1317, %while3A_1236, %add3A_1314 : vector<16xi1>, vector<16xi32>
              %select_n3A_1327 = arith.select %gt3A_1318, %select_n3A_1326, %while3A_1237 : vector<16xi1>, vector<16xi32>
              %select_n3A_1328 = arith.select %gt3A_1316, %while3A_1230, %select_n3A_1256 : vector<16xi1>, vector<16xf32>
              %select_n3A_1329 = arith.select %gt3A_1317, %select_n3A_1328, %while3A_1231 : vector<16xi1>, vector<16xf32>
              %select_n3A_1330 = arith.select %gt3A_1316, %while3A_1235, %add3A_1314 : vector<16xi1>, vector<16xi32>
              %select_n3A_1331 = arith.select %gt3A_1317, %select_n3A_1330, %while3A_1236 : vector<16xi1>, vector<16xi32>
              %select_n3A_1332 = arith.select %gt3A_1315, %while3A_1229, %select_n3A_1256 : vector<16xi1>, vector<16xf32>
              %select_n3A_1333 = arith.select %gt3A_1316, %select_n3A_1332, %while3A_1230 : vector<16xi1>, vector<16xf32>
              %select_n3A_1334 = arith.select %gt3A_1315, %while3A_1234, %add3A_1314 : vector<16xi1>, vector<16xi32>
              %select_n3A_1335 = arith.select %gt3A_1316, %select_n3A_1334, %while3A_1235 : vector<16xi1>, vector<16xi32>
              %select_n3A_1336 = arith.select %gt3A_1315, %select_n3A_1256, %while3A_1229 : vector<16xi1>, vector<16xf32>
              %select_n3A_1337 = arith.select %gt3A_1315, %add3A_1314, %while3A_1234 : vector<16xi1>, vector<16xi32>
              %add3A_1338 = arith.addi %broadcast_in_dim3A_559, %select_n3A_1267 : vector<16xi32>
              %gt3A_1339 = arith.cmpf ogt, %select_n3A_1275, %select_n3A_1336 : vector<16xf32>
              %gt3A_1340 = arith.cmpf ogt, %select_n3A_1275, %select_n3A_1333 : vector<16xf32>
              %gt3A_1341 = arith.cmpf ogt, %select_n3A_1275, %select_n3A_1329 : vector<16xf32>
              %gt3A_1342 = arith.cmpf ogt, %select_n3A_1275, %select_n3A_1325 : vector<16xf32>
              %gt3A_1343 = arith.cmpf ogt, %select_n3A_1275, %select_n3A_1321 : vector<16xf32>
              %select_n3A_1344 = arith.select %gt3A_1342, %select_n3A_1325, %select_n3A_1275 : vector<16xi1>, vector<16xf32>
              %select_n3A_1345 = arith.select %gt3A_1343, %select_n3A_1344, %select_n3A_1321 : vector<16xi1>, vector<16xf32>
              %select_n3A_1346 = arith.select %gt3A_1342, %select_n3A_1327, %add3A_1338 : vector<16xi1>, vector<16xi32>
              %select_n3A_1347 = arith.select %gt3A_1343, %select_n3A_1346, %select_n3A_1323 : vector<16xi1>, vector<16xi32>
              %select_n3A_1348 = arith.select %gt3A_1341, %select_n3A_1329, %select_n3A_1275 : vector<16xi1>, vector<16xf32>
              %select_n3A_1349 = arith.select %gt3A_1342, %select_n3A_1348, %select_n3A_1325 : vector<16xi1>, vector<16xf32>
              %select_n3A_1350 = arith.select %gt3A_1341, %select_n3A_1331, %add3A_1338 : vector<16xi1>, vector<16xi32>
              %select_n3A_1351 = arith.select %gt3A_1342, %select_n3A_1350, %select_n3A_1327 : vector<16xi1>, vector<16xi32>
              %select_n3A_1352 = arith.select %gt3A_1340, %select_n3A_1333, %select_n3A_1275 : vector<16xi1>, vector<16xf32>
              %select_n3A_1353 = arith.select %gt3A_1341, %select_n3A_1352, %select_n3A_1329 : vector<16xi1>, vector<16xf32>
              %select_n3A_1354 = arith.select %gt3A_1340, %select_n3A_1335, %add3A_1338 : vector<16xi1>, vector<16xi32>
              %select_n3A_1355 = arith.select %gt3A_1341, %select_n3A_1354, %select_n3A_1331 : vector<16xi1>, vector<16xi32>
              %select_n3A_1356 = arith.select %gt3A_1339, %select_n3A_1336, %select_n3A_1275 : vector<16xi1>, vector<16xf32>
              %select_n3A_1357 = arith.select %gt3A_1340, %select_n3A_1356, %select_n3A_1333 : vector<16xi1>, vector<16xf32>
              %select_n3A_1358 = arith.select %gt3A_1339, %select_n3A_1337, %add3A_1338 : vector<16xi1>, vector<16xi32>
              %select_n3A_1359 = arith.select %gt3A_1340, %select_n3A_1358, %select_n3A_1335 : vector<16xi1>, vector<16xi32>
              %select_n3A_1360 = arith.select %gt3A_1339, %select_n3A_1275, %select_n3A_1336 : vector<16xi1>, vector<16xf32>
              %select_n3A_1361 = arith.select %gt3A_1339, %add3A_1338, %select_n3A_1337 : vector<16xi1>, vector<16xi32>
              %add3A_1362 = arith.addi %broadcast_in_dim3A_559, %select_n3A_1286 : vector<16xi32>
              %gt3A_1363 = arith.cmpf ogt, %select_n3A_1294, %select_n3A_1360 : vector<16xf32>
              %gt3A_1364 = arith.cmpf ogt, %select_n3A_1294, %select_n3A_1357 : vector<16xf32>
              %gt3A_1365 = arith.cmpf ogt, %select_n3A_1294, %select_n3A_1353 : vector<16xf32>
              %gt3A_1366 = arith.cmpf ogt, %select_n3A_1294, %select_n3A_1349 : vector<16xf32>
              %gt3A_1367 = arith.cmpf ogt, %select_n3A_1294, %select_n3A_1345 : vector<16xf32>
              %select_n3A_1368 = arith.select %gt3A_1366, %select_n3A_1349, %select_n3A_1294 : vector<16xi1>, vector<16xf32>
              %select_n3A_1369 = arith.select %gt3A_1367, %select_n3A_1368, %select_n3A_1345 : vector<16xi1>, vector<16xf32>
              %select_n3A_1370 = arith.select %gt3A_1366, %select_n3A_1351, %add3A_1362 : vector<16xi1>, vector<16xi32>
              %select_n3A_1371 = arith.select %gt3A_1367, %select_n3A_1370, %select_n3A_1347 : vector<16xi1>, vector<16xi32>
              %select_n3A_1372 = arith.select %gt3A_1365, %select_n3A_1353, %select_n3A_1294 : vector<16xi1>, vector<16xf32>
              %select_n3A_1373 = arith.select %gt3A_1366, %select_n3A_1372, %select_n3A_1349 : vector<16xi1>, vector<16xf32>
              %select_n3A_1374 = arith.select %gt3A_1365, %select_n3A_1355, %add3A_1362 : vector<16xi1>, vector<16xi32>
              %select_n3A_1375 = arith.select %gt3A_1366, %select_n3A_1374, %select_n3A_1351 : vector<16xi1>, vector<16xi32>
              %select_n3A_1376 = arith.select %gt3A_1364, %select_n3A_1357, %select_n3A_1294 : vector<16xi1>, vector<16xf32>
              %select_n3A_1377 = arith.select %gt3A_1365, %select_n3A_1376, %select_n3A_1353 : vector<16xi1>, vector<16xf32>
              %select_n3A_1378 = arith.select %gt3A_1364, %select_n3A_1359, %add3A_1362 : vector<16xi1>, vector<16xi32>
              %select_n3A_1379 = arith.select %gt3A_1365, %select_n3A_1378, %select_n3A_1355 : vector<16xi1>, vector<16xi32>
              %select_n3A_1380 = arith.select %gt3A_1363, %select_n3A_1360, %select_n3A_1294 : vector<16xi1>, vector<16xf32>
              %select_n3A_1381 = arith.select %gt3A_1364, %select_n3A_1380, %select_n3A_1357 : vector<16xi1>, vector<16xf32>
              %select_n3A_1382 = arith.select %gt3A_1363, %select_n3A_1361, %add3A_1362 : vector<16xi1>, vector<16xi32>
              %select_n3A_1383 = arith.select %gt3A_1364, %select_n3A_1382, %select_n3A_1359 : vector<16xi1>, vector<16xi32>
              %select_n3A_1384 = arith.select %gt3A_1363, %select_n3A_1294, %select_n3A_1360 : vector<16xi1>, vector<16xf32>
              %select_n3A_1385 = arith.select %gt3A_1363, %add3A_1362, %select_n3A_1361 : vector<16xi1>, vector<16xi32>
              %add3A_1386 = arith.addi %broadcast_in_dim3A_559, %select_n3A_1305 : vector<16xi32>
              %gt3A_1387 = arith.cmpf ogt, %select_n3A_1313, %select_n3A_1384 : vector<16xf32>
              %gt3A_1388 = arith.cmpf ogt, %select_n3A_1313, %select_n3A_1381 : vector<16xf32>
              %gt3A_1389 = arith.cmpf ogt, %select_n3A_1313, %select_n3A_1377 : vector<16xf32>
              %gt3A_1390 = arith.cmpf ogt, %select_n3A_1313, %select_n3A_1373 : vector<16xf32>
              %gt3A_1391 = arith.cmpf ogt, %select_n3A_1313, %select_n3A_1369 : vector<16xf32>
              %select_n3A_1392 = arith.select %gt3A_1390, %select_n3A_1373, %select_n3A_1313 : vector<16xi1>, vector<16xf32>
              %select_n3A_1393 = arith.select %gt3A_1391, %select_n3A_1392, %select_n3A_1369 : vector<16xi1>, vector<16xf32>
              %select_n3A_1394 = arith.select %gt3A_1390, %select_n3A_1375, %add3A_1386 : vector<16xi1>, vector<16xi32>
              %select_n3A_1395 = arith.select %gt3A_1391, %select_n3A_1394, %select_n3A_1371 : vector<16xi1>, vector<16xi32>
              %select_n3A_1396 = arith.select %gt3A_1389, %select_n3A_1377, %select_n3A_1313 : vector<16xi1>, vector<16xf32>
              %select_n3A_1397 = arith.select %gt3A_1390, %select_n3A_1396, %select_n3A_1373 : vector<16xi1>, vector<16xf32>
              %select_n3A_1398 = arith.select %gt3A_1389, %select_n3A_1379, %add3A_1386 : vector<16xi1>, vector<16xi32>
              %select_n3A_1399 = arith.select %gt3A_1390, %select_n3A_1398, %select_n3A_1375 : vector<16xi1>, vector<16xi32>
              %select_n3A_1400 = arith.select %gt3A_1388, %select_n3A_1381, %select_n3A_1313 : vector<16xi1>, vector<16xf32>
              %select_n3A_1401 = arith.select %gt3A_1389, %select_n3A_1400, %select_n3A_1377 : vector<16xi1>, vector<16xf32>
              %select_n3A_1402 = arith.select %gt3A_1388, %select_n3A_1383, %add3A_1386 : vector<16xi1>, vector<16xi32>
              %select_n3A_1403 = arith.select %gt3A_1389, %select_n3A_1402, %select_n3A_1379 : vector<16xi1>, vector<16xi32>
              %select_n3A_1404 = arith.select %gt3A_1387, %select_n3A_1384, %select_n3A_1313 : vector<16xi1>, vector<16xf32>
              %select_n3A_1405 = arith.select %gt3A_1388, %select_n3A_1404, %select_n3A_1381 : vector<16xi1>, vector<16xf32>
              %select_n3A_1406 = arith.select %gt3A_1387, %select_n3A_1385, %add3A_1386 : vector<16xi1>, vector<16xi32>
              %select_n3A_1407 = arith.select %gt3A_1388, %select_n3A_1406, %select_n3A_1383 : vector<16xi1>, vector<16xi32>
              %select_n3A_1408 = arith.select %gt3A_1387, %select_n3A_1313, %select_n3A_1384 : vector<16xi1>, vector<16xf32>
              %select_n3A_1409 = arith.select %gt3A_1387, %add3A_1386, %select_n3A_1385 : vector<16xi1>, vector<16xi32>
              scf.yield %select_n3A_1408, %select_n3A_1405, %select_n3A_1401, %select_n3A_1397, %select_n3A_1393, %select_n3A_1409, %select_n3A_1407, %select_n3A_1403, %select_n3A_1399, %select_n3A_1395 : vector<16xf32>, vector<16xf32>, vector<16xf32>, vector<16xf32>, vector<16xf32>, vector<16xi32>, vector<16xi32>, vector<16xi32>, vector<16xi32>, vector<16xi32>
            }
            %swap3A_1184 = arith.constant 0 : i32
            %swap3A_1185 = arith.index_cast %swap3A_1184 : i32 to index
            %swap3A_1186 = arith.index_cast %multiple_of3A : i32 to index
            %swap3A_1187 = tpu.vector_load %arg18[%swap3A_1185, %swap3A_1186] {strides = array<i32>} : memref<5x128xf32, #tpu.memory_space<vmem>>, vector<16xf32>,
            tpu.vector_store %arg18[%swap3A_1185, %swap3A_1186], %while3A_1183#0 {strides = array<i32>} : memref<5x128xf32, #tpu.memory_space<vmem>>, vector<16xf32>,
            %swap3A_1188 = arith.constant 0 : i32
            %swap3A_1189 = arith.index_cast %swap3A_1188 : i32 to index
            %swap3A_1190 = arith.index_cast %multiple_of3A : i32 to index
            %swap3A_1191 = tpu.vector_load %arg19[%swap3A_1189, %swap3A_1190] {strides = array<i32>} : memref<5x128xi32, #tpu.memory_space<vmem>>, vector<16xi32>,
            tpu.vector_store %arg19[%swap3A_1189, %swap3A_1190], %while3A_1183#5 {strides = array<i32>} : memref<5x128xi32, #tpu.memory_space<vmem>>, vector<16xi32>,
            %swap3A_1192 = arith.constant 1 : i32
            %swap3A_1193 = arith.index_cast %swap3A_1192 : i32 to index
            %swap3A_1194 = arith.index_cast %multiple_of3A : i32 to index
            %swap3A_1195 = tpu.vector_load %arg18[%swap3A_1193, %swap3A_1194] {strides = array<i32>} : memref<5x128xf32, #tpu.memory_space<vmem>>, vector<16xf32>,
            tpu.vector_store %arg18[%swap3A_1193, %swap3A_1194], %while3A_1183#1 {strides = array<i32>} : memref<5x128xf32, #tpu.memory_space<vmem>>, vector<16xf32>,
            %swap3A_1196 = arith.constant 1 : i32
            %swap3A_1197 = arith.index_cast %swap3A_1196 : i32 to index
            %swap3A_1198 = arith.index_cast %multiple_of3A : i32 to index
            %swap3A_1199 = tpu.vector_load %arg19[%swap3A_1197, %swap3A_1198] {strides = array<i32>} : memref<5x128xi32, #tpu.memory_space<vmem>>, vector<16xi32>,
            tpu.vector_store %arg19[%swap3A_1197, %swap3A_1198], %while3A_1183#6 {strides = array<i32>} : memref<5x128xi32, #tpu.memory_space<vmem>>, vector<16xi32>,
            %swap3A_1200 = arith.constant 2 : i32
            %swap3A_1201 = arith.index_cast %swap3A_1200 : i32 to index
            %swap3A_1202 = arith.index_cast %multiple_of3A : i32 to index
            %swap3A_1203 = tpu.vector_load %arg18[%swap3A_1201, %swap3A_1202] {strides = array<i32>} : memref<5x128xf32, #tpu.memory_space<vmem>>, vector<16xf32>,
            tpu.vector_store %arg18[%swap3A_1201, %swap3A_1202], %while3A_1183#2 {strides = array<i32>} : memref<5x128xf32, #tpu.memory_space<vmem>>, vector<16xf32>,
            %swap3A_1204 = arith.constant 2 : i32
            %swap3A_1205 = arith.index_cast %swap3A_1204 : i32 to index
            %swap3A_1206 = arith.index_cast %multiple_of3A : i32 to index
            %swap3A_1207 = tpu.vector_load %arg19[%swap3A_1205, %swap3A_1206] {strides = array<i32>} : memref<5x128xi32, #tpu.memory_space<vmem>>, vector<16xi32>,
            tpu.vector_store %arg19[%swap3A_1205, %swap3A_1206], %while3A_1183#7 {strides = array<i32>} : memref<5x128xi32, #tpu.memory_space<vmem>>, vector<16xi32>,
            %swap3A_1208 = arith.constant 3 : i32
            %swap3A_1209 = arith.index_cast %swap3A_1208 : i32 to index
            %swap3A_1210 = arith.index_cast %multiple_of3A : i32 to index
            %swap3A_1211 = tpu.vector_load %arg18[%swap3A_1209, %swap3A_1210] {strides = array<i32>} : memref<5x128xf32, #tpu.memory_space<vmem>>, vector<16xf32>,
            tpu.vector_store %arg18[%swap3A_1209, %swap3A_1210], %while3A_1183#3 {strides = array<i32>} : memref<5x128xf32, #tpu.memory_space<vmem>>, vector<16xf32>,
            %swap3A_1212 = arith.constant 3 : i32
            %swap3A_1213 = arith.index_cast %swap3A_1212 : i32 to index
            %swap3A_1214 = arith.index_cast %multiple_of3A : i32 to index
            %swap3A_1215 = tpu.vector_load %arg19[%swap3A_1213, %swap3A_1214] {strides = array<i32>} : memref<5x128xi32, #tpu.memory_space<vmem>>, vector<16xi32>,
            tpu.vector_store %arg19[%swap3A_1213, %swap3A_1214], %while3A_1183#8 {strides = array<i32>} : memref<5x128xi32, #tpu.memory_space<vmem>>, vector<16xi32>,
            %swap3A_1216 = arith.constant 4 : i32
            %swap3A_1217 = arith.index_cast %swap3A_1216 : i32 to index
            %swap3A_1218 = arith.index_cast %multiple_of3A : i32 to index
            %swap3A_1219 = tpu.vector_load %arg18[%swap3A_1217, %swap3A_1218] {strides = array<i32>} : memref<5x128xf32, #tpu.memory_space<vmem>>, vector<16xf32>,
            tpu.vector_store %arg18[%swap3A_1217, %swap3A_1218], %while3A_1183#4 {strides = array<i32>} : memref<5x128xf32, #tpu.memory_space<vmem>>, vector<16xf32>,
            %swap3A_1220 = arith.constant 4 : i32
            %swap3A_1221 = arith.index_cast %swap3A_1220 : i32 to index
            %swap3A_1222 = arith.index_cast %multiple_of3A : i32 to index
            %swap3A_1223 = tpu.vector_load %arg19[%swap3A_1221, %swap3A_1222] {strides = array<i32>} : memref<5x128xi32, #tpu.memory_space<vmem>>, vector<16xi32>,
            tpu.vector_store %arg19[%swap3A_1221, %swap3A_1222], %while3A_1183#9 {strides = array<i32>} : memref<5x128xi32, #tpu.memory_space<vmem>>, vector<16xi32>,
            %swap3A_1224 = arith.index_cast %multiple_of3A : i32 to index
            %swap3A_1225 = tpu.vector_load %arg20[%swap3A_1224] {strides = array<i32>} : memref<128xf32, #tpu.memory_space<vmem>>, vector<16xf32>,
            tpu.vector_store %arg20[%swap3A_1224], %while3A_1183#4 {strides = array<i32>} : memref<128xf32, #tpu.memory_space<vmem>>, vector<16xf32>,
            %swap3A_1226 = arith.index_cast %multiple_of3A : i32 to index
            %swap3A_1227 = tpu.vector_load %arg21[%swap3A_1226] {strides = array<i32>} : memref<128xi32, #tpu.memory_space<vmem>>, vector<16xi32>,
            tpu.vector_store %arg21[%swap3A_1226], %broadcast_in_dim3A_3 {strides = array<i32>} : memref<128xi32, #tpu.memory_space<vmem>>, vector<16xi32>,
          } else {
          }
          %scan3A_1096 = arith.constant 0 : i32
          scf.yield %scan3A_1096 : i32
        }
        %scan3A_571 = arith.constant 16 : i32
        %get3A_572 = arith.index_cast %multiple_of3A : i32 to index
        %get3A_573 = tpu.vector_load %arg21[%get3A_572] {strides = array<i32>} : memref<128xi32, #tpu.memory_space<vmem>>, vector<16xi32>,
        %get3A_574 = arith.constant 0 : i32
        %get3A_575 = arith.index_cast %get3A_574 : i32 to index
        %get3A_576 = arith.index_cast %multiple_of3A : i32 to index
        %get3A_577 = tpu.vector_load %arg18[%get3A_575, %get3A_576] {strides = array<i32>} : memref<5x128xf32, #tpu.memory_space<vmem>>, vector<16xf32>,
        %get3A_578 = arith.constant 1 : i32
        %get3A_579 = arith.index_cast %get3A_578 : i32 to index
        %get3A_580 = arith.index_cast %multiple_of3A : i32 to index
        %get3A_581 = tpu.vector_load %arg18[%get3A_579, %get3A_580] {strides = array<i32>} : memref<5x128xf32, #tpu.memory_space<vmem>>, vector<16xf32>,
        %get3A_582 = arith.constant 2 : i32
        %get3A_583 = arith.index_cast %get3A_582 : i32 to index
        %get3A_584 = arith.index_cast %multiple_of3A : i32 to index
        %get3A_585 = tpu.vector_load %arg18[%get3A_583, %get3A_584] {strides = array<i32>} : memref<5x128xf32, #tpu.memory_space<vmem>>, vector<16xf32>,
        %get3A_586 = arith.constant 3 : i32
        %get3A_587 = arith.index_cast %get3A_586 : i32 to index
        %get3A_588 = arith.index_cast %multiple_of3A : i32 to index
        %get3A_589 = tpu.vector_load %arg18[%get3A_587, %get3A_588] {strides = array<i32>} : memref<5x128xf32, #tpu.memory_space<vmem>>, vector<16xf32>,
        %get3A_590 = arith.constant 4 : i32
        %get3A_591 = arith.index_cast %get3A_590 : i32 to index
        %get3A_592 = arith.index_cast %multiple_of3A : i32 to index
        %get3A_593 = tpu.vector_load %arg18[%get3A_591, %get3A_592] {strides = array<i32>} : memref<5x128xf32, #tpu.memory_space<vmem>>, vector<16xf32>,
        %get3A_594 = arith.constant 0 : i32
        %get3A_595 = arith.index_cast %get3A_594 : i32 to index
        %get3A_596 = arith.index_cast %multiple_of3A : i32 to index
        %get3A_597 = tpu.vector_load %arg19[%get3A_595, %get3A_596] {strides = array<i32>} : memref<5x128xi32, #tpu.memory_space<vmem>>, vector<16xi32>,
        %get3A_598 = arith.constant 1 : i32
        %get3A_599 = arith.index_cast %get3A_598 : i32 to index
        %get3A_600 = arith.index_cast %multiple_of3A : i32 to index
        %get3A_601 = tpu.vector_load %arg19[%get3A_599, %get3A_600] {strides = array<i32>} : memref<5x128xi32, #tpu.memory_space<vmem>>, vector<16xi32>,
        %get3A_602 = arith.constant 2 : i32
        %get3A_603 = arith.index_cast %get3A_602 : i32 to index
        %get3A_604 = arith.index_cast %multiple_of3A : i32 to index
        %get3A_605 = tpu.vector_load %arg19[%get3A_603, %get3A_604] {strides = array<i32>} : memref<5x128xi32, #tpu.memory_space<vmem>>, vector<16xi32>,
        %get3A_606 = arith.constant 3 : i32
        %get3A_607 = arith.index_cast %get3A_606 : i32 to index
        %get3A_608 = arith.index_cast %multiple_of3A : i32 to index
        %get3A_609 = tpu.vector_load %arg19[%get3A_607, %get3A_608] {strides = array<i32>} : memref<5x128xi32, #tpu.memory_space<vmem>>, vector<16xi32>,
        %get3A_610 = arith.constant 4 : i32
        %get3A_611 = arith.index_cast %get3A_610 : i32 to index
        %get3A_612 = arith.index_cast %multiple_of3A : i32 to index
        %get3A_613 = tpu.vector_load %arg19[%get3A_611, %get3A_612] {strides = array<i32>} : memref<5x128xi32, #tpu.memory_space<vmem>>, vector<16xi32>,
        %reduce_max3A_614 = arith.constant true
        %reduce_max3A_615 = vector.broadcast %reduce_max3A_614 : i1 to vector<16xi1>
        %reduce_max3A_616 = arith.constant -2147483648 : i32
        %reduce_max3A_617 = vector.broadcast %reduce_max3A_616 : i32 to vector<16xi32>
        %reduce_max3A_618 = arith.xori %get3A_573, %reduce_max3A_617 : vector<16xi32>
        %reduce_max3A_619 = tpu.scan <max>, %reduce_max3A_618 masked %reduce_max3A_615 : vector<16xi32>, vector<16xi1> -> vector<16xi32>
        %reduce_max3A_620 = arith.xori %reduce_max3A_619, %reduce_max3A_617 : vector<16xi32>
        %reduce_max3A_621 = vector.extract %reduce_max3A_620[15] : i32 from vector<16xi32>
        %add3A_622 = arith.constant 3 : i32
        %add3A_623 = arith.addi %reduce_max3A_621, %add3A_622 : i32
        %jit3A_624 = arith.constant 4 : i32
        %div3A_625 = arith.divsi %add3A_623, %jit3A_624 : i32
        %sign3A_626 = arith.constant 0 : i32
        %sign3A_627 = arith.cmpi sgt, %add3A_623, %sign3A_626 : i32
        %sign3A_628 = arith.extui %sign3A_627 : i1 to i32
        %sign3A_629 = arith.constant 0 : i32
        %sign3A_630 = arith.cmpi slt, %add3A_623, %sign3A_629 : i32
        %sign3A_631 = arith.extui %sign3A_630 : i1 to i32
        %sign3A_632 = arith.subi %sign3A_628, %sign3A_631 : i32
        %sign3A_633 = arith.constant 0 : i32
        %sign3A_634 = arith.cmpi sgt, %jit3A_624, %sign3A_633 : i32
        %sign3A_635 = arith.extui %sign3A_634 : i1 to i32
        %sign3A_636 = arith.constant 0 : i32
        %sign3A_637 = arith.cmpi slt, %jit3A_624, %sign3A_636 : i32
        %sign3A_638 = arith.extui %sign3A_637 : i1 to i32
        %sign3A_639 = arith.subi %sign3A_635, %sign3A_638 : i32
        %ne3A_640 = arith.cmpi ne, %sign3A_632, %sign3A_639 : i32
        %rem3A_641 = arith.remsi %add3A_623, %jit3A_624 : i32
        %ne3A_642 = arith.constant 0 : i32
        %ne3A_643 = arith.cmpi ne, %rem3A_641, %ne3A_642 : i32
        %and3A_644 = arith.andi %ne3A_640, %ne3A_643 : i1
        %sub3A_645 = arith.constant 1 : i32
        %sub3A_646 = arith.subi %div3A_625, %sub3A_645 : i32
        %select_n3A_647 = arith.select %and3A_644, %sub3A_646, %div3A_625 : i32
        %while3A = arith.constant 0 : i32
        %while3A_648 = arith.subi %select_n3A_647, %while3A : i32
        %while3A_649 = arith.addi %while3A, %while3A_648 : i32
        %while3A_650 = arith.constant 1 : i32
        %while3A_651 = arith.divsi %while3A_648, %while3A_650 : i32
        %while3A_652 = arith.muli %while3A_651, %while3A_650 : i32
        %while3A_653 = arith.addi %while3A, %while3A_652 : i32
        %while3A_654 = arith.constant 1 : i32
        %while3A_655:10 = scf.for %while3A_708 = %while3A to %while3A_653 step %while3A_654 iter_args(%while3A_709 = %get3A_577, %while3A_710 = %get3A_581, %while3A_711 = %get3A_585, %while3A_712 = %get3A_589, %while3A_713 = %get3A_593, %while3A_714 = %get3A_597, %while3A_715 = %get3A_601, %while3A_716 = %get3A_605, %while3A_717 = %get3A_609, %while3A_718 = %get3A_613) -> (vector<16xf32>, vector<16xf32>, vector<16xf32>, vector<16xf32>, vector<16xf32>, vector<16xi32>, vector<16xi32>, vector<16xi32>, vector<16xi32>, vector<16xi32>)  : i32 {
          %mul3A_719 = arith.constant 4 : i32
          %mul3A_720 = arith.muli %while3A_708, %mul3A_719 : i32
          %add3A_721 = arith.constant 0 : i32
          %add3A_722 = arith.addi %mul3A_720, %add3A_721 : i32
          %lt3A_723 = vector.broadcast %add3A_722 : i32 to vector<16xi32>
          %lt3A_724 = arith.cmpi slt, %lt3A_723, %get3A_573 : vector<16xi32>
          %broadcast_in_dim3A_725 = vector.broadcast %add3A_722 : i32 to vector<16xi32>
          %gather3A = tpu.vector_load_idx %arg17[%broadcast_in_dim3A_725, %add3A_554] masked %lt3A_724 : memref<48x128xi32, #tpu.memory_space<vmem>>[vector<16xi32>, vector<16xi32>], vector<16xi32>, vector<16xi1>
          %jit3A_726 = arith.constant 0 : i32
          %broadcast_in_dim3A_727 = vector.broadcast %jit3A_726 : i32 to vector<16xi32>
          %select_n3A_728 = arith.select %lt3A_724, %gather3A, %broadcast_in_dim3A_727 : vector<16xi1>, vector<16xi32>
          %gather3A_729 = arith.constant 0 : i32
          %gather3A_730 = arith.constant 0 : i32
          %gather3A_731 = tpu.memref_slice %arg16[%scan3A_535, %gather3A_729, %gather3A_730] : memref<2x256x128xf32, #tpu.memory_space<vmem>> -> memref<1x256x128xf32, #tpu.memory_space<vmem>>
          %gather3A_732 = tpu.memref_squeeze %gather3A_731 : memref<1x256x128xf32, #tpu.memory_space<vmem>> -> memref<256x128xf32, #tpu.memory_space<vmem>>
          %gather3A_733 = tpu.vector_load_idx %gather3A_732[%select_n3A_728, %add3A_554] masked %lt3A_724 : memref<256x128xf32, #tpu.memory_space<vmem>>[vector<16xi32>, vector<16xi32>], vector<16xf32>, vector<16xi1>
          %jit3A_734 = arith.constant 0xFF800000 : f32
          %broadcast_in_dim3A_735 = vector.broadcast %jit3A_734 : f32 to vector<16xf32>
          %select_n3A_736 = arith.select %lt3A_724, %gather3A_733, %broadcast_in_dim3A_735 : vector<16xi1>, vector<16xf32>
          %mul3A_737 = arith.constant 4 : i32
          %mul3A_738 = arith.muli %while3A_708, %mul3A_737 : i32
          %add3A_739 = arith.constant 1 : i32
          %add3A_740 = arith.addi %mul3A_738, %add3A_739 : i32
          %lt3A_741 = vector.broadcast %add3A_740 : i32 to vector<16xi32>
          %lt3A_742 = arith.cmpi slt, %lt3A_741, %get3A_573 : vector<16xi32>
          %broadcast_in_dim3A_743 = vector.broadcast %add3A_740 : i32 to vector<16xi32>
          %gather3A_744 = tpu.vector_load_idx %arg17[%broadcast_in_dim3A_743, %add3A_554] masked %lt3A_742 : memref<48x128xi32, #tpu.memory_space<vmem>>[vector<16xi32>, vector<16xi32>], vector<16xi32>, vector<16xi1>
          %jit3A_745 = arith.constant 0 : i32
          %broadcast_in_dim3A_746 = vector.broadcast %jit3A_745 : i32 to vector<16xi32>
          %select_n3A_747 = arith.select %lt3A_742, %gather3A_744, %broadcast_in_dim3A_746 : vector<16xi1>, vector<16xi32>
          %gather3A_748 = arith.constant 0 : i32
          %gather3A_749 = arith.constant 0 : i32
          %gather3A_750 = tpu.memref_slice %arg16[%scan3A_535, %gather3A_748, %gather3A_749] : memref<2x256x128xf32, #tpu.memory_space<vmem>> -> memref<1x256x128xf32, #tpu.memory_space<vmem>>
          %gather3A_751 = tpu.memref_squeeze %gather3A_750 : memref<1x256x128xf32, #tpu.memory_space<vmem>> -> memref<256x128xf32, #tpu.memory_space<vmem>>
          %gather3A_752 = tpu.vector_load_idx %gather3A_751[%select_n3A_747, %add3A_554] masked %lt3A_742 : memref<256x128xf32, #tpu.memory_space<vmem>>[vector<16xi32>, vector<16xi32>], vector<16xf32>, vector<16xi1>
          %jit3A_753 = arith.constant 0xFF800000 : f32
          %broadcast_in_dim3A_754 = vector.broadcast %jit3A_753 : f32 to vector<16xf32>
          %select_n3A_755 = arith.select %lt3A_742, %gather3A_752, %broadcast_in_dim3A_754 : vector<16xi1>, vector<16xf32>
          %mul3A_756 = arith.constant 4 : i32
          %mul3A_757 = arith.muli %while3A_708, %mul3A_756 : i32
          %add3A_758 = arith.constant 2 : i32
          %add3A_759 = arith.addi %mul3A_757, %add3A_758 : i32
          %lt3A_760 = vector.broadcast %add3A_759 : i32 to vector<16xi32>
          %lt3A_761 = arith.cmpi slt, %lt3A_760, %get3A_573 : vector<16xi32>
          %broadcast_in_dim3A_762 = vector.broadcast %add3A_759 : i32 to vector<16xi32>
          %gather3A_763 = tpu.vector_load_idx %arg17[%broadcast_in_dim3A_762, %add3A_554] masked %lt3A_761 : memref<48x128xi32, #tpu.memory_space<vmem>>[vector<16xi32>, vector<16xi32>], vector<16xi32>, vector<16xi1>
          %jit3A_764 = arith.constant 0 : i32
          %broadcast_in_dim3A_765 = vector.broadcast %jit3A_764 : i32 to vector<16xi32>
          %select_n3A_766 = arith.select %lt3A_761, %gather3A_763, %broadcast_in_dim3A_765 : vector<16xi1>, vector<16xi32>
          %gather3A_767 = arith.constant 0 : i32
          %gather3A_768 = arith.constant 0 : i32
          %gather3A_769 = tpu.memref_slice %arg16[%scan3A_535, %gather3A_767, %gather3A_768] : memref<2x256x128xf32, #tpu.memory_space<vmem>> -> memref<1x256x128xf32, #tpu.memory_space<vmem>>
          %gather3A_770 = tpu.memref_squeeze %gather3A_769 : memref<1x256x128xf32, #tpu.memory_space<vmem>> -> memref<256x128xf32, #tpu.memory_space<vmem>>
          %gather3A_771 = tpu.vector_load_idx %gather3A_770[%select_n3A_766, %add3A_554] masked %lt3A_761 : memref<256x128xf32, #tpu.memory_space<vmem>>[vector<16xi32>, vector<16xi32>], vector<16xf32>, vector<16xi1>
          %jit3A_772 = arith.constant 0xFF800000 : f32
          %broadcast_in_dim3A_773 = vector.broadcast %jit3A_772 : f32 to vector<16xf32>
          %select_n3A_774 = arith.select %lt3A_761, %gather3A_771, %broadcast_in_dim3A_773 : vector<16xi1>, vector<16xf32>
          %mul3A_775 = arith.constant 4 : i32
          %mul3A_776 = arith.muli %while3A_708, %mul3A_775 : i32
          %add3A_777 = arith.constant 3 : i32
          %add3A_778 = arith.addi %mul3A_776, %add3A_777 : i32
          %lt3A_779 = vector.broadcast %add3A_778 : i32 to vector<16xi32>
          %lt3A_780 = arith.cmpi slt, %lt3A_779, %get3A_573 : vector<16xi32>
          %broadcast_in_dim3A_781 = vector.broadcast %add3A_778 : i32 to vector<16xi32>
          %gather3A_782 = tpu.vector_load_idx %arg17[%broadcast_in_dim3A_781, %add3A_554] masked %lt3A_780 : memref<48x128xi32, #tpu.memory_space<vmem>>[vector<16xi32>, vector<16xi32>], vector<16xi32>, vector<16xi1>
          %jit3A_783 = arith.constant 0 : i32
          %broadcast_in_dim3A_784 = vector.broadcast %jit3A_783 : i32 to vector<16xi32>
          %select_n3A_785 = arith.select %lt3A_780, %gather3A_782, %broadcast_in_dim3A_784 : vector<16xi1>, vector<16xi32>
          %gather3A_786 = arith.constant 0 : i32
          %gather3A_787 = arith.constant 0 : i32
          %gather3A_788 = tpu.memref_slice %arg16[%scan3A_535, %gather3A_786, %gather3A_787] : memref<2x256x128xf32, #tpu.memory_space<vmem>> -> memref<1x256x128xf32, #tpu.memory_space<vmem>>
          %gather3A_789 = tpu.memref_squeeze %gather3A_788 : memref<1x256x128xf32, #tpu.memory_space<vmem>> -> memref<256x128xf32, #tpu.memory_space<vmem>>
          %gather3A_790 = tpu.vector_load_idx %gather3A_789[%select_n3A_785, %add3A_554] masked %lt3A_780 : memref<256x128xf32, #tpu.memory_space<vmem>>[vector<16xi32>, vector<16xi32>], vector<16xf32>, vector<16xi1>
          %jit3A_791 = arith.constant 0xFF800000 : f32
          %broadcast_in_dim3A_792 = vector.broadcast %jit3A_791 : f32 to vector<16xf32>
          %select_n3A_793 = arith.select %lt3A_780, %gather3A_790, %broadcast_in_dim3A_792 : vector<16xi1>, vector<16xf32>
          %add3A_794 = arith.addi %broadcast_in_dim3A_559, %select_n3A_728 : vector<16xi32>
          %gt3A_795 = arith.cmpf ogt, %select_n3A_736, %while3A_709 : vector<16xf32>
          %gt3A_796 = arith.cmpf ogt, %select_n3A_736, %while3A_710 : vector<16xf32>
          %gt3A_797 = arith.cmpf ogt, %select_n3A_736, %while3A_711 : vector<16xf32>
          %gt3A_798 = arith.cmpf ogt, %select_n3A_736, %while3A_712 : vector<16xf32>
          %gt3A_799 = arith.cmpf ogt, %select_n3A_736, %while3A_713 : vector<16xf32>
          %select_n3A_800 = arith.select %gt3A_798, %while3A_712, %select_n3A_736 : vector<16xi1>, vector<16xf32>
          %select_n3A_801 = arith.select %gt3A_799, %select_n3A_800, %while3A_713 : vector<16xi1>, vector<16xf32>
          %select_n3A_802 = arith.select %gt3A_798, %while3A_717, %add3A_794 : vector<16xi1>, vector<16xi32>
          %select_n3A_803 = arith.select %gt3A_799, %select_n3A_802, %while3A_718 : vector<16xi1>, vector<16xi32>
          %select_n3A_804 = arith.select %gt3A_797, %while3A_711, %select_n3A_736 : vector<16xi1>, vector<16xf32>
          %select_n3A_805 = arith.select %gt3A_798, %select_n3A_804, %while3A_712 : vector<16xi1>, vector<16xf32>
          %select_n3A_806 = arith.select %gt3A_797, %while3A_716, %add3A_794 : vector<16xi1>, vector<16xi32>
          %select_n3A_807 = arith.select %gt3A_798, %select_n3A_806, %while3A_717 : vector<16xi1>, vector<16xi32>
          %select_n3A_808 = arith.select %gt3A_796, %while3A_710, %select_n3A_736 : vector<16xi1>, vector<16xf32>
          %select_n3A_809 = arith.select %gt3A_797, %select_n3A_808, %while3A_711 : vector<16xi1>, vector<16xf32>
          %select_n3A_810 = arith.select %gt3A_796, %while3A_715, %add3A_794 : vector<16xi1>, vector<16xi32>
          %select_n3A_811 = arith.select %gt3A_797, %select_n3A_810, %while3A_716 : vector<16xi1>, vector<16xi32>
          %select_n3A_812 = arith.select %gt3A_795, %while3A_709, %select_n3A_736 : vector<16xi1>, vector<16xf32>
          %select_n3A_813 = arith.select %gt3A_796, %select_n3A_812, %while3A_710 : vector<16xi1>, vector<16xf32>
          %select_n3A_814 = arith.select %gt3A_795, %while3A_714, %add3A_794 : vector<16xi1>, vector<16xi32>
          %select_n3A_815 = arith.select %gt3A_796, %select_n3A_814, %while3A_715 : vector<16xi1>, vector<16xi32>
          %select_n3A_816 = arith.select %gt3A_795, %select_n3A_736, %while3A_709 : vector<16xi1>, vector<16xf32>
          %select_n3A_817 = arith.select %gt3A_795, %add3A_794, %while3A_714 : vector<16xi1>, vector<16xi32>
          %add3A_818 = arith.addi %broadcast_in_dim3A_559, %select_n3A_747 : vector<16xi32>
          %gt3A_819 = arith.cmpf ogt, %select_n3A_755, %select_n3A_816 : vector<16xf32>
          %gt3A_820 = arith.cmpf ogt, %select_n3A_755, %select_n3A_813 : vector<16xf32>
          %gt3A_821 = arith.cmpf ogt, %select_n3A_755, %select_n3A_809 : vector<16xf32>
          %gt3A_822 = arith.cmpf ogt, %select_n3A_755, %select_n3A_805 : vector<16xf32>
          %gt3A_823 = arith.cmpf ogt, %select_n3A_755, %select_n3A_801 : vector<16xf32>
          %select_n3A_824 = arith.select %gt3A_822, %select_n3A_805, %select_n3A_755 : vector<16xi1>, vector<16xf32>
          %select_n3A_825 = arith.select %gt3A_823, %select_n3A_824, %select_n3A_801 : vector<16xi1>, vector<16xf32>
          %select_n3A_826 = arith.select %gt3A_822, %select_n3A_807, %add3A_818 : vector<16xi1>, vector<16xi32>
          %select_n3A_827 = arith.select %gt3A_823, %select_n3A_826, %select_n3A_803 : vector<16xi1>, vector<16xi32>
          %select_n3A_828 = arith.select %gt3A_821, %select_n3A_809, %select_n3A_755 : vector<16xi1>, vector<16xf32>
          %select_n3A_829 = arith.select %gt3A_822, %select_n3A_828, %select_n3A_805 : vector<16xi1>, vector<16xf32>
          %select_n3A_830 = arith.select %gt3A_821, %select_n3A_811, %add3A_818 : vector<16xi1>, vector<16xi32>
          %select_n3A_831 = arith.select %gt3A_822, %select_n3A_830, %select_n3A_807 : vector<16xi1>, vector<16xi32>
          %select_n3A_832 = arith.select %gt3A_820, %select_n3A_813, %select_n3A_755 : vector<16xi1>, vector<16xf32>
          %select_n3A_833 = arith.select %gt3A_821, %select_n3A_832, %select_n3A_809 : vector<16xi1>, vector<16xf32>
          %select_n3A_834 = arith.select %gt3A_820, %select_n3A_815, %add3A_818 : vector<16xi1>, vector<16xi32>
          %select_n3A_835 = arith.select %gt3A_821, %select_n3A_834, %select_n3A_811 : vector<16xi1>, vector<16xi32>
          %select_n3A_836 = arith.select %gt3A_819, %select_n3A_816, %select_n3A_755 : vector<16xi1>, vector<16xf32>
          %select_n3A_837 = arith.select %gt3A_820, %select_n3A_836, %select_n3A_813 : vector<16xi1>, vector<16xf32>
          %select_n3A_838 = arith.select %gt3A_819, %select_n3A_817, %add3A_818 : vector<16xi1>, vector<16xi32>
          %select_n3A_839 = arith.select %gt3A_820, %select_n3A_838, %select_n3A_815 : vector<16xi1>, vector<16xi32>
          %select_n3A_840 = arith.select %gt3A_819, %select_n3A_755, %select_n3A_816 : vector<16xi1>, vector<16xf32>
          %select_n3A_841 = arith.select %gt3A_819, %add3A_818, %select_n3A_817 : vector<16xi1>, vector<16xi32>
          %add3A_842 = arith.addi %broadcast_in_dim3A_559, %select_n3A_766 : vector<16xi32>
          %gt3A_843 = arith.cmpf ogt, %select_n3A_774, %select_n3A_840 : vector<16xf32>
          %gt3A_844 = arith.cmpf ogt, %select_n3A_774, %select_n3A_837 : vector<16xf32>
          %gt3A_845 = arith.cmpf ogt, %select_n3A_774, %select_n3A_833 : vector<16xf32>
          %gt3A_846 = arith.cmpf ogt, %select_n3A_774, %select_n3A_829 : vector<16xf32>
          %gt3A_847 = arith.cmpf ogt, %select_n3A_774, %select_n3A_825 : vector<16xf32>
          %select_n3A_848 = arith.select %gt3A_846, %select_n3A_829, %select_n3A_774 : vector<16xi1>, vector<16xf32>
          %select_n3A_849 = arith.select %gt3A_847, %select_n3A_848, %select_n3A_825 : vector<16xi1>, vector<16xf32>
          %select_n3A_850 = arith.select %gt3A_846, %select_n3A_831, %add3A_842 : vector<16xi1>, vector<16xi32>
          %select_n3A_851 = arith.select %gt3A_847, %select_n3A_850, %select_n3A_827 : vector<16xi1>, vector<16xi32>
          %select_n3A_852 = arith.select %gt3A_845, %select_n3A_833, %select_n3A_774 : vector<16xi1>, vector<16xf32>
          %select_n3A_853 = arith.select %gt3A_846, %select_n3A_852, %select_n3A_829 : vector<16xi1>, vector<16xf32>
          %select_n3A_854 = arith.select %gt3A_845, %select_n3A_835, %add3A_842 : vector<16xi1>, vector<16xi32>
          %select_n3A_855 = arith.select %gt3A_846, %select_n3A_854, %select_n3A_831 : vector<16xi1>, vector<16xi32>
          %select_n3A_856 = arith.select %gt3A_844, %select_n3A_837, %select_n3A_774 : vector<16xi1>, vector<16xf32>
          %select_n3A_857 = arith.select %gt3A_845, %select_n3A_856, %select_n3A_833 : vector<16xi1>, vector<16xf32>
          %select_n3A_858 = arith.select %gt3A_844, %select_n3A_839, %add3A_842 : vector<16xi1>, vector<16xi32>
          %select_n3A_859 = arith.select %gt3A_845, %select_n3A_858, %select_n3A_835 : vector<16xi1>, vector<16xi32>
          %select_n3A_860 = arith.select %gt3A_843, %select_n3A_840, %select_n3A_774 : vector<16xi1>, vector<16xf32>
          %select_n3A_861 = arith.select %gt3A_844, %select_n3A_860, %select_n3A_837 : vector<16xi1>, vector<16xf32>
          %select_n3A_862 = arith.select %gt3A_843, %select_n3A_841, %add3A_842 : vector<16xi1>, vector<16xi32>
          %select_n3A_863 = arith.select %gt3A_844, %select_n3A_862, %select_n3A_839 : vector<16xi1>, vector<16xi32>
          %select_n3A_864 = arith.select %gt3A_843, %select_n3A_774, %select_n3A_840 : vector<16xi1>, vector<16xf32>
          %select_n3A_865 = arith.select %gt3A_843, %add3A_842, %select_n3A_841 : vector<16xi1>, vector<16xi32>
          %add3A_866 = arith.addi %broadcast_in_dim3A_559, %select_n3A_785 : vector<16xi32>
          %gt3A_867 = arith.cmpf ogt, %select_n3A_793, %select_n3A_864 : vector<16xf32>
          %gt3A_868 = arith.cmpf ogt, %select_n3A_793, %select_n3A_861 : vector<16xf32>
          %gt3A_869 = arith.cmpf ogt, %select_n3A_793, %select_n3A_857 : vector<16xf32>
          %gt3A_870 = arith.cmpf ogt, %select_n3A_793, %select_n3A_853 : vector<16xf32>
          %gt3A_871 = arith.cmpf ogt, %select_n3A_793, %select_n3A_849 : vector<16xf32>
          %select_n3A_872 = arith.select %gt3A_870, %select_n3A_853, %select_n3A_793 : vector<16xi1>, vector<16xf32>
          %select_n3A_873 = arith.select %gt3A_871, %select_n3A_872, %select_n3A_849 : vector<16xi1>, vector<16xf32>
          %select_n3A_874 = arith.select %gt3A_870, %select_n3A_855, %add3A_866 : vector<16xi1>, vector<16xi32>
          %select_n3A_875 = arith.select %gt3A_871, %select_n3A_874, %select_n3A_851 : vector<16xi1>, vector<16xi32>
          %select_n3A_876 = arith.select %gt3A_869, %select_n3A_857, %select_n3A_793 : vector<16xi1>, vector<16xf32>
          %select_n3A_877 = arith.select %gt3A_870, %select_n3A_876, %select_n3A_853 : vector<16xi1>, vector<16xf32>
          %select_n3A_878 = arith.select %gt3A_869, %select_n3A_859, %add3A_866 : vector<16xi1>, vector<16xi32>
          %select_n3A_879 = arith.select %gt3A_870, %select_n3A_878, %select_n3A_855 : vector<16xi1>, vector<16xi32>
          %select_n3A_880 = arith.select %gt3A_868, %select_n3A_861, %select_n3A_793 : vector<16xi1>, vector<16xf32>
          %select_n3A_881 = arith.select %gt3A_869, %select_n3A_880, %select_n3A_857 : vector<16xi1>, vector<16xf32>
          %select_n3A_882 = arith.select %gt3A_868, %select_n3A_863, %add3A_866 : vector<16xi1>, vector<16xi32>
          %select_n3A_883 = arith.select %gt3A_869, %select_n3A_882, %select_n3A_859 : vector<16xi1>, vector<16xi32>
          %select_n3A_884 = arith.select %gt3A_867, %select_n3A_864, %select_n3A_793 : vector<16xi1>, vector<16xf32>
          %select_n3A_885 = arith.select %gt3A_868, %select_n3A_884, %select_n3A_861 : vector<16xi1>, vector<16xf32>
          %select_n3A_886 = arith.select %gt3A_867, %select_n3A_865, %add3A_866 : vector<16xi1>, vector<16xi32>
          %select_n3A_887 = arith.select %gt3A_868, %select_n3A_886, %select_n3A_863 : vector<16xi1>, vector<16xi32>
          %select_n3A_888 = arith.select %gt3A_867, %select_n3A_793, %select_n3A_864 : vector<16xi1>, vector<16xf32>
          %select_n3A_889 = arith.select %gt3A_867, %add3A_866, %select_n3A_865 : vector<16xi1>, vector<16xi32>
          scf.yield %select_n3A_888, %select_n3A_885, %select_n3A_881, %select_n3A_877, %select_n3A_873, %select_n3A_889, %select_n3A_887, %select_n3A_883, %select_n3A_879, %select_n3A_875 : vector<16xf32>, vector<16xf32>, vector<16xf32>, vector<16xf32>, vector<16xf32>, vector<16xi32>, vector<16xi32>, vector<16xi32>, vector<16xi32>, vector<16xi32>
        }
        %while3A_656 = arith.constant 1 : i32
        %while3A_657:10 = scf.for %while3A_708 = %while3A_653 to %while3A_649 step %while3A_656 iter_args(%while3A_709 = %while3A_655#0, %while3A_710 = %while3A_655#1, %while3A_711 = %while3A_655#2, %while3A_712 = %while3A_655#3, %while3A_713 = %while3A_655#4, %while3A_714 = %while3A_655#5, %while3A_715 = %while3A_655#6, %while3A_716 = %while3A_655#7, %while3A_717 = %while3A_655#8, %while3A_718 = %while3A_655#9) -> (vector<16xf32>, vector<16xf32>, vector<16xf32>, vector<16xf32>, vector<16xf32>, vector<16xi32>, vector<16xi32>, vector<16xi32>, vector<16xi32>, vector<16xi32>)  : i32 {
          %mul3A_719 = arith.constant 4 : i32
          %mul3A_720 = arith.muli %while3A_708, %mul3A_719 : i32
          %add3A_721 = arith.constant 0 : i32
          %add3A_722 = arith.addi %mul3A_720, %add3A_721 : i32
          %lt3A_723 = vector.broadcast %add3A_722 : i32 to vector<16xi32>
          %lt3A_724 = arith.cmpi slt, %lt3A_723, %get3A_573 : vector<16xi32>
          %broadcast_in_dim3A_725 = vector.broadcast %add3A_722 : i32 to vector<16xi32>
          %gather3A = tpu.vector_load_idx %arg17[%broadcast_in_dim3A_725, %add3A_554] masked %lt3A_724 : memref<48x128xi32, #tpu.memory_space<vmem>>[vector<16xi32>, vector<16xi32>], vector<16xi32>, vector<16xi1>
          %jit3A_726 = arith.constant 0 : i32
          %broadcast_in_dim3A_727 = vector.broadcast %jit3A_726 : i32 to vector<16xi32>
          %select_n3A_728 = arith.select %lt3A_724, %gather3A, %broadcast_in_dim3A_727 : vector<16xi1>, vector<16xi32>
          %gather3A_729 = arith.constant 0 : i32
          %gather3A_730 = arith.constant 0 : i32
          %gather3A_731 = tpu.memref_slice %arg16[%scan3A_535, %gather3A_729, %gather3A_730] : memref<2x256x128xf32, #tpu.memory_space<vmem>> -> memref<1x256x128xf32, #tpu.memory_space<vmem>>
          %gather3A_732 = tpu.memref_squeeze %gather3A_731 : memref<1x256x128xf32, #tpu.memory_space<vmem>> -> memref<256x128xf32, #tpu.memory_space<vmem>>
          %gather3A_733 = tpu.vector_load_idx %gather3A_732[%select_n3A_728, %add3A_554] masked %lt3A_724 : memref<256x128xf32, #tpu.memory_space<vmem>>[vector<16xi32>, vector<16xi32>], vector<16xf32>, vector<16xi1>
          %jit3A_734 = arith.constant 0xFF800000 : f32
          %broadcast_in_dim3A_735 = vector.broadcast %jit3A_734 : f32 to vector<16xf32>
          %select_n3A_736 = arith.select %lt3A_724, %gather3A_733, %broadcast_in_dim3A_735 : vector<16xi1>, vector<16xf32>
          %mul3A_737 = arith.constant 4 : i32
          %mul3A_738 = arith.muli %while3A_708, %mul3A_737 : i32
          %add3A_739 = arith.constant 1 : i32
          %add3A_740 = arith.addi %mul3A_738, %add3A_739 : i32
          %lt3A_741 = vector.broadcast %add3A_740 : i32 to vector<16xi32>
          %lt3A_742 = arith.cmpi slt, %lt3A_741, %get3A_573 : vector<16xi32>
          %broadcast_in_dim3A_743 = vector.broadcast %add3A_740 : i32 to vector<16xi32>
          %gather3A_744 = tpu.vector_load_idx %arg17[%broadcast_in_dim3A_743, %add3A_554] masked %lt3A_742 : memref<48x128xi32, #tpu.memory_space<vmem>>[vector<16xi32>, vector<16xi32>], vector<16xi32>, vector<16xi1>
          %jit3A_745 = arith.constant 0 : i32
          %broadcast_in_dim3A_746 = vector.broadcast %jit3A_745 : i32 to vector<16xi32>
          %select_n3A_747 = arith.select %lt3A_742, %gather3A_744, %broadcast_in_dim3A_746 : vector<16xi1>, vector<16xi32>
          %gather3A_748 = arith.constant 0 : i32
          %gather3A_749 = arith.constant 0 : i32
          %gather3A_750 = tpu.memref_slice %arg16[%scan3A_535, %gather3A_748, %gather3A_749] : memref<2x256x128xf32, #tpu.memory_space<vmem>> -> memref<1x256x128xf32, #tpu.memory_space<vmem>>
          %gather3A_751 = tpu.memref_squeeze %gather3A_750 : memref<1x256x128xf32, #tpu.memory_space<vmem>> -> memref<256x128xf32, #tpu.memory_space<vmem>>
          %gather3A_752 = tpu.vector_load_idx %gather3A_751[%select_n3A_747, %add3A_554] masked %lt3A_742 : memref<256x128xf32, #tpu.memory_space<vmem>>[vector<16xi32>, vector<16xi32>], vector<16xf32>, vector<16xi1>
          %jit3A_753 = arith.constant 0xFF800000 : f32
          %broadcast_in_dim3A_754 = vector.broadcast %jit3A_753 : f32 to vector<16xf32>
          %select_n3A_755 = arith.select %lt3A_742, %gather3A_752, %broadcast_in_dim3A_754 : vector<16xi1>, vector<16xf32>
          %mul3A_756 = arith.constant 4 : i32
          %mul3A_757 = arith.muli %while3A_708, %mul3A_756 : i32
          %add3A_758 = arith.constant 2 : i32
          %add3A_759 = arith.addi %mul3A_757, %add3A_758 : i32
          %lt3A_760 = vector.broadcast %add3A_759 : i32 to vector<16xi32>
          %lt3A_761 = arith.cmpi slt, %lt3A_760, %get3A_573 : vector<16xi32>
          %broadcast_in_dim3A_762 = vector.broadcast %add3A_759 : i32 to vector<16xi32>
          %gather3A_763 = tpu.vector_load_idx %arg17[%broadcast_in_dim3A_762, %add3A_554] masked %lt3A_761 : memref<48x128xi32, #tpu.memory_space<vmem>>[vector<16xi32>, vector<16xi32>], vector<16xi32>, vector<16xi1>
          %jit3A_764 = arith.constant 0 : i32
          %broadcast_in_dim3A_765 = vector.broadcast %jit3A_764 : i32 to vector<16xi32>
          %select_n3A_766 = arith.select %lt3A_761, %gather3A_763, %broadcast_in_dim3A_765 : vector<16xi1>, vector<16xi32>
          %gather3A_767 = arith.constant 0 : i32
          %gather3A_768 = arith.constant 0 : i32
          %gather3A_769 = tpu.memref_slice %arg16[%scan3A_535, %gather3A_767, %gather3A_768] : memref<2x256x128xf32, #tpu.memory_space<vmem>> -> memref<1x256x128xf32, #tpu.memory_space<vmem>>
          %gather3A_770 = tpu.memref_squeeze %gather3A_769 : memref<1x256x128xf32, #tpu.memory_space<vmem>> -> memref<256x128xf32, #tpu.memory_space<vmem>>
          %gather3A_771 = tpu.vector_load_idx %gather3A_770[%select_n3A_766, %add3A_554] masked %lt3A_761 : memref<256x128xf32, #tpu.memory_space<vmem>>[vector<16xi32>, vector<16xi32>], vector<16xf32>, vector<16xi1>
          %jit3A_772 = arith.constant 0xFF800000 : f32
          %broadcast_in_dim3A_773 = vector.broadcast %jit3A_772 : f32 to vector<16xf32>
          %select_n3A_774 = arith.select %lt3A_761, %gather3A_771, %broadcast_in_dim3A_773 : vector<16xi1>, vector<16xf32>
          %mul3A_775 = arith.constant 4 : i32
          %mul3A_776 = arith.muli %while3A_708, %mul3A_775 : i32
          %add3A_777 = arith.constant 3 : i32
          %add3A_778 = arith.addi %mul3A_776, %add3A_777 : i32
          %lt3A_779 = vector.broadcast %add3A_778 : i32 to vector<16xi32>
          %lt3A_780 = arith.cmpi slt, %lt3A_779, %get3A_573 : vector<16xi32>
          %broadcast_in_dim3A_781 = vector.broadcast %add3A_778 : i32 to vector<16xi32>
          %gather3A_782 = tpu.vector_load_idx %arg17[%broadcast_in_dim3A_781, %add3A_554] masked %lt3A_780 : memref<48x128xi32, #tpu.memory_space<vmem>>[vector<16xi32>, vector<16xi32>], vector<16xi32>, vector<16xi1>
          %jit3A_783 = arith.constant 0 : i32
          %broadcast_in_dim3A_784 = vector.broadcast %jit3A_783 : i32 to vector<16xi32>
          %select_n3A_785 = arith.select %lt3A_780, %gather3A_782, %broadcast_in_dim3A_784 : vector<16xi1>, vector<16xi32>
          %gather3A_786 = arith.constant 0 : i32
          %gather3A_787 = arith.constant 0 : i32
          %gather3A_788 = tpu.memref_slice %arg16[%scan3A_535, %gather3A_786, %gather3A_787] : memref<2x256x128xf32, #tpu.memory_space<vmem>> -> memref<1x256x128xf32, #tpu.memory_space<vmem>>
          %gather3A_789 = tpu.memref_squeeze %gather3A_788 : memref<1x256x128xf32, #tpu.memory_space<vmem>> -> memref<256x128xf32, #tpu.memory_space<vmem>>
          %gather3A_790 = tpu.vector_load_idx %gather3A_789[%select_n3A_785, %add3A_554] masked %lt3A_780 : memref<256x128xf32, #tpu.memory_space<vmem>>[vector<16xi32>, vector<16xi32>], vector<16xf32>, vector<16xi1>
          %jit3A_791 = arith.constant 0xFF800000 : f32
          %broadcast_in_dim3A_792 = vector.broadcast %jit3A_791 : f32 to vector<16xf32>
          %select_n3A_793 = arith.select %lt3A_780, %gather3A_790, %broadcast_in_dim3A_792 : vector<16xi1>, vector<16xf32>
          %add3A_794 = arith.addi %broadcast_in_dim3A_559, %select_n3A_728 : vector<16xi32>
          %gt3A_795 = arith.cmpf ogt, %select_n3A_736, %while3A_709 : vector<16xf32>
          %gt3A_796 = arith.cmpf ogt, %select_n3A_736, %while3A_710 : vector<16xf32>
          %gt3A_797 = arith.cmpf ogt, %select_n3A_736, %while3A_711 : vector<16xf32>
          %gt3A_798 = arith.cmpf ogt, %select_n3A_736, %while3A_712 : vector<16xf32>
          %gt3A_799 = arith.cmpf ogt, %select_n3A_736, %while3A_713 : vector<16xf32>
          %select_n3A_800 = arith.select %gt3A_798, %while3A_712, %select_n3A_736 : vector<16xi1>, vector<16xf32>
          %select_n3A_801 = arith.select %gt3A_799, %select_n3A_800, %while3A_713 : vector<16xi1>, vector<16xf32>
          %select_n3A_802 = arith.select %gt3A_798, %while3A_717, %add3A_794 : vector<16xi1>, vector<16xi32>
          %select_n3A_803 = arith.select %gt3A_799, %select_n3A_802, %while3A_718 : vector<16xi1>, vector<16xi32>
          %select_n3A_804 = arith.select %gt3A_797, %while3A_711, %select_n3A_736 : vector<16xi1>, vector<16xf32>
          %select_n3A_805 = arith.select %gt3A_798, %select_n3A_804, %while3A_712 : vector<16xi1>, vector<16xf32>
          %select_n3A_806 = arith.select %gt3A_797, %while3A_716, %add3A_794 : vector<16xi1>, vector<16xi32>
          %select_n3A_807 = arith.select %gt3A_798, %select_n3A_806, %while3A_717 : vector<16xi1>, vector<16xi32>
          %select_n3A_808 = arith.select %gt3A_796, %while3A_710, %select_n3A_736 : vector<16xi1>, vector<16xf32>
          %select_n3A_809 = arith.select %gt3A_797, %select_n3A_808, %while3A_711 : vector<16xi1>, vector<16xf32>
          %select_n3A_810 = arith.select %gt3A_796, %while3A_715, %add3A_794 : vector<16xi1>, vector<16xi32>
          %select_n3A_811 = arith.select %gt3A_797, %select_n3A_810, %while3A_716 : vector<16xi1>, vector<16xi32>
          %select_n3A_812 = arith.select %gt3A_795, %while3A_709, %select_n3A_736 : vector<16xi1>, vector<16xf32>
          %select_n3A_813 = arith.select %gt3A_796, %select_n3A_812, %while3A_710 : vector<16xi1>, vector<16xf32>
          %select_n3A_814 = arith.select %gt3A_795, %while3A_714, %add3A_794 : vector<16xi1>, vector<16xi32>
          %select_n3A_815 = arith.select %gt3A_796, %select_n3A_814, %while3A_715 : vector<16xi1>, vector<16xi32>
          %select_n3A_816 = arith.select %gt3A_795, %select_n3A_736, %while3A_709 : vector<16xi1>, vector<16xf32>
          %select_n3A_817 = arith.select %gt3A_795, %add3A_794, %while3A_714 : vector<16xi1>, vector<16xi32>
          %add3A_818 = arith.addi %broadcast_in_dim3A_559, %select_n3A_747 : vector<16xi32>
          %gt3A_819 = arith.cmpf ogt, %select_n3A_755, %select_n3A_816 : vector<16xf32>
          %gt3A_820 = arith.cmpf ogt, %select_n3A_755, %select_n3A_813 : vector<16xf32>
          %gt3A_821 = arith.cmpf ogt, %select_n3A_755, %select_n3A_809 : vector<16xf32>
          %gt3A_822 = arith.cmpf ogt, %select_n3A_755, %select_n3A_805 : vector<16xf32>
          %gt3A_823 = arith.cmpf ogt, %select_n3A_755, %select_n3A_801 : vector<16xf32>
          %select_n3A_824 = arith.select %gt3A_822, %select_n3A_805, %select_n3A_755 : vector<16xi1>, vector<16xf32>
          %select_n3A_825 = arith.select %gt3A_823, %select_n3A_824, %select_n3A_801 : vector<16xi1>, vector<16xf32>
          %select_n3A_826 = arith.select %gt3A_822, %select_n3A_807, %add3A_818 : vector<16xi1>, vector<16xi32>
          %select_n3A_827 = arith.select %gt3A_823, %select_n3A_826, %select_n3A_803 : vector<16xi1>, vector<16xi32>
          %select_n3A_828 = arith.select %gt3A_821, %select_n3A_809, %select_n3A_755 : vector<16xi1>, vector<16xf32>
          %select_n3A_829 = arith.select %gt3A_822, %select_n3A_828, %select_n3A_805 : vector<16xi1>, vector<16xf32>
          %select_n3A_830 = arith.select %gt3A_821, %select_n3A_811, %add3A_818 : vector<16xi1>, vector<16xi32>
          %select_n3A_831 = arith.select %gt3A_822, %select_n3A_830, %select_n3A_807 : vector<16xi1>, vector<16xi32>
          %select_n3A_832 = arith.select %gt3A_820, %select_n3A_813, %select_n3A_755 : vector<16xi1>, vector<16xf32>
          %select_n3A_833 = arith.select %gt3A_821, %select_n3A_832, %select_n3A_809 : vector<16xi1>, vector<16xf32>
          %select_n3A_834 = arith.select %gt3A_820, %select_n3A_815, %add3A_818 : vector<16xi1>, vector<16xi32>
          %select_n3A_835 = arith.select %gt3A_821, %select_n3A_834, %select_n3A_811 : vector<16xi1>, vector<16xi32>
          %select_n3A_836 = arith.select %gt3A_819, %select_n3A_816, %select_n3A_755 : vector<16xi1>, vector<16xf32>
          %select_n3A_837 = arith.select %gt3A_820, %select_n3A_836, %select_n3A_813 : vector<16xi1>, vector<16xf32>
          %select_n3A_838 = arith.select %gt3A_819, %select_n3A_817, %add3A_818 : vector<16xi1>, vector<16xi32>
          %select_n3A_839 = arith.select %gt3A_820, %select_n3A_838, %select_n3A_815 : vector<16xi1>, vector<16xi32>
          %select_n3A_840 = arith.select %gt3A_819, %select_n3A_755, %select_n3A_816 : vector<16xi1>, vector<16xf32>
          %select_n3A_841 = arith.select %gt3A_819, %add3A_818, %select_n3A_817 : vector<16xi1>, vector<16xi32>
          %add3A_842 = arith.addi %broadcast_in_dim3A_559, %select_n3A_766 : vector<16xi32>
          %gt3A_843 = arith.cmpf ogt, %select_n3A_774, %select_n3A_840 : vector<16xf32>
          %gt3A_844 = arith.cmpf ogt, %select_n3A_774, %select_n3A_837 : vector<16xf32>
          %gt3A_845 = arith.cmpf ogt, %select_n3A_774, %select_n3A_833 : vector<16xf32>
          %gt3A_846 = arith.cmpf ogt, %select_n3A_774, %select_n3A_829 : vector<16xf32>
          %gt3A_847 = arith.cmpf ogt, %select_n3A_774, %select_n3A_825 : vector<16xf32>
          %select_n3A_848 = arith.select %gt3A_846, %select_n3A_829, %select_n3A_774 : vector<16xi1>, vector<16xf32>
          %select_n3A_849 = arith.select %gt3A_847, %select_n3A_848, %select_n3A_825 : vector<16xi1>, vector<16xf32>
          %select_n3A_850 = arith.select %gt3A_846, %select_n3A_831, %add3A_842 : vector<16xi1>, vector<16xi32>
          %select_n3A_851 = arith.select %gt3A_847, %select_n3A_850, %select_n3A_827 : vector<16xi1>, vector<16xi32>
          %select_n3A_852 = arith.select %gt3A_845, %select_n3A_833, %select_n3A_774 : vector<16xi1>, vector<16xf32>
          %select_n3A_853 = arith.select %gt3A_846, %select_n3A_852, %select_n3A_829 : vector<16xi1>, vector<16xf32>
          %select_n3A_854 = arith.select %gt3A_845, %select_n3A_835, %add3A_842 : vector<16xi1>, vector<16xi32>
          %select_n3A_855 = arith.select %gt3A_846, %select_n3A_854, %select_n3A_831 : vector<16xi1>, vector<16xi32>
          %select_n3A_856 = arith.select %gt3A_844, %select_n3A_837, %select_n3A_774 : vector<16xi1>, vector<16xf32>
          %select_n3A_857 = arith.select %gt3A_845, %select_n3A_856, %select_n3A_833 : vector<16xi1>, vector<16xf32>
          %select_n3A_858 = arith.select %gt3A_844, %select_n3A_839, %add3A_842 : vector<16xi1>, vector<16xi32>
          %select_n3A_859 = arith.select %gt3A_845, %select_n3A_858, %select_n3A_835 : vector<16xi1>, vector<16xi32>
          %select_n3A_860 = arith.select %gt3A_843, %select_n3A_840, %select_n3A_774 : vector<16xi1>, vector<16xf32>
          %select_n3A_861 = arith.select %gt3A_844, %select_n3A_860, %select_n3A_837 : vector<16xi1>, vector<16xf32>
          %select_n3A_862 = arith.select %gt3A_843, %select_n3A_841, %add3A_842 : vector<16xi1>, vector<16xi32>
          %select_n3A_863 = arith.select %gt3A_844, %select_n3A_862, %select_n3A_839 : vector<16xi1>, vector<16xi32>
          %select_n3A_864 = arith.select %gt3A_843, %select_n3A_774, %select_n3A_840 : vector<16xi1>, vector<16xf32>
          %select_n3A_865 = arith.select %gt3A_843, %add3A_842, %select_n3A_841 : vector<16xi1>, vector<16xi32>
          %add3A_866 = arith.addi %broadcast_in_dim3A_559, %select_n3A_785 : vector<16xi32>
          %gt3A_867 = arith.cmpf ogt, %select_n3A_793, %select_n3A_864 : vector<16xf32>
          %gt3A_868 = arith.cmpf ogt, %select_n3A_793, %select_n3A_861 : vector<16xf32>
          %gt3A_869 = arith.cmpf ogt, %select_n3A_793, %select_n3A_857 : vector<16xf32>
          %gt3A_870 = arith.cmpf ogt, %select_n3A_793, %select_n3A_853 : vector<16xf32>
          %gt3A_871 = arith.cmpf ogt, %select_n3A_793, %select_n3A_849 : vector<16xf32>
          %select_n3A_872 = arith.select %gt3A_870, %select_n3A_853, %select_n3A_793 : vector<16xi1>, vector<16xf32>
          %select_n3A_873 = arith.select %gt3A_871, %select_n3A_872, %select_n3A_849 : vector<16xi1>, vector<16xf32>
          %select_n3A_874 = arith.select %gt3A_870, %select_n3A_855, %add3A_866 : vector<16xi1>, vector<16xi32>
          %select_n3A_875 = arith.select %gt3A_871, %select_n3A_874, %select_n3A_851 : vector<16xi1>, vector<16xi32>
          %select_n3A_876 = arith.select %gt3A_869, %select_n3A_857, %select_n3A_793 : vector<16xi1>, vector<16xf32>
          %select_n3A_877 = arith.select %gt3A_870, %select_n3A_876, %select_n3A_853 : vector<16xi1>, vector<16xf32>
          %select_n3A_878 = arith.select %gt3A_869, %select_n3A_859, %add3A_866 : vector<16xi1>, vector<16xi32>
          %select_n3A_879 = arith.select %gt3A_870, %select_n3A_878, %select_n3A_855 : vector<16xi1>, vector<16xi32>
          %select_n3A_880 = arith.select %gt3A_868, %select_n3A_861, %select_n3A_793 : vector<16xi1>, vector<16xf32>
          %select_n3A_881 = arith.select %gt3A_869, %select_n3A_880, %select_n3A_857 : vector<16xi1>, vector<16xf32>
          %select_n3A_882 = arith.select %gt3A_868, %select_n3A_863, %add3A_866 : vector<16xi1>, vector<16xi32>
          %select_n3A_883 = arith.select %gt3A_869, %select_n3A_882, %select_n3A_859 : vector<16xi1>, vector<16xi32>
          %select_n3A_884 = arith.select %gt3A_867, %select_n3A_864, %select_n3A_793 : vector<16xi1>, vector<16xf32>
          %select_n3A_885 = arith.select %gt3A_868, %select_n3A_884, %select_n3A_861 : vector<16xi1>, vector<16xf32>
          %select_n3A_886 = arith.select %gt3A_867, %select_n3A_865, %add3A_866 : vector<16xi1>, vector<16xi32>
          %select_n3A_887 = arith.select %gt3A_868, %select_n3A_886, %select_n3A_863 : vector<16xi1>, vector<16xi32>
          %select_n3A_888 = arith.select %gt3A_867, %select_n3A_793, %select_n3A_864 : vector<16xi1>, vector<16xf32>
          %select_n3A_889 = arith.select %gt3A_867, %add3A_866, %select_n3A_865 : vector<16xi1>, vector<16xi32>
          scf.yield %select_n3A_888, %select_n3A_885, %select_n3A_881, %select_n3A_877, %select_n3A_873, %select_n3A_889, %select_n3A_887, %select_n3A_883, %select_n3A_879, %select_n3A_875 : vector<16xf32>, vector<16xf32>, vector<16xf32>, vector<16xf32>, vector<16xf32>, vector<16xi32>, vector<16xi32>, vector<16xi32>, vector<16xi32>, vector<16xi32>
        }
        %swap3A_658 = arith.constant 0 : i32
        %swap3A_659 = arith.index_cast %swap3A_658 : i32 to index
        %swap3A_660 = arith.index_cast %multiple_of3A : i32 to index
        %swap3A_661 = tpu.vector_load %arg18[%swap3A_659, %swap3A_660] {strides = array<i32>} : memref<5x128xf32, #tpu.memory_space<vmem>>, vector<16xf32>,
        tpu.vector_store %arg18[%swap3A_659, %swap3A_660], %while3A_657#0 {strides = array<i32>} : memref<5x128xf32, #tpu.memory_space<vmem>>, vector<16xf32>,
        %swap3A_662 = arith.constant 0 : i32
        %swap3A_663 = arith.index_cast %swap3A_662 : i32 to index
        %swap3A_664 = arith.index_cast %multiple_of3A : i32 to index
        %swap3A_665 = tpu.vector_load %arg19[%swap3A_663, %swap3A_664] {strides = array<i32>} : memref<5x128xi32, #tpu.memory_space<vmem>>, vector<16xi32>,
        tpu.vector_store %arg19[%swap3A_663, %swap3A_664], %while3A_657#5 {strides = array<i32>} : memref<5x128xi32, #tpu.memory_space<vmem>>, vector<16xi32>,
        %swap3A_666 = arith.constant 1 : i32
        %swap3A_667 = arith.index_cast %swap3A_666 : i32 to index
        %swap3A_668 = arith.index_cast %multiple_of3A : i32 to index
        %swap3A_669 = tpu.vector_load %arg18[%swap3A_667, %swap3A_668] {strides = array<i32>} : memref<5x128xf32, #tpu.memory_space<vmem>>, vector<16xf32>,
        tpu.vector_store %arg18[%swap3A_667, %swap3A_668], %while3A_657#1 {strides = array<i32>} : memref<5x128xf32, #tpu.memory_space<vmem>>, vector<16xf32>,
        %swap3A_670 = arith.constant 1 : i32
        %swap3A_671 = arith.index_cast %swap3A_670 : i32 to index
        %swap3A_672 = arith.index_cast %multiple_of3A : i32 to index
        %swap3A_673 = tpu.vector_load %arg19[%swap3A_671, %swap3A_672] {strides = array<i32>} : memref<5x128xi32, #tpu.memory_space<vmem>>, vector<16xi32>,
        tpu.vector_store %arg19[%swap3A_671, %swap3A_672], %while3A_657#6 {strides = array<i32>} : memref<5x128xi32, #tpu.memory_space<vmem>>, vector<16xi32>,
        %swap3A_674 = arith.constant 2 : i32
        %swap3A_675 = arith.index_cast %swap3A_674 : i32 to index
        %swap3A_676 = arith.index_cast %multiple_of3A : i32 to index
        %swap3A_677 = tpu.vector_load %arg18[%swap3A_675, %swap3A_676] {strides = array<i32>} : memref<5x128xf32, #tpu.memory_space<vmem>>, vector<16xf32>,
        tpu.vector_store %arg18[%swap3A_675, %swap3A_676], %while3A_657#2 {strides = array<i32>} : memref<5x128xf32, #tpu.memory_space<vmem>>, vector<16xf32>,
        %swap3A_678 = arith.constant 2 : i32
        %swap3A_679 = arith.index_cast %swap3A_678 : i32 to index
        %swap3A_680 = arith.index_cast %multiple_of3A : i32 to index
        %swap3A_681 = tpu.vector_load %arg19[%swap3A_679, %swap3A_680] {strides = array<i32>} : memref<5x128xi32, #tpu.memory_space<vmem>>, vector<16xi32>,
        tpu.vector_store %arg19[%swap3A_679, %swap3A_680], %while3A_657#7 {strides = array<i32>} : memref<5x128xi32, #tpu.memory_space<vmem>>, vector<16xi32>,
        %swap3A_682 = arith.constant 3 : i32
        %swap3A_683 = arith.index_cast %swap3A_682 : i32 to index
        %swap3A_684 = arith.index_cast %multiple_of3A : i32 to index
        %swap3A_685 = tpu.vector_load %arg18[%swap3A_683, %swap3A_684] {strides = array<i32>} : memref<5x128xf32, #tpu.memory_space<vmem>>, vector<16xf32>,
        tpu.vector_store %arg18[%swap3A_683, %swap3A_684], %while3A_657#3 {strides = array<i32>} : memref<5x128xf32, #tpu.memory_space<vmem>>, vector<16xf32>,
        %swap3A_686 = arith.constant 3 : i32
        %swap3A_687 = arith.index_cast %swap3A_686 : i32 to index
        %swap3A_688 = arith.index_cast %multiple_of3A : i32 to index
        %swap3A_689 = tpu.vector_load %arg19[%swap3A_687, %swap3A_688] {strides = array<i32>} : memref<5x128xi32, #tpu.memory_space<vmem>>, vector<16xi32>,
        tpu.vector_store %arg19[%swap3A_687, %swap3A_688], %while3A_657#8 {strides = array<i32>} : memref<5x128xi32, #tpu.memory_space<vmem>>, vector<16xi32>,
        %swap3A_690 = arith.constant 4 : i32
        %swap3A_691 = arith.index_cast %swap3A_690 : i32 to index
        %swap3A_692 = arith.index_cast %multiple_of3A : i32 to index
        %swap3A_693 = tpu.vector_load %arg18[%swap3A_691, %swap3A_692] {strides = array<i32>} : memref<5x128xf32, #tpu.memory_space<vmem>>, vector<16xf32>,
        tpu.vector_store %arg18[%swap3A_691, %swap3A_692], %while3A_657#4 {strides = array<i32>} : memref<5x128xf32, #tpu.memory_space<vmem>>, vector<16xf32>,
        %swap3A_694 = arith.constant 4 : i32
        %swap3A_695 = arith.index_cast %swap3A_694 : i32 to index
        %swap3A_696 = arith.index_cast %multiple_of3A : i32 to index
        %swap3A_697 = tpu.vector_load %arg19[%swap3A_695, %swap3A_696] {strides = array<i32>} : memref<5x128xi32, #tpu.memory_space<vmem>>, vector<16xi32>,
        tpu.vector_store %arg19[%swap3A_695, %swap3A_696], %while3A_657#9 {strides = array<i32>} : memref<5x128xi32, #tpu.memory_space<vmem>>, vector<16xi32>,
        %swap3A_698 = arith.index_cast %multiple_of3A : i32 to index
        %swap3A_699 = tpu.vector_load %arg20[%swap3A_698] {strides = array<i32>} : memref<128xf32, #tpu.memory_space<vmem>>, vector<16xf32>,
        tpu.vector_store %arg20[%swap3A_698], %while3A_657#4 {strides = array<i32>} : memref<128xf32, #tpu.memory_space<vmem>>, vector<16xf32>,
        %swap3A_700 = arith.index_cast %multiple_of3A : i32 to index
        %swap3A_701 = tpu.vector_load %arg21[%swap3A_700] {strides = array<i32>} : memref<128xi32, #tpu.memory_space<vmem>>, vector<16xi32>,
        tpu.vector_store %arg21[%swap3A_700], %broadcast_in_dim3A_3 {strides = array<i32>} : memref<128xi32, #tpu.memory_space<vmem>>, vector<16xi32>,
        %eq3A_702 = arith.constant 3 : i32
        %eq3A_703 = arith.cmpi eq, %select_n3A_531, %eq3A_702 : i32
        %convert_element_type3A_704 = arith.extui %eq3A_703 : i1 to i32
        %cond3A_705 = arith.constant 0 : i32
        %cond3A_706 = arith.cmpi ne, %convert_element_type3A_704, %cond3A_705 : i32
        scf.if %cond3A_706 {
          %get3A_708 = arith.constant 0 : i32
          %get3A_709 = arith.index_cast %get3A_708 : i32 to index
          %get3A_710 = arith.index_cast %multiple_of3A : i32 to index
          %get3A_711 = tpu.vector_load %arg18[%get3A_709, %get3A_710] {strides = array<i32>} : memref<5x128xf32, #tpu.memory_space<vmem>>, vector<16xf32>,
          %get3A_712 = arith.constant 1 : i32
          %get3A_713 = arith.index_cast %get3A_712 : i32 to index
          %get3A_714 = arith.index_cast %multiple_of3A : i32 to index
          %get3A_715 = tpu.vector_load %arg18[%get3A_713, %get3A_714] {strides = array<i32>} : memref<5x128xf32, #tpu.memory_space<vmem>>, vector<16xf32>,
          %get3A_716 = arith.constant 2 : i32
          %get3A_717 = arith.index_cast %get3A_716 : i32 to index
          %get3A_718 = arith.index_cast %multiple_of3A : i32 to index
          %get3A_719 = tpu.vector_load %arg18[%get3A_717, %get3A_718] {strides = array<i32>} : memref<5x128xf32, #tpu.memory_space<vmem>>, vector<16xf32>,
          %get3A_720 = arith.constant 3 : i32
          %get3A_721 = arith.index_cast %get3A_720 : i32 to index
          %get3A_722 = arith.index_cast %multiple_of3A : i32 to index
          %get3A_723 = tpu.vector_load %arg18[%get3A_721, %get3A_722] {strides = array<i32>} : memref<5x128xf32, #tpu.memory_space<vmem>>, vector<16xf32>,
          %get3A_724 = arith.constant 4 : i32
          %get3A_725 = arith.index_cast %get3A_724 : i32 to index
          %get3A_726 = arith.index_cast %multiple_of3A : i32 to index
          %get3A_727 = tpu.vector_load %arg18[%get3A_725, %get3A_726] {strides = array<i32>} : memref<5x128xf32, #tpu.memory_space<vmem>>, vector<16xf32>,
          %get3A_728 = arith.constant 0 : i32
          %get3A_729 = arith.index_cast %get3A_728 : i32 to index
          %get3A_730 = arith.index_cast %multiple_of3A : i32 to index
          %get3A_731 = tpu.vector_load %arg19[%get3A_729, %get3A_730] {strides = array<i32>} : memref<5x128xi32, #tpu.memory_space<vmem>>, vector<16xi32>,
          %get3A_732 = arith.constant 1 : i32
          %get3A_733 = arith.index_cast %get3A_732 : i32 to index
          %get3A_734 = arith.index_cast %multiple_of3A : i32 to index
          %get3A_735 = tpu.vector_load %arg19[%get3A_733, %get3A_734] {strides = array<i32>} : memref<5x128xi32, #tpu.memory_space<vmem>>, vector<16xi32>,
          %get3A_736 = arith.constant 2 : i32
          %get3A_737 = arith.index_cast %get3A_736 : i32 to index
          %get3A_738 = arith.index_cast %multiple_of3A : i32 to index
          %get3A_739 = tpu.vector_load %arg19[%get3A_737, %get3A_738] {strides = array<i32>} : memref<5x128xi32, #tpu.memory_space<vmem>>, vector<16xi32>,
          %get3A_740 = arith.constant 3 : i32
          %get3A_741 = arith.index_cast %get3A_740 : i32 to index
          %get3A_742 = arith.index_cast %multiple_of3A : i32 to index
          %get3A_743 = tpu.vector_load %arg19[%get3A_741, %get3A_742] {strides = array<i32>} : memref<5x128xi32, #tpu.memory_space<vmem>>, vector<16xi32>,
          %get3A_744 = arith.constant 4 : i32
          %get3A_745 = arith.index_cast %get3A_744 : i32 to index
          %get3A_746 = arith.index_cast %multiple_of3A : i32 to index
          %get3A_747 = tpu.vector_load %arg19[%get3A_745, %get3A_746] {strides = array<i32>} : memref<5x128xi32, #tpu.memory_space<vmem>>, vector<16xi32>,
          %select_n3A_748 = arith.select %gt3A_181, %get3A_711, %broadcast_in_dim3A_1 : vector<16xi1>, vector<16xf32>
          %mul3A_749 = arith.constant 16 : i32
          %mul3A_750 = arith.muli %scan3A_549, %mul3A_749 : i32
          %multiple_of3A_751 = tpu.assume_multiple %mul3A_750, 16 : i32
          %swap3A_752 = arith.constant 0 : i32
          %swap3A_753 = arith.index_cast %swap3A_752 : i32 to index
          %swap3A_754 = arith.index_cast %multiple_of3A_751 : i32 to index
          %swap3A_755 = tpu.vector_load %arg22[%swap3A_753, %swap3A_754] {strides = array<i32>} : memref<5x128xf32, #tpu.memory_space<vmem>>, vector<16xf32>,
          tpu.vector_store %arg22[%swap3A_753, %swap3A_754], %select_n3A_748 {strides = array<i32>} : memref<5x128xf32, #tpu.memory_space<vmem>>, vector<16xf32>,
          %select_n3A_756 = arith.select %gt3A_181, %get3A_731, %broadcast_in_dim3A_3 : vector<16xi1>, vector<16xi32>
          %mul3A_757 = arith.constant 16 : i32
          %mul3A_758 = arith.muli %scan3A_549, %mul3A_757 : i32
          %multiple_of3A_759 = tpu.assume_multiple %mul3A_758, 16 : i32
          %swap3A_760 = arith.constant 0 : i32
          %swap3A_761 = arith.index_cast %swap3A_760 : i32 to index
          %swap3A_762 = arith.index_cast %multiple_of3A_759 : i32 to index
          %swap3A_763 = tpu.vector_load %arg23[%swap3A_761, %swap3A_762] {strides = array<i32>} : memref<5x128xi32, #tpu.memory_space<vmem>>, vector<16xi32>,
          tpu.vector_store %arg23[%swap3A_761, %swap3A_762], %select_n3A_756 {strides = array<i32>} : memref<5x128xi32, #tpu.memory_space<vmem>>, vector<16xi32>,
          %select_n3A_764 = arith.select %gt3A_185, %get3A_715, %broadcast_in_dim3A_1 : vector<16xi1>, vector<16xf32>
          %mul3A_765 = arith.constant 16 : i32
          %mul3A_766 = arith.muli %scan3A_549, %mul3A_765 : i32
          %multiple_of3A_767 = tpu.assume_multiple %mul3A_766, 16 : i32
          %swap3A_768 = arith.constant 1 : i32
          %swap3A_769 = arith.index_cast %swap3A_768 : i32 to index
          %swap3A_770 = arith.index_cast %multiple_of3A_767 : i32 to index
          %swap3A_771 = tpu.vector_load %arg22[%swap3A_769, %swap3A_770] {strides = array<i32>} : memref<5x128xf32, #tpu.memory_space<vmem>>, vector<16xf32>,
          tpu.vector_store %arg22[%swap3A_769, %swap3A_770], %select_n3A_764 {strides = array<i32>} : memref<5x128xf32, #tpu.memory_space<vmem>>, vector<16xf32>,
          %select_n3A_772 = arith.select %gt3A_185, %get3A_735, %broadcast_in_dim3A_3 : vector<16xi1>, vector<16xi32>
          %mul3A_773 = arith.constant 16 : i32
          %mul3A_774 = arith.muli %scan3A_549, %mul3A_773 : i32
          %multiple_of3A_775 = tpu.assume_multiple %mul3A_774, 16 : i32
          %swap3A_776 = arith.constant 1 : i32
          %swap3A_777 = arith.index_cast %swap3A_776 : i32 to index
          %swap3A_778 = arith.index_cast %multiple_of3A_775 : i32 to index
          %swap3A_779 = tpu.vector_load %arg23[%swap3A_777, %swap3A_778] {strides = array<i32>} : memref<5x128xi32, #tpu.memory_space<vmem>>, vector<16xi32>,
          tpu.vector_store %arg23[%swap3A_777, %swap3A_778], %select_n3A_772 {strides = array<i32>} : memref<5x128xi32, #tpu.memory_space<vmem>>, vector<16xi32>,
          %select_n3A_780 = arith.select %gt3A_189, %get3A_719, %broadcast_in_dim3A_1 : vector<16xi1>, vector<16xf32>
          %mul3A_781 = arith.constant 16 : i32
          %mul3A_782 = arith.muli %scan3A_549, %mul3A_781 : i32
          %multiple_of3A_783 = tpu.assume_multiple %mul3A_782, 16 : i32
          %swap3A_784 = arith.constant 2 : i32
          %swap3A_785 = arith.index_cast %swap3A_784 : i32 to index
          %swap3A_786 = arith.index_cast %multiple_of3A_783 : i32 to index
          %swap3A_787 = tpu.vector_load %arg22[%swap3A_785, %swap3A_786] {strides = array<i32>} : memref<5x128xf32, #tpu.memory_space<vmem>>, vector<16xf32>,
          tpu.vector_store %arg22[%swap3A_785, %swap3A_786], %select_n3A_780 {strides = array<i32>} : memref<5x128xf32, #tpu.memory_space<vmem>>, vector<16xf32>,
          %select_n3A_788 = arith.select %gt3A_189, %get3A_739, %broadcast_in_dim3A_3 : vector<16xi1>, vector<16xi32>
          %mul3A_789 = arith.constant 16 : i32
          %mul3A_790 = arith.muli %scan3A_549, %mul3A_789 : i32
          %multiple_of3A_791 = tpu.assume_multiple %mul3A_790, 16 : i32
          %swap3A_792 = arith.constant 2 : i32
          %swap3A_793 = arith.index_cast %swap3A_792 : i32 to index
          %swap3A_794 = arith.index_cast %multiple_of3A_791 : i32 to index
          %swap3A_795 = tpu.vector_load %arg23[%swap3A_793, %swap3A_794] {strides = array<i32>} : memref<5x128xi32, #tpu.memory_space<vmem>>, vector<16xi32>,
          tpu.vector_store %arg23[%swap3A_793, %swap3A_794], %select_n3A_788 {strides = array<i32>} : memref<5x128xi32, #tpu.memory_space<vmem>>, vector<16xi32>,
          %select_n3A_796 = arith.select %gt3A_193, %get3A_723, %broadcast_in_dim3A_1 : vector<16xi1>, vector<16xf32>
          %mul3A_797 = arith.constant 16 : i32
          %mul3A_798 = arith.muli %scan3A_549, %mul3A_797 : i32
          %multiple_of3A_799 = tpu.assume_multiple %mul3A_798, 16 : i32
          %swap3A_800 = arith.constant 3 : i32
          %swap3A_801 = arith.index_cast %swap3A_800 : i32 to index
          %swap3A_802 = arith.index_cast %multiple_of3A_799 : i32 to index
          %swap3A_803 = tpu.vector_load %arg22[%swap3A_801, %swap3A_802] {strides = array<i32>} : memref<5x128xf32, #tpu.memory_space<vmem>>, vector<16xf32>,
          tpu.vector_store %arg22[%swap3A_801, %swap3A_802], %select_n3A_796 {strides = array<i32>} : memref<5x128xf32, #tpu.memory_space<vmem>>, vector<16xf32>,
          %select_n3A_804 = arith.select %gt3A_193, %get3A_743, %broadcast_in_dim3A_3 : vector<16xi1>, vector<16xi32>
          %mul3A_805 = arith.constant 16 : i32
          %mul3A_806 = arith.muli %scan3A_549, %mul3A_805 : i32
          %multiple_of3A_807 = tpu.assume_multiple %mul3A_806, 16 : i32
          %swap3A_808 = arith.constant 3 : i32
          %swap3A_809 = arith.index_cast %swap3A_808 : i32 to index
          %swap3A_810 = arith.index_cast %multiple_of3A_807 : i32 to index
          %swap3A_811 = tpu.vector_load %arg23[%swap3A_809, %swap3A_810] {strides = array<i32>} : memref<5x128xi32, #tpu.memory_space<vmem>>, vector<16xi32>,
          tpu.vector_store %arg23[%swap3A_809, %swap3A_810], %select_n3A_804 {strides = array<i32>} : memref<5x128xi32, #tpu.memory_space<vmem>>, vector<16xi32>,
          %select_n3A_812 = arith.select %gt3A_197, %get3A_727, %broadcast_in_dim3A_1 : vector<16xi1>, vector<16xf32>
          %mul3A_813 = arith.constant 16 : i32
          %mul3A_814 = arith.muli %scan3A_549, %mul3A_813 : i32
          %multiple_of3A_815 = tpu.assume_multiple %mul3A_814, 16 : i32
          %swap3A_816 = arith.constant 4 : i32
          %swap3A_817 = arith.index_cast %swap3A_816 : i32 to index
          %swap3A_818 = arith.index_cast %multiple_of3A_815 : i32 to index
          %swap3A_819 = tpu.vector_load %arg22[%swap3A_817, %swap3A_818] {strides = array<i32>} : memref<5x128xf32, #tpu.memory_space<vmem>>, vector<16xf32>,
          tpu.vector_store %arg22[%swap3A_817, %swap3A_818], %select_n3A_812 {strides = array<i32>} : memref<5x128xf32, #tpu.memory_space<vmem>>, vector<16xf32>,
          %select_n3A_820 = arith.select %gt3A_197, %get3A_747, %broadcast_in_dim3A_3 : vector<16xi1>, vector<16xi32>
          %mul3A_821 = arith.constant 16 : i32
          %mul3A_822 = arith.muli %scan3A_549, %mul3A_821 : i32
          %multiple_of3A_823 = tpu.assume_multiple %mul3A_822, 16 : i32
          %swap3A_824 = arith.constant 4 : i32
          %swap3A_825 = arith.index_cast %swap3A_824 : i32 to index
          %swap3A_826 = arith.index_cast %multiple_of3A_823 : i32 to index
          %swap3A_827 = tpu.vector_load %arg23[%swap3A_825, %swap3A_826] {strides = array<i32>} : memref<5x128xi32, #tpu.memory_space<vmem>>, vector<16xi32>,
          tpu.vector_store %arg23[%swap3A_825, %swap3A_826], %select_n3A_820 {strides = array<i32>} : memref<5x128xi32, #tpu.memory_space<vmem>>, vector<16xi32>,
          %select_n3A_828 = arith.select %gt3A_201, %get3A_711, %broadcast_in_dim3A_1 : vector<16xi1>, vector<16xf32>
          %mul3A_829 = arith.constant 16 : i32
          %mul3A_830 = arith.muli %scan3A_549, %mul3A_829 : i32
          %multiple_of3A_831 = tpu.assume_multiple %mul3A_830, 16 : i32
          %swap3A_832 = arith.constant 0 : i32
          %swap3A_833 = arith.index_cast %swap3A_832 : i32 to index
          %swap3A_834 = arith.index_cast %multiple_of3A_831 : i32 to index
          %swap3A_835 = tpu.vector_load %arg24[%swap3A_833, %swap3A_834] {strides = array<i32>} : memref<5x128xf32, #tpu.memory_space<vmem>>, vector<16xf32>,
          tpu.vector_store %arg24[%swap3A_833, %swap3A_834], %select_n3A_828 {strides = array<i32>} : memref<5x128xf32, #tpu.memory_space<vmem>>, vector<16xf32>,
          %select_n3A_836 = arith.select %gt3A_201, %get3A_731, %broadcast_in_dim3A_3 : vector<16xi1>, vector<16xi32>
          %mul3A_837 = arith.constant 16 : i32
          %mul3A_838 = arith.muli %scan3A_549, %mul3A_837 : i32
          %multiple_of3A_839 = tpu.assume_multiple %mul3A_838, 16 : i32
          %swap3A_840 = arith.constant 0 : i32
          %swap3A_841 = arith.index_cast %swap3A_840 : i32 to index
          %swap3A_842 = arith.index_cast %multiple_of3A_839 : i32 to index
          %swap3A_843 = tpu.vector_load %arg25[%swap3A_841, %swap3A_842] {strides = array<i32>} : memref<5x128xi32, #tpu.memory_space<vmem>>, vector<16xi32>,
          tpu.vector_store %arg25[%swap3A_841, %swap3A_842], %select_n3A_836 {strides = array<i32>} : memref<5x128xi32, #tpu.memory_space<vmem>>, vector<16xi32>,
          %select_n3A_844 = arith.select %gt3A_205, %get3A_715, %broadcast_in_dim3A_1 : vector<16xi1>, vector<16xf32>
          %mul3A_845 = arith.constant 16 : i32
          %mul3A_846 = arith.muli %scan3A_549, %mul3A_845 : i32
          %multiple_of3A_847 = tpu.assume_multiple %mul3A_846, 16 : i32
          %swap3A_848 = arith.constant 1 : i32
          %swap3A_849 = arith.index_cast %swap3A_848 : i32 to index
          %swap3A_850 = arith.index_cast %multiple_of3A_847 : i32 to index
          %swap3A_851 = tpu.vector_load %arg24[%swap3A_849, %swap3A_850] {strides = array<i32>} : memref<5x128xf32, #tpu.memory_space<vmem>>, vector<16xf32>,
          tpu.vector_store %arg24[%swap3A_849, %swap3A_850], %select_n3A_844 {strides = array<i32>} : memref<5x128xf32, #tpu.memory_space<vmem>>, vector<16xf32>,
          %select_n3A_852 = arith.select %gt3A_205, %get3A_735, %broadcast_in_dim3A_3 : vector<16xi1>, vector<16xi32>
          %mul3A_853 = arith.constant 16 : i32
          %mul3A_854 = arith.muli %scan3A_549, %mul3A_853 : i32
          %multiple_of3A_855 = tpu.assume_multiple %mul3A_854, 16 : i32
          %swap3A_856 = arith.constant 1 : i32
          %swap3A_857 = arith.index_cast %swap3A_856 : i32 to index
          %swap3A_858 = arith.index_cast %multiple_of3A_855 : i32 to index
          %swap3A_859 = tpu.vector_load %arg25[%swap3A_857, %swap3A_858] {strides = array<i32>} : memref<5x128xi32, #tpu.memory_space<vmem>>, vector<16xi32>,
          tpu.vector_store %arg25[%swap3A_857, %swap3A_858], %select_n3A_852 {strides = array<i32>} : memref<5x128xi32, #tpu.memory_space<vmem>>, vector<16xi32>,
          %select_n3A_860 = arith.select %gt3A_209, %get3A_719, %broadcast_in_dim3A_1 : vector<16xi1>, vector<16xf32>
          %mul3A_861 = arith.constant 16 : i32
          %mul3A_862 = arith.muli %scan3A_549, %mul3A_861 : i32
          %multiple_of3A_863 = tpu.assume_multiple %mul3A_862, 16 : i32
          %swap3A_864 = arith.constant 2 : i32
          %swap3A_865 = arith.index_cast %swap3A_864 : i32 to index
          %swap3A_866 = arith.index_cast %multiple_of3A_863 : i32 to index
          %swap3A_867 = tpu.vector_load %arg24[%swap3A_865, %swap3A_866] {strides = array<i32>} : memref<5x128xf32, #tpu.memory_space<vmem>>, vector<16xf32>,
          tpu.vector_store %arg24[%swap3A_865, %swap3A_866], %select_n3A_860 {strides = array<i32>} : memref<5x128xf32, #tpu.memory_space<vmem>>, vector<16xf32>,
          %select_n3A_868 = arith.select %gt3A_209, %get3A_739, %broadcast_in_dim3A_3 : vector<16xi1>, vector<16xi32>
          %mul3A_869 = arith.constant 16 : i32
          %mul3A_870 = arith.muli %scan3A_549, %mul3A_869 : i32
          %multiple_of3A_871 = tpu.assume_multiple %mul3A_870, 16 : i32
          %swap3A_872 = arith.constant 2 : i32
          %swap3A_873 = arith.index_cast %swap3A_872 : i32 to index
          %swap3A_874 = arith.index_cast %multiple_of3A_871 : i32 to index
          %swap3A_875 = tpu.vector_load %arg25[%swap3A_873, %swap3A_874] {strides = array<i32>} : memref<5x128xi32, #tpu.memory_space<vmem>>, vector<16xi32>,
          tpu.vector_store %arg25[%swap3A_873, %swap3A_874], %select_n3A_868 {strides = array<i32>} : memref<5x128xi32, #tpu.memory_space<vmem>>, vector<16xi32>,
          %select_n3A_876 = arith.select %gt3A_213, %get3A_723, %broadcast_in_dim3A_1 : vector<16xi1>, vector<16xf32>
          %mul3A_877 = arith.constant 16 : i32
          %mul3A_878 = arith.muli %scan3A_549, %mul3A_877 : i32
          %multiple_of3A_879 = tpu.assume_multiple %mul3A_878, 16 : i32
          %swap3A_880 = arith.constant 3 : i32
          %swap3A_881 = arith.index_cast %swap3A_880 : i32 to index
          %swap3A_882 = arith.index_cast %multiple_of3A_879 : i32 to index
          %swap3A_883 = tpu.vector_load %arg24[%swap3A_881, %swap3A_882] {strides = array<i32>} : memref<5x128xf32, #tpu.memory_space<vmem>>, vector<16xf32>,
          tpu.vector_store %arg24[%swap3A_881, %swap3A_882], %select_n3A_876 {strides = array<i32>} : memref<5x128xf32, #tpu.memory_space<vmem>>, vector<16xf32>,
          %select_n3A_884 = arith.select %gt3A_213, %get3A_743, %broadcast_in_dim3A_3 : vector<16xi1>, vector<16xi32>
          %mul3A_885 = arith.constant 16 : i32
          %mul3A_886 = arith.muli %scan3A_549, %mul3A_885 : i32
          %multiple_of3A_887 = tpu.assume_multiple %mul3A_886, 16 : i32
          %swap3A_888 = arith.constant 3 : i32
          %swap3A_889 = arith.index_cast %swap3A_888 : i32 to index
          %swap3A_890 = arith.index_cast %multiple_of3A_887 : i32 to index
          %swap3A_891 = tpu.vector_load %arg25[%swap3A_889, %swap3A_890] {strides = array<i32>} : memref<5x128xi32, #tpu.memory_space<vmem>>, vector<16xi32>,
          tpu.vector_store %arg25[%swap3A_889, %swap3A_890], %select_n3A_884 {strides = array<i32>} : memref<5x128xi32, #tpu.memory_space<vmem>>, vector<16xi32>,
          %select_n3A_892 = arith.select %gt3A_217, %get3A_727, %broadcast_in_dim3A_1 : vector<16xi1>, vector<16xf32>
          %mul3A_893 = arith.constant 16 : i32
          %mul3A_894 = arith.muli %scan3A_549, %mul3A_893 : i32
          %multiple_of3A_895 = tpu.assume_multiple %mul3A_894, 16 : i32
          %swap3A_896 = arith.constant 4 : i32
          %swap3A_897 = arith.index_cast %swap3A_896 : i32 to index
          %swap3A_898 = arith.index_cast %multiple_of3A_895 : i32 to index
          %swap3A_899 = tpu.vector_load %arg24[%swap3A_897, %swap3A_898] {strides = array<i32>} : memref<5x128xf32, #tpu.memory_space<vmem>>, vector<16xf32>,
          tpu.vector_store %arg24[%swap3A_897, %swap3A_898], %select_n3A_892 {strides = array<i32>} : memref<5x128xf32, #tpu.memory_space<vmem>>, vector<16xf32>,
          %select_n3A_900 = arith.select %gt3A_217, %get3A_747, %broadcast_in_dim3A_3 : vector<16xi1>, vector<16xi32>
          %mul3A_901 = arith.constant 16 : i32
          %mul3A_902 = arith.muli %scan3A_549, %mul3A_901 : i32
          %multiple_of3A_903 = tpu.assume_multiple %mul3A_902, 16 : i32
          %swap3A_904 = arith.constant 4 : i32
          %swap3A_905 = arith.index_cast %swap3A_904 : i32 to index
          %swap3A_906 = arith.index_cast %multiple_of3A_903 : i32 to index
          %swap3A_907 = tpu.vector_load %arg25[%swap3A_905, %swap3A_906] {strides = array<i32>} : memref<5x128xi32, #tpu.memory_space<vmem>>, vector<16xi32>,
          tpu.vector_store %arg25[%swap3A_905, %swap3A_906], %select_n3A_900 {strides = array<i32>} : memref<5x128xi32, #tpu.memory_space<vmem>>, vector<16xi32>,
          %select_n3A_908 = arith.select %gt3A_221, %get3A_711, %broadcast_in_dim3A_1 : vector<16xi1>, vector<16xf32>
          %mul3A_909 = arith.constant 16 : i32
          %mul3A_910 = arith.muli %scan3A_549, %mul3A_909 : i32
          %multiple_of3A_911 = tpu.assume_multiple %mul3A_910, 16 : i32
          %swap3A_912 = arith.constant 0 : i32
          %swap3A_913 = arith.index_cast %swap3A_912 : i32 to index
          %swap3A_914 = arith.index_cast %multiple_of3A_911 : i32 to index
          %swap3A_915 = tpu.vector_load %arg26[%swap3A_913, %swap3A_914] {strides = array<i32>} : memref<5x128xf32, #tpu.memory_space<vmem>>, vector<16xf32>,
          tpu.vector_store %arg26[%swap3A_913, %swap3A_914], %select_n3A_908 {strides = array<i32>} : memref<5x128xf32, #tpu.memory_space<vmem>>, vector<16xf32>,
          %select_n3A_916 = arith.select %gt3A_221, %get3A_731, %broadcast_in_dim3A_3 : vector<16xi1>, vector<16xi32>
          %mul3A_917 = arith.constant 16 : i32
          %mul3A_918 = arith.muli %scan3A_549, %mul3A_917 : i32
          %multiple_of3A_919 = tpu.assume_multiple %mul3A_918, 16 : i32
          %swap3A_920 = arith.constant 0 : i32
          %swap3A_921 = arith.index_cast %swap3A_920 : i32 to index
          %swap3A_922 = arith.index_cast %multiple_of3A_919 : i32 to index
          %swap3A_923 = tpu.vector_load %arg27[%swap3A_921, %swap3A_922] {strides = array<i32>} : memref<5x128xi32, #tpu.memory_space<vmem>>, vector<16xi32>,
          tpu.vector_store %arg27[%swap3A_921, %swap3A_922], %select_n3A_916 {strides = array<i32>} : memref<5x128xi32, #tpu.memory_space<vmem>>, vector<16xi32>,
          %select_n3A_924 = arith.select %gt3A_225, %get3A_715, %broadcast_in_dim3A_1 : vector<16xi1>, vector<16xf32>
          %mul3A_925 = arith.constant 16 : i32
          %mul3A_926 = arith.muli %scan3A_549, %mul3A_925 : i32
          %multiple_of3A_927 = tpu.assume_multiple %mul3A_926, 16 : i32
          %swap3A_928 = arith.constant 1 : i32
          %swap3A_929 = arith.index_cast %swap3A_928 : i32 to index
          %swap3A_930 = arith.index_cast %multiple_of3A_927 : i32 to index
          %swap3A_931 = tpu.vector_load %arg26[%swap3A_929, %swap3A_930] {strides = array<i32>} : memref<5x128xf32, #tpu.memory_space<vmem>>, vector<16xf32>,
          tpu.vector_store %arg26[%swap3A_929, %swap3A_930], %select_n3A_924 {strides = array<i32>} : memref<5x128xf32, #tpu.memory_space<vmem>>, vector<16xf32>,
          %select_n3A_932 = arith.select %gt3A_225, %get3A_735, %broadcast_in_dim3A_3 : vector<16xi1>, vector<16xi32>
          %mul3A_933 = arith.constant 16 : i32
          %mul3A_934 = arith.muli %scan3A_549, %mul3A_933 : i32
          %multiple_of3A_935 = tpu.assume_multiple %mul3A_934, 16 : i32
          %swap3A_936 = arith.constant 1 : i32
          %swap3A_937 = arith.index_cast %swap3A_936 : i32 to index
          %swap3A_938 = arith.index_cast %multiple_of3A_935 : i32 to index
          %swap3A_939 = tpu.vector_load %arg27[%swap3A_937, %swap3A_938] {strides = array<i32>} : memref<5x128xi32, #tpu.memory_space<vmem>>, vector<16xi32>,
          tpu.vector_store %arg27[%swap3A_937, %swap3A_938], %select_n3A_932 {strides = array<i32>} : memref<5x128xi32, #tpu.memory_space<vmem>>, vector<16xi32>,
          %select_n3A_940 = arith.select %gt3A_229, %get3A_719, %broadcast_in_dim3A_1 : vector<16xi1>, vector<16xf32>
          %mul3A_941 = arith.constant 16 : i32
          %mul3A_942 = arith.muli %scan3A_549, %mul3A_941 : i32
          %multiple_of3A_943 = tpu.assume_multiple %mul3A_942, 16 : i32
          %swap3A_944 = arith.constant 2 : i32
          %swap3A_945 = arith.index_cast %swap3A_944 : i32 to index
          %swap3A_946 = arith.index_cast %multiple_of3A_943 : i32 to index
          %swap3A_947 = tpu.vector_load %arg26[%swap3A_945, %swap3A_946] {strides = array<i32>} : memref<5x128xf32, #tpu.memory_space<vmem>>, vector<16xf32>,
          tpu.vector_store %arg26[%swap3A_945, %swap3A_946], %select_n3A_940 {strides = array<i32>} : memref<5x128xf32, #tpu.memory_space<vmem>>, vector<16xf32>,
          %select_n3A_948 = arith.select %gt3A_229, %get3A_739, %broadcast_in_dim3A_3 : vector<16xi1>, vector<16xi32>
          %mul3A_949 = arith.constant 16 : i32
          %mul3A_950 = arith.muli %scan3A_549, %mul3A_949 : i32
          %multiple_of3A_951 = tpu.assume_multiple %mul3A_950, 16 : i32
          %swap3A_952 = arith.constant 2 : i32
          %swap3A_953 = arith.index_cast %swap3A_952 : i32 to index
          %swap3A_954 = arith.index_cast %multiple_of3A_951 : i32 to index
          %swap3A_955 = tpu.vector_load %arg27[%swap3A_953, %swap3A_954] {strides = array<i32>} : memref<5x128xi32, #tpu.memory_space<vmem>>, vector<16xi32>,
          tpu.vector_store %arg27[%swap3A_953, %swap3A_954], %select_n3A_948 {strides = array<i32>} : memref<5x128xi32, #tpu.memory_space<vmem>>, vector<16xi32>,
          %select_n3A_956 = arith.select %gt3A_233, %get3A_723, %broadcast_in_dim3A_1 : vector<16xi1>, vector<16xf32>
          %mul3A_957 = arith.constant 16 : i32
          %mul3A_958 = arith.muli %scan3A_549, %mul3A_957 : i32
          %multiple_of3A_959 = tpu.assume_multiple %mul3A_958, 16 : i32
          %swap3A_960 = arith.constant 3 : i32
          %swap3A_961 = arith.index_cast %swap3A_960 : i32 to index
          %swap3A_962 = arith.index_cast %multiple_of3A_959 : i32 to index
          %swap3A_963 = tpu.vector_load %arg26[%swap3A_961, %swap3A_962] {strides = array<i32>} : memref<5x128xf32, #tpu.memory_space<vmem>>, vector<16xf32>,
          tpu.vector_store %arg26[%swap3A_961, %swap3A_962], %select_n3A_956 {strides = array<i32>} : memref<5x128xf32, #tpu.memory_space<vmem>>, vector<16xf32>,
          %select_n3A_964 = arith.select %gt3A_233, %get3A_743, %broadcast_in_dim3A_3 : vector<16xi1>, vector<16xi32>
          %mul3A_965 = arith.constant 16 : i32
          %mul3A_966 = arith.muli %scan3A_549, %mul3A_965 : i32
          %multiple_of3A_967 = tpu.assume_multiple %mul3A_966, 16 : i32
          %swap3A_968 = arith.constant 3 : i32
          %swap3A_969 = arith.index_cast %swap3A_968 : i32 to index
          %swap3A_970 = arith.index_cast %multiple_of3A_967 : i32 to index
          %swap3A_971 = tpu.vector_load %arg27[%swap3A_969, %swap3A_970] {strides = array<i32>} : memref<5x128xi32, #tpu.memory_space<vmem>>, vector<16xi32>,
          tpu.vector_store %arg27[%swap3A_969, %swap3A_970], %select_n3A_964 {strides = array<i32>} : memref<5x128xi32, #tpu.memory_space<vmem>>, vector<16xi32>,
          %select_n3A_972 = arith.select %gt3A_237, %get3A_727, %broadcast_in_dim3A_1 : vector<16xi1>, vector<16xf32>
          %mul3A_973 = arith.constant 16 : i32
          %mul3A_974 = arith.muli %scan3A_549, %mul3A_973 : i32
          %multiple_of3A_975 = tpu.assume_multiple %mul3A_974, 16 : i32
          %swap3A_976 = arith.constant 4 : i32
          %swap3A_977 = arith.index_cast %swap3A_976 : i32 to index
          %swap3A_978 = arith.index_cast %multiple_of3A_975 : i32 to index
          %swap3A_979 = tpu.vector_load %arg26[%swap3A_977, %swap3A_978] {strides = array<i32>} : memref<5x128xf32, #tpu.memory_space<vmem>>, vector<16xf32>,
          tpu.vector_store %arg26[%swap3A_977, %swap3A_978], %select_n3A_972 {strides = array<i32>} : memref<5x128xf32, #tpu.memory_space<vmem>>, vector<16xf32>,
          %select_n3A_980 = arith.select %gt3A_237, %get3A_747, %broadcast_in_dim3A_3 : vector<16xi1>, vector<16xi32>
          %mul3A_981 = arith.constant 16 : i32
          %mul3A_982 = arith.muli %scan3A_549, %mul3A_981 : i32
          %multiple_of3A_983 = tpu.assume_multiple %mul3A_982, 16 : i32
          %swap3A_984 = arith.constant 4 : i32
          %swap3A_985 = arith.index_cast %swap3A_984 : i32 to index
          %swap3A_986 = arith.index_cast %multiple_of3A_983 : i32 to index
          %swap3A_987 = tpu.vector_load %arg27[%swap3A_985, %swap3A_986] {strides = array<i32>} : memref<5x128xi32, #tpu.memory_space<vmem>>, vector<16xi32>,
          tpu.vector_store %arg27[%swap3A_985, %swap3A_986], %select_n3A_980 {strides = array<i32>} : memref<5x128xi32, #tpu.memory_space<vmem>>, vector<16xi32>,
        } else {
        }
        %scan3A_707 = arith.constant 0 : i32
        scf.yield %scan3A_707 : i32
      }
      %scan3A_542 = arith.constant 8 : i32
      %eq3A_543 = arith.constant 3 : i32
      %eq3A_544 = arith.cmpi eq, %select_n3A_531, %eq3A_543 : i32
      %convert_element_type3A_545 = arith.extui %eq3A_544 : i1 to i32
      %cond3A_546 = arith.constant 0 : i32
      %cond3A_547 = arith.cmpi ne, %convert_element_type3A_545, %cond3A_546 : i32
      scf.if %cond3A_547 {
        "tpu.region"() ({
          %run_scoped3A = tpu.sem_alloc : memref<!tpu.dma_semaphore, #tpu.memory_space<semaphore_mem>>
          %dma_start3A_549 = arith.constant 0 : i32
          %dma_start3A_550 = tpu.memref_slice %arg7[%select_n3A_257, %dma_start3A_549, %mul3A_534] : memref<16x5x4096xf32, #tpu.memory_space<hbm>> -> memref<1x5x128xf32, #tpu.memory_space<hbm>>
          %dma_start3A_551 = tpu.memref_squeeze %dma_start3A_550 : memref<1x5x128xf32, #tpu.memory_space<hbm>> -> memref<5x128xf32, #tpu.memory_space<hbm>>
          %dma_start3A_552 = arith.constant 0 : i32
          %dma_start3A_553 = tpu.memref_slice %arg7[%select_n3A_257, %dma_start3A_552, %mul3A_534] : memref<16x5x4096xf32, #tpu.memory_space<hbm>> -> memref<1x5x128xf32, #tpu.memory_space<hbm>>
          %dma_start3A_554 = tpu.memref_squeeze %dma_start3A_553 : memref<1x5x128xf32, #tpu.memory_space<hbm>> -> memref<5x128xf32, #tpu.memory_space<hbm>>
          tpu.enqueue_dma source(%arg22 : memref<5x128xf32, #tpu.memory_space<vmem>>) target(%dma_start3A_554 : memref<5x128xf32, #tpu.memory_space<hbm>>) target_semaphore(%run_scoped3A : memref<!tpu.dma_semaphore, #tpu.memory_space<semaphore_mem>>)
          %dma_wait3A_555 = arith.constant 0 : i32
          %dma_wait3A_556 = tpu.memref_slice %arg7[%select_n3A_257, %dma_wait3A_555, %mul3A_534] : memref<16x5x4096xf32, #tpu.memory_space<hbm>> -> memref<1x5x128xf32, #tpu.memory_space<hbm>>
          %dma_wait3A_557 = tpu.memref_squeeze %dma_wait3A_556 : memref<1x5x128xf32, #tpu.memory_space<hbm>> -> memref<5x128xf32, #tpu.memory_space<hbm>>
          %dma_wait3A_558 = arith.constant 0 : i32
          %dma_wait3A_559 = tpu.memref_slice %arg7[%select_n3A_257, %dma_wait3A_558, %mul3A_534] : memref<16x5x4096xf32, #tpu.memory_space<hbm>> -> memref<1x5x128xf32, #tpu.memory_space<hbm>>
          %dma_wait3A_560 = tpu.memref_squeeze %dma_wait3A_559 : memref<1x5x128xf32, #tpu.memory_space<hbm>> -> memref<5x128xf32, #tpu.memory_space<hbm>>
          tpu.wait_dma2 semaphore(%run_scoped3A : memref<!tpu.dma_semaphore, #tpu.memory_space<semaphore_mem>>) src(%arg22 : memref<5x128xf32, #tpu.memory_space<vmem>>) dst(%dma_wait3A_560 : memref<5x128xf32, #tpu.memory_space<hbm>>)
          tpu.yield
        }) : () -> ()
        "tpu.region"() ({
          %run_scoped3A = tpu.sem_alloc : memref<!tpu.dma_semaphore, #tpu.memory_space<semaphore_mem>>
          %dma_start3A_549 = arith.constant 0 : i32
          %dma_start3A_550 = tpu.memref_slice %arg8[%select_n3A_257, %dma_start3A_549, %mul3A_534] : memref<16x5x4096xi32, #tpu.memory_space<hbm>> -> memref<1x5x128xi32, #tpu.memory_space<hbm>>
          %dma_start3A_551 = tpu.memref_squeeze %dma_start3A_550 : memref<1x5x128xi32, #tpu.memory_space<hbm>> -> memref<5x128xi32, #tpu.memory_space<hbm>>
          %dma_start3A_552 = arith.constant 0 : i32
          %dma_start3A_553 = tpu.memref_slice %arg8[%select_n3A_257, %dma_start3A_552, %mul3A_534] : memref<16x5x4096xi32, #tpu.memory_space<hbm>> -> memref<1x5x128xi32, #tpu.memory_space<hbm>>
          %dma_start3A_554 = tpu.memref_squeeze %dma_start3A_553 : memref<1x5x128xi32, #tpu.memory_space<hbm>> -> memref<5x128xi32, #tpu.memory_space<hbm>>
          tpu.enqueue_dma source(%arg23 : memref<5x128xi32, #tpu.memory_space<vmem>>) target(%dma_start3A_554 : memref<5x128xi32, #tpu.memory_space<hbm>>) target_semaphore(%run_scoped3A : memref<!tpu.dma_semaphore, #tpu.memory_space<semaphore_mem>>)
          %dma_wait3A_555 = arith.constant 0 : i32
          %dma_wait3A_556 = tpu.memref_slice %arg8[%select_n3A_257, %dma_wait3A_555, %mul3A_534] : memref<16x5x4096xi32, #tpu.memory_space<hbm>> -> memref<1x5x128xi32, #tpu.memory_space<hbm>>
          %dma_wait3A_557 = tpu.memref_squeeze %dma_wait3A_556 : memref<1x5x128xi32, #tpu.memory_space<hbm>> -> memref<5x128xi32, #tpu.memory_space<hbm>>
          %dma_wait3A_558 = arith.constant 0 : i32
          %dma_wait3A_559 = tpu.memref_slice %arg8[%select_n3A_257, %dma_wait3A_558, %mul3A_534] : memref<16x5x4096xi32, #tpu.memory_space<hbm>> -> memref<1x5x128xi32, #tpu.memory_space<hbm>>
          %dma_wait3A_560 = tpu.memref_squeeze %dma_wait3A_559 : memref<1x5x128xi32, #tpu.memory_space<hbm>> -> memref<5x128xi32, #tpu.memory_space<hbm>>
          tpu.wait_dma2 semaphore(%run_scoped3A : memref<!tpu.dma_semaphore, #tpu.memory_space<semaphore_mem>>) src(%arg23 : memref<5x128xi32, #tpu.memory_space<vmem>>) dst(%dma_wait3A_560 : memref<5x128xi32, #tpu.memory_space<hbm>>)
          tpu.yield
        }) : () -> ()
        "tpu.region"() ({
          %run_scoped3A = tpu.sem_alloc : memref<!tpu.dma_semaphore, #tpu.memory_space<semaphore_mem>>
          %dma_start3A_549 = arith.constant 0 : i32
          %dma_start3A_550 = tpu.memref_slice %arg9[%select_n3A_257, %dma_start3A_549, %mul3A_534] : memref<16x5x4096xf32, #tpu.memory_space<hbm>> -> memref<1x5x128xf32, #tpu.memory_space<hbm>>
          %dma_start3A_551 = tpu.memref_squeeze %dma_start3A_550 : memref<1x5x128xf32, #tpu.memory_space<hbm>> -> memref<5x128xf32, #tpu.memory_space<hbm>>
          %dma_start3A_552 = arith.constant 0 : i32
          %dma_start3A_553 = tpu.memref_slice %arg9[%select_n3A_257, %dma_start3A_552, %mul3A_534] : memref<16x5x4096xf32, #tpu.memory_space<hbm>> -> memref<1x5x128xf32, #tpu.memory_space<hbm>>
          %dma_start3A_554 = tpu.memref_squeeze %dma_start3A_553 : memref<1x5x128xf32, #tpu.memory_space<hbm>> -> memref<5x128xf32, #tpu.memory_space<hbm>>
          tpu.enqueue_dma source(%arg24 : memref<5x128xf32, #tpu.memory_space<vmem>>) target(%dma_start3A_554 : memref<5x128xf32, #tpu.memory_space<hbm>>) target_semaphore(%run_scoped3A : memref<!tpu.dma_semaphore, #tpu.memory_space<semaphore_mem>>)
          %dma_wait3A_555 = arith.constant 0 : i32
          %dma_wait3A_556 = tpu.memref_slice %arg9[%select_n3A_257, %dma_wait3A_555, %mul3A_534] : memref<16x5x4096xf32, #tpu.memory_space<hbm>> -> memref<1x5x128xf32, #tpu.memory_space<hbm>>
          %dma_wait3A_557 = tpu.memref_squeeze %dma_wait3A_556 : memref<1x5x128xf32, #tpu.memory_space<hbm>> -> memref<5x128xf32, #tpu.memory_space<hbm>>
          %dma_wait3A_558 = arith.constant 0 : i32
          %dma_wait3A_559 = tpu.memref_slice %arg9[%select_n3A_257, %dma_wait3A_558, %mul3A_534] : memref<16x5x4096xf32, #tpu.memory_space<hbm>> -> memref<1x5x128xf32, #tpu.memory_space<hbm>>
          %dma_wait3A_560 = tpu.memref_squeeze %dma_wait3A_559 : memref<1x5x128xf32, #tpu.memory_space<hbm>> -> memref<5x128xf32, #tpu.memory_space<hbm>>
          tpu.wait_dma2 semaphore(%run_scoped3A : memref<!tpu.dma_semaphore, #tpu.memory_space<semaphore_mem>>) src(%arg24 : memref<5x128xf32, #tpu.memory_space<vmem>>) dst(%dma_wait3A_560 : memref<5x128xf32, #tpu.memory_space<hbm>>)
          tpu.yield
        }) : () -> ()
        "tpu.region"() ({
          %run_scoped3A = tpu.sem_alloc : memref<!tpu.dma_semaphore, #tpu.memory_space<semaphore_mem>>
          %dma_start3A_549 = arith.constant 0 : i32
          %dma_start3A_550 = tpu.memref_slice %arg10[%select_n3A_257, %dma_start3A_549, %mul3A_534] : memref<16x5x4096xi32, #tpu.memory_space<hbm>> -> memref<1x5x128xi32, #tpu.memory_space<hbm>>
          %dma_start3A_551 = tpu.memref_squeeze %dma_start3A_550 : memref<1x5x128xi32, #tpu.memory_space<hbm>> -> memref<5x128xi32, #tpu.memory_space<hbm>>
          %dma_start3A_552 = arith.constant 0 : i32
          %dma_start3A_553 = tpu.memref_slice %arg10[%select_n3A_257, %dma_start3A_552, %mul3A_534] : memref<16x5x4096xi32, #tpu.memory_space<hbm>> -> memref<1x5x128xi32, #tpu.memory_space<hbm>>
          %dma_start3A_554 = tpu.memref_squeeze %dma_start3A_553 : memref<1x5x128xi32, #tpu.memory_space<hbm>> -> memref<5x128xi32, #tpu.memory_space<hbm>>
          tpu.enqueue_dma source(%arg25 : memref<5x128xi32, #tpu.memory_space<vmem>>) target(%dma_start3A_554 : memref<5x128xi32, #tpu.memory_space<hbm>>) target_semaphore(%run_scoped3A : memref<!tpu.dma_semaphore, #tpu.memory_space<semaphore_mem>>)
          %dma_wait3A_555 = arith.constant 0 : i32
          %dma_wait3A_556 = tpu.memref_slice %arg10[%select_n3A_257, %dma_wait3A_555, %mul3A_534] : memref<16x5x4096xi32, #tpu.memory_space<hbm>> -> memref<1x5x128xi32, #tpu.memory_space<hbm>>
          %dma_wait3A_557 = tpu.memref_squeeze %dma_wait3A_556 : memref<1x5x128xi32, #tpu.memory_space<hbm>> -> memref<5x128xi32, #tpu.memory_space<hbm>>
          %dma_wait3A_558 = arith.constant 0 : i32
          %dma_wait3A_559 = tpu.memref_slice %arg10[%select_n3A_257, %dma_wait3A_558, %mul3A_534] : memref<16x5x4096xi32, #tpu.memory_space<hbm>> -> memref<1x5x128xi32, #tpu.memory_space<hbm>>
          %dma_wait3A_560 = tpu.memref_squeeze %dma_wait3A_559 : memref<1x5x128xi32, #tpu.memory_space<hbm>> -> memref<5x128xi32, #tpu.memory_space<hbm>>
          tpu.wait_dma2 semaphore(%run_scoped3A : memref<!tpu.dma_semaphore, #tpu.memory_space<semaphore_mem>>) src(%arg25 : memref<5x128xi32, #tpu.memory_space<vmem>>) dst(%dma_wait3A_560 : memref<5x128xi32, #tpu.memory_space<hbm>>)
          tpu.yield
        }) : () -> ()
        "tpu.region"() ({
          %run_scoped3A = tpu.sem_alloc : memref<!tpu.dma_semaphore, #tpu.memory_space<semaphore_mem>>
          %dma_start3A_549 = arith.constant 0 : i32
          %dma_start3A_550 = tpu.memref_slice %arg11[%select_n3A_257, %dma_start3A_549, %mul3A_534] : memref<16x5x4096xf32, #tpu.memory_space<hbm>> -> memref<1x5x128xf32, #tpu.memory_space<hbm>>
          %dma_start3A_551 = tpu.memref_squeeze %dma_start3A_550 : memref<1x5x128xf32, #tpu.memory_space<hbm>> -> memref<5x128xf32, #tpu.memory_space<hbm>>
          %dma_start3A_552 = arith.constant 0 : i32
          %dma_start3A_553 = tpu.memref_slice %arg11[%select_n3A_257, %dma_start3A_552, %mul3A_534] : memref<16x5x4096xf32, #tpu.memory_space<hbm>> -> memref<1x5x128xf32, #tpu.memory_space<hbm>>
          %dma_start3A_554 = tpu.memref_squeeze %dma_start3A_553 : memref<1x5x128xf32, #tpu.memory_space<hbm>> -> memref<5x128xf32, #tpu.memory_space<hbm>>
          tpu.enqueue_dma source(%arg26 : memref<5x128xf32, #tpu.memory_space<vmem>>) target(%dma_start3A_554 : memref<5x128xf32, #tpu.memory_space<hbm>>) target_semaphore(%run_scoped3A : memref<!tpu.dma_semaphore, #tpu.memory_space<semaphore_mem>>)
          %dma_wait3A_555 = arith.constant 0 : i32
          %dma_wait3A_556 = tpu.memref_slice %arg11[%select_n3A_257, %dma_wait3A_555, %mul3A_534] : memref<16x5x4096xf32, #tpu.memory_space<hbm>> -> memref<1x5x128xf32, #tpu.memory_space<hbm>>
          %dma_wait3A_557 = tpu.memref_squeeze %dma_wait3A_556 : memref<1x5x128xf32, #tpu.memory_space<hbm>> -> memref<5x128xf32, #tpu.memory_space<hbm>>
          %dma_wait3A_558 = arith.constant 0 : i32
          %dma_wait3A_559 = tpu.memref_slice %arg11[%select_n3A_257, %dma_wait3A_558, %mul3A_534] : memref<16x5x4096xf32, #tpu.memory_space<hbm>> -> memref<1x5x128xf32, #tpu.memory_space<hbm>>
          %dma_wait3A_560 = tpu.memref_squeeze %dma_wait3A_559 : memref<1x5x128xf32, #tpu.memory_space<hbm>> -> memref<5x128xf32, #tpu.memory_space<hbm>>
          tpu.wait_dma2 semaphore(%run_scoped3A : memref<!tpu.dma_semaphore, #tpu.memory_space<semaphore_mem>>) src(%arg26 : memref<5x128xf32, #tpu.memory_space<vmem>>) dst(%dma_wait3A_560 : memref<5x128xf32, #tpu.memory_space<hbm>>)
          tpu.yield
        }) : () -> ()
        "tpu.region"() ({
          %run_scoped3A = tpu.sem_alloc : memref<!tpu.dma_semaphore, #tpu.memory_space<semaphore_mem>>
          %dma_start3A_549 = arith.constant 0 : i32
          %dma_start3A_550 = tpu.memref_slice %arg12[%select_n3A_257, %dma_start3A_549, %mul3A_534] : memref<16x5x4096xi32, #tpu.memory_space<hbm>> -> memref<1x5x128xi32, #tpu.memory_space<hbm>>
          %dma_start3A_551 = tpu.memref_squeeze %dma_start3A_550 : memref<1x5x128xi32, #tpu.memory_space<hbm>> -> memref<5x128xi32, #tpu.memory_space<hbm>>
          %dma_start3A_552 = arith.constant 0 : i32
          %dma_start3A_553 = tpu.memref_slice %arg12[%select_n3A_257, %dma_start3A_552, %mul3A_534] : memref<16x5x4096xi32, #tpu.memory_space<hbm>> -> memref<1x5x128xi32, #tpu.memory_space<hbm>>
          %dma_start3A_554 = tpu.memref_squeeze %dma_start3A_553 : memref<1x5x128xi32, #tpu.memory_space<hbm>> -> memref<5x128xi32, #tpu.memory_space<hbm>>
          tpu.enqueue_dma source(%arg27 : memref<5x128xi32, #tpu.memory_space<vmem>>) target(%dma_start3A_554 : memref<5x128xi32, #tpu.memory_space<hbm>>) target_semaphore(%run_scoped3A : memref<!tpu.dma_semaphore, #tpu.memory_space<semaphore_mem>>)
          %dma_wait3A_555 = arith.constant 0 : i32
          %dma_wait3A_556 = tpu.memref_slice %arg12[%select_n3A_257, %dma_wait3A_555, %mul3A_534] : memref<16x5x4096xi32, #tpu.memory_space<hbm>> -> memref<1x5x128xi32, #tpu.memory_space<hbm>>
          %dma_wait3A_557 = tpu.memref_squeeze %dma_wait3A_556 : memref<1x5x128xi32, #tpu.memory_space<hbm>> -> memref<5x128xi32, #tpu.memory_space<hbm>>
          %dma_wait3A_558 = arith.constant 0 : i32
          %dma_wait3A_559 = tpu.memref_slice %arg12[%select_n3A_257, %dma_wait3A_558, %mul3A_534] : memref<16x5x4096xi32, #tpu.memory_space<hbm>> -> memref<1x5x128xi32, #tpu.memory_space<hbm>>
          %dma_wait3A_560 = tpu.memref_squeeze %dma_wait3A_559 : memref<1x5x128xi32, #tpu.memory_space<hbm>> -> memref<5x128xi32, #tpu.memory_space<hbm>>
          tpu.wait_dma2 semaphore(%run_scoped3A : memref<!tpu.dma_semaphore, #tpu.memory_space<semaphore_mem>>) src(%arg27 : memref<5x128xi32, #tpu.memory_space<vmem>>) dst(%dma_wait3A_560 : memref<5x128xi32, #tpu.memory_space<hbm>>)
          tpu.yield
        }) : () -> ()
      } else {
      }
      %scan3A_548 = arith.constant 0 : i32
      scf.yield %scan3A_548 : i32
    }
    %scan3A_298 = arith.constant 32 : i32
    return
  }
}

</mosaic_0001>

<sc_bundles>
// kernel: _run.3.cloned.1.call-start
scs
__scs_entry_jumppad:
0x0: {  	(pc) =	sbr.rel $0x88, $3  }
0x1: {  	(tag) =	ssettag $0x0;
	lr =	simm.s32 $0x1  }
0x2: {  	[smem:$0x3F9D] =	sst lr;
	_ =	strace $0xD0000000  }
0x3: {  	_ = 	snop  }
0x4: {  	_ = 	snop  }
0x5: {  	_ = 	snop  }
0x6: {  	_ = 	snop  }
0x7: {  	_ = 	snop  }
__scs_overlays_trampoline_lowered:
0x8: {  	[smem:$0x3FAC] =	sst s0  }
0x9: {  	[smem:$0x3FAD] =	sst s1  }
0xa: {  	[smem:$0x3FAE] =	sst s2  }
0xb: {  	[smem:$0x3FAF] =	sst s3  }
0xc: {  	[smem:$0x3FB0] =	sst s4  }
0xd: {  	[smem:$0x3FB1] =	sst s5  }
0xe: {  	[smem:$0x3FB2] =	sst s6  }
0xf: {  	[smem:$0x3FB3] =	sst s7  }
0x10: {  	[smem:$0x3FB4] =	sst s8  }
0x11: {  	[smem:$0x3FB5] =	sst s9;
	s0 =	simm.s32 @!p0 $0x0  }
0x12: {  	s1 =	sld [smem:$0x3F9B];
	s0 =	simm.s32 @p0 $0x1  }
0x13: {  	[smem:$0x3FB6] =	sst s0;
	s0 =	simm.s32 @!p1 $0x0  }
0x14: {  	s2 =	sld [smem:$0x3F9A];
	s0 =	simm.s32 @p1 $0x1  }
0x15: {  	[smem:$0x3FB7] =	sst s0;
	s0 =	simm.s32 @!p2 $0x0  }
0x16: {  	s3 =	sld [smem:$0x3FDB];
	s0 =	simm.s32 @p2 $0x1  }
0x17: {  	s4 =	simm.s32 $0x1BF5;
	[smem:$0x3FB9] =	sst s0  }
0x18: {  	s0 =	sld [smem:$0x3F9C];
	_ =	swait.ge [sflag:s4], $0x0  }
0x19: {  	s7 =	sld [smem:$0x3F9D]  }
0x1a: {  	s8 =	sadd.s32 $0xFFFFE003, lr  }
0x1b: {  	s9 =	sadd.s32 $0xFFFFFEF7, lr;
	s5 =	simm.s32 $0xFFFFFFFF;
	p2 =	slt.u32 s8, $0xFFFFF086  }
0x1c: {  	p1 =	slt.u32 s9, $0xF7A;
	s5 =	simm.s32 @!p2 $0x0  }
0x1d: {  	s5 =	simm.s32 @p1 $0x1;
	p0 =	seq.s32 s7, s2  }
0x1e: {  	s7 =	smul.u32 @!p0 $0xF7A, s2;
	p2 =	seq.s32 @!p0 s5, $0x0  }
0x1f: {  	s9 =	smul.u32 $0xF7A, s1;
	s8 =	simm.s32 @!p0 $0x1BF5;
	p2 =	por !p2, p0  }
0x20: {  	[sflag:s8] =	ssyncset.s32 @!p0 $0xFFFFF086;
	s6 =	sadd.s32 @!p0 s3, s7;
	s7 =	simm.s32 @!p0 $0x108  }
0x21: {  	s3 =	sadd.s32 s3, s9;
	s6 =	sadd.s32 @!p0 $0x88, s6;
	s7 =	simm.s32 @p2 $0x1082  }
0x22: {  	[simem:s7], [sflag:s8] =	dma.local @!p0 [hbm:s6], $0xF7A  }
0x23: {  	s9 =	sor.u32 $0xD0000000, s2;
	s6 =	simm.s32 $0x108;
	_ =	swait.ge @!p0 [sflag:s8], $0x0  }
0x24: {  	s3 =	sadd.s32 $0x88, s3;
	s6 =	simm.s32 @!p1 $0x1082;
	[sflag:s4] =	ssyncset.s32 $0xFFFFF086  }
0x25: {  	[simem:s6], [sflag:s4] =	dma.local [hbm:s3], $0xF7A  }
0x26: {  	[smem:$0x3F9D] =	sst s1;
	(tag) =	ssettag s2;
	_ =	strace s9  }
0x27: {  	s1 =	sld [smem:$0x3FAD]  }
0x28: {  	s2 =	sld [smem:$0x3FAE]  }
0x29: {  	s4 =	sld [smem:$0x3FB0]  }
0x2a: {  	p0 =	seq.s32 s5, $0x0;
	s5 =	sld [smem:$0x3FB1]  }
0x2b: {  	s6 =	sld [smem:$0x3FB2]  }
0x2c: {  	s7 =	sld [smem:$0x3FB3]  }
0x2d: {  	s3 =	simm.s32 $0x108;
	s8 =	sld [smem:$0x3FB4]  }
0x2e: {  	s3 =	simm.s32 @!p0 $0x1082;
	s9 =	sld [smem:$0x3FB5]  }
0x2f: {  	lr =	sadd.s32 s0, s3;
	s0 =	sld [smem:$0x3FAC]  }
0x30: {  	s3 =	sld [smem:$0x3FAF]  }
0x31: {  	[smem:$0x3FB8] =	sst s10  }
0x32: {  	s10 =	sld [smem:$0x3FB6];
	_ =	sdelay $0x3  }
0x33: {  	p0 =	seq.s32 s10, $0x1;
	s10 =	sld [smem:$0x3FB8];
	_ =	sdelay $0x3  }
0x34: {  	[smem:$0x3FB8] =	sst s10  }
0x35: {  	s10 =	sld [smem:$0x3FB7];
	_ =	sdelay $0x3  }
0x36: {  	p1 =	seq.s32 s10, $0x1;
	s10 =	sld [smem:$0x3FB8];
	_ =	sdelay $0x3  }
0x37: {  	[smem:$0x3FB8] =	sst s10  }
0x38: {  	s10 =	sld [smem:$0x3FB9]  }
0x39: {  	_ = 	snop;
	(pc) =	sbr.ind lr, $3  }
0x3a: {  	_ = 	snop  }
0x3b: {  	_ = 	snop  }
0x3c: {  	p2 =	seq.s32 s10, $0x1;
	s10 =	sld [smem:$0x3FB8]  }
0x3d: {  	_ =	shalt  }
0x3e: {  	_ =	shalt  }
0x3f: {  	_ =	shalt  }
0x40: {  	_ =	shalt  }
0x41: {  	_ =	shalt  }
0x42: {  	_ =	shalt  }
0x43: {  	_ =	shalt  }
0x44: {  	_ =	shalt  }
0x45: {  	_ =	shalt  }
0x46: {  	_ =	shalt  }
0x47: {  	_ =	shalt  }
0x48: {  	_ =	shalt  }
0x49: {  	_ =	shalt  }
0x4a: {  	_ =	shalt  }
0x4b: {  	_ =	shalt  }
0x4c: {  	_ =	shalt  }
0x4d: {  	_ =	shalt  }
0x4e: {  	_ =	shalt  }
0x4f: {  	_ =	shalt  }
0x50: {  	_ =	shalt  }
0x51: {  	_ =	shalt  }
0x52: {  	_ =	shalt  }
0x53: {  	_ =	shalt  }
0x54: {  	_ =	shalt  }
0x55: {  	_ =	shalt  }
0x56: {  	_ =	shalt  }
0x57: {  	_ =	shalt  }
0x58: {  	_ =	shalt  }
0x59: {  	_ =	shalt  }
0x5a: {  	_ =	shalt  }
0x5b: {  	_ =	shalt  }
0x5c: {  	_ =	shalt  }
0x5d: {  	_ =	shalt  }
0x5e: {  	_ =	shalt  }
0x5f: {  	_ =	shalt  }
0x60: {  	_ =	shalt  }
0x61: {  	_ =	shalt  }
0x62: {  	_ =	shalt  }
0x63: {  	_ =	shalt  }
0x64: {  	_ =	shalt  }
0x65: {  	_ =	shalt  }
0x66: {  	_ =	shalt  }
0x67: {  	_ =	shalt  }
0x68: {  	_ =	shalt  }
0x69: {  	_ =	shalt  }
0x6a: {  	_ =	shalt  }
0x6b: {  	_ =	shalt  }
0x6c: {  	_ =	shalt  }
0x6d: {  	_ =	shalt  }
0x6e: {  	_ =	shalt  }
0x6f: {  	_ =	shalt  }
0x70: {  	_ =	shalt  }
0x71: {  	_ =	shalt  }
0x72: {  	_ =	shalt  }
0x73: {  	_ =	shalt  }
0x74: {  	_ =	shalt  }
0x75: {  	_ =	shalt  }
0x76: {  	_ =	shalt  }
0x77: {  	_ =	shalt  }
0x78: {  	_ =	shalt  }
0x79: {  	_ =	shalt  }
0x7a: {  	_ =	shalt  }
0x7b: {  	_ =	shalt  }
0x7c: {  	_ =	shalt  }
0x7d: {  	_ =	shalt  }
0x7e: {  	_ =	shalt  }
0x7f: {  	_ =	shalt  }
0x80: {  	_ =	shalt  }
0x81: {  	_ =	shalt  }
0x82: {  	_ =	shalt  }
0x83: {  	_ =	shalt  }
0x84: {  	_ =	shalt  }
0x85: {  	_ =	shalt  }
0x86: {  	_ =	shalt  }
0x87: {  	_ =	shalt  }
.Lfunc_end0:
.L_simem_size_0:
called_computation_lowered:
.L_overlay_start_0:
0x88: {  	s2 =	sld [smem:$0x3FD9]  }
0x89: {  	s3 =	sld [smem:$0x3FFE];
	_ =	sdelay $0x1  }
0x8a: {  	s1 =	srdreg.scid  }
0x8b: {  	s0 =	sand.u32 $0x1, s1  }
0x8c: {  	s14 =	sshll.u32 s0, $0xA;
	s2 =	sadd.s32 s3, s2  }
0x8d: {  	s2 =	sadd.s32 s2, s14  }
0x8e: {  	[smem:$0x3FC4] =	sst s2  }
0x8f: {  	_ = 	snop  }
0x90: {  	s2 =	sld [smem:$0x3FC9]  }
0x91: {  	s15 =	sld [smem:$0x3FD0]  }
0x92: {  	s4 =	sld [smem:$0x3FC8]  }
0x93: {  	s5 =	sld [smem:$0x3FC7]  }
0x94: {  	s7 =	simm.s32 $0xA;
	s8 =	simm.s32 $0x10;
	s6 =	sld [smem:$0x3FC6]  }
0x95: {  	[smem:s8], [sflag:s7] =	dma.local [hbm:s15], $0x1  }
0x96: {  	_ =	swait.eq [sflag:s7], $0x1  }
0x97: {  	[sflag:s7] =	ssyncset.done $0x0  }
0x98: {  	[sflag:s7] =	ssyncadd.s32 $0xFFFFFFFF  }
0x99: {  	s16 =	sld [smem:$0x10];
	(tm) =	ssettm $0x1  }
0x9a: {  	s17 =	sld [smem:$0x3FFB];
	_ =	sdelay $0x3  }
0x9b: {  	_ =	strace s17  }
0x9c: {  	s7 =	sld [smem:$0x3FFC];
	_ =	sdelay $0x3  }
0x9d: {  	_ =	strace s7  }
0x9e: {  	s7 =	sld [smem:$0x3FFD];
	_ =	sdelay $0x3  }
0x9f: {  	_ =	strace s7  }
0xa0: {  	_ =	strace $0x8FFFFFFF  }
0xa1: {  	s18 =	sld [smem:$0x3FDB];
	_ =	sdelay $0x1  }
0xa2: {  	s19 =	simm.s32 $_scs_section_size  }
0xa3: {  	s9 =	simm.s32 $_size__tile_overlayer_lowered;
	s10 =	simm.s32 $_tile_overlayer_lowered  }
0xa4: {  	s22 =	simm.s32 $0x1BFF;
	s21 =	sshll.u32 s10, $0x1;
	s7 =	sadd.s32 s19, s18  }
0xa5: {  	s11 =	simm.s32 $0x0;
	s20 =	sshll.u32 s9, $0x1;
	s9 =	sadd.s32 s21, s7  }
0xa6: {  	[timem:s11], [sflag:s22] =	dma.local [hbm:s9], s20  }
0xa7: {  	_ =	swait.ge [sflag:s22], s20  }
0xa8: {  	s8 =	ssub.s32 $0x0, s20;
	[sflag:s22] =	ssyncset.done $0x0  }
0xa9: {  	[sflag:s22] =	ssyncadd.s32 s8;
	_ =	sdelay $0x1  }
0xaa: {  	s23 =	simm.s32 $0x1B8B  }
0xab: {  	_ =	swait.ge [sflag:s23], $0x1  }
0xac: {  	[sflag:s23] =	ssyncset.done $0x0  }
0xad: {  	s25 =	simm.s32 $0x1B8E;
	s24 =	sld [smem:$0x3FFE];
	[sflag:s23] =	ssyncadd.s32 $0xFFFFFFFF  }
0xae: {  	s26 =	simm.s32 $execute0_lowered;
	[smem:$0x3FD2] =	sst s25  }
0xaf: {  	s9 =	sshll.u32 s26, $0x1;
	_ =	strace $0x80000046;
	[dreg:$0x1] =	wrdreg $0xFFFFFFFF  }
0xb0: {  	s28 =	simm.s32 $_size_execute0_lowered;
	s7 =	sadd.s32 s7, s9;
	[dreg:$0x0] =	wrdreg $0x0  }
0xb1: {  	s9 =	sshll.u32 s28, $0x1;
	[dreg:$0x2] =	wrdreg s7  }
0xb2: {  	[dreg:$0x3] =	wrdreg s9  }
0xb3: {  	[dreg:$0x4] =	wrdreg $0xC0  }
0xb4: {  	_ =	task [dreg:s11], $0x5FFFF  }
0xb5: {  	[dreg:$0x1] =	wrdreg $0xFFFFFFFF  }
0xb6: {  	[dreg:$0x0] =	wrdreg $0x60  }
0xb7: {  	[dreg:$0x2] =	wrdreg s2  }
0xb8: {  	[dreg:$0x3] =	wrdreg s4  }
0xb9: {  	[dreg:$0x4] =	wrdreg s5  }
0xba: {  	[dreg:$0x5] =	wrdreg s6  }
0xbb: {  	[dreg:$0x6] =	wrdreg s16  }
0xbc: {  	[dreg:$0x7] =	wrdreg s24  }
0xbd: {  	[dreg:$0x8] =	wrdreg $0x9  }
0xbe: {  	_ =	task.clear_ibuf [dreg:s11], $0x9FFFF;
	_ =	strace $0x90000046  }
0xbf: {  	s29 =	simm.s32 $0x9;
	_ =	strace $0x80000048  }
0xc0: {  	_ =	swait.ge [sflag:s29], $0x1  }
0xc1: {  	[sflag:s29] =	ssyncadd.s32 $0xFFFFFFFF  }
0xc2: {  	_ =	strace $0x90000048  }
0xc3: {  	_ =	sfence  }
0xc4: {  	s30 =	sld [smem:$0x0];
	_ =	sdelay $0x2  }
0xc5: {  	s31 =	sshll.u32 s1, $0xD;
	s1 =	sshrl.u32 s1, $0x2  }
0xc6: {  	s3 =	sand.u32 $0x4000, s31;
	s1 =	sadd.s32 s1, s30  }
0xc7: {  	s0 =	sor.u32 s3, s0;
	s1 =	sshll.u32 s1, $0x11  }
0xc8: {  	s0 =	sor.u32 s1, s0  }
0xc9: {  	s0 =	sadd.s32 $0x8F2B, s0  }
0xca: {  	[sflag:s0] =	ssyncadd.remote.s32 $0x1  }
0xcb: {  	_ =	sfence.sel $0xFFFF  }
0xcc: {  	[dreg:$0x0] =	wrdreg $0xFFFFFFFF;
	(pc) =	sbr.abs _section_cstart, $3  }
0xcd: {  	[dreg:$0x1] =	wrdreg $0xFFFFFFFF  }
0xce: {  	_ =	task.clear_ibuf [dreg:s11], $0x2FFFF;
	_ =	strace $0x9FFFFFFF  }
0xcf: {  	(tm) =	ssettm $0x7FFFFFFF  }
tec
execute0_lowered:
.L_overlay_start_1:
0x0: {  	(tag) =	ssettag $0x1  }
0x1: {  	s6 =	rddreg [dreg:$0x0];
	s0 =	srdreg.scid  }
0x2: {  	s1 =	rddreg [dreg:$0x5];
	s4 =	stileid.u32;
	s3 =	simm.s32 $0x0;
	v0 =	vimm.f32 $1.600000000e+01;
	vm0 =	vcmask $0x300  }
0x3: {  	vm14 =	vcmask $0x704;
	s0 =	sand.u32 $0x1, s0;
	[smem:$0x7FF] =	sst s3;
	v0 =	vsel vm0, $0x3F800000, v0;
	s20 =	sadd.s32 $0x1200, s1  }
0x4: {  	vm15 =	vcmask $0xB08;
	s5 =	sadd.s32 $0x11200, s1;
	_ =	strace $0x80000047;
	v0 =	vsel vm14, $0x40000000, v0;
	[dreg:$0x7] =	wrdreg s20  }
0x5: {  	vm4 =	vcmask $0xF0C;
	s3 =	simm.s32 $0x1;
	s21 =	sadd.s32 $0x21200, s1;
	[dreg:$0x8] =	wrdreg s5;
	v0 =	vsel vm15, $0x40400000, v0  }
0x6: {  	vm5 =	vcmask $0x1310;
	s22 =	sadd.s32 $0x31200, s1;
	s23 =	sadd.s32 $0x41200, s1;
	[dreg:$0x9] =	wrdreg s21;
	v0 =	vsel vm4, $0x40800000, v0  }
0x7: {  	vm6 =	vcmask $0x1714;
	s1 =	sadd.s32 $0x51200, s1;
	s2 =	sor.u32 s0, s4;
	[dreg:$0xa] =	wrdreg s22;
	v0 =	vsel vm5, $0x40A00000, v0  }
0x8: {  	vm7 =	vcmask $0x1B18;
	p1 =	seq.s32 s0, $0x1;
	[dreg:$0xb] =	wrdreg s23;
	p0 =	seq.s32 s2, $0x0;
	v0 =	vsel vm6, $0x40C00000, v0  }
0x9: {  	vm8 =	vcmask $0x1F1C;
	s24 =	ssub.s32 $0x2, s0;
	s25 =	sshll.u32 s0, $0xE;
	p0 =	por !p0, !p1;
	v0 =	vsel vm7, $0x40E00000, v0  }
0xa: {  	vm9 =	vcmask $0x2320;
	[dreg:$0xd] =	wrdreg s1;
	s0 =	sshll.u32 s0, $0x4;
	p0 =	por !p0, !p0;
	v0 =	vsel vm8, $0x41000000, v0  }
0xb: {  	vm10 =	vcmask $0x2724;
	s26 =	sshrl.u32 s24, $0x1;
	[dreg:$0xe] =	wrdreg s0;
	s3 =	simm.s32 @!p0 $0x0;
	v0 =	vsel vm9, $0x41100000, v0  }
0xc: {  	vm11 =	vcmask $0x2B28;
	s1 =	ssub.s32 s24, s26;
	s24 =	simm.s32 $0x880;
	s3 =	ssub.s32 s4, s3;
	v0 =	vsel vm10, $0x41200000, v0  }
.Ltmp0:
0xd: {  	vm12 =	vcmask $0x2F2C;
	s31 =	smax.u32 s1, $0x1;
	s7 =	sshll.u32 s3, $0x16;
	v0 =	vsel vm11, $0x41300000, v0;
	(pc) =	sbr.rel .LBB2_1-.Ltmp0, $4  }
0xe: {  	vm13 =	vcmask $0x3330;
	s26 =	simm.s32 $0x10880;
	[dreg:$0x11] =	wrdreg s31;
	s5 =	sor.u32 s25, s7;
	v0 =	vsel vm12, $0x41400000, v0  }
0xf: {  	vm14 =	vcmask $0x3734;
	s30 =	sshll.u32 s3, $0xF;
	[dreg:$0xc] =	wrdreg s7;
	s28 =	sshrl.u32 s5, $0x3;
	v1 =	vsel vm13, $0x41500000, v0  }
0x10: {  	vm15 =	vcmask $0x3B38;
	s1 =	simm.s32 $0x0;
	[dreg:$0x10] =	wrdreg s30;
	s29 =	sadd.s32 s6, s28;
	v0 =	vlaneseq.u32;
	v2 =	vsel vm14, $0x41600000, v1  }
0x11: {  	v3 =	vimm.s32 $0x0;
	p0 =	sne.s32 s2, $0x0;
	s25 =	simm.s32 $0x8880;
	[dreg:$0xf] =	wrdreg s29;
	v1 =	vor.u32 $0x80000000, v0;
	v2 =	vsel vm15, $0x41700000, v2  }
.LBB2_33:
0x12: {  	s1 =	rddreg [dreg:$0x12]  }
0x13: {  	s0 =	rddreg [dreg:$0x11];
	s1 =	sadd.s32 $0x1, s1  }
0x14: {  	p1 =	sne.s32 s1, s0  }
.Ltmp1:
0x15: {  	_ = 	snop;
	(pc) =	sbr.rel @!p1 .LBB2_34-.Ltmp1, $1  }
0x16: {  	_ =	sdelay $0x3  }
.LBB2_1:
0x17: {  	[dreg:$0x12] =	wrdreg s1  }
0x18: {  	s0 =	rddreg [dreg:$0x1];
	s17 =	simm.s32 $0x0;
	s2 =	simm.s32 $0x3  }
0x19: {  	[tilespmem:s17], [sflag:$0x3] =	stream.linear.gather [hbm4b:s0+s17], $0x400, $0x38;
	[tilespmem:$0x14200] =	vst v63  }
0x1a: {  	_ =	swait.ge [sflag:s2], $0x400  }
0x1b: {  	[sflag:s2] =	ssyncset.done $0x0  }
0x1c: {  	[sflag:s2] =	ssyncadd.s32 $0xFFFFFC00  }
0x1d: {  	s8 =	simm.s32 $0x400;
	s18 =	rddreg [dreg:$0x2]  }
0x1e: {  	[tilespmem:s8], [sflag:$0x3] =	stream.linear.gather [hbm4b:s18+s17], $0x400, $0x38;
	[tilespmem:$0x14200] =	vst v63  }
0x1f: {  	_ =	swait.ge [sflag:s2], $0x400  }
0x20: {  	[sflag:s2] =	ssyncset.done $0x0  }
0x21: {  	[sflag:s2] =	ssyncadd.s32 $0xFFFFFC00  }
0x22: {  	s3 =	simm.s32 $0x800;
	s19 =	rddreg [dreg:$0x3]  }
0x23: {  	[tilespmem:s3], [sflag:$0x3] =	stream.linear.gather [hbm4b:s19+s17], $0x80, $0x38;
	[tilespmem:$0x14200] =	vst v63  }
0x24: {  	_ =	swait.ge [sflag:s2], $0x80  }
0x25: {  	[sflag:s2] =	ssyncset.done $0x0  }
0x26: {  	[sflag:s2] =	ssyncadd.s32 $0xFFFFFF80  }
0x27: {  	v4 =	vld [tilespmem:$0x800];
	_ =	sdelay $0x4  }
0x28: {  	(erf) = vrcp.f32 v4;
	_ =	sdelay $0x1  }
0x29: {  	v5 =	vld [tilespmem:$0x400]  }
0x2a: {  	v4 =	vld [tilespmem:$0x0];
	_ =	sdelay $0x4  }
0x2b: {  	v4 =	vadd.f32 v5, v4  }
0x2c: {  	v5 =	vpop (erf)  }
0x2d: {  	v4 =	vmul.f32 v4, v5;
	_ =	sdelay $0x1  }
0x2e: {  	(xrf0) =	vmax.scan.msk.f32 $0xffff, v4;
	_ =	sdelay $0x5  }
0x2f: {  	v6, _, _ =	vpop (xrf0)  }
0x30: {  	v6 =	vbroadcast v6, $0xF;
	_ =	sdelay $0x1  }
0x31: {  	v4 =	vsub.f32 v4, v6;
	_ =	sdelay $0x1  }
0x32: {  	v4 =	vmul.f32 $1.442695020e+00, v4;
	_ =	sdelay $0x1  }
0x33: {  	(erf) = vpow2.f32 v4;
	_ =	sdelay $0x8  }
0x34: {  	v4 =	vpop (erf)  }
0x35: {  	(xrf2) =	vadd.scan.msk.f32 $0xffff, v4;
	_ =	sdelay $0x9  }
0x36: {  	v6, _, _ =	vpop (xrf2)  }
0x37: {  	v6 =	vbroadcast v6, $0xF;
	_ =	sdelay $0x1  }
0x38: {  	(erf) = vrcp.f32 v6;
	_ =	sdelay $0x8  }
0x39: {  	v6 =	vpop (erf)  }
0x3a: {  	v4 =	vmul.f32 v6, v4;
	_ =	sdelay $0x1  }
0x3b: {  	(xrf0) =	vmax.scan.msk.f32 $0xffff, v4;
	_ =	sdelay $0x1  }
0x3c: {  	v7 =	vld [tilespmem:$0x480]  }
0x3d: {  	v6 =	vld [tilespmem:$0x80];
	_ =	sdelay $0x2  }
0x3e: {  	v8, _, _ =	vpop (xrf0)  }
0x3f: {  	v8 =	vbroadcast v8, $0xF  }
0x40: {  	v6 =	vadd.f32 v7, v6  }
0x41: {  	vm0 =	veq.f32 v4, v8  }
0x42: {  	v6 =	vmul.f32 v6, v5;
	v7 =	vnsel vm0, $0x80000010, v1  }
0x43: {  	(xrf0) =	vmin.scan.msk.u32 $0xffff, v7  }
0x44: {  	(xrf0) =	vmax.scan.msk.f32 $0xffff, v6;
	_ =	sdelay $0x4  }
0x45: {  	v7, _, _ =	vpop (xrf0)  }
0x46: {  	v8, _, _ =	vpop (xrf0)  }
0x47: {  	v8 =	vbroadcast v8, $0xF;
	_ =	sdelay $0x1  }
0x48: {  	v6 =	vsub.f32 v6, v8;
	_ =	sdelay $0x1  }
0x49: {  	v6 =	vmul.f32 $1.442695020e+00, v6;
	_ =	sdelay $0x1  }
0x4a: {  	(erf) = vpow2.f32 v6;
	_ =	sdelay $0x4  }
0x4b: {  	v4 =	vmul.f32 v2, v4;
	_ =	sdelay $0x3  }
0x4c: {  	(xrf2) =	vadd.scan.msk.f32 $0xffff, v4;
	v4 =	vpop (erf)  }
0x4d: {  	(xrf2) =	vadd.scan.msk.f32 $0xffff, v4;
	_ =	sdelay $0x8  }
0x4e: {  	v6, _, _ =	vpop (xrf2)  }
0x4f: {  	v8, _, _ =	vpop (xrf2)  }
0x50: {  	v8 =	vbroadcast v8, $0xF;
	_ =	sdelay $0x1  }
0x51: {  	(erf) = vrcp.f32 v8;
	_ =	sdelay $0x8  }
0x52: {  	v8 =	vpop (erf)  }
0x53: {  	v4 =	vmul.f32 v8, v4;
	_ =	sdelay $0x1  }
0x54: {  	(xrf0) =	vmax.scan.msk.f32 $0xffff, v4;
	_ =	sdelay $0x1  }
0x55: {  	v9 =	vld [tilespmem:$0x500]  }
0x56: {  	v8 =	vld [tilespmem:$0x100];
	_ =	sdelay $0x2  }
0x57: {  	v10, _, _ =	vpop (xrf0)  }
0x58: {  	v10 =	vbroadcast v10, $0xF  }
0x59: {  	v8 =	vadd.f32 v9, v8  }
0x5a: {  	vm11 =	veq.f32 v4, v10  }
0x5b: {  	v5 =	vmul.f32 v8, v5;
	v59 =	vnsel vm11, $0x80000010, v1  }
0x5c: {  	(xrf0) =	vmin.scan.msk.u32 $0xffff, v59  }
0x5d: {  	(xrf0) =	vmax.scan.msk.f32 $0xffff, v5;
	_ =	sdelay $0x4  }
0x5e: {  	v8, _, _ =	vpop (xrf0)  }
0x5f: {  	v60, _, _ =	vpop (xrf0)  }
0x60: {  	v9 =	vbroadcast v60, $0xF;
	_ =	sdelay $0x1  }
0x61: {  	v5 =	vsub.f32 v5, v9;
	_ =	sdelay $0x1  }
0x62: {  	v5 =	vmul.f32 $1.442695020e+00, v5;
	_ =	sdelay $0x1  }
0x63: {  	(erf) = vpow2.f32 v5;
	_ =	sdelay $0x4  }
0x64: {  	v4 =	vmul.f32 v2, v4;
	_ =	sdelay $0x3  }
0x65: {  	(xrf2) =	vadd.scan.msk.f32 $0xffff, v4;
	v4 =	vpop (erf)  }
0x66: {  	(xrf2) =	vadd.scan.msk.f32 $0xffff, v4;
	_ =	sdelay $0x8  }
0x67: {  	v5, _, _ =	vpop (xrf2)  }
0x68: {  	v61, _, _ =	vpop (xrf2)  }
0x69: {  	v9 =	vbroadcast v61, $0xF;
	_ =	sdelay $0x1  }
0x6a: {  	(erf) = vrcp.f32 v9;
	_ =	sdelay $0x8  }
0x6b: {  	v9 =	vpop (erf)  }
0x6c: {  	v4 =	vmul.f32 v9, v4;
	_ =	sdelay $0x1  }
0x6d: {  	(xrf0) =	vmax.scan.msk.f32 $0xffff, v4;
	_ =	sdelay $0x5  }
0x6e: {  	v62, _, _ =	vpop (xrf0)  }
0x6f: {  	v9 =	vbroadcast v62, $0xF  }
0x70: {  	v63 =	vmul.f32 v2, v4  }
0x71: {  	vm12 =	veq.f32 v4, v9  }
0x72: {  	(xrf2) =	vadd.scan.msk.f32 $0xffff, v63;
	v4 =	vnsel vm12, $0x80000010, v1  }
0x73: {  	(xrf0) =	vmin.scan.msk.u32 $0xffff, v4;
	_ =	sdelay $0x2  }
0x74: {  	(v2sf) =	vpush v7, $0xF  }
0x75: {  	(v2sf) =	vpush v6, $0xF  }
0x76: {  	(v2sf) =	vpush v8, $0xF  }
0x77: {  	(v2sf) =	vpush v5, $0xF;
	v4, _, _ =	vpop (xrf0)  }
0x78: {  	(v2sf) =	vpush v4, $0xF;
	_ =	sdelay $0x1  }
0x79: {  	v4, _, _ =	vpop (xrf2)  }
0x7a: {  	(v2sf) =	vpush v4, $0xF;
	_ =	sdelay $0x7  }
0x7b: {  	s20 =	spop (v2sf)  }
0x7c: {  	s0 =	sadd.s32 $0x80000001, s20;
	s21 =	spop (v2sf)  }
0x7d: {  	s23 =	scvt.s32.f32 s0;
	s22 =	spop (v2sf)  }
0x7e: {  	s4 =	spop (v2sf)  }
0x7f: {  	s3 =	sadd.f32 s23, s21;
	s2 =	sadd.s32 $0x80000001, s22;
	s5 =	spop (v2sf)  }
0x80: {  	s6 =	scvt.s32.f32 s2;
	s5 =	sadd.s32 $0x80000001, s5  }
0x81: {  	s1 =	ssub.f32 s3, s21;
	s28 =	scvt.s32.f32 s5  }
0x82: {  	s6 =	sadd.f32 s6, s4;
	s7 =	spop (v2sf)  }
0x83: {  	s3 =	sadd.f32 s28, s7  }
0x84: {  	vm13 =	vcmask $0x300;
	s4 =	ssub.f32 s6, s4;
	v4 =	vmov s1  }
0x85: {  	vm14 =	vcmask $0x704;
	v4 =	vnsel vm13, $0x0, v4;
	s29 =	ssub.f32 s3, s7  }
0x86: {  	vm15 =	vcmask $0xB08;
	v4 =	vsel vm14, s4, v4  }
0x87: {  	v4 =	vsel vm15, s29, v4  }
0x88: {  	s1 =	simm.s32 @!p0 $0x0;
	s4 =	rddreg [dreg:$0x4];
	s3 =	simm.s32 @!p0 $0x14180;
	[tilespmem:$0x14180] =	vst v4  }
0x89: {  	[hbm4b:s4+s1] =	stream.linear.scatter @!p0 [tilespmem:s3], [sflag:$0x3], $0x80, $0x38;
	[tilespmem:$0x14200] =	vst v63  }
.Ltmp2:
0x8a: {  	s1 =	simm.s32 @!p0 $0x3;
	(pc) =	sbr.rel .LBB2_2-.Ltmp2, $4  }
0x8b: {  	_ =	swait.ge @!p0 [sflag:s1], $0x80  }
0x8c: {  	s31 =	simm.s32 $0x8000;
	[sflag:s1] =	ssyncset.done @!p0 $0x0  }
0x8d: {  	v5 =	vmov s2;
	s6 =	simm.s32 $0x0;
	s30 =	rddreg [dreg:$0xf];
	[sflag:s1] =	ssyncadd.s32 @!p0 $0xFFFFFF80  }
0x8e: {  	v6 =	vmov s5;
	v4 =	vmov s0;
	[tilespmem:s24], [sflag:$0x1] =	stream.strided.gather [hbm4b:s30+s8], $0x8000, s31, s8, $0x38;
	[tilespmem:$0x14200] =	vst v63  }
.LBB2_32:
0x8f: {  	s6 =	sadd.s32 $0x1, s6  }
0x90: {  	p1 =	sne.s32 s6, $0x20  }
.Ltmp3:
0x91: {  	_ = 	snop;
	(pc) =	sbr.rel @!p1 .LBB2_33-.Ltmp3, $1  }
0x92: {  	_ =	sdelay $0x3  }
.LBB2_2:
0x93: {  	s5 =	sshllo.u32 s6, $0x1  }
0x94: {  	s0 =	sshrl.u32 s6, $0x1;
	s2 =	rddreg [dreg:$0xe];
	s1 =	sshll.u32 s5, $0x14  }
0x95: {  	s21 =	rddreg [dreg:$0xc];
	s0 =	sor.u32 s2, s0;
	s1 =	sand.u32 $0x300000, s1  }
0x96: {  	s8 =	sshll.u32 s6, $0x1;
	s2 =	sshll.u32 s0, $0xA;
	s0 =	sor.u32 s1, s21  }
0x97: {  	s22 =	rddreg [dreg:$0x0];
	s23 =	simm.s32 $0x400;
	s0 =	sor.u32 s2, s0  }
0x98: {  	s28 =	simm.s32 $0x8000;
	s30 =	simm.s32 $0x1;
	s0 =	sshrl.u32 s0, $0x3  }
.Ltmp4:
0x99: {  	[dreg:$0x13] =	wrdreg s2;
	s0 =	sadd.s32 s22, s0;
	(pc) =	sbr.rel .LBB2_3-.Ltmp4, $4  }
0x9a: {  	[tilespmem:s25], [sflag:$0x2] =	stream.strided.gather [hbm4b:s0+s23], $0x8000, s28, s23, $0x38;
	[tilespmem:$0x14200] =	vst v63  }
0x9b: {  	s29 =	sand.u32 $0x2, s8;
	_ =	swait.ge [sflag:s30], $0x8000  }
0x9c: {  	s31 =	sshll.u32 s29, $0x8;
	[sflag:s30] =	ssyncset.done $0x0  }
0x9d: {  	s9 =	simm.s32 $0x0;
	p1 =	seq.s32 s29, $0x0;
	v7 =	vmov s31;
	[sflag:s30] =	ssyncadd.s32 $0xFFFF8000  }
.LBB2_14:
0x9e: {  	v8 =	vsel vm9, v25, v23;
	v9 =	vsel vm5, v14, v11  }
0x9f: {  	v11 =	vadd.s32 v7, v13;
	vm4 =	vgt.f32 v15, v24;
	v10 =	vsel vm8, v19, v10  }
0xa0: {  	v19 =	vsel vm7, v16, v23;
	v17 =	vsel vm2, v28, v17;
	v16 =	vsel vm7, v29, v16  }
0xa1: {  	v18 =	vsel vm9, v22, v18;
	v13 =	vsel vm0, v9, v23;
	v14 =	vsel vm4, v24, v15  }
0xa2: {  	v9 =	vsel vm0, v23, v9;
	v8 =	vsel vm2, v8, v10;
	v10 =	vsel vm9, v19, v25  }
0xa3: {  	vm8 =	vgt.f32 v15, v17;
	v19 =	vadd.s32 v7, v20;
	v20 =	vsel vm7, v27, v12  }
0xa4: {  	vm9 =	vgt.f32 v15, v21;
	v12 =	vsel vm4, v15, v24;
	vm11 =	vgt.f32 v15, v18  }
0xa5: {  	v23 =	vld.idx.msk [tilespmem:v30+s24+$0x0], vm3;
	v13 =	vsel vm1, v13, v26;
	v58 =	vsel vm4, v9, v11;
	v9 =	vsel vm4, v11, v9  }
0xa6: {  	vm10 =	vgt.f32 v15, v20;
	v14 =	vsel vm9, v14, v21;
	v21 =	vsel vm9, v21, v15  }
0xa7: {  	v22 =	vsel vm9, v13, v11;
	v59 =	vsel vm10, v20, v15;
	v13 =	vsel vm9, v58, v13  }
0xa8: {  	v24 =	vsel vm11, v59, v18;
	v22 =	vsel vm10, v22, v16;
	v16 =	vsel vm10, v16, v11  }
0xa9: {  	v18 =	vsel vm11, v18, v15;
	v11 =	vsel vm11, v10, v11;
	v10 =	vsel vm11, v16, v10  }
0xaa: {  	v16 =	vsel vm10, v21, v20;
	v8 =	vsel vm8, v11, v8;
	v23 =	vnsel vm3, $0xFF800000, v23  }
0xab: {  	vm3 =	vgt.f32 v23, v12;
	vm12 =	vgt.f32 v23, v14;
	vm13 =	vgt.f32 v23, v24  }
0xac: {  	vm14 =	vgt.f32 v23, v16;
	v60 =	vsel vm3, v12, v23;
	v26 =	vsel vm12, v13, v19  }
0xad: {  	v15 =	vsel vm3, v23, v12;
	v61 =	vsel vm12, v14, v23;
	v20 =	vsel vm13, v10, v19  }
0xae: {  	v62 =	vsel vm14, v16, v23;
	v63 =	vsel vm3, v9, v19;
	v11 =	vsel vm3, v19, v9  }
0xaf: {  	v9 =	vsel vm14, v22, v19;
	v12 =	vsel vm12, v60, v14;
	v14 =	vsel vm8, v18, v17  }
0xb0: {  	v18 =	vsel vm13, v24, v23;
	v17 =	vsel vm14, v61, v16;
	vm15 =	vgt.f32 v23, v14  }
0xb1: {  	v21 =	vsel vm13, v9, v10;
	v22 =	vsel vm14, v26, v22;
	v10 =	vsel vm15, v20, v8  }
0xb2: {  	v16 =	vsel vm15, v18, v14;
	v20 =	vsel vm12, v63, v13;
	v18 =	vsel vm13, v62, v24  }
.LBB2_15:
0xb3: {  	[tilespmem:s10+$0x12080] =	vst v15  }
0xb4: {  	[tilespmem:s10+$0x12480] =	vst v11  }
0xb5: {  	[tilespmem:s11+$0x12080] =	vst v12  }
0xb6: {  	[tilespmem:s11+$0x12480] =	vst v20  }
0xb7: {  	[tilespmem:s12+$0x12080] =	vst v17  }
0xb8: {  	s9 =	sadd.s32 $0x1, s9;
	[tilespmem:s12+$0x12480] =	vst v22  }
0xb9: {  	p2 =	sne.s32 s9, $0x8;
	[tilespmem:s19+$0x12080] =	vst v18  }
.Ltmp5:
0xba: {  	[tilespmem:s19+$0x12480] =	vst v21;
	(pc) =	sbr.rel @!p2 .LBB2_16-.Ltmp5, $4  }
0xbb: {  	[tilespmem:s17+$0x12080] =	vst v16  }
0xbc: {  	[tilespmem:s17+$0x12480] =	vst v10  }
0xbd: {  	[tilespmem:s10+$0x12880] =	vst v16  }
0xbe: {  	[tilespmem:s10+$0x12900] =	vst v3  }
.LBB2_3:
0xbf: {  	s10 =	sshll.u32 s9, $0x4;
	v8 =	vimm.f32 @p1 $-Inf  }
0xc0: {  	[tilespmem:s10+$0x12080] =	vst @p1 v8  }
0xc1: {  	v9 =	vld @p1 [tilespmem:s10+$0x880];
	[tilespmem:s10+$0x12100] =	vst @p1 v8  }
0xc2: {  	v10 =	vld @p1 [tilespmem:s10+$0x900];
	[tilespmem:s10+$0x12180] =	vst @p1 v8  }
0xc3: {  	v11 =	vld @p1 [tilespmem:s10+$0x980];
	[tilespmem:s10+$0x12200] =	vst @p1 v8  }
0xc4: {  	v13 =	vimm.s32 @p1 $0x0;
	v12 =	vld @p1 [tilespmem:s10+$0xA00];
	[tilespmem:s10+$0x12280] =	vst @p1 v8  }
0xc5: {  	v8 =	vld @p1 [tilespmem:s10+$0xA80];
	[tilespmem:s10+$0x12480] =	vst @p1 v13  }
0xc6: {  	[tilespmem:s10+$0x12500] =	vst @p1 v13  }
.Ltmp6:
0xc7: {  	s14 =	simm.s32 $0x0;
	s0 =	sor.u32 @p1 $0x80, s10;
	[tilespmem:s10+$0x12580] =	vst @p1 v13;
	v9 =	vmin.f32 @p1 v9, v10;
	(pc) =	sbr.rel .LBB2_4-.Ltmp6, $4  }
0xc8: {  	s1 =	sor.u32 @p1 $0x100, s10;
	s2 =	sor.u32 @p1 $0x180, s10;
	[tilespmem:s10+$0x12600] =	vst @p1 v13;
	s3 =	sor.u32 @p1 $0x200, s10;
	v9 =	vmin.f32 @p1 v9, v11  }
0xc9: {  	s11 =	sor.u32 @!p1 $0x80, s10;
	[tilespmem:s10+$0x12680] =	vst @p1 v13;
	s12 =	sor.u32 @!p1 $0x100, s10;
	s17 =	sor.u32 @!p1 $0x200, s10;
	v9 =	vmin.f32 @p1 v9, v12  }
0xca: {  	s19 =	sor.u32 @!p1 $0x180, s10;
	s31 =	sadd.s32 $0x880, s10;
	[tilespmem:s10+$0x12900] =	vst @p1 v13;
	s17 =	smov.u32 @p1 s3;
	v8 =	vmin.f32 @p1 v9, v8  }
0xcb: {  	s19 =	smov.u32 @p1 s2;
	s12 =	smov.u32 @p1 s1;
	s11 =	smov.u32 @p1 s0;
	v10 =	vmov s31;
	[tilespmem:s10+$0x12880] =	vst @p1 v8;
	v8 =	vor.u32 s10, v0  }
.LBB2_8:
0xcc: {  	v9 =	vsel vm9, v26, v24;
	v12 =	vsel vm5, v15, v12  }
0xcd: {  	v14 =	vadd.s32 v7, v14;
	vm4 =	vgt.f32 v16, v25;
	v11 =	vsel vm8, v20, v11  }
0xce: {  	v20 =	vsel vm7, v17, v24;
	v18 =	vsel vm2, v29, v18;
	v17 =	vsel vm7, v30, v17  }
0xcf: {  	v19 =	vsel vm9, v23, v19;
	v15 =	vsel vm0, v12, v24;
	v32 =	vsel vm4, v25, v16  }
0xd0: {  	v12 =	vsel vm0, v24, v12;
	v9 =	vsel vm2, v9, v11;
	v11 =	vsel vm9, v20, v26  }
0xd1: {  	vm8 =	vgt.f32 v16, v18;
	v20 =	vadd.s32 v7, v21;
	v21 =	vsel vm7, v28, v13  }
0xd2: {  	v57 =	vld.idx.msk [tilespmem:v31+s24+$0x0], vm3;
	vm9 =	vgt.f32 v16, v22;
	v13 =	vsel vm4, v16, v25;
	vm11 =	vgt.f32 v16, v19  }
0xd3: {  	v15 =	vsel vm1, v15, v27;
	v56 =	vsel vm4, v12, v14;
	v12 =	vsel vm4, v14, v12  }
0xd4: {  	vm10 =	vgt.f32 v16, v21;
	v58 =	vsel vm9, v32, v22;
	v22 =	vsel vm9, v22, v16  }
0xd5: {  	v23 =	vsel vm9, v15, v14;
	v59 =	vsel vm10, v21, v16;
	v15 =	vsel vm9, v56, v15  }
0xd6: {  	v26 =	vsel vm11, v59, v19;
	v19 =	vsel vm11, v19, v16;
	v23 =	vsel vm10, v23, v17  }
0xd7: {  	v17 =	vsel vm10, v17, v14;
	v14 =	vsel vm11, v11, v14;
	v24 =	vnsel vm3, $0xFF800000, v57  }
0xd8: {  	v19 =	vsel vm8, v19, v18;
	v11 =	vsel vm11, v17, v11;
	v17 =	vsel vm10, v22, v21  }
0xd9: {  	v9 =	vsel vm8, v14, v9;
	vm3 =	vgt.f32 v24, v13;
	vm12 =	vgt.f32 v24, v58  }
0xda: {  	vm13 =	vgt.f32 v24, v26;
	vm14 =	vgt.f32 v24, v17;
	vm15 =	vgt.f32 v24, v19  }
0xdb: {  	v60 =	vsel vm3, v13, v24;
	v27 =	vsel vm12, v15, v20;
	v16 =	vsel vm3, v24, v13  }
0xdc: {  	v61 =	vsel vm12, v58, v24;
	v62 =	vsel vm13, v26, v24;
	v14 =	vsel vm13, v11, v20  }
0xdd: {  	v63 =	vsel vm14, v17, v24;
	v21 =	vsel vm3, v12, v20;
	v12 =	vsel vm3, v20, v12  }
0xde: {  	v13 =	vsel vm12, v60, v58;
	v18 =	vsel vm14, v61, v17;
	v17 =	vsel vm14, v23, v20  }
0xdf: {  	v21 =	vsel vm12, v21, v15;
	v23 =	vsel vm14, v27, v23;
	v22 =	vsel vm13, v17, v11  }
0xe0: {  	v11 =	vsel vm15, v14, v9;
	v17 =	vsel vm15, v62, v19;
	v19 =	vsel vm13, v63, v26  }
.LBB2_9:
0xe1: {  	[tilespmem:s10+$0x12080] =	vst v16  }
0xe2: {  	[tilespmem:s10+$0x12480] =	vst v12  }
0xe3: {  	[tilespmem:s11+$0x12080] =	vst v13  }
0xe4: {  	[tilespmem:s11+$0x12480] =	vst v21  }
0xe5: {  	[tilespmem:s12+$0x12080] =	vst v18  }
0xe6: {  	[tilespmem:s12+$0x12480] =	vst v23  }
0xe7: {  	[tilespmem:s19+$0x12080] =	vst v19  }
0xe8: {  	[tilespmem:s19+$0x12480] =	vst v22  }
0xe9: {  	[tilespmem:s17+$0x12080] =	vst v17  }
0xea: {  	[tilespmem:s17+$0x12480] =	vst v11  }
0xeb: {  	v9 =	vimm.s32 $0x0;
	[tilespmem:s10+$0x12880] =	vst v17  }
0xec: {  	[tilespmem:s10+$0x12900] =	vst v9  }
.LBB2_10:
0xed: {  	s14 =	sadd.s32 $0x1, s14  }
0xee: {  	p2 =	sne.s32 s14, $0x10  }
.Ltmp7:
0xef: {  	_ = 	snop;
	(pc) =	sbr.rel @!p2 .LBB2_11-.Ltmp7, $1  }
0xf0: {  	_ =	sdelay $0x3  }
.LBB2_4:
0xf1: {  	_ = 	snop  }
0xf2: {  	s16 =	sshll.u32 s14, $0x4  }
0xf3: {  	v9 =	vld [tilespmem:s10+$0x12880];
	s0 =	sshll.u32 s14, $0xB;
	s18 =	sor.u32 $0x1, s16  }
0xf4: {  	v11 =	vld [tilespmem:s10+$0x12900];
	s0 =	sand.u32 $0x3FFFF800, s0;
	s29 =	sor.u32 $0x2, s16;
	s1 =	sshll.u32 s18, $0x7  }
0xf5: {  	s31 =	sor.u32 $0x3, s16;
	v12 =	vld.idx.msk [tilespmem:v10+s0+$0x0 ss:$0x1], $0xffff;
	s7 =	sshll.u32 s29, $0x7;
	s4 =	sand.u32 $0x3FFFF880, s1  }
0xf6: {  	s3 =	sor.u32 $0x4, s16;
	s15 =	sshll.u32 s31, $0x7;
	s13 =	sand.u32 $0x3FFFF900, s7;
	v13 =	vld.idx.msk [tilespmem:v10+s4+$0x0 ss:$0x1], $0xffff  }
0xf7: {  	s21 =	sshll.u32 s3, $0x7;
	s0 =	sor.u32 $0x9, s16;
	s20 =	sand.u32 $0x3FFFF980, s15;
	v14 =	vld.idx.msk [tilespmem:v10+s13+$0x0 ss:$0x1], $0xffff  }
0xf8: {  	s22 =	sand.u32 $0x3FFFFA00, s21;
	s21 =	sshll.u32 s0, $0x7;
	v15 =	vld.idx.msk [tilespmem:v10+s20+$0x0 ss:$0x1], $0xffff  }
0xf9: {  	s1 =	sor.u32 $0x6, s16;
	v16 =	vld.idx.msk [tilespmem:v10+s22+$0x0 ss:$0x1], $0xffff;
	s22 =	sand.u32 $0x3FFFFC80, s21  }
0xfa: {  	s4 =	sor.u32 $0x5, s16;
	s7 =	sshll.u32 s1, $0x7;
	v21 =	vld.idx.msk [tilespmem:v10+s22+$0x0 ss:$0x1], $0xffff  }
0xfb: {  	s20 =	sor.u32 $0x8, s16;
	s2 =	sshll.u32 s4, $0x7;
	s28 =	sand.u32 $0x3FFFFB00, s7  }
0xfc: {  	v26 =	vmov s16;
	s13 =	sshll.u32 s20, $0x7;
	v48 =	vxor.u32 $0x80000000, v11;
	s23 =	sand.u32 $0x3FFFFA80, s2;
	v18 =	vld.idx.msk [tilespmem:v10+s28+$0x0 ss:$0x1], $0xffff;
	vm2 =	vge.f32 v12, v9  }
0xfd: {  	s2 =	sor.u32 $0x7, s16;
	s13 =	sand.u32 $0x3FFFFC00, s13;
	v17 =	vld.idx.msk [tilespmem:v10+s23+$0x0 ss:$0x1], $0xffff;
	v36 =	vsel vm2, $0x1, v3;
	vm1 =	vge.f32 v13, v9;
	vm15 =	vge.f32 v14, v9  }
0xfe: {  	s15 =	sor.u32 $0xA, s16;
	s30 =	sshll.u32 s2, $0x7;
	v20 =	vld.idx.msk [tilespmem:v10+s13+$0x0 ss:$0x1], $0xffff;
	vm0 =	vge.f32 v15, v9;
	vm14 =	vge.f32 v16, v9;
	v14 =	vadd.s32 v36, v11  }
0xff: {  	s28 =	sor.u32 $0xB, s16;
	(xrf0) =	vmax.scan.msk.u32 $0xffff, v48;
	s23 =	sshll.u32 s15, $0x7;
	s7 =	sand.u32 $0x3FFFFB80, s30;
	v11 =	vshll.u32 v11, $0x7;
	v38 =	vsel vm1, $0x1, v3;
	vm6 =	vge.f32 v21, v9  }
0x100: {  	s21 =	sshll.u32 s28, $0x7;
	s13 =	sand.u32 $0x3FFFFD00, s23;
	v19 =	vld.idx.msk [tilespmem:v10+s7+$0x0 ss:$0x1], $0xffff;
	v40 =	vsel vm15, $0x1, v3;
	v42 =	vsel vm0, $0x1, v3;
	v43 =	vsel vm14, $0x1, v3  }
0x101: {  	s21 =	sand.u32 $0x3FFFFD80, s21;
	v22 =	vld.idx.msk [tilespmem:v10+s13+$0x0 ss:$0x1], $0xffff;
	v11 =	vadd.s32 v8, v11;
	vm9 =	vge.f32 v18, v9;
	v16 =	vadd.s32 v38, v14  }
0x102: {  	v34 =	vld.idx.msk [tilespmem:v10+s21+$0x0 ss:$0x1], $0xffff;
	v47 =	vsel vm6, $0x1, v3;
	v14 =	vshll.u32 v14, $0x7;
	vm5 =	vge.f32 v17, v9  }
0x103: {  	s7 =	sor.u32 $0xC, s16;
	vm4 =	vge.f32 v20, v9;
	v18 =	vadd.s32 v40, v16;
	v45 =	vsel vm9, $0x1, v3  }
0x104: {  	s13 =	sor.u32 $0xD, s16;
	s23 =	sshll.u32 s7, $0x7;
	v14 =	vadd.s32 v8, v14;
	v16 =	vshll.u32 v16, $0x7;
	v20 =	vadd.s32 v42, v18  }
0x105: {  	s22 =	sshll.u32 s13, $0x7;
	s30 =	sand.u32 $0x3FFFFE00, s23;
	v27, _, _ =	vpop (xrf0);
	v44 =	vsel vm5, $0x1, v3;
	v16 =	vadd.s32 v8, v16;
	v18 =	vshll.u32 v18, $0x7  }
0x106: {  	s23 =	sor.u32 $0xE, s16;
	s22 =	sand.u32 $0x3FFFFE80, s22;
	v35 =	vld.idx.msk [tilespmem:v10+s30+$0x0 ss:$0x1], $0xffff;
	(v2sf) =	vpush v27, $0xF;
	vm3 =	vge.f32 v19, v9;
	vm7 =	vge.f32 v22, v9  }
0x107: {  	s21 =	sshllo.u32 s14, $0x4;
	s30 =	sshll.u32 s23, $0x7;
	v37 =	vld.idx.msk [tilespmem:v10+s22+$0x0 ss:$0x1], $0xffff;
	vm8 =	vge.f32 v34, v9;
	v12 =	vadd.s32 v43, v20;
	v18 =	vadd.s32 v8, v18  }
0x108: {  	s22 =	sand.u32 $0x3FFFFF00, s30;
	s30 =	sshll.u32 s21, $0x7;
	v20 =	vshll.u32 v20, $0x7;
	v13 =	vadd.s32 v44, v12;
	v46 =	vsel vm3, $0x1, v3  }
0x109: {  	v39 =	vld.idx.msk [tilespmem:v10+s22+$0x0 ss:$0x1], $0xffff;
	s30 =	sand.u32 $0x3FFFFF80, s30;
	v22 =	vsel vm7, $0x1, v3;
	v23 =	vsel vm8, $0x1, v3;
	v20 =	vadd.s32 v8, v20  }
0x10a: {  	v41 =	vld.idx.msk [tilespmem:v10+s30+$0x0 ss:$0x1], $0xffff;
	v12 =	vshll.u32 v12, $0x7;
	[tilespmem:v11+s26+$0x0] =	vst.idx.msk vm2, v26;
	v11 =	vmov s18;
	v15 =	vadd.s32 v45, v13  }
0x10b: {  	v12 =	vadd.s32 v8, v12;
	v13 =	vshll.u32 v13, $0x7;
	vm10 =	vge.f32 v35, v9  }
0x10c: {  	vm11 =	vge.f32 v37, v9;
	v17 =	vadd.s32 v46, v15;
	[tilespmem:v14+s26+$0x0] =	vst.idx.msk vm1, v11;
	v11 =	vmov s29  }
0x10d: {  	v13 =	vadd.s32 v8, v13;
	v50 =	vshll.u32 v15, $0x7;
	v49 =	vsel vm10, $0x1, v3  }
0x10e: {  	v24 =	vsel vm11, $0x1, v3;
	[tilespmem:v16+s26+$0x0] =	vst.idx.msk vm15, v11;
	v11 =	vmov s31;
	v14 =	vadd.s32 v8, v50  }
0x10f: {  	v51 =	vshll.u32 v17, $0x7;
	vm12 =	vge.f32 v39, v9;
	[tilespmem:v18+s26+$0x0] =	vst.idx.msk vm0, v11;
	v11 =	vmov s3  }
0x110: {  	v15 =	vadd.s32 v8, v51;
	vm13 =	vge.f32 v41, v9;
	v9 =	vsel vm4, $0x1, v3  }
0x111: {  	v25 =	vsel vm12, $0x1, v3;
	[tilespmem:v20+s26+$0x0] =	vst.idx.msk vm14, v11;
	v11 =	vmov s4;
	v9 =	vadd.s32 v9, v17  }
0x112: {  	[tilespmem:v12+s26+$0x0] =	vst.idx.msk vm5, v11;
	v11 =	vmov s1;
	v19 =	vadd.s32 v47, v9;
	v9 =	vshll.u32 v9, $0x7  }
0x113: {  	[tilespmem:v13+s26+$0x0] =	vst.idx.msk vm9, v11;
	v11 =	vmov s2;
	v22 =	vadd.s32 v22, v19;
	v9 =	vadd.s32 v8, v9  }
0x114: {  	v52 =	vshll.u32 v19, $0x7;
	[tilespmem:v14+s26+$0x0] =	vst.idx.msk vm3, v11;
	v11 =	vmov s20;
	v23 =	vadd.s32 v23, v22  }
0x115: {  	v53 =	vadd.s32 v8, v52;
	v54 =	vshll.u32 v22, $0x7;
	[tilespmem:v15+s26+$0x0] =	vst.idx.msk vm4, v11;
	v11 =	vmov s0  }
0x116: {  	v21 =	vadd.s32 v49, v23;
	v55 =	vadd.s32 v8, v54;
	v56 =	vshll.u32 v23, $0x7  }
0x117: {  	v24 =	vadd.s32 v24, v21;
	v57 =	vadd.s32 v8, v56;
	v58 =	vshll.u32 v21, $0x7  }
0x118: {  	v25 =	vadd.s32 v25, v24;
	v59 =	vadd.s32 v8, v58;
	v60 =	vshll.u32 v24, $0x7  }
0x119: {  	[tilespmem:v9+s26+$0x0] =	vst.idx.msk vm6, v11;
	v9 =	vmov s15;
	v11 =	vadd.s32 v8, v60;
	v61 =	vshll.u32 v25, $0x7  }
0x11a: {  	s31 =	spop (v2sf);
	[tilespmem:v53+s26+$0x0] =	vst.idx.msk vm7, v9;
	v9 =	vmov s28;
	v62 =	vadd.s32 v8, v61  }
0x11b: {  	p2 =	slt.u32 s31, $0x80000011;
	[tilespmem:v55+s26+$0x0] =	vst.idx.msk vm8, v9;
	v9 =	vmov s7  }
.Ltmp8:
0x11c: {  	[tilespmem:v57+s26+$0x0] =	vst.idx.msk vm10, v9;
	v9 =	vmov s13;
	(pc) =	sbr.rel @p2 .LBB2_10-.Ltmp8, $4  }
0x11d: {  	[tilespmem:v59+s26+$0x0] =	vst.idx.msk vm11, v9;
	v9 =	vmov s23  }
0x11e: {  	v63 =	vsel vm13, $0x1, v3;
	[tilespmem:v11+s26+$0x0] =	vst.idx.msk vm12, v9;
	v9 =	vmov s21  }
0x11f: {  	[tilespmem:v62+s26+$0x0] =	vst.idx.msk vm13, v9;
	v9 =	vadd.s32 v63, v25  }
0x120: {  	[tilespmem:s10+$0x12900] =	vst v9  }
0x121: {  	v11 =	vxor.u32 $0x80000000, v9  }
0x122: {  	(xrf0) =	vmax.scan.msk.u32 $0xffff, v11;
	_ =	sdelay $0x5  }
0x123: {  	v11, _, _ =	vpop (xrf0)  }
0x124: {  	(v2sf) =	vpush v11, $0xF;
	_ =	sdelay $0xe  }
0x125: {  	s0 =	spop (v2sf)  }
0x126: {  	s0 =	sadd.s32 $0x80000003, s0  }
0x127: {  	s1 =	sand.u32 $0x3, s0  }
0x128: {  	s31 =	sshra.s32 s0, $0x1F;
	p3 =	slt.s32 s0, $0x1;
	p2 =	sne.s32 s1, $0x0  }
0x129: {  	v16 =	vld [tilespmem:s10+$0x12080];
	s1 =	sshrl.u32 s31, $0x1E;
	p2 =	por !p3, !p2  }
0x12a: {  	v13 =	vld [tilespmem:s11+$0x12080];
	s0 =	sadd.s32 s1, s0;
	s1 =	simm.s32 $0x1;
	p2 =	por !p2, !p2  }
0x12b: {  	v18 =	vld [tilespmem:s12+$0x12080];
	s0 =	sshra.s32 s0, $0x2;
	s1 =	simm.s32 @!p2 $0x0  }
0x12c: {  	v19 =	vld [tilespmem:s19+$0x12080];
	s0 =	ssub.s32 s0, s1  }
0x12d: {  	v17 =	vld [tilespmem:s17+$0x12080];
	p2 =	slt.s32 s0, $0x1  }
.Ltmp9:
0x12e: {  	v12 =	vld [tilespmem:s10+$0x12480];
	(pc) =	sbr.rel @p2 .LBB2_9-.Ltmp9, $4  }
0x12f: {  	v21 =	vld [tilespmem:s11+$0x12480]  }
0x130: {  	v23 =	vld [tilespmem:s12+$0x12480]  }
0x131: {  	v22 =	vld [tilespmem:s19+$0x12480]  }
0x132: {  	v11 =	vld [tilespmem:s17+$0x12480];
	s1 =	simm.s32 $0x3  }
0x133: {  	s2 =	sadd.s32 $0xFFFFFFFD, s1  }
0x134: {  	s30 =	sadd.s32 $0xFFFFFFFE, s1;
	v14 =	vmov s2  }
0x135: {  	v15 =	vmov s30;
	vm1 =	vlt.s32 v14, v9;
	v14 =	vshll.u32 v14, $0x7  }
0x136: {  	vm0 =	vlt.s32 v15, v9;
	v15 =	vshll.u32 v15, $0x7;
	v14 =	vadd.s32 v8, v14  }
0x137: {  	v15 =	vadd.s32 v8, v15;
	_ =	sdelay $0x3  }
0x138: {  	v14 =	vld.idx.msk [tilespmem:v14+s26+$0x0], vm1  }
0x139: {  	v15 =	vld.idx.msk [tilespmem:v15+s26+$0x0], vm0  }
0x13a: {  	s31 =	sadd.s32 $0xFFFFFFFF, s1  }
0x13b: {  	v20 =	vmov s31  }
0x13c: {  	v24 =	vshll.u32 v20, $0x7;
	vm2 =	vlt.s32 v20, v9  }
0x13d: {  	v20 =	vnsel vm1, $0x0, v14;
	v14 =	vadd.s32 v8, v24  }
0x13e: {  	v25 =	vnsel vm0, $0x0, v15;
	v24 =	vshll.u32 v20, $0x7  }
0x13f: {  	v15 =	vshll.u32 v25, $0x7;
	v24 =	vadd.s32 v8, v24  }
0x140: {  	v15 =	vadd.s32 v8, v15;
	_ =	sdelay $0x1  }
0x141: {  	v14 =	vld.idx.msk [tilespmem:v14+s26+$0x0], vm2;
	_ =	sdelay $0x1  }
0x142: {  	v26 =	vmov s1;
	v24 =	vld.idx.msk [tilespmem:v24+s24+$0x0], vm1  }
0x143: {  	vm3 =	vlt.s32 v26, v9;
	v26 =	vshll.u32 v26, $0x7;
	v27 =	vld.idx.msk [tilespmem:v15+s24+$0x0], vm0  }
0x144: {  	v26 =	vadd.s32 v8, v26  }
0x145: {  	v14 =	vnsel vm2, $0x0, v14  }
0x146: {  	v15 =	vshll.u32 v14, $0x7  }
0x147: {  	v28 =	vnsel vm1, $0xFF800000, v24;
	v29 =	vadd.s32 v8, v15;
	v15 =	vadd.s32 v7, v20  }
0x148: {  	v33 =	vnsel vm0, $0xFF800000, v27;
	vm5 =	vgt.f32 v28, v16;
	vm1 =	vgt.f32 v28, v13  }
0x149: {  	v26 =	vld.idx.msk [tilespmem:v26+s26+$0x0], vm3;
	vm4 =	vgt.f32 v28, v18;
	vm0 =	vgt.f32 v28, v19;
	vm8 =	vgt.f32 v28, v17  }
0x14a: {  	v20 =	vsel vm5, v16, v28;
	v24 =	vsel vm1, v13, v28;
	v31 =	vsel vm4, v18, v28  }
0x14b: {  	v32 =	vsel vm5, v12, v15;
	v34 =	vsel vm4, v23, v15;
	v16 =	vsel vm5, v28, v16  }
0x14c: {  	v30 =	vsel vm1, v20, v13;
	v13 =	vsel vm4, v24, v18;
	v24 =	vsel vm1, v21, v15  }
0x14d: {  	v18 =	vsel vm0, v19, v28;
	v20 =	vsel vm0, v22, v15;
	v27 =	vsel vm1, v32, v21  }
0x14e: {  	v21 =	vnsel vm3, $0x0, v26;
	v19 =	vsel vm0, v31, v19;
	v26 =	vsel vm0, v34, v22  }
0x14f: {  	p2 =	sne.s32 s0, $0x1;
	vm0 =	vgt.f32 v33, v16;
	v18 =	vsel vm8, v18, v17;
	v17 =	vsel vm4, v24, v23;
	v62 =	vld.idx.msk [tilespmem:v29+s24+$0x0], vm2  }
.Ltmp10:
0x150: {  	v24 =	vadd.s32 v7, v25;
	vm7 =	vgt.f32 v33, v13;
	vm9 =	vgt.f32 v33, v19;
	(pc) =	sbr.rel @!p2 .LBB2_8-.Ltmp10, $4  }
0x151: {  	v22 =	vshll.u32 v21, $0x7;
	vm1 =	vgt.f32 v33, v30;
	v63 =	vsel vm0, v16, v33  }
0x152: {  	v25 =	vsel vm0, v33, v16;
	v23 =	vsel vm7, v13, v33;
	v29 =	vsel vm9, v19, v33  }
0x153: {  	v31 =	vadd.s32 v8, v22;
	v28 =	vsel vm1, v30, v33;
	v22 =	vsel vm1, v63, v30  }
0x154: {  	s18 =	sadd.s32 $0xFFFFFFFF, s0;
	s29 =	sadd.s32 $0x4, s1;
	v30 =	vsel vm1, v27, v24;
	v16 =	vnsel vm2, $0xFF800000, v62;
	vm2 =	vgt.f32 v33, v18  }
.LBB2_7:
0x155: {  	s0 =	sadd.s32 $0xFFFFFFFD, s29;
	s1 =	sadd.s32 $0xFFFFFFFE, s29;
	s2 =	sadd.s32 $0xFFFFFFFF, s29;
	v32 =	vsel vm9, v26, v24;
	v14 =	vadd.s32 v7, v14;
	vm6 =	vgt.f32 v16, v25  }
0x156: {  	p2 =	sne.s32 s18, $0x1;
	s18 =	sadd.s32 $0xFFFFFFFF, s18;
	v12 =	vsel vm5, v15, v12;
	v33 =	vmov s0;
	v34 =	vmov s1  }
0x157: {  	vm5 =	vlt.s32 v33, v9;
	v15 =	vshll.u32 v33, $0x7;
	v33 =	vsel vm6, v25, v16  }
0x158: {  	v35 =	vsel vm0, v12, v24;
	vm4 =	vlt.s32 v34, v9;
	v15 =	vadd.s32 v8, v15;
	v31 =	vld.idx.msk [tilespmem:v31+s24+$0x0], vm3  }
0x159: {  	v36 =	vmov s2;
	v12 =	vsel vm0, v24, v12;
	v34 =	vshll.u32 v34, $0x7  }
0x15a: {  	v27 =	vsel vm1, v35, v27;
	v35 =	vsel vm6, v12, v14;
	v34 =	vadd.s32 v8, v34  }
0x15b: {  	v11 =	vsel vm8, v20, v11;
	v20 =	vsel vm7, v17, v24  }
0x15c: {  	v18 =	vsel vm2, v29, v18;
	v11 =	vsel vm2, v32, v11;
	v20 =	vsel vm9, v20, v26  }
0x15d: {  	v17 =	vsel vm7, v30, v17;
	v21 =	vadd.s32 v7, v21;
	vm2 =	vgt.f32 v16, v18;
	v15 =	vld.idx.msk [tilespmem:v15+s26+$0x0], vm5  }
0x15e: {  	v19 =	vsel vm9, v23, v19;
	v13 =	vsel vm7, v28, v13;
	v12 =	vsel vm6, v14, v12  }
0x15f: {  	v24 =	vshll.u32 v36, $0x7;
	vm1 =	vgt.f32 v16, v22;
	v25 =	vsel vm6, v16, v25;
	v23 =	vld.idx.msk [tilespmem:v34+s26+$0x0], vm4  }
0x160: {  	vm8 =	vgt.f32 v16, v13;
	v26 =	vsel vm1, v27, v14;
	v28 =	vsel vm1, v33, v22  }
0x161: {  	vm9 =	vgt.f32 v16, v19;
	vm6 =	vlt.s32 v36, v9;
	v29 =	vsel vm8, v13, v16  }
0x162: {  	v24 =	vadd.s32 v8, v24;
	v22 =	vsel vm1, v22, v16;
	v30 =	vnsel vm3, $0xFF800000, v31  }
0x163: {  	v29 =	vsel vm9, v29, v19;
	vm7 =	vgt.f32 v30, v25;
	v15 =	vnsel vm5, $0x0, v15  }
0x164: {  	vm0 =	vgt.f32 v30, v28;
	v32 =	vsel vm7, v25, v30;
	v31 =	vshll.u32 v15, $0x7  }
0x165: {  	v27 =	vsel vm1, v35, v27;
	v31 =	vadd.s32 v8, v31;
	v23 =	vnsel vm4, $0x0, v23  }
0x166: {  	v16 =	vsel vm9, v19, v16;
	vm1 =	vgt.f32 v30, v29;
	v33 =	vshll.u32 v23, $0x7  }
0x167: {  	v25 =	vsel vm7, v30, v25;
	v19 =	vadd.s32 v8, v33;
	v33 =	vsel vm0, v27, v21;
	v24 =	vld.idx.msk [tilespmem:v24+s26+$0x0], vm6  }
0x168: {  	v26 =	vsel vm8, v26, v17;
	v34 =	vsel vm0, v28, v30;
	v28 =	vsel vm0, v32, v28  }
0x169: {  	v16 =	vsel vm2, v16, v18;
	v17 =	vsel vm8, v17, v14;
	v18 =	vsel vm1, v29, v30  }
0x16a: {  	v14 =	vsel vm9, v20, v14;
	v13 =	vsel vm8, v22, v13;
	v17 =	vsel vm9, v17, v20;
	v31 =	vld.idx.msk [tilespmem:v31+s24+$0x0], vm5  }
0x16b: {  	v11 =	vsel vm2, v14, v11;
	vm2 =	vgt.f32 v30, v13;
	v20 =	vsel vm1, v17, v21  }
0x16c: {  	v22 =	vmov s29;
	v35 =	vsel vm7, v12, v21;
	v32 =	vsel vm2, v13, v30;
	v19 =	vld.idx.msk [tilespmem:v19+s24+$0x0], vm4  }
0x16d: {  	vm3 =	vlt.s32 v22, v9;
	v13 =	vsel vm2, v34, v13;
	v14 =	vnsel vm6, $0x0, v24  }
0x16e: {  	v22 =	vshll.u32 v22, $0x7;
	v12 =	vsel vm7, v21, v12;
	v24 =	vshll.u32 v14, $0x7  }
0x16f: {  	v22 =	vadd.s32 v8, v22;
	vm8 =	vgt.f32 v30, v16;
	v24 =	vadd.s32 v8, v24  }
0x170: {  	v15 =	vadd.s32 v7, v15;
	v21 =	vsel vm2, v26, v21;
	v30 =	vnsel vm5, $0xFF800000, v31  }
0x171: {  	v31 =	vsel vm1, v21, v17;
	vm5 =	vgt.f32 v30, v25;
	vm7 =	vgt.f32 v30, v28  }
0x172: {  	v11 =	vsel vm8, v20, v11;
	v17 =	vsel vm7, v28, v30;
	v21 =	vsel vm5, v25, v30  }
0x173: {  	v16 =	vsel vm8, v18, v16;
	vm9 =	vgt.f32 v30, v13;
	v34 =	vsel vm7, v21, v28  }
0x174: {  	v27 =	vsel vm0, v35, v27;
	v28 =	vsel vm5, v12, v15;
	v21 =	vld.idx.msk [tilespmem:v22+s26+$0x0], vm3;
	v22 =	vsel vm9, v13, v30  }
0x175: {  	v29 =	vsel vm1, v32, v29;
	v13 =	vsel vm9, v17, v13;
	v17 =	vsel vm2, v33, v26;
	v35 =	vld.idx.msk [tilespmem:v24+s24+$0x0], vm6  }
0x176: {  	vm0 =	vgt.f32 v30, v29;
	v32 =	vnsel vm4, $0xFF800000, v19;
	v19 =	vsel vm7, v27, v15  }
0x177: {  	vm8 =	vgt.f32 v30, v16;
	v18 =	vsel vm0, v29, v30;
	v20 =	vsel vm0, v31, v15  }
0x178: {  	v18 =	vsel vm8, v18, v16;
	v16 =	vsel vm9, v17, v15;
	v17 =	vsel vm9, v19, v17  }
0x179: {  	v27 =	vsel vm7, v28, v27;
	v24 =	vadd.s32 v7, v23;
	vm7 =	vgt.f32 v32, v13  }
0x17a: {  	v19 =	vsel vm0, v22, v29;
	v26 =	vsel vm0, v16, v31;
	v21 =	vnsel vm3, $0x0, v21  }
.Ltmp11:
0x17b: {  	v16 =	vsel vm5, v30, v25;
	vm9 =	vgt.f32 v32, v19;
	v23 =	vsel vm7, v13, v32;
	(pc) =	sbr.rel @p2 .LBB2_7-.Ltmp11, $4  }
0x17c: {  	vm0 =	vgt.f32 v32, v16;
	v29 =	vsel vm9, v19, v32;
	v22 =	vshll.u32 v21, $0x7  }
0x17d: {  	vm1 =	vgt.f32 v32, v34;
	v30 =	vsel vm0, v16, v32;
	v25 =	vsel vm0, v32, v16  }
0x17e: {  	v28 =	vsel vm1, v34, v32;
	v31 =	vadd.s32 v8, v22;
	v22 =	vsel vm1, v30, v34  }
0x17f: {  	s29 =	sadd.s32 $0x4, s29;
	vm2 =	vgt.f32 v32, v18;
	v16 =	vnsel vm6, $0xFF800000, v35;
	v30 =	vsel vm1, v27, v24  }
.Ltmp12:
0x180: {  	_ = 	snop;
	(pc) =	sbr.rel .LBB2_8-.Ltmp12, $1  }
0x181: {  	_ =	sdelay $0x3  }
.LBB2_11:
0x182: {  	v10 =	vxor.u32 $0x80000000, v9  }
0x183: {  	(xrf0) =	vmax.scan.msk.u32 $0xffff, v10;
	_ =	sdelay $0x5  }
0x184: {  	v10, _, _ =	vpop (xrf0)  }
0x185: {  	(v2sf) =	vpush v10, $0xF;
	_ =	sdelay $0xe  }
0x186: {  	s0 =	spop (v2sf)  }
0x187: {  	s0 =	sadd.s32 $0x80000003, s0  }
0x188: {  	s1 =	sand.u32 $0x3, s0  }
0x189: {  	s31 =	sshra.s32 s0, $0x1F;
	p3 =	slt.s32 s0, $0x1;
	p2 =	sne.s32 s1, $0x0  }
0x18a: {  	v15 =	vld [tilespmem:s10+$0x12080];
	s1 =	sshrl.u32 s31, $0x1E;
	p2 =	por !p3, !p2  }
0x18b: {  	v12 =	vld [tilespmem:s11+$0x12080];
	s0 =	sadd.s32 s1, s0;
	s1 =	simm.s32 $0x1;
	p2 =	por !p2, !p2  }
0x18c: {  	v17 =	vld [tilespmem:s12+$0x12080];
	s0 =	sshra.s32 s0, $0x2;
	s1 =	simm.s32 @!p2 $0x0  }
0x18d: {  	v18 =	vld [tilespmem:s19+$0x12080];
	s0 =	ssub.s32 s0, s1  }
0x18e: {  	v16 =	vld [tilespmem:s17+$0x12080];
	p2 =	slt.s32 s0, $0x1  }
.Ltmp13:
0x18f: {  	v11 =	vld [tilespmem:s10+$0x12480];
	(pc) =	sbr.rel @p2 .LBB2_15-.Ltmp13, $4  }
0x190: {  	v20 =	vld [tilespmem:s11+$0x12480]  }
0x191: {  	v22 =	vld [tilespmem:s12+$0x12480]  }
0x192: {  	v21 =	vld [tilespmem:s19+$0x12480]  }
0x193: {  	v10 =	vld [tilespmem:s17+$0x12480];
	s1 =	simm.s32 $0x3  }
0x194: {  	s2 =	sadd.s32 $0xFFFFFFFD, s1  }
0x195: {  	s30 =	sadd.s32 $0xFFFFFFFE, s1;
	v13 =	vmov s2  }
0x196: {  	v14 =	vmov s30;
	vm1 =	vlt.s32 v13, v9;
	v13 =	vshll.u32 v13, $0x7  }
0x197: {  	vm0 =	vlt.s32 v14, v9;
	v14 =	vshll.u32 v14, $0x7;
	v13 =	vadd.s32 v8, v13  }
0x198: {  	v14 =	vadd.s32 v8, v14;
	_ =	sdelay $0x3  }
0x199: {  	v13 =	vld.idx.msk [tilespmem:v13+s26+$0x0], vm1  }
0x19a: {  	v14 =	vld.idx.msk [tilespmem:v14+s26+$0x0], vm0  }
0x19b: {  	s31 =	sadd.s32 $0xFFFFFFFF, s1  }
0x19c: {  	v19 =	vmov s31  }
0x19d: {  	v23 =	vshll.u32 v19, $0x7;
	vm2 =	vlt.s32 v19, v9  }
0x19e: {  	v19 =	vnsel vm1, $0x0, v13;
	v13 =	vadd.s32 v8, v23  }
0x19f: {  	v24 =	vnsel vm0, $0x0, v14;
	v23 =	vshll.u32 v19, $0x7  }
0x1a0: {  	v14 =	vshll.u32 v24, $0x7;
	v23 =	vadd.s32 v8, v23  }
0x1a1: {  	v14 =	vadd.s32 v8, v14;
	_ =	sdelay $0x1  }
0x1a2: {  	v13 =	vld.idx.msk [tilespmem:v13+s26+$0x0], vm2;
	_ =	sdelay $0x1  }
0x1a3: {  	v25 =	vmov s1;
	v23 =	vld.idx.msk [tilespmem:v23+s24+$0x0], vm1  }
0x1a4: {  	vm3 =	vlt.s32 v25, v9;
	v25 =	vshll.u32 v25, $0x7;
	v26 =	vld.idx.msk [tilespmem:v14+s24+$0x0], vm0  }
0x1a5: {  	v25 =	vadd.s32 v8, v25  }
0x1a6: {  	v13 =	vnsel vm2, $0x0, v13  }
0x1a7: {  	v14 =	vshll.u32 v13, $0x7  }
0x1a8: {  	v27 =	vnsel vm1, $0xFF800000, v23;
	v28 =	vadd.s32 v8, v14;
	v14 =	vadd.s32 v7, v19  }
0x1a9: {  	v32 =	vnsel vm0, $0xFF800000, v26;
	vm5 =	vgt.f32 v27, v15;
	vm1 =	vgt.f32 v27, v12  }
0x1aa: {  	v25 =	vld.idx.msk [tilespmem:v25+s26+$0x0], vm3;
	vm4 =	vgt.f32 v27, v17;
	vm0 =	vgt.f32 v27, v18;
	vm8 =	vgt.f32 v27, v16  }
0x1ab: {  	v19 =	vsel vm5, v15, v27;
	v23 =	vsel vm1, v12, v27;
	v30 =	vsel vm4, v17, v27  }
0x1ac: {  	v31 =	vsel vm5, v11, v14;
	v33 =	vsel vm4, v22, v14;
	v15 =	vsel vm5, v27, v15  }
0x1ad: {  	v29 =	vsel vm1, v19, v12;
	v12 =	vsel vm4, v23, v17;
	v23 =	vsel vm1, v20, v14  }
0x1ae: {  	v17 =	vsel vm0, v18, v27;
	v19 =	vsel vm0, v21, v14;
	v26 =	vsel vm1, v31, v20  }
0x1af: {  	v20 =	vnsel vm3, $0x0, v25;
	v18 =	vsel vm0, v30, v18;
	v25 =	vsel vm0, v33, v21  }
0x1b0: {  	p2 =	sne.s32 s0, $0x1;
	vm0 =	vgt.f32 v32, v15;
	v17 =	vsel vm8, v17, v16;
	v16 =	vsel vm4, v23, v22;
	v31 =	vld.idx.msk [tilespmem:v28+s24+$0x0], vm2  }
.Ltmp14:
0x1b1: {  	v23 =	vadd.s32 v7, v24;
	vm7 =	vgt.f32 v32, v12;
	vm9 =	vgt.f32 v32, v18;
	(pc) =	sbr.rel @!p2 .LBB2_14-.Ltmp14, $4  }
0x1b2: {  	v21 =	vshll.u32 v20, $0x7;
	vm1 =	vgt.f32 v32, v29;
	v63 =	vsel vm0, v15, v32  }
0x1b3: {  	v24 =	vsel vm0, v32, v15;
	v22 =	vsel vm7, v12, v32;
	v28 =	vsel vm9, v18, v32  }
0x1b4: {  	v30 =	vadd.s32 v8, v21;
	v27 =	vsel vm1, v29, v32;
	v21 =	vsel vm1, v63, v29  }
0x1b5: {  	s14 =	sadd.s32 $0xFFFFFFFF, s0;
	s18 =	sadd.s32 $0x4, s1;
	v29 =	vsel vm1, v26, v23;
	v15 =	vnsel vm2, $0xFF800000, v31;
	vm2 =	vgt.f32 v32, v17  }
.LBB2_13:
0x1b6: {  	s0 =	sadd.s32 $0xFFFFFFFD, s18;
	s1 =	sadd.s32 $0xFFFFFFFE, s18;
	s2 =	sadd.s32 $0xFFFFFFFF, s18;
	v31 =	vsel vm9, v25, v23;
	v13 =	vadd.s32 v7, v13;
	vm6 =	vgt.f32 v15, v24  }
0x1b7: {  	p2 =	sne.s32 s14, $0x1;
	s14 =	sadd.s32 $0xFFFFFFFF, s14;
	v11 =	vsel vm5, v14, v11;
	v32 =	vmov s0;
	v33 =	vmov s1  }
0x1b8: {  	vm5 =	vlt.s32 v32, v9;
	v14 =	vshll.u32 v32, $0x7;
	v32 =	vsel vm6, v24, v15  }
0x1b9: {  	v34 =	vsel vm0, v11, v23;
	vm4 =	vlt.s32 v33, v9;
	v14 =	vadd.s32 v8, v14;
	v30 =	vld.idx.msk [tilespmem:v30+s24+$0x0], vm3  }
0x1ba: {  	v35 =	vmov s2;
	v11 =	vsel vm0, v23, v11;
	v33 =	vshll.u32 v33, $0x7  }
0x1bb: {  	v26 =	vsel vm1, v34, v26;
	v34 =	vsel vm6, v11, v13;
	v33 =	vadd.s32 v8, v33  }
0x1bc: {  	v10 =	vsel vm8, v19, v10;
	v19 =	vsel vm7, v16, v23  }
0x1bd: {  	v17 =	vsel vm2, v28, v17;
	v10 =	vsel vm2, v31, v10;
	v19 =	vsel vm9, v19, v25  }
0x1be: {  	v16 =	vsel vm7, v29, v16;
	v20 =	vadd.s32 v7, v20;
	vm2 =	vgt.f32 v15, v17;
	v14 =	vld.idx.msk [tilespmem:v14+s26+$0x0], vm5  }
0x1bf: {  	v18 =	vsel vm9, v22, v18;
	v12 =	vsel vm7, v27, v12;
	v11 =	vsel vm6, v13, v11  }
0x1c0: {  	v23 =	vshll.u32 v35, $0x7;
	vm1 =	vgt.f32 v15, v21;
	v24 =	vsel vm6, v15, v24;
	v22 =	vld.idx.msk [tilespmem:v33+s26+$0x0], vm4  }
0x1c1: {  	vm8 =	vgt.f32 v15, v12;
	v25 =	vsel vm1, v26, v13;
	v27 =	vsel vm1, v32, v21  }
0x1c2: {  	vm9 =	vgt.f32 v15, v18;
	vm6 =	vlt.s32 v35, v9;
	v28 =	vsel vm8, v12, v15  }
0x1c3: {  	v23 =	vadd.s32 v8, v23;
	v21 =	vsel vm1, v21, v15;
	v29 =	vnsel vm3, $0xFF800000, v30  }
0x1c4: {  	v28 =	vsel vm9, v28, v18;
	vm7 =	vgt.f32 v29, v24;
	v14 =	vnsel vm5, $0x0, v14  }
0x1c5: {  	vm0 =	vgt.f32 v29, v27;
	v31 =	vsel vm7, v24, v29;
	v30 =	vshll.u32 v14, $0x7  }
0x1c6: {  	v26 =	vsel vm1, v34, v26;
	v30 =	vadd.s32 v8, v30;
	v22 =	vnsel vm4, $0x0, v22  }
0x1c7: {  	v15 =	vsel vm9, v18, v15;
	vm1 =	vgt.f32 v29, v28;
	v32 =	vshll.u32 v22, $0x7  }
0x1c8: {  	v24 =	vsel vm7, v29, v24;
	v18 =	vadd.s32 v8, v32;
	v32 =	vsel vm0, v26, v20;
	v23 =	vld.idx.msk [tilespmem:v23+s26+$0x0], vm6  }
0x1c9: {  	v25 =	vsel vm8, v25, v16;
	v33 =	vsel vm0, v27, v29;
	v27 =	vsel vm0, v31, v27  }
0x1ca: {  	v15 =	vsel vm2, v15, v17;
	v16 =	vsel vm8, v16, v13;
	v17 =	vsel vm1, v28, v29  }
0x1cb: {  	v13 =	vsel vm9, v19, v13;
	v12 =	vsel vm8, v21, v12;
	v16 =	vsel vm9, v16, v19;
	v30 =	vld.idx.msk [tilespmem:v30+s24+$0x0], vm5  }
0x1cc: {  	v10 =	vsel vm2, v13, v10;
	vm2 =	vgt.f32 v29, v12;
	v19 =	vsel vm1, v16, v20  }
0x1cd: {  	v21 =	vmov s18;
	v34 =	vsel vm7, v11, v20;
	v31 =	vsel vm2, v12, v29;
	v18 =	vld.idx.msk [tilespmem:v18+s24+$0x0], vm4  }
0x1ce: {  	vm3 =	vlt.s32 v21, v9;
	v12 =	vsel vm2, v33, v12;
	v13 =	vnsel vm6, $0x0, v23  }
0x1cf: {  	v21 =	vshll.u32 v21, $0x7;
	v11 =	vsel vm7, v20, v11;
	v23 =	vshll.u32 v13, $0x7  }
0x1d0: {  	v21 =	vadd.s32 v8, v21;
	vm8 =	vgt.f32 v29, v15;
	v23 =	vadd.s32 v8, v23  }
0x1d1: {  	v14 =	vadd.s32 v7, v14;
	v20 =	vsel vm2, v25, v20;
	v29 =	vnsel vm5, $0xFF800000, v30  }
0x1d2: {  	v30 =	vsel vm1, v20, v16;
	vm5 =	vgt.f32 v29, v24;
	vm7 =	vgt.f32 v29, v27  }
0x1d3: {  	v10 =	vsel vm8, v19, v10;
	v16 =	vsel vm7, v27, v29;
	v20 =	vsel vm5, v24, v29  }
0x1d4: {  	v15 =	vsel vm8, v17, v15;
	vm9 =	vgt.f32 v29, v12;
	v33 =	vsel vm7, v20, v27  }
0x1d5: {  	v26 =	vsel vm0, v34, v26;
	v27 =	vsel vm5, v11, v14;
	v20 =	vld.idx.msk [tilespmem:v21+s26+$0x0], vm3;
	v21 =	vsel vm9, v12, v29  }
0x1d6: {  	v28 =	vsel vm1, v31, v28;
	v12 =	vsel vm9, v16, v12;
	v16 =	vsel vm2, v32, v25;
	v34 =	vld.idx.msk [tilespmem:v23+s24+$0x0], vm6  }
0x1d7: {  	vm0 =	vgt.f32 v29, v28;
	v31 =	vnsel vm4, $0xFF800000, v18;
	v18 =	vsel vm7, v26, v14  }
0x1d8: {  	vm8 =	vgt.f32 v29, v15;
	v17 =	vsel vm0, v28, v29;
	v19 =	vsel vm0, v30, v14  }
0x1d9: {  	v17 =	vsel vm8, v17, v15;
	v15 =	vsel vm9, v16, v14;
	v16 =	vsel vm9, v18, v16  }
0x1da: {  	v26 =	vsel vm7, v27, v26;
	v23 =	vadd.s32 v7, v22;
	vm7 =	vgt.f32 v31, v12  }
0x1db: {  	v18 =	vsel vm0, v21, v28;
	v25 =	vsel vm0, v15, v30;
	v20 =	vnsel vm3, $0x0, v20  }
.Ltmp15:
0x1dc: {  	v15 =	vsel vm5, v29, v24;
	vm9 =	vgt.f32 v31, v18;
	v22 =	vsel vm7, v12, v31;
	(pc) =	sbr.rel @p2 .LBB2_13-.Ltmp15, $4  }
0x1dd: {  	vm0 =	vgt.f32 v31, v15;
	v28 =	vsel vm9, v18, v31;
	v21 =	vshll.u32 v20, $0x7  }
0x1de: {  	vm1 =	vgt.f32 v31, v33;
	v29 =	vsel vm0, v15, v31;
	v24 =	vsel vm0, v31, v15  }
0x1df: {  	v27 =	vsel vm1, v33, v31;
	v30 =	vadd.s32 v8, v21;
	v21 =	vsel vm1, v29, v33  }
0x1e0: {  	s18 =	sadd.s32 $0x4, s18;
	vm2 =	vgt.f32 v31, v17;
	v15 =	vnsel vm6, $0xFF800000, v34;
	v29 =	vsel vm1, v26, v23  }
.Ltmp16:
0x1e1: {  	_ = 	snop;
	(pc) =	sbr.rel .LBB2_14-.Ltmp16, $1  }
0x1e2: {  	_ =	sdelay $0x3  }
.LBB2_16:
0x1e3: {  	p1 =	seq.s32 s6, $0x1F  }
0x1e4: {  	s0 =	sadd.s32 @!p1 $0x2, s8  }
0x1e5: {  	s2 =	rddreg [dreg:$0xe];
	s1 =	sshrl.u32 @!p1 s0, $0x2  }
0x1e6: {  	s0 =	sshll.u32 @!p1 s0, $0x14;
	s1 =	sadd.s32 @!p1 s2, s1  }
0x1e7: {  	s0 =	sand.u32 @!p1 $0x200000, s0;
	s1 =	sshll.u32 @!p1 s1, $0xA  }
0x1e8: {  	s0 =	sor.u32 @!p1 s1, s0;
	s1 =	rddreg [dreg:$0xc]  }
0x1e9: {  	s30 =	simm.s32 $0x2;
	s3 =	simm.s32 @!p1 $0x880;
	s0 =	sor.u32 @!p1 s1, s0  }
0x1ea: {  	s2 =	simm.s32 @!p1 $0x8000;
	s1 =	rddreg [dreg:$0x0];
	s0 =	sshrl.u32 @!p1 s0, $0x3  }
.Ltmp17:
0x1eb: {  	s0 =	sadd.s32 @!p1 s1, s0;
	s1 =	simm.s32 @!p1 $0x400;
	(pc) =	sbr.rel .LBB2_17-.Ltmp17, $4  }
0x1ec: {  	[tilespmem:s3], [sflag:$0x1] =	stream.strided.gather @!p1 [hbm4b:s0+s1], $0x8000, s2, s1, $0x38;
	[tilespmem:$0x14200] =	vst v63  }
0x1ed: {  	s29 =	sand.u32 $0x3, s5;
	_ =	swait.ge [sflag:s30], $0x8000  }
0x1ee: {  	s31 =	sshll.u32 s29, $0x8;
	[sflag:s30] =	ssyncset.done $0x0  }
0x1ef: {  	s17 =	simm.s32 $0x0;
	v7 =	vmov s31;
	p1 =	sne.s32 s29, $0x3;
	[sflag:s30] =	ssyncadd.s32 $0xFFFF8000  }
.LBB2_35:
0x1f0: {  	s17 =	sadd.s32 $0x1, s17  }
0x1f1: {  	p2 =	seq.s32 s17, $0x8  }
.Ltmp18:
0x1f2: {  	_ = 	snop;
	(pc) =	sbr.rel @p2 .LBB2_32-.Ltmp18, $1  }
0x1f3: {  	_ =	sdelay $0x3  }
.LBB2_17:
.Ltmp19:
0x1f4: {  	(pc) =	sbr.rel .LBB2_18-.Ltmp19, $4  }
0x1f5: {  	_ = 	snop  }
0x1f6: {  	s10 =	sshll.u32 s17, $0x4  }
0x1f7: {  	s11 =	simm.s32 $0x0;
	s0 =	sadd.s32 $0x8880, s10;
	s9 =	sor.u32 $0x80, s10  }
0x1f8: {  	s8 =	sor.u32 $0x100, s10;
	v8 =	vor.u32 s10, v0;
	s5 =	sor.u32 $0x180, s10;
	s19 =	sor.u32 $0x200, s10;
	v10 =	vmov s0  }
.LBB2_22:
0x1f9: {  	v9 =	vsel vm9, v26, v24;
	v12 =	vsel vm5, v15, v12  }
0x1fa: {  	v14 =	vadd.s32 v7, v14;
	vm4 =	vgt.f32 v16, v25;
	v11 =	vsel vm8, v20, v11  }
0x1fb: {  	v20 =	vsel vm7, v17, v24;
	v18 =	vsel vm2, v29, v18;
	v17 =	vsel vm7, v30, v17  }
0x1fc: {  	v19 =	vsel vm9, v23, v19;
	v15 =	vsel vm0, v12, v24;
	v32 =	vsel vm4, v25, v16  }
0x1fd: {  	v12 =	vsel vm0, v24, v12;
	v9 =	vsel vm2, v9, v11;
	v11 =	vsel vm9, v20, v26  }
0x1fe: {  	vm8 =	vgt.f32 v16, v18;
	v20 =	vadd.s32 v7, v21;
	v21 =	vsel vm7, v28, v13  }
0x1ff: {  	v57 =	vld.idx.msk [tilespmem:v31+s25+$0x0], vm3;
	vm9 =	vgt.f32 v16, v22;
	v13 =	vsel vm4, v16, v25;
	vm11 =	vgt.f32 v16, v19  }
0x200: {  	v15 =	vsel vm1, v15, v27;
	v56 =	vsel vm4, v12, v14;
	v12 =	vsel vm4, v14, v12  }
0x201: {  	vm10 =	vgt.f32 v16, v21;
	v58 =	vsel vm9, v32, v22;
	v22 =	vsel vm9, v22, v16  }
0x202: {  	v23 =	vsel vm9, v15, v14;
	v59 =	vsel vm10, v21, v16;
	v15 =	vsel vm9, v56, v15  }
0x203: {  	v26 =	vsel vm11, v59, v19;
	v19 =	vsel vm11, v19, v16;
	v23 =	vsel vm10, v23, v17  }
0x204: {  	v17 =	vsel vm10, v17, v14;
	v14 =	vsel vm11, v11, v14;
	v24 =	vnsel vm3, $0xFF800000, v57  }
0x205: {  	v19 =	vsel vm8, v19, v18;
	v11 =	vsel vm11, v17, v11;
	v17 =	vsel vm10, v22, v21  }
0x206: {  	v9 =	vsel vm8, v14, v9;
	vm3 =	vgt.f32 v24, v13;
	vm12 =	vgt.f32 v24, v58  }
0x207: {  	vm13 =	vgt.f32 v24, v26;
	vm14 =	vgt.f32 v24, v17;
	vm15 =	vgt.f32 v24, v19  }
0x208: {  	v60 =	vsel vm3, v13, v24;
	v27 =	vsel vm12, v15, v20;
	v16 =	vsel vm3, v24, v13  }
0x209: {  	v61 =	vsel vm12, v58, v24;
	v62 =	vsel vm13, v26, v24;
	v14 =	vsel vm13, v11, v20  }
0x20a: {  	v63 =	vsel vm14, v17, v24;
	v21 =	vsel vm3, v12, v20;
	v12 =	vsel vm3, v20, v12  }
0x20b: {  	v13 =	vsel vm12, v60, v58;
	v18 =	vsel vm14, v61, v17;
	v17 =	vsel vm14, v23, v20  }
0x20c: {  	v21 =	vsel vm12, v21, v15;
	v23 =	vsel vm14, v27, v23;
	v22 =	vsel vm13, v17, v11  }
0x20d: {  	v11 =	vsel vm15, v14, v9;
	v17 =	vsel vm15, v62, v19;
	v19 =	vsel vm13, v63, v26  }
.LBB2_23:
0x20e: {  	[tilespmem:s10+$0x12080] =	vst v16  }
0x20f: {  	[tilespmem:s10+$0x12480] =	vst v12  }
0x210: {  	[tilespmem:s10+$0x12100] =	vst v13  }
0x211: {  	[tilespmem:s10+$0x12500] =	vst v21  }
0x212: {  	[tilespmem:s10+$0x12180] =	vst v18  }
0x213: {  	[tilespmem:s10+$0x12580] =	vst v23  }
0x214: {  	[tilespmem:s10+$0x12200] =	vst v19  }
0x215: {  	[tilespmem:s10+$0x12600] =	vst v22  }
0x216: {  	[tilespmem:s10+$0x12280] =	vst v17  }
0x217: {  	[tilespmem:s10+$0x12680] =	vst v11  }
0x218: {  	[tilespmem:s10+$0x12880] =	vst v17;
	v9 =	vimm.s32 $0x0  }
0x219: {  	[tilespmem:s10+$0x12900] =	vst v9  }
.LBB2_24:
0x21a: {  	s11 =	sadd.s32 $0x1, s11  }
0x21b: {  	p2 =	sne.s32 s11, $0x10  }
.Ltmp20:
0x21c: {  	_ = 	snop;
	(pc) =	sbr.rel @!p2 .LBB2_25-.Ltmp20, $1  }
0x21d: {  	_ =	sdelay $0x3  }
.LBB2_18:
0x21e: {  	_ = 	snop  }
0x21f: {  	s16 =	sshll.u32 s11, $0x4  }
0x220: {  	v9 =	vld [tilespmem:s10+$0x12880];
	s1 =	sshll.u32 s11, $0xB;
	s0 =	sor.u32 $0x1, s16  }
0x221: {  	v11 =	vld [tilespmem:s10+$0x12900];
	s2 =	sand.u32 $0x3FFFF800, s1;
	s1 =	sor.u32 $0x2, s16;
	s3 =	sshll.u32 s0, $0x7  }
0x222: {  	s14 =	sor.u32 $0x7, s16;
	v12 =	vld.idx.msk [tilespmem:v10+s2+$0x0 ss:$0x1], $0xffff;
	s4 =	sshll.u32 s1, $0x7;
	s3 =	sand.u32 $0x3FFFF880, s3  }
0x223: {  	s15 =	sor.u32 $0x8, s16;
	s23 =	sshll.u32 s14, $0x7;
	s4 =	sand.u32 $0x3FFFF900, s4;
	v13 =	vld.idx.msk [tilespmem:v10+s3+$0x0 ss:$0x1], $0xffff  }
0x224: {  	s2 =	sor.u32 $0x3, s16;
	s29 =	sshll.u32 s15, $0x7;
	s28 =	sand.u32 $0x3FFFFB80, s23;
	v14 =	vld.idx.msk [tilespmem:v10+s4+$0x0 ss:$0x1], $0xffff  }
0x225: {  	s7 =	sshll.u32 s2, $0x7;
	s30 =	sand.u32 $0x3FFFFC00, s29;
	s3 =	sor.u32 $0x4, s16;
	v19 =	vld.idx.msk [tilespmem:v10+s28+$0x0 ss:$0x1], $0xffff  }
0x226: {  	s7 =	sand.u32 $0x3FFFF980, s7;
	s4 =	sor.u32 $0x5, s16;
	v20 =	vld.idx.msk [tilespmem:v10+s30+$0x0 ss:$0x1], $0xffff;
	s12 =	sshll.u32 s3, $0x7  }
0x227: {  	v15 =	vld.idx.msk [tilespmem:v10+s7+$0x0 ss:$0x1], $0xffff;
	s13 =	sshll.u32 s4, $0x7;
	s18 =	sand.u32 $0x3FFFFA00, s12  }
0x228: {  	v48 =	vxor.u32 $0x80000000, v11;
	s20 =	sand.u32 $0x3FFFFA80, s13;
	v16 =	vld.idx.msk [tilespmem:v10+s18+$0x0 ss:$0x1], $0xffff  }
0x229: {  	v26 =	vmov s16;
	s12 =	sor.u32 $0x6, s16;
	(xrf0) =	vmax.scan.msk.u32 $0xffff, v48;
	v17 =	vld.idx.msk [tilespmem:v10+s20+$0x0 ss:$0x1], $0xffff;
	vm2 =	vge.f32 v12, v9  }
0x22a: {  	s21 =	sshll.u32 s12, $0x7;
	s18 =	sor.u32 $0x9, s16;
	v36 =	vsel vm2, $0x1, v3;
	vm1 =	vge.f32 v13, v9;
	vm15 =	vge.f32 v14, v9  }
0x22b: {  	s20 =	sor.u32 $0xA, s16;
	s22 =	sand.u32 $0x3FFFFB00, s21;
	s31 =	sshll.u32 s18, $0x7;
	vm3 =	vge.f32 v19, v9;
	vm4 =	vge.f32 v20, v9;
	v14 =	vadd.s32 v36, v11  }
0x22c: {  	s7 =	sor.u32 $0xC, s16;
	s21 =	sshll.u32 s20, $0x7;
	v18 =	vld.idx.msk [tilespmem:v10+s22+$0x0 ss:$0x1], $0xffff;
	s13 =	sand.u32 $0x3FFFFC80, s31;
	v11 =	vshll.u32 v11, $0x7;
	vm0 =	vge.f32 v15, v9;
	v38 =	vsel vm1, $0x1, v3  }
0x22d: {  	s22 =	sshll.u32 s7, $0x7;
	v21 =	vld.idx.msk [tilespmem:v10+s13+$0x0 ss:$0x1], $0xffff;
	s13 =	sand.u32 $0x3FFFFD00, s21;
	v40 =	vsel vm15, $0x1, v3;
	v46 =	vsel vm3, $0x1, v3;
	v11 =	vadd.s32 v8, v11  }
0x22e: {  	s28 =	sor.u32 $0xB, s16;
	s22 =	sand.u32 $0x3FFFFE00, s22;
	v22 =	vld.idx.msk [tilespmem:v10+s13+$0x0 ss:$0x1], $0xffff;
	v42 =	vsel vm0, $0x1, v3;
	vm14 =	vge.f32 v16, v9;
	vm5 =	vge.f32 v17, v9  }
0x22f: {  	s21 =	sshll.u32 s28, $0x7;
	v35 =	vld.idx.msk [tilespmem:v10+s22+$0x0 ss:$0x1], $0xffff;
	v16 =	vadd.s32 v38, v14;
	v14 =	vshll.u32 v14, $0x7;
	v27, _, _ =	vpop (xrf0);
	v43 =	vsel vm14, $0x1, v3  }
0x230: {  	s21 =	sand.u32 $0x3FFFFD80, s21;
	s13 =	sor.u32 $0xD, s16;
	v44 =	vsel vm5, $0x1, v3;
	v14 =	vadd.s32 v8, v14;
	(v2sf) =	vpush v27, $0xF  }
0x231: {  	s23 =	sor.u32 $0xE, s16;
	v34 =	vld.idx.msk [tilespmem:v10+s21+$0x0 ss:$0x1], $0xffff;
	s29 =	sshll.u32 s13, $0x7;
	vm9 =	vge.f32 v18, v9;
	v18 =	vadd.s32 v40, v16;
	v16 =	vshll.u32 v16, $0x7  }
0x232: {  	s21 =	sshllo.u32 s11, $0x4;
	s22 =	sand.u32 $0x3FFFFE80, s29;
	s29 =	sshll.u32 s23, $0x7;
	vm6 =	vge.f32 v21, v9;
	v20 =	vadd.s32 v42, v18;
	v45 =	vsel vm9, $0x1, v3  }
0x233: {  	s31 =	sshll.u32 s21, $0x7;
	v37 =	vld.idx.msk [tilespmem:v10+s22+$0x0 ss:$0x1], $0xffff;
	s30 =	sand.u32 $0x3FFFFF00, s29;
	v16 =	vadd.s32 v8, v16;
	v18 =	vshll.u32 v18, $0x7;
	vm7 =	vge.f32 v22, v9  }
0x234: {  	v39 =	vld.idx.msk [tilespmem:v10+s30+$0x0 ss:$0x1], $0xffff;
	s30 =	sand.u32 $0x3FFFFF80, s31;
	vm10 =	vge.f32 v35, v9;
	v12 =	vadd.s32 v43, v20;
	v47 =	vsel vm6, $0x1, v3  }
0x235: {  	v41 =	vld.idx.msk [tilespmem:v10+s30+$0x0 ss:$0x1], $0xffff;
	v18 =	vadd.s32 v8, v18;
	v20 =	vshll.u32 v20, $0x7;
	[tilespmem:v11+s26+$0x0] =	vst.idx.msk vm2, v26;
	v11 =	vmov s0  }
0x236: {  	vm8 =	vge.f32 v34, v9;
	v13 =	vadd.s32 v44, v12;
	v22 =	vsel vm7, $0x1, v3  }
0x237: {  	v49 =	vsel vm10, $0x1, v3;
	v20 =	vadd.s32 v8, v20;
	v12 =	vshll.u32 v12, $0x7  }
0x238: {  	v15 =	vadd.s32 v45, v13;
	v23 =	vsel vm8, $0x1, v3;
	v12 =	vadd.s32 v8, v12  }
0x239: {  	v13 =	vshll.u32 v13, $0x7;
	[tilespmem:v14+s26+$0x0] =	vst.idx.msk vm1, v11;
	v11 =	vmov s1;
	vm11 =	vge.f32 v37, v9  }
0x23a: {  	v17 =	vadd.s32 v46, v15;
	v13 =	vadd.s32 v8, v13;
	v50 =	vshll.u32 v15, $0x7  }
0x23b: {  	vm12 =	vge.f32 v39, v9;
	v24 =	vsel vm11, $0x1, v3;
	[tilespmem:v16+s26+$0x0] =	vst.idx.msk vm15, v11;
	v11 =	vmov s2  }
0x23c: {  	v14 =	vadd.s32 v8, v50;
	v51 =	vshll.u32 v17, $0x7;
	vm13 =	vge.f32 v41, v9  }
0x23d: {  	v9 =	vsel vm4, $0x1, v3;
	v25 =	vsel vm12, $0x1, v3;
	[tilespmem:v18+s26+$0x0] =	vst.idx.msk vm0, v11;
	v11 =	vmov s3  }
0x23e: {  	v15 =	vadd.s32 v8, v51;
	v9 =	vadd.s32 v9, v17;
	[tilespmem:v20+s26+$0x0] =	vst.idx.msk vm14, v11;
	v11 =	vmov s4  }
0x23f: {  	v19 =	vadd.s32 v47, v9;
	v9 =	vshll.u32 v9, $0x7;
	[tilespmem:v12+s26+$0x0] =	vst.idx.msk vm5, v11;
	v11 =	vmov s12  }
0x240: {  	v22 =	vadd.s32 v22, v19;
	v9 =	vadd.s32 v8, v9;
	v52 =	vshll.u32 v19, $0x7  }
0x241: {  	[tilespmem:v13+s26+$0x0] =	vst.idx.msk vm9, v11;
	v11 =	vmov s14;
	v23 =	vadd.s32 v23, v22;
	v53 =	vadd.s32 v8, v52  }
0x242: {  	v54 =	vshll.u32 v22, $0x7;
	[tilespmem:v14+s26+$0x0] =	vst.idx.msk vm3, v11;
	v11 =	vmov s15;
	v21 =	vadd.s32 v49, v23  }
0x243: {  	v55 =	vadd.s32 v8, v54;
	v56 =	vshll.u32 v23, $0x7;
	[tilespmem:v15+s26+$0x0] =	vst.idx.msk vm4, v11;
	v11 =	vmov s18  }
0x244: {  	v24 =	vadd.s32 v24, v21;
	v57 =	vadd.s32 v8, v56;
	v58 =	vshll.u32 v21, $0x7  }
0x245: {  	v25 =	vadd.s32 v25, v24;
	v59 =	vadd.s32 v8, v58;
	v60 =	vshll.u32 v24, $0x7  }
0x246: {  	[tilespmem:v9+s26+$0x0] =	vst.idx.msk vm6, v11;
	v9 =	vmov s20;
	v11 =	vadd.s32 v8, v60;
	v61 =	vshll.u32 v25, $0x7  }
0x247: {  	s31 =	spop (v2sf);
	[tilespmem:v53+s26+$0x0] =	vst.idx.msk vm7, v9;
	v9 =	vmov s28;
	v62 =	vadd.s32 v8, v61  }
0x248: {  	p2 =	slt.u32 s31, $0x80000011;
	[tilespmem:v55+s26+$0x0] =	vst.idx.msk vm8, v9;
	v9 =	vmov s7  }
.Ltmp21:
0x249: {  	[tilespmem:v57+s26+$0x0] =	vst.idx.msk vm10, v9;
	v9 =	vmov s13;
	(pc) =	sbr.rel @p2 .LBB2_24-.Ltmp21, $4  }
0x24a: {  	[tilespmem:v59+s26+$0x0] =	vst.idx.msk vm11, v9;
	v9 =	vmov s23  }
0x24b: {  	v63 =	vsel vm13, $0x1, v3;
	[tilespmem:v11+s26+$0x0] =	vst.idx.msk vm12, v9;
	v9 =	vmov s21  }
0x24c: {  	[tilespmem:v62+s26+$0x0] =	vst.idx.msk vm13, v9;
	v9 =	vadd.s32 v63, v25  }
0x24d: {  	[tilespmem:s10+$0x12900] =	vst v9  }
0x24e: {  	v11 =	vxor.u32 $0x80000000, v9  }
0x24f: {  	(xrf0) =	vmax.scan.msk.u32 $0xffff, v11;
	_ =	sdelay $0x5  }
0x250: {  	v11, _, _ =	vpop (xrf0)  }
0x251: {  	(v2sf) =	vpush v11, $0xF;
	_ =	sdelay $0xe  }
0x252: {  	s0 =	spop (v2sf)  }
0x253: {  	s0 =	sadd.s32 $0x80000003, s0  }
0x254: {  	s1 =	sand.u32 $0x3, s0  }
0x255: {  	s31 =	sshra.s32 s0, $0x1F;
	p3 =	slt.s32 s0, $0x1;
	p2 =	sne.s32 s1, $0x0  }
0x256: {  	v16 =	vld [tilespmem:s10+$0x12080];
	s1 =	sshrl.u32 s31, $0x1E;
	p2 =	por !p3, !p2  }
0x257: {  	v13 =	vld [tilespmem:s10+$0x12100];
	s0 =	sadd.s32 s1, s0;
	s1 =	simm.s32 $0x1;
	p2 =	por !p2, !p2  }
0x258: {  	v18 =	vld [tilespmem:s10+$0x12180];
	s0 =	sshra.s32 s0, $0x2;
	s1 =	simm.s32 @!p2 $0x0  }
0x259: {  	v19 =	vld [tilespmem:s10+$0x12200];
	s0 =	ssub.s32 s0, s1  }
0x25a: {  	v17 =	vld [tilespmem:s10+$0x12280];
	p2 =	slt.s32 s0, $0x1  }
.Ltmp22:
0x25b: {  	v12 =	vld [tilespmem:s10+$0x12480];
	(pc) =	sbr.rel @p2 .LBB2_23-.Ltmp22, $4  }
0x25c: {  	v21 =	vld [tilespmem:s10+$0x12500]  }
0x25d: {  	v23 =	vld [tilespmem:s10+$0x12580]  }
0x25e: {  	v22 =	vld [tilespmem:s10+$0x12600]  }
0x25f: {  	v11 =	vld [tilespmem:s10+$0x12680];
	s1 =	simm.s32 $0x3  }
0x260: {  	s2 =	sadd.s32 $0xFFFFFFFD, s1  }
0x261: {  	s30 =	sadd.s32 $0xFFFFFFFE, s1;
	v14 =	vmov s2  }
0x262: {  	v15 =	vmov s30;
	vm1 =	vlt.s32 v14, v9;
	v14 =	vshll.u32 v14, $0x7  }
0x263: {  	vm0 =	vlt.s32 v15, v9;
	v15 =	vshll.u32 v15, $0x7;
	v14 =	vadd.s32 v8, v14  }
0x264: {  	v15 =	vadd.s32 v8, v15;
	_ =	sdelay $0x3  }
0x265: {  	v14 =	vld.idx.msk [tilespmem:v14+s26+$0x0], vm1  }
0x266: {  	v15 =	vld.idx.msk [tilespmem:v15+s26+$0x0], vm0  }
0x267: {  	s31 =	sadd.s32 $0xFFFFFFFF, s1  }
0x268: {  	v20 =	vmov s31  }
0x269: {  	v24 =	vshll.u32 v20, $0x7;
	vm2 =	vlt.s32 v20, v9  }
0x26a: {  	v20 =	vnsel vm1, $0x0, v14;
	v14 =	vadd.s32 v8, v24  }
0x26b: {  	v25 =	vnsel vm0, $0x0, v15;
	v24 =	vshll.u32 v20, $0x7  }
0x26c: {  	v15 =	vshll.u32 v25, $0x7;
	v24 =	vadd.s32 v8, v24  }
0x26d: {  	v15 =	vadd.s32 v8, v15;
	_ =	sdelay $0x1  }
0x26e: {  	v14 =	vld.idx.msk [tilespmem:v14+s26+$0x0], vm2;
	_ =	sdelay $0x1  }
0x26f: {  	v26 =	vmov s1;
	v24 =	vld.idx.msk [tilespmem:v24+s25+$0x0], vm1  }
0x270: {  	vm3 =	vlt.s32 v26, v9;
	v26 =	vshll.u32 v26, $0x7;
	v27 =	vld.idx.msk [tilespmem:v15+s25+$0x0], vm0  }
0x271: {  	v26 =	vadd.s32 v8, v26  }
0x272: {  	v14 =	vnsel vm2, $0x0, v14  }
0x273: {  	v15 =	vshll.u32 v14, $0x7  }
0x274: {  	v28 =	vnsel vm1, $0xFF800000, v24;
	v29 =	vadd.s32 v8, v15;
	v15 =	vadd.s32 v7, v20  }
0x275: {  	v33 =	vnsel vm0, $0xFF800000, v27;
	vm5 =	vgt.f32 v28, v16;
	vm1 =	vgt.f32 v28, v13  }
0x276: {  	v26 =	vld.idx.msk [tilespmem:v26+s26+$0x0], vm3;
	vm4 =	vgt.f32 v28, v18;
	vm0 =	vgt.f32 v28, v19;
	vm8 =	vgt.f32 v28, v17  }
0x277: {  	v20 =	vsel vm5, v16, v28;
	v24 =	vsel vm1, v13, v28;
	v31 =	vsel vm4, v18, v28  }
0x278: {  	v32 =	vsel vm5, v12, v15;
	v34 =	vsel vm4, v23, v15;
	v16 =	vsel vm5, v28, v16  }
0x279: {  	v30 =	vsel vm1, v20, v13;
	v13 =	vsel vm4, v24, v18;
	v24 =	vsel vm1, v21, v15  }
0x27a: {  	v18 =	vsel vm0, v19, v28;
	v20 =	vsel vm0, v22, v15;
	v27 =	vsel vm1, v32, v21  }
0x27b: {  	v21 =	vnsel vm3, $0x0, v26;
	v19 =	vsel vm0, v31, v19;
	v26 =	vsel vm0, v34, v22  }
0x27c: {  	p2 =	sne.s32 s0, $0x1;
	vm0 =	vgt.f32 v33, v16;
	v18 =	vsel vm8, v18, v17;
	v17 =	vsel vm4, v24, v23;
	v62 =	vld.idx.msk [tilespmem:v29+s25+$0x0], vm2  }
.Ltmp23:
0x27d: {  	v24 =	vadd.s32 v7, v25;
	vm7 =	vgt.f32 v33, v13;
	vm9 =	vgt.f32 v33, v19;
	(pc) =	sbr.rel @!p2 .LBB2_22-.Ltmp23, $4  }
0x27e: {  	v22 =	vshll.u32 v21, $0x7;
	vm1 =	vgt.f32 v33, v30;
	v63 =	vsel vm0, v16, v33  }
0x27f: {  	v25 =	vsel vm0, v33, v16;
	v23 =	vsel vm7, v13, v33;
	v29 =	vsel vm9, v19, v33  }
0x280: {  	v31 =	vadd.s32 v8, v22;
	v28 =	vsel vm1, v30, v33;
	v22 =	vsel vm1, v63, v30  }
0x281: {  	s12 =	sadd.s32 $0xFFFFFFFF, s0;
	s14 =	sadd.s32 $0x4, s1;
	v30 =	vsel vm1, v27, v24;
	v16 =	vnsel vm2, $0xFF800000, v62;
	vm2 =	vgt.f32 v33, v18  }
.LBB2_21:
0x282: {  	s0 =	sadd.s32 $0xFFFFFFFD, s14;
	s1 =	sadd.s32 $0xFFFFFFFE, s14;
	s2 =	sadd.s32 $0xFFFFFFFF, s14;
	v32 =	vsel vm9, v26, v24;
	v14 =	vadd.s32 v7, v14;
	vm6 =	vgt.f32 v16, v25  }
0x283: {  	p2 =	sne.s32 s12, $0x1;
	s12 =	sadd.s32 $0xFFFFFFFF, s12;
	v12 =	vsel vm5, v15, v12;
	v33 =	vmov s0;
	v34 =	vmov s1  }
0x284: {  	vm5 =	vlt.s32 v33, v9;
	v15 =	vshll.u32 v33, $0x7;
	v33 =	vsel vm6, v25, v16  }
0x285: {  	v35 =	vsel vm0, v12, v24;
	vm4 =	vlt.s32 v34, v9;
	v15 =	vadd.s32 v8, v15;
	v31 =	vld.idx.msk [tilespmem:v31+s25+$0x0], vm3  }
0x286: {  	v36 =	vmov s2;
	v12 =	vsel vm0, v24, v12;
	v34 =	vshll.u32 v34, $0x7  }
0x287: {  	v27 =	vsel vm1, v35, v27;
	v35 =	vsel vm6, v12, v14;
	v34 =	vadd.s32 v8, v34  }
0x288: {  	v11 =	vsel vm8, v20, v11;
	v20 =	vsel vm7, v17, v24  }
0x289: {  	v18 =	vsel vm2, v29, v18;
	v11 =	vsel vm2, v32, v11;
	v20 =	vsel vm9, v20, v26  }
0x28a: {  	v17 =	vsel vm7, v30, v17;
	v21 =	vadd.s32 v7, v21;
	vm2 =	vgt.f32 v16, v18;
	v15 =	vld.idx.msk [tilespmem:v15+s26+$0x0], vm5  }
0x28b: {  	v19 =	vsel vm9, v23, v19;
	v13 =	vsel vm7, v28, v13;
	v12 =	vsel vm6, v14, v12  }
0x28c: {  	v24 =	vshll.u32 v36, $0x7;
	vm1 =	vgt.f32 v16, v22;
	v25 =	vsel vm6, v16, v25;
	v23 =	vld.idx.msk [tilespmem:v34+s26+$0x0], vm4  }
0x28d: {  	vm8 =	vgt.f32 v16, v13;
	v26 =	vsel vm1, v27, v14;
	v28 =	vsel vm1, v33, v22  }
0x28e: {  	vm9 =	vgt.f32 v16, v19;
	vm6 =	vlt.s32 v36, v9;
	v29 =	vsel vm8, v13, v16  }
0x28f: {  	v24 =	vadd.s32 v8, v24;
	v22 =	vsel vm1, v22, v16;
	v30 =	vnsel vm3, $0xFF800000, v31  }
0x290: {  	v29 =	vsel vm9, v29, v19;
	vm7 =	vgt.f32 v30, v25;
	v15 =	vnsel vm5, $0x0, v15  }
0x291: {  	vm0 =	vgt.f32 v30, v28;
	v32 =	vsel vm7, v25, v30;
	v31 =	vshll.u32 v15, $0x7  }
0x292: {  	v27 =	vsel vm1, v35, v27;
	v31 =	vadd.s32 v8, v31;
	v23 =	vnsel vm4, $0x0, v23  }
0x293: {  	v16 =	vsel vm9, v19, v16;
	vm1 =	vgt.f32 v30, v29;
	v33 =	vshll.u32 v23, $0x7  }
0x294: {  	v25 =	vsel vm7, v30, v25;
	v19 =	vadd.s32 v8, v33;
	v33 =	vsel vm0, v27, v21;
	v24 =	vld.idx.msk [tilespmem:v24+s26+$0x0], vm6  }
0x295: {  	v26 =	vsel vm8, v26, v17;
	v34 =	vsel vm0, v28, v30;
	v28 =	vsel vm0, v32, v28  }
0x296: {  	v16 =	vsel vm2, v16, v18;
	v17 =	vsel vm8, v17, v14;
	v18 =	vsel vm1, v29, v30  }
0x297: {  	v14 =	vsel vm9, v20, v14;
	v13 =	vsel vm8, v22, v13;
	v17 =	vsel vm9, v17, v20;
	v31 =	vld.idx.msk [tilespmem:v31+s25+$0x0], vm5  }
0x298: {  	v11 =	vsel vm2, v14, v11;
	vm2 =	vgt.f32 v30, v13;
	v20 =	vsel vm1, v17, v21  }
0x299: {  	v22 =	vmov s14;
	v35 =	vsel vm7, v12, v21;
	v32 =	vsel vm2, v13, v30;
	v19 =	vld.idx.msk [tilespmem:v19+s25+$0x0], vm4  }
0x29a: {  	vm3 =	vlt.s32 v22, v9;
	v13 =	vsel vm2, v34, v13;
	v14 =	vnsel vm6, $0x0, v24  }
0x29b: {  	v22 =	vshll.u32 v22, $0x7;
	v12 =	vsel vm7, v21, v12;
	v24 =	vshll.u32 v14, $0x7  }
0x29c: {  	v22 =	vadd.s32 v8, v22;
	vm8 =	vgt.f32 v30, v16;
	v24 =	vadd.s32 v8, v24  }
0x29d: {  	v15 =	vadd.s32 v7, v15;
	v21 =	vsel vm2, v26, v21;
	v30 =	vnsel vm5, $0xFF800000, v31  }
0x29e: {  	v31 =	vsel vm1, v21, v17;
	vm5 =	vgt.f32 v30, v25;
	vm7 =	vgt.f32 v30, v28  }
0x29f: {  	v11 =	vsel vm8, v20, v11;
	v17 =	vsel vm7, v28, v30;
	v21 =	vsel vm5, v25, v30  }
0x2a0: {  	v16 =	vsel vm8, v18, v16;
	vm9 =	vgt.f32 v30, v13;
	v34 =	vsel vm7, v21, v28  }
0x2a1: {  	v27 =	vsel vm0, v35, v27;
	v28 =	vsel vm5, v12, v15;
	v21 =	vld.idx.msk [tilespmem:v22+s26+$0x0], vm3;
	v22 =	vsel vm9, v13, v30  }
0x2a2: {  	v29 =	vsel vm1, v32, v29;
	v13 =	vsel vm9, v17, v13;
	v17 =	vsel vm2, v33, v26;
	v35 =	vld.idx.msk [tilespmem:v24+s25+$0x0], vm6  }
0x2a3: {  	vm0 =	vgt.f32 v30, v29;
	v32 =	vnsel vm4, $0xFF800000, v19;
	v19 =	vsel vm7, v27, v15  }
0x2a4: {  	vm8 =	vgt.f32 v30, v16;
	v18 =	vsel vm0, v29, v30;
	v20 =	vsel vm0, v31, v15  }
0x2a5: {  	v18 =	vsel vm8, v18, v16;
	v16 =	vsel vm9, v17, v15;
	v17 =	vsel vm9, v19, v17  }
0x2a6: {  	v27 =	vsel vm7, v28, v27;
	v24 =	vadd.s32 v7, v23;
	vm7 =	vgt.f32 v32, v13  }
0x2a7: {  	v19 =	vsel vm0, v22, v29;
	v26 =	vsel vm0, v16, v31;
	v21 =	vnsel vm3, $0x0, v21  }
.Ltmp24:
0x2a8: {  	v16 =	vsel vm5, v30, v25;
	vm9 =	vgt.f32 v32, v19;
	v23 =	vsel vm7, v13, v32;
	(pc) =	sbr.rel @p2 .LBB2_21-.Ltmp24, $4  }
0x2a9: {  	vm0 =	vgt.f32 v32, v16;
	v29 =	vsel vm9, v19, v32;
	v22 =	vshll.u32 v21, $0x7  }
0x2aa: {  	vm1 =	vgt.f32 v32, v34;
	v30 =	vsel vm0, v16, v32;
	v25 =	vsel vm0, v32, v16  }
0x2ab: {  	v28 =	vsel vm1, v34, v32;
	v31 =	vadd.s32 v8, v22;
	v22 =	vsel vm1, v30, v34  }
0x2ac: {  	s14 =	sadd.s32 $0x4, s14;
	vm2 =	vgt.f32 v32, v18;
	v16 =	vnsel vm6, $0xFF800000, v35;
	v30 =	vsel vm1, v27, v24  }
.Ltmp25:
0x2ad: {  	_ = 	snop;
	(pc) =	sbr.rel .LBB2_22-.Ltmp25, $1  }
0x2ae: {  	_ =	sdelay $0x3  }
.LBB2_25:
0x2af: {  	v10 =	vxor.u32 $0x80000000, v9  }
0x2b0: {  	(xrf0) =	vmax.scan.msk.u32 $0xffff, v10;
	_ =	sdelay $0x5  }
0x2b1: {  	v10, _, _ =	vpop (xrf0)  }
0x2b2: {  	(v2sf) =	vpush v10, $0xF;
	_ =	sdelay $0xe  }
0x2b3: {  	s0 =	spop (v2sf)  }
0x2b4: {  	s0 =	sadd.s32 $0x80000003, s0  }
0x2b5: {  	s1 =	sand.u32 $0x3, s0  }
0x2b6: {  	s31 =	sshra.s32 s0, $0x1F;
	p3 =	slt.s32 s0, $0x1;
	p2 =	sne.s32 s1, $0x0  }
0x2b7: {  	v15 =	vld [tilespmem:s10+$0x12080];
	s1 =	sshrl.u32 s31, $0x1E;
	p2 =	por !p3, !p2  }
0x2b8: {  	v12 =	vld [tilespmem:s9+$0x12080];
	s0 =	sadd.s32 s1, s0;
	s1 =	simm.s32 $0x1;
	p2 =	por !p2, !p2  }
0x2b9: {  	v17 =	vld [tilespmem:s8+$0x12080];
	s0 =	sshra.s32 s0, $0x2;
	s1 =	simm.s32 @!p2 $0x0  }
0x2ba: {  	v18 =	vld [tilespmem:s5+$0x12080];
	s0 =	ssub.s32 s0, s1  }
0x2bb: {  	v16 =	vld [tilespmem:s19+$0x12080];
	p2 =	slt.s32 s0, $0x1  }
.Ltmp26:
0x2bc: {  	v11 =	vld [tilespmem:s10+$0x12480];
	(pc) =	sbr.rel @p2 .LBB2_29-.Ltmp26, $4  }
0x2bd: {  	v20 =	vld [tilespmem:s9+$0x12480]  }
0x2be: {  	v22 =	vld [tilespmem:s8+$0x12480]  }
0x2bf: {  	v21 =	vld [tilespmem:s5+$0x12480]  }
0x2c0: {  	v10 =	vld [tilespmem:s19+$0x12480];
	s1 =	simm.s32 $0x3  }
0x2c1: {  	s2 =	sadd.s32 $0xFFFFFFFD, s1  }
0x2c2: {  	s30 =	sadd.s32 $0xFFFFFFFE, s1;
	v13 =	vmov s2  }
0x2c3: {  	v14 =	vmov s30;
	vm1 =	vlt.s32 v13, v9;
	v13 =	vshll.u32 v13, $0x7  }
0x2c4: {  	vm0 =	vlt.s32 v14, v9;
	v14 =	vshll.u32 v14, $0x7;
	v13 =	vadd.s32 v8, v13  }
0x2c5: {  	v14 =	vadd.s32 v8, v14;
	_ =	sdelay $0x3  }
0x2c6: {  	v13 =	vld.idx.msk [tilespmem:v13+s26+$0x0], vm1  }
0x2c7: {  	v14 =	vld.idx.msk [tilespmem:v14+s26+$0x0], vm0  }
0x2c8: {  	s31 =	sadd.s32 $0xFFFFFFFF, s1  }
0x2c9: {  	v19 =	vmov s31  }
0x2ca: {  	v23 =	vshll.u32 v19, $0x7;
	vm2 =	vlt.s32 v19, v9  }
0x2cb: {  	v19 =	vnsel vm1, $0x0, v13;
	v13 =	vadd.s32 v8, v23  }
0x2cc: {  	v24 =	vnsel vm0, $0x0, v14;
	v23 =	vshll.u32 v19, $0x7  }
0x2cd: {  	v14 =	vshll.u32 v24, $0x7;
	v23 =	vadd.s32 v8, v23  }
0x2ce: {  	v14 =	vadd.s32 v8, v14;
	_ =	sdelay $0x1  }
0x2cf: {  	v13 =	vld.idx.msk [tilespmem:v13+s26+$0x0], vm2;
	_ =	sdelay $0x1  }
0x2d0: {  	v25 =	vmov s1;
	v23 =	vld.idx.msk [tilespmem:v23+s25+$0x0], vm1  }
0x2d1: {  	vm3 =	vlt.s32 v25, v9;
	v25 =	vshll.u32 v25, $0x7;
	v26 =	vld.idx.msk [tilespmem:v14+s25+$0x0], vm0  }
0x2d2: {  	v25 =	vadd.s32 v8, v25  }
0x2d3: {  	v13 =	vnsel vm2, $0x0, v13  }
0x2d4: {  	v14 =	vshll.u32 v13, $0x7  }
0x2d5: {  	v27 =	vnsel vm1, $0xFF800000, v23;
	v28 =	vadd.s32 v8, v14;
	v14 =	vadd.s32 v7, v19  }
0x2d6: {  	v32 =	vnsel vm0, $0xFF800000, v26;
	vm5 =	vgt.f32 v27, v15;
	vm1 =	vgt.f32 v27, v12  }
0x2d7: {  	v25 =	vld.idx.msk [tilespmem:v25+s26+$0x0], vm3;
	vm4 =	vgt.f32 v27, v17;
	vm0 =	vgt.f32 v27, v18;
	vm8 =	vgt.f32 v27, v16  }
0x2d8: {  	v19 =	vsel vm5, v15, v27;
	v23 =	vsel vm1, v12, v27;
	v30 =	vsel vm4, v17, v27  }
0x2d9: {  	v31 =	vsel vm5, v11, v14;
	v33 =	vsel vm4, v22, v14;
	v15 =	vsel vm5, v27, v15  }
0x2da: {  	v29 =	vsel vm1, v19, v12;
	v12 =	vsel vm4, v23, v17;
	v23 =	vsel vm1, v20, v14  }
0x2db: {  	v17 =	vsel vm0, v18, v27;
	v19 =	vsel vm0, v21, v14;
	v26 =	vsel vm1, v31, v20  }
0x2dc: {  	v20 =	vnsel vm3, $0x0, v25;
	v18 =	vsel vm0, v30, v18;
	v25 =	vsel vm0, v33, v21  }
0x2dd: {  	p2 =	sne.s32 s0, $0x1;
	vm0 =	vgt.f32 v32, v15;
	v17 =	vsel vm8, v17, v16;
	v16 =	vsel vm4, v23, v22;
	v31 =	vld.idx.msk [tilespmem:v28+s25+$0x0], vm2  }
.Ltmp27:
0x2de: {  	v23 =	vadd.s32 v7, v24;
	vm7 =	vgt.f32 v32, v12;
	vm9 =	vgt.f32 v32, v18;
	(pc) =	sbr.rel @!p2 .LBB2_28-.Ltmp27, $4  }
0x2df: {  	v21 =	vshll.u32 v20, $0x7;
	vm1 =	vgt.f32 v32, v29;
	v63 =	vsel vm0, v15, v32  }
0x2e0: {  	v24 =	vsel vm0, v32, v15;
	v22 =	vsel vm7, v12, v32;
	v28 =	vsel vm9, v18, v32  }
0x2e1: {  	v30 =	vadd.s32 v8, v21;
	v27 =	vsel vm1, v29, v32;
	v21 =	vsel vm1, v63, v29  }
0x2e2: {  	s11 =	sadd.s32 $0xFFFFFFFF, s0;
	s12 =	sadd.s32 $0x4, s1;
	v29 =	vsel vm1, v26, v23;
	v15 =	vnsel vm2, $0xFF800000, v31;
	vm2 =	vgt.f32 v32, v17  }
.LBB2_27:
0x2e3: {  	s0 =	sadd.s32 $0xFFFFFFFD, s12;
	s1 =	sadd.s32 $0xFFFFFFFE, s12;
	s2 =	sadd.s32 $0xFFFFFFFF, s12;
	v31 =	vsel vm9, v25, v23;
	v13 =	vadd.s32 v7, v13;
	vm6 =	vgt.f32 v15, v24  }
0x2e4: {  	p2 =	sne.s32 s11, $0x1;
	s11 =	sadd.s32 $0xFFFFFFFF, s11;
	v11 =	vsel vm5, v14, v11;
	v32 =	vmov s0;
	v33 =	vmov s1  }
0x2e5: {  	vm5 =	vlt.s32 v32, v9;
	v14 =	vshll.u32 v32, $0x7;
	v32 =	vsel vm6, v24, v15  }
0x2e6: {  	v34 =	vsel vm0, v11, v23;
	vm4 =	vlt.s32 v33, v9;
	v14 =	vadd.s32 v8, v14;
	v30 =	vld.idx.msk [tilespmem:v30+s25+$0x0], vm3  }
0x2e7: {  	v35 =	vmov s2;
	v11 =	vsel vm0, v23, v11;
	v33 =	vshll.u32 v33, $0x7  }
0x2e8: {  	v26 =	vsel vm1, v34, v26;
	v34 =	vsel vm6, v11, v13;
	v33 =	vadd.s32 v8, v33  }
0x2e9: {  	v10 =	vsel vm8, v19, v10;
	v19 =	vsel vm7, v16, v23  }
0x2ea: {  	v17 =	vsel vm2, v28, v17;
	v10 =	vsel vm2, v31, v10;
	v19 =	vsel vm9, v19, v25  }
0x2eb: {  	v16 =	vsel vm7, v29, v16;
	v20 =	vadd.s32 v7, v20;
	vm2 =	vgt.f32 v15, v17;
	v14 =	vld.idx.msk [tilespmem:v14+s26+$0x0], vm5  }
0x2ec: {  	v18 =	vsel vm9, v22, v18;
	v12 =	vsel vm7, v27, v12;
	v11 =	vsel vm6, v13, v11  }
0x2ed: {  	v23 =	vshll.u32 v35, $0x7;
	vm1 =	vgt.f32 v15, v21;
	v24 =	vsel vm6, v15, v24;
	v22 =	vld.idx.msk [tilespmem:v33+s26+$0x0], vm4  }
0x2ee: {  	vm8 =	vgt.f32 v15, v12;
	v25 =	vsel vm1, v26, v13;
	v27 =	vsel vm1, v32, v21  }
0x2ef: {  	vm9 =	vgt.f32 v15, v18;
	vm6 =	vlt.s32 v35, v9;
	v28 =	vsel vm8, v12, v15  }
0x2f0: {  	v23 =	vadd.s32 v8, v23;
	v21 =	vsel vm1, v21, v15;
	v29 =	vnsel vm3, $0xFF800000, v30  }
0x2f1: {  	v28 =	vsel vm9, v28, v18;
	vm7 =	vgt.f32 v29, v24;
	v14 =	vnsel vm5, $0x0, v14  }
0x2f2: {  	vm0 =	vgt.f32 v29, v27;
	v31 =	vsel vm7, v24, v29;
	v30 =	vshll.u32 v14, $0x7  }
0x2f3: {  	v26 =	vsel vm1, v34, v26;
	v30 =	vadd.s32 v8, v30;
	v22 =	vnsel vm4, $0x0, v22  }
0x2f4: {  	v15 =	vsel vm9, v18, v15;
	vm1 =	vgt.f32 v29, v28;
	v32 =	vshll.u32 v22, $0x7  }
0x2f5: {  	v24 =	vsel vm7, v29, v24;
	v18 =	vadd.s32 v8, v32;
	v32 =	vsel vm0, v26, v20;
	v23 =	vld.idx.msk [tilespmem:v23+s26+$0x0], vm6  }
0x2f6: {  	v25 =	vsel vm8, v25, v16;
	v33 =	vsel vm0, v27, v29;
	v27 =	vsel vm0, v31, v27  }
0x2f7: {  	v15 =	vsel vm2, v15, v17;
	v16 =	vsel vm8, v16, v13;
	v17 =	vsel vm1, v28, v29  }
0x2f8: {  	v13 =	vsel vm9, v19, v13;
	v12 =	vsel vm8, v21, v12;
	v16 =	vsel vm9, v16, v19;
	v30 =	vld.idx.msk [tilespmem:v30+s25+$0x0], vm5  }
0x2f9: {  	v10 =	vsel vm2, v13, v10;
	vm2 =	vgt.f32 v29, v12;
	v19 =	vsel vm1, v16, v20  }
0x2fa: {  	v21 =	vmov s12;
	v34 =	vsel vm7, v11, v20;
	v31 =	vsel vm2, v12, v29;
	v18 =	vld.idx.msk [tilespmem:v18+s25+$0x0], vm4  }
0x2fb: {  	vm3 =	vlt.s32 v21, v9;
	v12 =	vsel vm2, v33, v12;
	v13 =	vnsel vm6, $0x0, v23  }
0x2fc: {  	v21 =	vshll.u32 v21, $0x7;
	v11 =	vsel vm7, v20, v11;
	v23 =	vshll.u32 v13, $0x7  }
0x2fd: {  	v21 =	vadd.s32 v8, v21;
	vm8 =	vgt.f32 v29, v15;
	v23 =	vadd.s32 v8, v23  }
0x2fe: {  	v14 =	vadd.s32 v7, v14;
	v20 =	vsel vm2, v25, v20;
	v29 =	vnsel vm5, $0xFF800000, v30  }
0x2ff: {  	v30 =	vsel vm1, v20, v16;
	vm5 =	vgt.f32 v29, v24;
	vm7 =	vgt.f32 v29, v27  }
0x300: {  	v10 =	vsel vm8, v19, v10;
	v16 =	vsel vm7, v27, v29;
	v20 =	vsel vm5, v24, v29  }
0x301: {  	v15 =	vsel vm8, v17, v15;
	vm9 =	vgt.f32 v29, v12;
	v33 =	vsel vm7, v20, v27  }
0x302: {  	v26 =	vsel vm0, v34, v26;
	v27 =	vsel vm5, v11, v14;
	v20 =	vld.idx.msk [tilespmem:v21+s26+$0x0], vm3;
	v21 =	vsel vm9, v12, v29  }
0x303: {  	v28 =	vsel vm1, v31, v28;
	v12 =	vsel vm9, v16, v12;
	v16 =	vsel vm2, v32, v25;
	v34 =	vld.idx.msk [tilespmem:v23+s25+$0x0], vm6  }
0x304: {  	vm0 =	vgt.f32 v29, v28;
	v31 =	vnsel vm4, $0xFF800000, v18;
	v18 =	vsel vm7, v26, v14  }
0x305: {  	vm8 =	vgt.f32 v29, v15;
	v17 =	vsel vm0, v28, v29;
	v19 =	vsel vm0, v30, v14  }
0x306: {  	v17 =	vsel vm8, v17, v15;
	v15 =	vsel vm9, v16, v14;
	v16 =	vsel vm9, v18, v16  }
0x307: {  	v26 =	vsel vm7, v27, v26;
	v23 =	vadd.s32 v7, v22;
	vm7 =	vgt.f32 v31, v12  }
0x308: {  	v18 =	vsel vm0, v21, v28;
	v25 =	vsel vm0, v15, v30;
	v20 =	vnsel vm3, $0x0, v20  }
.Ltmp28:
0x309: {  	v15 =	vsel vm5, v29, v24;
	vm9 =	vgt.f32 v31, v18;
	v22 =	vsel vm7, v12, v31;
	(pc) =	sbr.rel @p2 .LBB2_27-.Ltmp28, $4  }
0x30a: {  	vm0 =	vgt.f32 v31, v15;
	v28 =	vsel vm9, v18, v31;
	v21 =	vshll.u32 v20, $0x7  }
0x30b: {  	vm1 =	vgt.f32 v31, v33;
	v29 =	vsel vm0, v15, v31;
	v24 =	vsel vm0, v31, v15  }
0x30c: {  	v27 =	vsel vm1, v33, v31;
	v30 =	vadd.s32 v8, v21;
	v21 =	vsel vm1, v29, v33  }
0x30d: {  	s12 =	sadd.s32 $0x4, s12;
	vm2 =	vgt.f32 v31, v17;
	v15 =	vnsel vm6, $0xFF800000, v34;
	v29 =	vsel vm1, v26, v23  }
.LBB2_28:
0x30e: {  	v8 =	vsel vm9, v25, v23;
	v9 =	vsel vm5, v14, v11  }
0x30f: {  	v11 =	vadd.s32 v7, v13;
	vm4 =	vgt.f32 v15, v24;
	v10 =	vsel vm8, v19, v10  }
0x310: {  	v19 =	vsel vm7, v16, v23;
	v17 =	vsel vm2, v28, v17;
	v16 =	vsel vm7, v29, v16  }
0x311: {  	v18 =	vsel vm9, v22, v18;
	v13 =	vsel vm0, v9, v23;
	v14 =	vsel vm4, v24, v15  }
0x312: {  	v9 =	vsel vm0, v23, v9;
	v8 =	vsel vm2, v8, v10;
	v10 =	vsel vm9, v19, v25  }
0x313: {  	vm8 =	vgt.f32 v15, v17;
	v19 =	vadd.s32 v7, v20;
	v20 =	vsel vm7, v27, v12  }
0x314: {  	vm9 =	vgt.f32 v15, v21;
	v12 =	vsel vm4, v15, v24;
	vm11 =	vgt.f32 v15, v18  }
0x315: {  	v23 =	vld.idx.msk [tilespmem:v30+s25+$0x0], vm3;
	v13 =	vsel vm1, v13, v26;
	v58 =	vsel vm4, v9, v11;
	v9 =	vsel vm4, v11, v9  }
0x316: {  	vm10 =	vgt.f32 v15, v20;
	v14 =	vsel vm9, v14, v21;
	v21 =	vsel vm9, v21, v15  }
0x317: {  	v22 =	vsel vm9, v13, v11;
	v59 =	vsel vm10, v20, v15;
	v13 =	vsel vm9, v58, v13  }
0x318: {  	v24 =	vsel vm11, v59, v18;
	v22 =	vsel vm10, v22, v16;
	v16 =	vsel vm10, v16, v11  }
0x319: {  	v18 =	vsel vm11, v18, v15;
	v11 =	vsel vm11, v10, v11;
	v10 =	vsel vm11, v16, v10  }
0x31a: {  	v16 =	vsel vm10, v21, v20;
	v8 =	vsel vm8, v11, v8;
	v23 =	vnsel vm3, $0xFF800000, v23  }
0x31b: {  	vm3 =	vgt.f32 v23, v12;
	vm12 =	vgt.f32 v23, v14;
	vm13 =	vgt.f32 v23, v24  }
0x31c: {  	vm14 =	vgt.f32 v23, v16;
	v60 =	vsel vm3, v12, v23;
	v26 =	vsel vm12, v13, v19  }
0x31d: {  	v15 =	vsel vm3, v23, v12;
	v61 =	vsel vm12, v14, v23;
	v20 =	vsel vm13, v10, v19  }
0x31e: {  	v62 =	vsel vm14, v16, v23;
	v63 =	vsel vm3, v9, v19;
	v11 =	vsel vm3, v19, v9  }
0x31f: {  	v9 =	vsel vm14, v22, v19;
	v12 =	vsel vm12, v60, v14;
	v14 =	vsel vm8, v18, v17  }
0x320: {  	v18 =	vsel vm13, v24, v23;
	v17 =	vsel vm14, v61, v16;
	vm15 =	vgt.f32 v23, v14  }
0x321: {  	v21 =	vsel vm13, v9, v10;
	v22 =	vsel vm14, v26, v22;
	v10 =	vsel vm15, v20, v8  }
0x322: {  	v16 =	vsel vm15, v18, v14;
	v20 =	vsel vm12, v63, v13;
	v18 =	vsel vm13, v62, v24  }
.LBB2_29:
0x323: {  	[tilespmem:s10+$0x12080] =	vst v15  }
0x324: {  	[tilespmem:s10+$0x12480] =	vst v11  }
0x325: {  	[tilespmem:s9+$0x12080] =	vst v12  }
0x326: {  	[tilespmem:s9+$0x12480] =	vst v20  }
0x327: {  	[tilespmem:s8+$0x12080] =	vst v17  }
0x328: {  	[tilespmem:s8+$0x12480] =	vst v22  }
0x329: {  	[tilespmem:s5+$0x12080] =	vst v18  }
.Ltmp29:
0x32a: {  	[tilespmem:s5+$0x12480] =	vst v21;
	(pc) =	sbr.rel @p1 .LBB2_35-.Ltmp29, $4  }
0x32b: {  	[tilespmem:s19+$0x12080] =	vst v16  }
0x32c: {  	[tilespmem:s19+$0x12480] =	vst v10  }
0x32d: {  	[tilespmem:s10+$0x12880] =	vst v16  }
0x32e: {  	[tilespmem:s10+$0x12900] =	vst v3  }
0x32f: {  	v8 =	vld [tilespmem:s10+$0x12080]  }
0x330: {  	v9 =	vld [tilespmem:s9+$0x12080]  }
0x331: {  	v10 =	vld [tilespmem:s8+$0x12080]  }
0x332: {  	v11 =	vld [tilespmem:s5+$0x12080]  }
0x333: {  	v13 =	vld [tilespmem:s10+$0x12480]  }
0x334: {  	v12 =	vld [tilespmem:s19+$0x12080]  }
0x335: {  	v14 =	vld [tilespmem:s9+$0x12480]  }
0x336: {  	v15 =	vld [tilespmem:s8+$0x12480];
	vm0 =	vgt.s32 v4, $0x0  }
0x337: {  	v16 =	vld [tilespmem:s5+$0x12480];
	v18 =	vnsel vm0, $0xFF800000, v8  }
0x338: {  	v17 =	vld [tilespmem:s19+$0x12480];
	vm1 =	vgt.s32 v4, $0x1;
	v45 =	vnsel vm0, $0x0, v13;
	[tilespmem:s10+$0x12980] =	vst v18  }
0x339: {  	v46 =	vnsel vm1, $0xFF800000, v9;
	[tilespmem:s10+$0x12D80] =	vst v45  }
0x33a: {  	vm15 =	vgt.s32 v4, $0x2;
	v47 =	vnsel vm1, $0x0, v14;
	[tilespmem:s9+$0x12980] =	vst v46  }
0x33b: {  	v48 =	vnsel vm15, $0xFF800000, v10;
	[tilespmem:s9+$0x12D80] =	vst v47  }
0x33c: {  	vm4 =	vgt.s32 v4, $0x3;
	v49 =	vnsel vm15, $0x0, v15;
	[tilespmem:s8+$0x12980] =	vst v48  }
0x33d: {  	v50 =	vnsel vm4, $0xFF800000, v11;
	[tilespmem:s8+$0x12D80] =	vst v49  }
0x33e: {  	vm5 =	vgt.s32 v4, $0x4;
	v51 =	vnsel vm4, $0x0, v16;
	[tilespmem:s5+$0x12980] =	vst v50  }
0x33f: {  	v52 =	vnsel vm5, $0xFF800000, v12;
	[tilespmem:s5+$0x12D80] =	vst v51  }
0x340: {  	vm6 =	vgt.s32 v5, $0x0;
	v53 =	vnsel vm5, $0x0, v17;
	[tilespmem:s19+$0x12980] =	vst v52  }
0x341: {  	v54 =	vnsel vm6, $0xFF800000, v8;
	[tilespmem:s19+$0x12D80] =	vst v53  }
0x342: {  	vm7 =	vgt.s32 v5, $0x1;
	v55 =	vnsel vm6, $0x0, v13;
	[tilespmem:s10+$0x13180] =	vst v54  }
0x343: {  	v56 =	vnsel vm7, $0xFF800000, v9;
	[tilespmem:s10+$0x13580] =	vst v55  }
0x344: {  	vm8 =	vgt.s32 v5, $0x2;
	v57 =	vnsel vm7, $0x0, v14;
	[tilespmem:s9+$0x13180] =	vst v56  }
0x345: {  	v58 =	vnsel vm8, $0xFF800000, v10;
	[tilespmem:s9+$0x13580] =	vst v57  }
0x346: {  	vm9 =	vgt.s32 v5, $0x3;
	v59 =	vnsel vm8, $0x0, v15;
	[tilespmem:s8+$0x13180] =	vst v58  }
0x347: {  	v60 =	vnsel vm9, $0xFF800000, v11;
	[tilespmem:s8+$0x13580] =	vst v59  }
0x348: {  	vm10 =	vgt.s32 v5, $0x4;
	v61 =	vnsel vm9, $0x0, v16;
	[tilespmem:s5+$0x13180] =	vst v60  }
0x349: {  	v62 =	vnsel vm10, $0xFF800000, v12;
	[tilespmem:s5+$0x13580] =	vst v61  }
0x34a: {  	vm11 =	vgt.s32 v6, $0x0;
	v63 =	vnsel vm10, $0x0, v17;
	[tilespmem:s19+$0x13180] =	vst v62  }
0x34b: {  	v8 =	vnsel vm11, $0xFF800000, v8;
	[tilespmem:s19+$0x13580] =	vst v63  }
0x34c: {  	vm12 =	vgt.s32 v6, $0x1;
	[tilespmem:s10+$0x13980] =	vst v8;
	v8 =	vnsel vm11, $0x0, v13  }
0x34d: {  	[tilespmem:s10+$0x13D80] =	vst v8;
	v8 =	vnsel vm12, $0xFF800000, v9  }
0x34e: {  	vm13 =	vgt.s32 v6, $0x2;
	[tilespmem:s9+$0x13980] =	vst v8;
	v8 =	vnsel vm12, $0x0, v14  }
0x34f: {  	s17 =	sadd.s32 $0x1, s17;
	[tilespmem:s9+$0x13D80] =	vst v8;
	v8 =	vnsel vm13, $0xFF800000, v10  }
0x350: {  	vm14 =	vgt.s32 v6, $0x3;
	p2 =	seq.s32 s17, $0x8;
	[tilespmem:s8+$0x13980] =	vst v8;
	v8 =	vnsel vm13, $0x0, v15  }
.Ltmp30:
0x351: {  	[tilespmem:s8+$0x13D80] =	vst v8;
	v8 =	vnsel vm14, $0xFF800000, v11;
	(pc) =	sbr.rel @!p2 .LBB2_17-.Ltmp30, $4  }
0x352: {  	vm15 =	vgt.s32 v6, $0x4;
	[tilespmem:s5+$0x13980] =	vst v8;
	v8 =	vnsel vm14, $0x0, v16  }
0x353: {  	[tilespmem:s5+$0x13D80] =	vst v8;
	v8 =	vnsel vm15, $0xFF800000, v12  }
0x354: {  	[tilespmem:s19+$0x13980] =	vst v8;
	v8 =	vnsel vm15, $0x0, v17  }
0x355: {  	[tilespmem:s19+$0x13D80] =	vst v8  }
0x356: {  	s0 =	rddreg [dreg:$0x10]  }
0x357: {  	s1 =	rddreg [dreg:$0x13]  }
0x358: {  	s0 =	sadd.s32 s0, s1  }
0x359: {  	s16 =	rddreg [dreg:$0x7];
	s3 =	simm.s32 $0x400;
	s0 =	sshrl.u32 s0, $0x3  }
0x35a: {  	s4 =	simm.s32 $0x8000;
	s5 =	simm.s32 $0x12980;
	s1 =	sadd.s32 s16, s0  }
0x35b: {  	[hbm4b:s1+s3] =	stream.strided.scatter [tilespmem:s5], [sflag:$0x4], $0x0, s4, s3, $0x38;
	[tilespmem:$0x14200] =	vst v63  }
0x35c: {  	s2 =	simm.s32 $0x0;
	s17 =	simm.s32 $0x4  }
0x35d: {  	[hbm4b:s1+s2] =	stream.linear.scatter [tilespmem:s5], [sflag:$0x4], $0x280, $0x38;
	[tilespmem:$0x14200] =	vst v63  }
0x35e: {  	_ =	swait.ge [sflag:s17], $0x280  }
0x35f: {  	[sflag:s17] =	ssyncset.done $0x0;
	s18 =	rddreg [dreg:$0x8]  }
0x360: {  	s7 =	simm.s32 $0x12D80;
	[sflag:s17] =	ssyncadd.s32 $0xFFFFFD80;
	s1 =	sadd.s32 s18, s0  }
0x361: {  	[hbm4b:s1+s3] =	stream.strided.scatter [tilespmem:s7], [sflag:$0x4], $0x0, s4, s3, $0x38;
	[tilespmem:$0x14200] =	vst v63  }
0x362: {  	_ = 	snop  }
0x363: {  	[hbm4b:s1+s2] =	stream.linear.scatter [tilespmem:s7], [sflag:$0x4], $0x280, $0x38;
	[tilespmem:$0x14200] =	vst v63  }
0x364: {  	_ =	swait.ge [sflag:s17], $0x280  }
0x365: {  	[sflag:s17] =	ssyncset.done $0x0;
	s19 =	rddreg [dreg:$0x9]  }
0x366: {  	s20 =	simm.s32 $0x13180;
	[sflag:s17] =	ssyncadd.s32 $0xFFFFFD80;
	s1 =	sadd.s32 s19, s0  }
0x367: {  	[hbm4b:s1+s3] =	stream.strided.scatter [tilespmem:s20], [sflag:$0x4], $0x0, s4, s3, $0x38;
	[tilespmem:$0x14200] =	vst v63  }
0x368: {  	_ = 	snop  }
0x369: {  	[hbm4b:s1+s2] =	stream.linear.scatter [tilespmem:s20], [sflag:$0x4], $0x280, $0x38;
	[tilespmem:$0x14200] =	vst v63  }
0x36a: {  	_ =	swait.ge [sflag:s17], $0x280  }
0x36b: {  	[sflag:s17] =	ssyncset.done $0x0;
	s21 =	rddreg [dreg:$0xa]  }
0x36c: {  	s22 =	simm.s32 $0x13580;
	[sflag:s17] =	ssyncadd.s32 $0xFFFFFD80;
	s1 =	sadd.s32 s21, s0  }
0x36d: {  	[hbm4b:s1+s3] =	stream.strided.scatter [tilespmem:s22], [sflag:$0x4], $0x0, s4, s3, $0x38;
	[tilespmem:$0x14200] =	vst v63  }
0x36e: {  	_ = 	snop  }
0x36f: {  	[hbm4b:s1+s2] =	stream.linear.scatter [tilespmem:s22], [sflag:$0x4], $0x280, $0x38;
	[tilespmem:$0x14200] =	vst v63  }
0x370: {  	_ =	swait.ge [sflag:s17], $0x280  }
0x371: {  	[sflag:s17] =	ssyncset.done $0x0;
	s23 =	rddreg [dreg:$0xb]  }
0x372: {  	s28 =	simm.s32 $0x13980;
	[sflag:s17] =	ssyncadd.s32 $0xFFFFFD80;
	s1 =	sadd.s32 s23, s0  }
0x373: {  	[hbm4b:s1+s3] =	stream.strided.scatter [tilespmem:s28], [sflag:$0x4], $0x0, s4, s3, $0x38;
	[tilespmem:$0x14200] =	vst v63  }
0x374: {  	_ = 	snop  }
0x375: {  	[hbm4b:s1+s2] =	stream.linear.scatter [tilespmem:s28], [sflag:$0x4], $0x280, $0x38;
	[tilespmem:$0x14200] =	vst v63  }
0x376: {  	_ =	swait.ge [sflag:s17], $0x280  }
0x377: {  	[sflag:s17] =	ssyncset.done $0x0;
	s29 =	rddreg [dreg:$0xd]  }
0x378: {  	s30 =	simm.s32 $0x13D80;
	[sflag:s17] =	ssyncadd.s32 $0xFFFFFD80;
	s0 =	sadd.s32 s29, s0  }
0x379: {  	[hbm4b:s0+s3] =	stream.strided.scatter [tilespmem:s30], [sflag:$0x3], $0x0, s4, s3, $0x38;
	[tilespmem:$0x14200] =	vst v63  }
.Ltmp31:
0x37a: {  	s31 =	simm.s32 $0x3;
	(pc) =	sbr.rel .LBB2_32-.Ltmp31, $4  }
0x37b: {  	[hbm4b:s0+s2] =	stream.linear.scatter [tilespmem:s30], [sflag:$0x3], $0x280, $0x38;
	[tilespmem:$0x14200] =	vst v63  }
0x37c: {  	_ =	swait.ge [sflag:s31], $0x280  }
0x37d: {  	[sflag:s31] =	ssyncset.done $0x0  }
0x37e: {  	[sflag:s31] =	ssyncadd.s32 $0xFFFFFD80  }
.LBB2_34:
0x37f: {  	_ =	sfence.sel $0x180000  }
0x380: {  	[bflag:$0x0] =	sbarrier.arrive $0xFFFF  }
0x381: {  	_ =	strace $0x90000047  }
0x382: {  	s0 =	stileid.u32;
	[bflag:$0x2] =	sbarrier.arrive $0xFFFF  }
0x383: {  	p0 =	sne.s32 s0, $0x0;
	s0 =	rddreg [dreg:$0x6]  }
0x384: {  	s0 =	sadd.s32 @!p0 $0x100000, s0  }
0x385: {  	[sflag:s0] =	ssyncadd.tile.s32 @!p0 $0x1;
	_ =	shalt  }
.Lfunc_end2:
_tile_overlayer_lowered:
.L_overlay_start_2:
0x386: {  	(tag) =	ssettag $0x2  }
0x387: {  	s0 =	rddreg [dreg:$0x0];
	s2 =	stileid.u32  }
0x388: {  	s1 =	rddreg [dreg:$0x1];
	p0 =	sne.s32 s2, $0x0  }
0x389: {  	s3 =	rddreg [dreg:$0x2];
	[bflag:$0x3] =	sbarrier.arrive $0xFFFF;
	s2 =	simm.s32 @!p0 $0x1C03  }
0x38a: {  	[timem:s3], [sflag:s2] =	dma.local @!p0 [hbm:s0], s1  }
0x38b: {  	s0 =	simm.s32 @!p0 $0x3  }
0x38c: {  	_ =	swait.ge @!p0 [sflag:s0], s1  }
0x38d: {  	s1 =	ssub.s32 @!p0 $0x0, s1;
	[sflag:s0] =	ssyncset.done @!p0 $0x0  }
0x38e: {  	[sflag:s0] =	ssyncadd.s32 @!p0 s1  }
0x38f: {  	[bflag:$0x3] =	sbarrier.arrive $0xFFFF  }
0x390: {  	_ =	shalt  }

</sc_bundles>
